<compile_context>
chip_gen: v7x
topology: tpu7x:2x2x1
jax: 0.10.2.dev20260603
libtpu: 0.0.44.dev20260713+nightly
codegen_flags: <defaults>
</compile_context>

<pallas_src>
import jax
import jax.numpy as jnp
from jax import lax
from jax.experimental import pallas as pl
from jax.experimental.pallas import tpu as pltpu
from jax.experimental.pallas import tpu_sc as plsc

N_NODES = 100000
NODE_DIM = 128
N_EDGES = 1600000

NC, NS, L = 2, 16, 16
NW = NC * NS

CH = 2048
EDGES_PER_TILE = N_EDGES // NS
NCH_FULL = EDGES_PER_TILE // CH
TAIL = EDGES_PER_TILE - NCH_FULL * CH
UNROLL = 4

HIST = 100352
HHALF = HIST // 2
MSLICE = HHALF // NS

CACHE_N = 4096
CROWS = CACHE_N // NS

ROWB = 96
NF0 = HHALF // ROWB
NF1 = (N_NODES - HHALF) // ROWB
REM = HHALF - NF0 * ROWB
REM_BASE = NF0 * ROWB
K_ITERS = (NF0 + NS - 1) // NS
PAIRS = (K_ITERS + 2) // 2


def _body(x_hbm, dst_hbm, emb_hbm, out_hbm, phist_hbm,
          hist, cache, sem_s0, sem_s1, sem_d0, sem_d1, sem_g0, sem_g1,
          sem_x0, sem_x1, sem_w0, sem_w1):
    s = lax.axis_index("s")
    c = lax.axis_index("c")
    sem_s = (sem_s0, sem_s1)

    lo = c * HHALF
    nfull = NF0 - (NF0 - NF1) * c

    pltpu.sync_copy(emb_hbm.at[pl.ds(s * CROWS, CROWS)],
                    cache.at[pl.ds(s * CROWS, CROWS)])

    def _phase_a(hist_priv, st0, st1):
        st = (st0, st1)
        ebase = N_EDGES + s * EDGES_PER_TILE

        def _stage(k, b, sem):
            return pltpu.async_copy(dst_hbm.at[pl.ds(ebase + k * CH, CH)],
                                    st[b], sem)

        ulo = jnp.uint32(lo)
        uhh = jnp.uint32(HHALF)

        with jax.named_scope("ph_a_zero"):
            def _z(i, _):
                for u in range(8):
                    hist_priv[pl.ds((i * 8 + u) * L, L)] = (
                        jnp.zeros((L,), jnp.int32))
                return 0
            lax.fori_loop(0, HHALF // L // 8, _z, 0)

        def _scan(cur, nvec_div):
            def _vec(v, _):
                for u in range(UNROLL):
                    iv = cur[pl.ds((v * UNROLL + u) * L, L)]
                    local = iv - lo
                    inr = (plsc.bitcast(iv, jnp.uint32) - ulo) < uhh
                    cnt, last = plsc.scan_count(iv)
                    plsc.addupdate_scatter(hist_priv, [local], cnt,
                                           mask=last & inr)
                return 0
            lax.fori_loop(0, nvec_div, _vec, 0)

        with jax.named_scope("ph_a_build"):
            _stage(0, 0, sem_s0).wait()

            def _chunk_pair(cp, _):
                k0 = 2 * cp
                _stage(k0 + 1, 1, sem_s1)
                _scan(st0, CH // L // UNROLL)
                pltpu.make_async_copy(
                    dst_hbm.at[pl.ds(ebase, CH)], st1, sem_s1).wait()

                @pl.when(k0 + 2 < NCH_FULL)
                def _():
                    _stage(k0 + 2, 0, sem_s0)
                _scan(st1, CH // L // UNROLL)

                @pl.when(k0 + 2 < NCH_FULL)
                def _():
                    pltpu.make_async_copy(
                        dst_hbm.at[pl.ds(ebase, CH)], st0, sem_s0).wait()
                return 0
            lax.fori_loop(0, NCH_FULL // 2, _chunk_pair, 0)

            pltpu.sync_copy(
                dst_hbm.at[pl.ds(ebase + NCH_FULL * CH, TAIL)],
                st0.at[pl.ds(0, TAIL)])
            _scan(st0, TAIL // L // UNROLL)
            rem_v = (TAIL // L) % UNROLL
            for u in range(rem_v):
                iv = st0[pl.ds((TAIL // L - rem_v + u) * L, L)]
                local = iv - lo
                inr = (plsc.bitcast(iv, jnp.uint32) - ulo) < uhh
                cnt, last = plsc.scan_count(iv)
                plsc.addupdate_scatter(hist_priv, [local], cnt,
                                       mask=last & inr)

            pltpu.sync_copy(
                hist_priv,
                phist_hbm.at[pl.ds((c * NS + s) * HHALF, HHALF)])

        plsc.subcore_barrier()

        acc = hist_priv.at[pl.ds(0, MSLICE)]
        mt = (hist_priv.at[pl.ds(MSLICE, MSLICE)],
              hist_priv.at[pl.ds(2 * MSLICE, MSLICE)])
        my_off = s * MSLICE

        with jax.named_scope("ph_a_merge"):
            def _src(t):
                tt = lax.rem(s + t, NS)
                return phist_hbm.at[
                    pl.ds((c * NS + tt) * HHALF + my_off, MSLICE)]

            pltpu.sync_copy(_src(0), acc)
            pltpu.async_copy(_src(1), mt[1], sem_s[1])
            for t in range(1, NS):
                if t + 1 < NS:
                    pltpu.async_copy(_src(t + 1), mt[(t + 1) % 2],
                                     sem_s[(t + 1) % 2])
                pltpu.make_async_copy(_src(t), mt[t % 2], sem_s[t % 2]).wait()

                def _acc(i, _):
                    plsc.addupdate(acc.at[pl.ds(i * L, L)],
                                   mt[t % 2][pl.ds(i * L, L)])
                    return 0
                lax.fori_loop(0, MSLICE // L, _acc, 0)

            pltpu.sync_copy(acc, hist.at[pl.ds(my_off, MSLICE)])

    pl.run_scoped(_phase_a,
                  pltpu.VMEM((HHALF,), jnp.int32),
                  pltpu.VMEM((CH,), jnp.int32),
                  pltpu.VMEM((CH,), jnp.int32))
    plsc.subcore_barrier()

    def _phase_b(deg0, deg1, buf_e0, buf_e1, buf_x0, buf_x1):
        deg = (deg0, deg1)
        buf_e = (buf_e0, buf_e1)
        buf_x = (buf_x0, buf_x1)
        sem_d = (sem_d0, sem_d1)
        sem_g = (sem_g0, sem_g1)
        sem_x = (sem_x0, sem_x1)
        sem_w = (sem_w0, sem_w1)

        def _valid(t):
            return s + NS * t < nfull

        def _lbase(t):
            return (s + NS * t) * ROWB

        def _stage_deg(b, t):
            pltpu.async_copy(hist.at[pl.ds(_lbase(t), ROWB)],
                             deg[b], sem_d[b])

        def _wait_deg(b, t):
            pltpu.make_async_copy(hist.at[pl.ds(_lbase(t), ROWB)],
                                  deg[b], sem_d[b]).wait()

        def _clamp(b, t):
            mx = jnp.zeros((L,), jnp.int32)
            for i in range(ROWB // L):
                v = jnp.minimum(deg[b][pl.ds(i * L, L)], N_NODES - 1)
                deg[b][pl.ds(i * L, L)] = v
                mx = jnp.maximum(mx, v)
            return jnp.max(mx)

        def _start_gx(b, t, dmax):
            gbase = lo + _lbase(t)

            @pl.when(dmax < CACHE_N)
            def _():
                pltpu.async_copy(cache.at[deg[b]], buf_e[b], sem_g[b])

            @pl.when(dmax >= CACHE_N)
            def _():
                pltpu.async_copy(emb_hbm.at[deg[b]], buf_e[b], sem_g[b])
            pltpu.async_copy(x_hbm.at[pl.ds(gbase, ROWB)], buf_x[b],
                             sem_x[b])

        def _wait_gx(b, t):
            gbase = lo + _lbase(t)
            pltpu.make_async_copy(emb_hbm.at[deg[b]], buf_e[b],
                                  sem_g[b]).wait()
            pltpu.make_async_copy(x_hbm.at[pl.ds(gbase, ROWB)], buf_x[b],
                                  sem_x[b]).wait()

        def _add(b):
            def _rows(r, _):
                for u in range(2):
                    for i in range(NODE_DIM // L):
                        plsc.addupdate(
                            buf_e[b].at[2 * r + u, pl.ds(i * L, L)],
                            buf_x[b][2 * r + u, pl.ds(i * L, L)])
                return 0
            lax.fori_loop(0, ROWB // 2, _rows, 0)

        def _start_write(b, t):
            gbase = lo + _lbase(t)
            pltpu.async_copy(buf_e[b], out_hbm.at[pl.ds(gbase, ROWB)],
                             sem_w[b])

        def _wait_write(b, t):
            gbase = lo + _lbase(t)
            pltpu.make_async_copy(buf_e[b], out_hbm.at[pl.ds(gbase, ROWB)],
                                  sem_w[b]).wait()

        def _process(b, t):
            _wait_gx(b, t)

            @pl.when(_valid(t + 2))
            def _():
                _stage_deg(b, t + 2)

            @pl.when(t >= 1)
            def _():
                _wait_write(1 - b, t - 1)

            @pl.when(_valid(t + 1))
            def _():
                _wait_deg(1 - b, t + 1)
                dmax = _clamp(1 - b, t + 1)
                _start_gx(1 - b, t + 1, dmax)

            _add(b)
            _start_write(b, t)

        _stage_deg(0, 0)

        @pl.when(_valid(1))
        def _():
            _stage_deg(1, 1)
        _wait_deg(0, 0)
        dmax0 = _clamp(0, 0)
        _start_gx(0, 0, dmax0)

        def _pair(tp, _):
            t0 = 2 * tp

            @pl.when(_valid(t0))
            def _():
                _process(0, t0)

            @pl.when(_valid(t0 + 1))
            def _():
                _process(1, t0 + 1)
            return 0
        lax.fori_loop(0, PAIRS, _pair, 0)

        has_full = s < nfull - (K_ITERS - 1) * NS

        @pl.when(has_full)
        def _():
            _wait_write(0, K_ITERS - 1)

        @pl.when(jnp.logical_not(has_full))
        def _():
            _wait_write(1, K_ITERS - 2)

        @pl.when((s == 13) & (c == 0))
        def _():
            pltpu.sync_copy(hist.at[pl.ds(REM_BASE, REM)],
                            deg0.at[pl.ds(0, REM)])
            mx = jnp.zeros((L,), jnp.int32)
            for i in range(REM // L):
                v = jnp.minimum(deg0[pl.ds(i * L, L)], N_NODES - 1)
                deg0[pl.ds(i * L, L)] = v
                mx = jnp.maximum(mx, v)
            rmax = jnp.max(mx)

            @pl.when(rmax < CACHE_N)
            def _():
                pltpu.async_copy(cache.at[deg0.at[pl.ds(0, REM)]],
                                 buf_e0.at[pl.ds(0, REM)], sem_g0)

            @pl.when(rmax >= CACHE_N)
            def _():
                pltpu.async_copy(emb_hbm.at[deg0.at[pl.ds(0, REM)]],
                                 buf_e0.at[pl.ds(0, REM)], sem_g0)
            cp_x = pltpu.async_copy(x_hbm.at[pl.ds(REM_BASE, REM)],
                                    buf_x0.at[pl.ds(0, REM)], sem_x0)
            pltpu.make_async_copy(emb_hbm.at[deg0.at[pl.ds(0, REM)]],
                                  buf_e0.at[pl.ds(0, REM)], sem_g0).wait()
            cp_x.wait()

            def _radd(r, _):
                for i in range(NODE_DIM // L):
                    plsc.addupdate(buf_e0.at[r, pl.ds(i * L, L)],
                                   buf_x0[r, pl.ds(i * L, L)])
                return 0
            lax.fori_loop(0, REM, _radd, 0)
            pltpu.sync_copy(buf_e0.at[pl.ds(0, REM)],
                            out_hbm.at[pl.ds(REM_BASE, REM)])

    with jax.named_scope("ph_b"):
        pl.run_scoped(_phase_b,
                      pltpu.VMEM((ROWB,), jnp.int32),
                      pltpu.VMEM((ROWB,), jnp.int32),
                      pltpu.VMEM((ROWB, NODE_DIM), jnp.float32),
                      pltpu.VMEM((ROWB, NODE_DIM), jnp.float32),
                      pltpu.VMEM((ROWB, NODE_DIM), jnp.float32),
                      pltpu.VMEM((ROWB, NODE_DIM), jnp.float32))


_sc_call = pl.kernel(
    _body,
    out_type=(jax.ShapeDtypeStruct((N_NODES, NODE_DIM), jnp.float32),
              jax.ShapeDtypeStruct((NC * NS * HHALF,), jnp.int32)),
    mesh=plsc.VectorSubcoreMesh(core_axis_name="c", subcore_axis_name="s",
                                num_cores=NC, num_subcores=NS),
    scratch_types=[
        pltpu.VMEM_SHARED((HHALF,), jnp.int32),
        pltpu.VMEM_SHARED((CACHE_N, NODE_DIM), jnp.float32),
    ] + [pltpu.SemaphoreType.DMA] * 10,
    compiler_params=pltpu.CompilerParams(needs_layout_passes=False),
)


@jax.jit
def kernel(x, edge_index, degree_embedding):
    edges_flat = edge_index.reshape(-1)
    out, _ = _sc_call(x, edges_flat, degree_embedding)
    return out

# --- scband reference (transcript-rebuilt; emitter-appended) ---
"""Pipeline reference for scband-centrality-encoding-24215025615255 (READ-ONLY COPY).

The authoritative reference and input builder live on the scoring server;
editing this copy changes nothing except your own understanding.
"""

import jax, jax.numpy as jnp
import numpy as np

NUM_NODES = 100000
NODE_DIM = 128
N_EDGES = 1600000


def setup_inputs(seed: int = 0) -> dict:
    key = jax.random.key(seed)
    k1, k2, k3 = jax.random.split(key, 3)
    x = jax.random.normal(k1, (NUM_NODES, NODE_DIM), dtype=jnp.float32)
    edge_index = jax.random.randint(k2, (2, N_EDGES), 0, NUM_NODES, dtype=jnp.int32)
    # learned parameter: nn.Embedding(num_nodes, node_dim) weight
    degree_embedding = jax.random.normal(k3, (NUM_NODES, NODE_DIM), dtype=jnp.float32) * 0.02
    return {"x": x, "edge_index": edge_index, "degree_embedding": degree_embedding}


def reference(x, edge_index, degree_embedding):
    # degree(index=edge_index[1], num_nodes=NUM_NODES): count of each dst node
    node_degree = jnp.bincount(edge_index[1], length=NUM_NODES).astype(jnp.int32)
    # embedding lookup by degree, added to node features (x += enc)
    out = x + jnp.take(degree_embedding, node_degree, axis=0)
    return out

if __name__ == "__main__":
    import jax
    _d = setup_inputs()
    print(jax.jit(kernel)(*tuple(_d.values())))

</pallas_src>

<mosaic_0001>
#map = affine_map<(d0, d1) -> (0, 0)>
#map1 = affine_map<(d0, d1) -> (0)>
module attributes {stable_mosaic.version = 14 : i64} {
  func.func @_body(%arg0: i32, %arg1: i32, %arg2: memref<100000x128xf32, #tpu.memory_space<hbm>>, %arg3: memref<3200000xi32, #tpu.memory_space<hbm>>, %arg4: memref<100000x128xf32, #tpu.memory_space<hbm>>, %arg5: memref<100000x128xf32, #tpu.memory_space<hbm>>, %arg6: memref<1605632xi32, #tpu.memory_space<hbm>>, %arg7: memref<50176xi32, #tpu.memory_space<vmem_shared>>, %arg8: memref<4096x128xf32, #tpu.memory_space<vmem_shared>>, %arg9: memref<!tpu.dma_semaphore, #tpu.memory_space<semaphore_mem>>, %arg10: memref<!tpu.dma_semaphore, #tpu.memory_space<semaphore_mem>>, %arg11: memref<!tpu.dma_semaphore, #tpu.memory_space<semaphore_mem>>, %arg12: memref<!tpu.dma_semaphore, #tpu.memory_space<semaphore_mem>>, %arg13: memref<!tpu.dma_semaphore, #tpu.memory_space<semaphore_mem>>, %arg14: memref<!tpu.dma_semaphore, #tpu.memory_space<semaphore_mem>>, %arg15: memref<!tpu.dma_semaphore, #tpu.memory_space<semaphore_mem>>, %arg16: memref<!tpu.dma_semaphore, #tpu.memory_space<semaphore_mem>>, %arg17: memref<!tpu.dma_semaphore, #tpu.memory_space<semaphore_mem>>, %arg18: memref<!tpu.dma_semaphore, #tpu.memory_space<semaphore_mem>>) attributes {dimension_semantics = [#tpu.dimension_semantics<core_parallel>, #tpu.dimension_semantics<subcore_parallel>], iteration_bounds = array<i64: 2, 16>, scalar_prefetch = 0 : i64, scratch_operands = 12 : i64, tpu.core_type = #tpu.core_type<sc_vector_subcore>, window_params = [{transform_indices = #map}, {transform_indices = #map1}, {transform_indices = #map}, {transform_indices = #map}, {transform_indices = #map1}]} {
    %mul3A = arith.constant 50176 : i32
    %mul3A_0 = arith.muli %arg0, %mul3A : i32
    %mul3A_1 = arith.constant 3 : i32
    %mul3A_2 = arith.muli %mul3A_1, %arg0 : i32
    %sub3A = arith.constant 522 : i32
    %sub3A_3 = arith.subi %sub3A, %mul3A_2 : i32
    %mul3A_4 = arith.constant 256 : i32
    %mul3A_5 = arith.muli %arg1, %mul3A_4 : i32
    %mul3A_6 = arith.constant 256 : i32
    %mul3A_7 = arith.muli %arg1, %mul3A_6 : i32
    "tpu.region"() ({
      %run_scoped3A = tpu.sem_alloc : memref<!tpu.dma_semaphore, #tpu.memory_space<semaphore_mem>>
      %dma_start3A = arith.constant 0 : i32
      %dma_start3A_8 = tpu.memref_slice %arg8[%mul3A_7, %dma_start3A] : memref<4096x128xf32, #tpu.memory_space<vmem_shared>> -> memref<256x128xf32, #tpu.memory_space<vmem_shared>>
      %dma_start3A_9 = arith.constant 0 : i32
      %dma_start3A_10 = tpu.memref_slice %arg4[%mul3A_5, %dma_start3A_9] : memref<100000x128xf32, #tpu.memory_space<hbm>> -> memref<256x128xf32, #tpu.memory_space<hbm>>
      tpu.enqueue_dma source(%dma_start3A_10 : memref<256x128xf32, #tpu.memory_space<hbm>>) target(%dma_start3A_8 : memref<256x128xf32, #tpu.memory_space<vmem_shared>>) target_semaphore(%run_scoped3A : memref<!tpu.dma_semaphore, #tpu.memory_space<semaphore_mem>>)
      %dma_wait3A = arith.constant 0 : i32
      %dma_wait3A_11 = tpu.memref_slice %arg8[%mul3A_7, %dma_wait3A] : memref<4096x128xf32, #tpu.memory_space<vmem_shared>> -> memref<256x128xf32, #tpu.memory_space<vmem_shared>>
      %dma_wait3A_12 = arith.constant 0 : i32
      %dma_wait3A_13 = tpu.memref_slice %arg4[%mul3A_5, %dma_wait3A_12] : memref<100000x128xf32, #tpu.memory_space<hbm>> -> memref<256x128xf32, #tpu.memory_space<hbm>>
      tpu.wait_dma2 semaphore(%run_scoped3A : memref<!tpu.dma_semaphore, #tpu.memory_space<semaphore_mem>>) src(%dma_wait3A_13 : memref<256x128xf32, #tpu.memory_space<hbm>>) dst(%dma_wait3A_11 : memref<256x128xf32, #tpu.memory_space<vmem_shared>>)
      tpu.yield
    }) : () -> ()
    "tpu.region"() ({
      %run_scoped3A = memref.alloca() : memref<50176xi32, #tpu.memory_space<vmem>>
      %run_scoped3A_8 = memref.alloca() : memref<2048xi32, #tpu.memory_space<vmem>>
      %run_scoped3A_9 = memref.alloca() : memref<2048xi32, #tpu.memory_space<vmem>>
      %mul3A_10 = arith.constant 100000 : i32
      %mul3A_11 = arith.muli %arg1, %mul3A_10 : i32
      %add3A = arith.constant 1600000 : i32
      %add3A_12 = arith.addi %add3A, %mul3A_11 : i32
      "tpu.trace_start"() <{level = 10 : i32, message = "ph_a_zero"}> : () -> ()
      %scan3A = arith.constant 0 : i32
      %scan3A_13 = arith.constant 0 : i32
      %scan3A_14 = arith.constant 392 : i32
      %scan3A_15 = arith.addi %scan3A_13, %scan3A_14 : i32
      %scan3A_16 = arith.constant 1 : i32
      %scan3A_17 = scf.for %scan3A_667 = %scan3A_13 to %scan3A_15 step %scan3A_16 iter_args(%scan3A_668 = %scan3A) -> (i32)  : i32 {
        %broadcast_in_dim3A_669 = arith.constant 0 : i32
        %broadcast_in_dim3A_670 = vector.broadcast %broadcast_in_dim3A_669 : i32 to vector<16xi32>
        %mul3A_671 = arith.constant 8 : i32
        %mul3A_672 = arith.muli %scan3A_667, %mul3A_671 : i32
        %add3A_673 = arith.constant 0 : i32
        %add3A_674 = arith.addi %mul3A_672, %add3A_673 : i32
        %mul3A_675 = arith.constant 16 : i32
        %mul3A_676 = arith.muli %add3A_674, %mul3A_675 : i32
        %swap3A = arith.index_cast %mul3A_676 : i32 to index
        %swap3A_677 = tpu.vector_load %run_scoped3A[%swap3A] {strides = array<i32>} : memref<50176xi32, #tpu.memory_space<vmem>>, vector<16xi32>,
        tpu.vector_store %run_scoped3A[%swap3A], %broadcast_in_dim3A_670 {strides = array<i32>} : memref<50176xi32, #tpu.memory_space<vmem>>, vector<16xi32>,
        %broadcast_in_dim3A_678 = arith.constant 0 : i32
        %broadcast_in_dim3A_679 = vector.broadcast %broadcast_in_dim3A_678 : i32 to vector<16xi32>
        %mul3A_680 = arith.constant 8 : i32
        %mul3A_681 = arith.muli %scan3A_667, %mul3A_680 : i32
        %add3A_682 = arith.constant 1 : i32
        %add3A_683 = arith.addi %mul3A_681, %add3A_682 : i32
        %mul3A_684 = arith.constant 16 : i32
        %mul3A_685 = arith.muli %add3A_683, %mul3A_684 : i32
        %swap3A_686 = arith.index_cast %mul3A_685 : i32 to index
        %swap3A_687 = tpu.vector_load %run_scoped3A[%swap3A_686] {strides = array<i32>} : memref<50176xi32, #tpu.memory_space<vmem>>, vector<16xi32>,
        tpu.vector_store %run_scoped3A[%swap3A_686], %broadcast_in_dim3A_679 {strides = array<i32>} : memref<50176xi32, #tpu.memory_space<vmem>>, vector<16xi32>,
        %broadcast_in_dim3A_688 = arith.constant 0 : i32
        %broadcast_in_dim3A_689 = vector.broadcast %broadcast_in_dim3A_688 : i32 to vector<16xi32>
        %mul3A_690 = arith.constant 8 : i32
        %mul3A_691 = arith.muli %scan3A_667, %mul3A_690 : i32
        %add3A_692 = arith.constant 2 : i32
        %add3A_693 = arith.addi %mul3A_691, %add3A_692 : i32
        %mul3A_694 = arith.constant 16 : i32
        %mul3A_695 = arith.muli %add3A_693, %mul3A_694 : i32
        %swap3A_696 = arith.index_cast %mul3A_695 : i32 to index
        %swap3A_697 = tpu.vector_load %run_scoped3A[%swap3A_696] {strides = array<i32>} : memref<50176xi32, #tpu.memory_space<vmem>>, vector<16xi32>,
        tpu.vector_store %run_scoped3A[%swap3A_696], %broadcast_in_dim3A_689 {strides = array<i32>} : memref<50176xi32, #tpu.memory_space<vmem>>, vector<16xi32>,
        %broadcast_in_dim3A_698 = arith.constant 0 : i32
        %broadcast_in_dim3A_699 = vector.broadcast %broadcast_in_dim3A_698 : i32 to vector<16xi32>
        %mul3A_700 = arith.constant 8 : i32
        %mul3A_701 = arith.muli %scan3A_667, %mul3A_700 : i32
        %add3A_702 = arith.constant 3 : i32
        %add3A_703 = arith.addi %mul3A_701, %add3A_702 : i32
        %mul3A_704 = arith.constant 16 : i32
        %mul3A_705 = arith.muli %add3A_703, %mul3A_704 : i32
        %swap3A_706 = arith.index_cast %mul3A_705 : i32 to index
        %swap3A_707 = tpu.vector_load %run_scoped3A[%swap3A_706] {strides = array<i32>} : memref<50176xi32, #tpu.memory_space<vmem>>, vector<16xi32>,
        tpu.vector_store %run_scoped3A[%swap3A_706], %broadcast_in_dim3A_699 {strides = array<i32>} : memref<50176xi32, #tpu.memory_space<vmem>>, vector<16xi32>,
        %broadcast_in_dim3A_708 = arith.constant 0 : i32
        %broadcast_in_dim3A_709 = vector.broadcast %broadcast_in_dim3A_708 : i32 to vector<16xi32>
        %mul3A_710 = arith.constant 8 : i32
        %mul3A_711 = arith.muli %scan3A_667, %mul3A_710 : i32
        %add3A_712 = arith.constant 4 : i32
        %add3A_713 = arith.addi %mul3A_711, %add3A_712 : i32
        %mul3A_714 = arith.constant 16 : i32
        %mul3A_715 = arith.muli %add3A_713, %mul3A_714 : i32
        %swap3A_716 = arith.index_cast %mul3A_715 : i32 to index
        %swap3A_717 = tpu.vector_load %run_scoped3A[%swap3A_716] {strides = array<i32>} : memref<50176xi32, #tpu.memory_space<vmem>>, vector<16xi32>,
        tpu.vector_store %run_scoped3A[%swap3A_716], %broadcast_in_dim3A_709 {strides = array<i32>} : memref<50176xi32, #tpu.memory_space<vmem>>, vector<16xi32>,
        %broadcast_in_dim3A_718 = arith.constant 0 : i32
        %broadcast_in_dim3A_719 = vector.broadcast %broadcast_in_dim3A_718 : i32 to vector<16xi32>
        %mul3A_720 = arith.constant 8 : i32
        %mul3A_721 = arith.muli %scan3A_667, %mul3A_720 : i32
        %add3A_722 = arith.constant 5 : i32
        %add3A_723 = arith.addi %mul3A_721, %add3A_722 : i32
        %mul3A_724 = arith.constant 16 : i32
        %mul3A_725 = arith.muli %add3A_723, %mul3A_724 : i32
        %swap3A_726 = arith.index_cast %mul3A_725 : i32 to index
        %swap3A_727 = tpu.vector_load %run_scoped3A[%swap3A_726] {strides = array<i32>} : memref<50176xi32, #tpu.memory_space<vmem>>, vector<16xi32>,
        tpu.vector_store %run_scoped3A[%swap3A_726], %broadcast_in_dim3A_719 {strides = array<i32>} : memref<50176xi32, #tpu.memory_space<vmem>>, vector<16xi32>,
        %broadcast_in_dim3A_728 = arith.constant 0 : i32
        %broadcast_in_dim3A_729 = vector.broadcast %broadcast_in_dim3A_728 : i32 to vector<16xi32>
        %mul3A_730 = arith.constant 8 : i32
        %mul3A_731 = arith.muli %scan3A_667, %mul3A_730 : i32
        %add3A_732 = arith.constant 6 : i32
        %add3A_733 = arith.addi %mul3A_731, %add3A_732 : i32
        %mul3A_734 = arith.constant 16 : i32
        %mul3A_735 = arith.muli %add3A_733, %mul3A_734 : i32
        %swap3A_736 = arith.index_cast %mul3A_735 : i32 to index
        %swap3A_737 = tpu.vector_load %run_scoped3A[%swap3A_736] {strides = array<i32>} : memref<50176xi32, #tpu.memory_space<vmem>>, vector<16xi32>,
        tpu.vector_store %run_scoped3A[%swap3A_736], %broadcast_in_dim3A_729 {strides = array<i32>} : memref<50176xi32, #tpu.memory_space<vmem>>, vector<16xi32>,
        %broadcast_in_dim3A_738 = arith.constant 0 : i32
        %broadcast_in_dim3A_739 = vector.broadcast %broadcast_in_dim3A_738 : i32 to vector<16xi32>
        %mul3A_740 = arith.constant 8 : i32
        %mul3A_741 = arith.muli %scan3A_667, %mul3A_740 : i32
        %add3A_742 = arith.constant 7 : i32
        %add3A_743 = arith.addi %mul3A_741, %add3A_742 : i32
        %mul3A_744 = arith.constant 16 : i32
        %mul3A_745 = arith.muli %add3A_743, %mul3A_744 : i32
        %swap3A_746 = arith.index_cast %mul3A_745 : i32 to index
        %swap3A_747 = tpu.vector_load %run_scoped3A[%swap3A_746] {strides = array<i32>} : memref<50176xi32, #tpu.memory_space<vmem>>, vector<16xi32>,
        tpu.vector_store %run_scoped3A[%swap3A_746], %broadcast_in_dim3A_739 {strides = array<i32>} : memref<50176xi32, #tpu.memory_space<vmem>>, vector<16xi32>,
        %scan3A_748 = arith.constant 0 : i32
        scf.yield %scan3A_748 : i32
      }
      %scan3A_18 = arith.constant 392 : i32
      "tpu.trace_stop"() : () -> ()
      "tpu.trace_start"() <{level = 10 : i32, message = "ph_a_build"}> : () -> ()
      %add3A_19 = arith.constant 0 : i32
      %add3A_20 = arith.addi %add3A_12, %add3A_19 : i32
      %dma_start3A = tpu.memref_slice %arg3[%add3A_20] : memref<3200000xi32, #tpu.memory_space<hbm>> -> memref<2048xi32, #tpu.memory_space<hbm>>
      %dma_start3A_21 = tpu.memref_slice %arg3[%add3A_20] : memref<3200000xi32, #tpu.memory_space<hbm>> -> memref<2048xi32, #tpu.memory_space<hbm>>
      tpu.enqueue_dma source(%dma_start3A_21 : memref<2048xi32, #tpu.memory_space<hbm>>) target(%run_scoped3A_8 : memref<2048xi32, #tpu.memory_space<vmem>>) target_semaphore(%arg9 : memref<!tpu.dma_semaphore, #tpu.memory_space<semaphore_mem>>)
      %dma_wait3A = tpu.memref_slice %arg3[%add3A_20] : memref<3200000xi32, #tpu.memory_space<hbm>> -> memref<2048xi32, #tpu.memory_space<hbm>>
      %dma_wait3A_22 = tpu.memref_slice %arg3[%add3A_20] : memref<3200000xi32, #tpu.memory_space<hbm>> -> memref<2048xi32, #tpu.memory_space<hbm>>
      tpu.wait_dma2 semaphore(%arg9 : memref<!tpu.dma_semaphore, #tpu.memory_space<semaphore_mem>>) src(%dma_wait3A_22 : memref<2048xi32, #tpu.memory_space<hbm>>) dst(%run_scoped3A_8 : memref<2048xi32, #tpu.memory_space<vmem>>)
      %scan3A_23 = arith.constant 50176 : i32
      %scan3A_24 = arith.constant 0 : i32
      %scan3A_25 = arith.constant 0 : i32
      %scan3A_26 = arith.constant 24 : i32
      %scan3A_27 = arith.addi %scan3A_25, %scan3A_26 : i32
      %scan3A_28 = arith.constant 1 : i32
      %scan3A_29 = scf.for %scan3A_667 = %scan3A_25 to %scan3A_27 step %scan3A_28 iter_args(%scan3A_668 = %scan3A_24) -> (i32)  : i32 {
        %mul3A_669 = arith.constant 2 : i32
        %mul3A_670 = arith.muli %mul3A_669, %scan3A_667 : i32
        %add3A_671 = arith.constant 1 : i32
        %add3A_672 = arith.addi %mul3A_670, %add3A_671 : i32
        %mul3A_673 = arith.constant 2048 : i32
        %mul3A_674 = arith.muli %add3A_672, %mul3A_673 : i32
        %add3A_675 = arith.addi %add3A_12, %mul3A_674 : i32
        %dma_start3A_676 = tpu.memref_slice %arg3[%add3A_675] : memref<3200000xi32, #tpu.memory_space<hbm>> -> memref<2048xi32, #tpu.memory_space<hbm>>
        %dma_start3A_677 = tpu.memref_slice %arg3[%add3A_675] : memref<3200000xi32, #tpu.memory_space<hbm>> -> memref<2048xi32, #tpu.memory_space<hbm>>
        tpu.enqueue_dma source(%dma_start3A_677 : memref<2048xi32, #tpu.memory_space<hbm>>) target(%run_scoped3A_9 : memref<2048xi32, #tpu.memory_space<vmem>>) target_semaphore(%arg10 : memref<!tpu.dma_semaphore, #tpu.memory_space<semaphore_mem>>)
        %scan3A_678 = arith.constant 0 : i32
        %scan3A_679 = arith.constant 0 : i32
        %scan3A_680 = arith.constant 32 : i32
        %scan3A_681 = arith.addi %scan3A_679, %scan3A_680 : i32
        %scan3A_682 = arith.constant 1 : i32
        %scan3A_683 = scf.for %scan3A_707 = %scan3A_679 to %scan3A_681 step %scan3A_682 iter_args(%scan3A_708 = %scan3A_678) -> (i32)  : i32 {
          %mul3A_709 = arith.constant 4 : i32
          %mul3A_710 = arith.muli %scan3A_707, %mul3A_709 : i32
          %add3A_711 = arith.constant 0 : i32
          %add3A_712 = arith.addi %mul3A_710, %add3A_711 : i32
          %mul3A_713 = arith.constant 16 : i32
          %mul3A_714 = arith.muli %add3A_712, %mul3A_713 : i32
          %get3A_715 = arith.index_cast %mul3A_714 : i32 to index
          %get3A_716 = tpu.vector_load %run_scoped3A_8[%get3A_715] {strides = array<i32>} : memref<2048xi32, #tpu.memory_space<vmem>>, vector<16xi32>,
          %sub3A_717 = vector.broadcast %mul3A_0 : i32 to vector<16xi32>
          %sub3A_718 = arith.subi %get3A_716, %sub3A_717 : vector<16xi32>
          %bitcast3A_719 = vector.bitcast %get3A_716 : vector<16xi32> to vector<16xi32>
          %sub3A_720 = vector.broadcast %mul3A_0 : i32 to vector<16xi32>
          %sub3A_721 = arith.subi %bitcast3A_719, %sub3A_720 : vector<16xi32>
          %lt3A_722 = vector.broadcast %scan3A_23 : i32 to vector<16xi32>
          %lt3A_723 = arith.cmpi ult, %sub3A_721, %lt3A_722 : vector<16xi32>
          %broadcast_in_dim3A_724 = arith.constant true
          %broadcast_in_dim3A_725 = vector.broadcast %broadcast_in_dim3A_724 : i1 to vector<16xi1>
          %unique3A_726, %unique3A_727 = tpu.scan_count mask(%broadcast_in_dim3A_725 : vector<16xi1>) value(%get3A_716 : vector<16xi32>) : vector<16xi1>, vector<16xi32>
          %and3A_728 = arith.andi %unique3A_726, %lt3A_723 : vector<16xi1>
          tpu.vector_store_idx %run_scoped3A[%sub3A_718], %unique3A_727 masked %and3A_728 {add = true} : memref<50176xi32, #tpu.memory_space<vmem>>[vector<16xi32>], vector<16xi32>, vector<16xi1>
          %mul3A_729 = arith.constant 4 : i32
          %mul3A_730 = arith.muli %scan3A_707, %mul3A_729 : i32
          %add3A_731 = arith.constant 1 : i32
          %add3A_732 = arith.addi %mul3A_730, %add3A_731 : i32
          %mul3A_733 = arith.constant 16 : i32
          %mul3A_734 = arith.muli %add3A_732, %mul3A_733 : i32
          %get3A_735 = arith.index_cast %mul3A_734 : i32 to index
          %get3A_736 = tpu.vector_load %run_scoped3A_8[%get3A_735] {strides = array<i32>} : memref<2048xi32, #tpu.memory_space<vmem>>, vector<16xi32>,
          %sub3A_737 = vector.broadcast %mul3A_0 : i32 to vector<16xi32>
          %sub3A_738 = arith.subi %get3A_736, %sub3A_737 : vector<16xi32>
          %bitcast3A_739 = vector.bitcast %get3A_736 : vector<16xi32> to vector<16xi32>
          %sub3A_740 = vector.broadcast %mul3A_0 : i32 to vector<16xi32>
          %sub3A_741 = arith.subi %bitcast3A_739, %sub3A_740 : vector<16xi32>
          %lt3A_742 = vector.broadcast %scan3A_23 : i32 to vector<16xi32>
          %lt3A_743 = arith.cmpi ult, %sub3A_741, %lt3A_742 : vector<16xi32>
          %broadcast_in_dim3A_744 = arith.constant true
          %broadcast_in_dim3A_745 = vector.broadcast %broadcast_in_dim3A_744 : i1 to vector<16xi1>
          %unique3A_746, %unique3A_747 = tpu.scan_count mask(%broadcast_in_dim3A_745 : vector<16xi1>) value(%get3A_736 : vector<16xi32>) : vector<16xi1>, vector<16xi32>
          %and3A_748 = arith.andi %unique3A_746, %lt3A_743 : vector<16xi1>
          tpu.vector_store_idx %run_scoped3A[%sub3A_738], %unique3A_747 masked %and3A_748 {add = true} : memref<50176xi32, #tpu.memory_space<vmem>>[vector<16xi32>], vector<16xi32>, vector<16xi1>
          %mul3A_749 = arith.constant 4 : i32
          %mul3A_750 = arith.muli %scan3A_707, %mul3A_749 : i32
          %add3A_751 = arith.constant 2 : i32
          %add3A_752 = arith.addi %mul3A_750, %add3A_751 : i32
          %mul3A_753 = arith.constant 16 : i32
          %mul3A_754 = arith.muli %add3A_752, %mul3A_753 : i32
          %get3A_755 = arith.index_cast %mul3A_754 : i32 to index
          %get3A_756 = tpu.vector_load %run_scoped3A_8[%get3A_755] {strides = array<i32>} : memref<2048xi32, #tpu.memory_space<vmem>>, vector<16xi32>,
          %sub3A_757 = vector.broadcast %mul3A_0 : i32 to vector<16xi32>
          %sub3A_758 = arith.subi %get3A_756, %sub3A_757 : vector<16xi32>
          %bitcast3A_759 = vector.bitcast %get3A_756 : vector<16xi32> to vector<16xi32>
          %sub3A_760 = vector.broadcast %mul3A_0 : i32 to vector<16xi32>
          %sub3A_761 = arith.subi %bitcast3A_759, %sub3A_760 : vector<16xi32>
          %lt3A_762 = vector.broadcast %scan3A_23 : i32 to vector<16xi32>
          %lt3A_763 = arith.cmpi ult, %sub3A_761, %lt3A_762 : vector<16xi32>
          %broadcast_in_dim3A_764 = arith.constant true
          %broadcast_in_dim3A_765 = vector.broadcast %broadcast_in_dim3A_764 : i1 to vector<16xi1>
          %unique3A_766, %unique3A_767 = tpu.scan_count mask(%broadcast_in_dim3A_765 : vector<16xi1>) value(%get3A_756 : vector<16xi32>) : vector<16xi1>, vector<16xi32>
          %and3A_768 = arith.andi %unique3A_766, %lt3A_763 : vector<16xi1>
          tpu.vector_store_idx %run_scoped3A[%sub3A_758], %unique3A_767 masked %and3A_768 {add = true} : memref<50176xi32, #tpu.memory_space<vmem>>[vector<16xi32>], vector<16xi32>, vector<16xi1>
          %mul3A_769 = arith.constant 4 : i32
          %mul3A_770 = arith.muli %scan3A_707, %mul3A_769 : i32
          %add3A_771 = arith.constant 3 : i32
          %add3A_772 = arith.addi %mul3A_770, %add3A_771 : i32
          %mul3A_773 = arith.constant 16 : i32
          %mul3A_774 = arith.muli %add3A_772, %mul3A_773 : i32
          %get3A_775 = arith.index_cast %mul3A_774 : i32 to index
          %get3A_776 = tpu.vector_load %run_scoped3A_8[%get3A_775] {strides = array<i32>} : memref<2048xi32, #tpu.memory_space<vmem>>, vector<16xi32>,
          %sub3A_777 = vector.broadcast %mul3A_0 : i32 to vector<16xi32>
          %sub3A_778 = arith.subi %get3A_776, %sub3A_777 : vector<16xi32>
          %bitcast3A_779 = vector.bitcast %get3A_776 : vector<16xi32> to vector<16xi32>
          %sub3A_780 = vector.broadcast %mul3A_0 : i32 to vector<16xi32>
          %sub3A_781 = arith.subi %bitcast3A_779, %sub3A_780 : vector<16xi32>
          %lt3A_782 = vector.broadcast %scan3A_23 : i32 to vector<16xi32>
          %lt3A_783 = arith.cmpi ult, %sub3A_781, %lt3A_782 : vector<16xi32>
          %broadcast_in_dim3A_784 = arith.constant true
          %broadcast_in_dim3A_785 = vector.broadcast %broadcast_in_dim3A_784 : i1 to vector<16xi1>
          %unique3A_786, %unique3A_787 = tpu.scan_count mask(%broadcast_in_dim3A_785 : vector<16xi1>) value(%get3A_776 : vector<16xi32>) : vector<16xi1>, vector<16xi32>
          %and3A_788 = arith.andi %unique3A_786, %lt3A_783 : vector<16xi1>
          tpu.vector_store_idx %run_scoped3A[%sub3A_778], %unique3A_787 masked %and3A_788 {add = true} : memref<50176xi32, #tpu.memory_space<vmem>>[vector<16xi32>], vector<16xi32>, vector<16xi1>
          %scan3A_789 = arith.constant 0 : i32
          scf.yield %scan3A_789 : i32
        }
        %scan3A_684 = arith.constant 32 : i32
        %dma_wait3A_685 = tpu.memref_slice %arg3[%add3A_12] : memref<3200000xi32, #tpu.memory_space<hbm>> -> memref<2048xi32, #tpu.memory_space<hbm>>
        %dma_wait3A_686 = tpu.memref_slice %arg3[%add3A_12] : memref<3200000xi32, #tpu.memory_space<hbm>> -> memref<2048xi32, #tpu.memory_space<hbm>>
        tpu.wait_dma2 semaphore(%arg10 : memref<!tpu.dma_semaphore, #tpu.memory_space<semaphore_mem>>) src(%dma_wait3A_686 : memref<2048xi32, #tpu.memory_space<hbm>>) dst(%run_scoped3A_9 : memref<2048xi32, #tpu.memory_space<vmem>>)
        %add3A_687 = arith.constant 2 : i32
        %add3A_688 = arith.addi %mul3A_670, %add3A_687 : i32
        %lt3A_689 = arith.constant 48 : i32
        %lt3A_690 = arith.cmpi slt, %add3A_688, %lt3A_689 : i32
        %convert_element_type3A = arith.extui %lt3A_690 : i1 to i32
        %cond3A = arith.constant 0 : i32
        %cond3A_691 = arith.cmpi ne, %convert_element_type3A, %cond3A : i32
        scf.if %cond3A_691 {
          %add3A_707 = arith.constant 2 : i32
          %add3A_708 = arith.addi %mul3A_670, %add3A_707 : i32
          %mul3A_709 = arith.constant 2048 : i32
          %mul3A_710 = arith.muli %add3A_708, %mul3A_709 : i32
          %add3A_711 = arith.addi %add3A_12, %mul3A_710 : i32
          %dma_start3A_712 = tpu.memref_slice %arg3[%add3A_711] : memref<3200000xi32, #tpu.memory_space<hbm>> -> memref<2048xi32, #tpu.memory_space<hbm>>
          %dma_start3A_713 = tpu.memref_slice %arg3[%add3A_711] : memref<3200000xi32, #tpu.memory_space<hbm>> -> memref<2048xi32, #tpu.memory_space<hbm>>
          tpu.enqueue_dma source(%dma_start3A_713 : memref<2048xi32, #tpu.memory_space<hbm>>) target(%run_scoped3A_8 : memref<2048xi32, #tpu.memory_space<vmem>>) target_semaphore(%arg9 : memref<!tpu.dma_semaphore, #tpu.memory_space<semaphore_mem>>)
        } else {
        }
        %scan3A_692 = arith.constant 0 : i32
        %scan3A_693 = arith.constant 0 : i32
        %scan3A_694 = arith.constant 32 : i32
        %scan3A_695 = arith.addi %scan3A_693, %scan3A_694 : i32
        %scan3A_696 = arith.constant 1 : i32
        %scan3A_697 = scf.for %scan3A_707 = %scan3A_693 to %scan3A_695 step %scan3A_696 iter_args(%scan3A_708 = %scan3A_692) -> (i32)  : i32 {
          %mul3A_709 = arith.constant 4 : i32
          %mul3A_710 = arith.muli %scan3A_707, %mul3A_709 : i32
          %add3A_711 = arith.constant 0 : i32
          %add3A_712 = arith.addi %mul3A_710, %add3A_711 : i32
          %mul3A_713 = arith.constant 16 : i32
          %mul3A_714 = arith.muli %add3A_712, %mul3A_713 : i32
          %get3A_715 = arith.index_cast %mul3A_714 : i32 to index
          %get3A_716 = tpu.vector_load %run_scoped3A_9[%get3A_715] {strides = array<i32>} : memref<2048xi32, #tpu.memory_space<vmem>>, vector<16xi32>,
          %sub3A_717 = vector.broadcast %mul3A_0 : i32 to vector<16xi32>
          %sub3A_718 = arith.subi %get3A_716, %sub3A_717 : vector<16xi32>
          %bitcast3A_719 = vector.bitcast %get3A_716 : vector<16xi32> to vector<16xi32>
          %sub3A_720 = vector.broadcast %mul3A_0 : i32 to vector<16xi32>
          %sub3A_721 = arith.subi %bitcast3A_719, %sub3A_720 : vector<16xi32>
          %lt3A_722 = vector.broadcast %scan3A_23 : i32 to vector<16xi32>
          %lt3A_723 = arith.cmpi ult, %sub3A_721, %lt3A_722 : vector<16xi32>
          %broadcast_in_dim3A_724 = arith.constant true
          %broadcast_in_dim3A_725 = vector.broadcast %broadcast_in_dim3A_724 : i1 to vector<16xi1>
          %unique3A_726, %unique3A_727 = tpu.scan_count mask(%broadcast_in_dim3A_725 : vector<16xi1>) value(%get3A_716 : vector<16xi32>) : vector<16xi1>, vector<16xi32>
          %and3A_728 = arith.andi %unique3A_726, %lt3A_723 : vector<16xi1>
          tpu.vector_store_idx %run_scoped3A[%sub3A_718], %unique3A_727 masked %and3A_728 {add = true} : memref<50176xi32, #tpu.memory_space<vmem>>[vector<16xi32>], vector<16xi32>, vector<16xi1>
          %mul3A_729 = arith.constant 4 : i32
          %mul3A_730 = arith.muli %scan3A_707, %mul3A_729 : i32
          %add3A_731 = arith.constant 1 : i32
          %add3A_732 = arith.addi %mul3A_730, %add3A_731 : i32
          %mul3A_733 = arith.constant 16 : i32
          %mul3A_734 = arith.muli %add3A_732, %mul3A_733 : i32
          %get3A_735 = arith.index_cast %mul3A_734 : i32 to index
          %get3A_736 = tpu.vector_load %run_scoped3A_9[%get3A_735] {strides = array<i32>} : memref<2048xi32, #tpu.memory_space<vmem>>, vector<16xi32>,
          %sub3A_737 = vector.broadcast %mul3A_0 : i32 to vector<16xi32>
          %sub3A_738 = arith.subi %get3A_736, %sub3A_737 : vector<16xi32>
          %bitcast3A_739 = vector.bitcast %get3A_736 : vector<16xi32> to vector<16xi32>
          %sub3A_740 = vector.broadcast %mul3A_0 : i32 to vector<16xi32>
          %sub3A_741 = arith.subi %bitcast3A_739, %sub3A_740 : vector<16xi32>
          %lt3A_742 = vector.broadcast %scan3A_23 : i32 to vector<16xi32>
          %lt3A_743 = arith.cmpi ult, %sub3A_741, %lt3A_742 : vector<16xi32>
          %broadcast_in_dim3A_744 = arith.constant true
          %broadcast_in_dim3A_745 = vector.broadcast %broadcast_in_dim3A_744 : i1 to vector<16xi1>
          %unique3A_746, %unique3A_747 = tpu.scan_count mask(%broadcast_in_dim3A_745 : vector<16xi1>) value(%get3A_736 : vector<16xi32>) : vector<16xi1>, vector<16xi32>
          %and3A_748 = arith.andi %unique3A_746, %lt3A_743 : vector<16xi1>
          tpu.vector_store_idx %run_scoped3A[%sub3A_738], %unique3A_747 masked %and3A_748 {add = true} : memref<50176xi32, #tpu.memory_space<vmem>>[vector<16xi32>], vector<16xi32>, vector<16xi1>
          %mul3A_749 = arith.constant 4 : i32
          %mul3A_750 = arith.muli %scan3A_707, %mul3A_749 : i32
          %add3A_751 = arith.constant 2 : i32
          %add3A_752 = arith.addi %mul3A_750, %add3A_751 : i32
          %mul3A_753 = arith.constant 16 : i32
          %mul3A_754 = arith.muli %add3A_752, %mul3A_753 : i32
          %get3A_755 = arith.index_cast %mul3A_754 : i32 to index
          %get3A_756 = tpu.vector_load %run_scoped3A_9[%get3A_755] {strides = array<i32>} : memref<2048xi32, #tpu.memory_space<vmem>>, vector<16xi32>,
          %sub3A_757 = vector.broadcast %mul3A_0 : i32 to vector<16xi32>
          %sub3A_758 = arith.subi %get3A_756, %sub3A_757 : vector<16xi32>
          %bitcast3A_759 = vector.bitcast %get3A_756 : vector<16xi32> to vector<16xi32>
          %sub3A_760 = vector.broadcast %mul3A_0 : i32 to vector<16xi32>
          %sub3A_761 = arith.subi %bitcast3A_759, %sub3A_760 : vector<16xi32>
          %lt3A_762 = vector.broadcast %scan3A_23 : i32 to vector<16xi32>
          %lt3A_763 = arith.cmpi ult, %sub3A_761, %lt3A_762 : vector<16xi32>
          %broadcast_in_dim3A_764 = arith.constant true
          %broadcast_in_dim3A_765 = vector.broadcast %broadcast_in_dim3A_764 : i1 to vector<16xi1>
          %unique3A_766, %unique3A_767 = tpu.scan_count mask(%broadcast_in_dim3A_765 : vector<16xi1>) value(%get3A_756 : vector<16xi32>) : vector<16xi1>, vector<16xi32>
          %and3A_768 = arith.andi %unique3A_766, %lt3A_763 : vector<16xi1>
          tpu.vector_store_idx %run_scoped3A[%sub3A_758], %unique3A_767 masked %and3A_768 {add = true} : memref<50176xi32, #tpu.memory_space<vmem>>[vector<16xi32>], vector<16xi32>, vector<16xi1>
          %mul3A_769 = arith.constant 4 : i32
          %mul3A_770 = arith.muli %scan3A_707, %mul3A_769 : i32
          %add3A_771 = arith.constant 3 : i32
          %add3A_772 = arith.addi %mul3A_770, %add3A_771 : i32
          %mul3A_773 = arith.constant 16 : i32
          %mul3A_774 = arith.muli %add3A_772, %mul3A_773 : i32
          %get3A_775 = arith.index_cast %mul3A_774 : i32 to index
          %get3A_776 = tpu.vector_load %run_scoped3A_9[%get3A_775] {strides = array<i32>} : memref<2048xi32, #tpu.memory_space<vmem>>, vector<16xi32>,
          %sub3A_777 = vector.broadcast %mul3A_0 : i32 to vector<16xi32>
          %sub3A_778 = arith.subi %get3A_776, %sub3A_777 : vector<16xi32>
          %bitcast3A_779 = vector.bitcast %get3A_776 : vector<16xi32> to vector<16xi32>
          %sub3A_780 = vector.broadcast %mul3A_0 : i32 to vector<16xi32>
          %sub3A_781 = arith.subi %bitcast3A_779, %sub3A_780 : vector<16xi32>
          %lt3A_782 = vector.broadcast %scan3A_23 : i32 to vector<16xi32>
          %lt3A_783 = arith.cmpi ult, %sub3A_781, %lt3A_782 : vector<16xi32>
          %broadcast_in_dim3A_784 = arith.constant true
          %broadcast_in_dim3A_785 = vector.broadcast %broadcast_in_dim3A_784 : i1 to vector<16xi1>
          %unique3A_786, %unique3A_787 = tpu.scan_count mask(%broadcast_in_dim3A_785 : vector<16xi1>) value(%get3A_776 : vector<16xi32>) : vector<16xi1>, vector<16xi32>
          %and3A_788 = arith.andi %unique3A_786, %lt3A_783 : vector<16xi1>
          tpu.vector_store_idx %run_scoped3A[%sub3A_778], %unique3A_787 masked %and3A_788 {add = true} : memref<50176xi32, #tpu.memory_space<vmem>>[vector<16xi32>], vector<16xi32>, vector<16xi1>
          %scan3A_789 = arith.constant 0 : i32
          scf.yield %scan3A_789 : i32
        }
        %scan3A_698 = arith.constant 32 : i32
        %add3A_699 = arith.constant 2 : i32
        %add3A_700 = arith.addi %mul3A_670, %add3A_699 : i32
        %lt3A_701 = arith.constant 48 : i32
        %lt3A_702 = arith.cmpi slt, %add3A_700, %lt3A_701 : i32
        %convert_element_type3A_703 = arith.extui %lt3A_702 : i1 to i32
        %cond3A_704 = arith.constant 0 : i32
        %cond3A_705 = arith.cmpi ne, %convert_element_type3A_703, %cond3A_704 : i32
        scf.if %cond3A_705 {
          %dma_wait3A_707 = tpu.memref_slice %arg3[%add3A_12] : memref<3200000xi32, #tpu.memory_space<hbm>> -> memref<2048xi32, #tpu.memory_space<hbm>>
          %dma_wait3A_708 = tpu.memref_slice %arg3[%add3A_12] : memref<3200000xi32, #tpu.memory_space<hbm>> -> memref<2048xi32, #tpu.memory_space<hbm>>
          tpu.wait_dma2 semaphore(%arg9 : memref<!tpu.dma_semaphore, #tpu.memory_space<semaphore_mem>>) src(%dma_wait3A_708 : memref<2048xi32, #tpu.memory_space<hbm>>) dst(%run_scoped3A_8 : memref<2048xi32, #tpu.memory_space<vmem>>)
        } else {
        }
        %scan3A_706 = arith.constant 0 : i32
        scf.yield %scan3A_706 : i32
      }
      %scan3A_30 = arith.constant 24 : i32
      %add3A_31 = arith.constant 98304 : i32
      %add3A_32 = arith.addi %add3A_12, %add3A_31 : i32
      "tpu.region"() ({
        %run_scoped3A_667 = tpu.sem_alloc : memref<!tpu.dma_semaphore, #tpu.memory_space<semaphore_mem>>
        %dma_start3A_668 = arith.constant 0 : i32
        %dma_start3A_669 = tpu.memref_slice %run_scoped3A_8[%dma_start3A_668] : memref<2048xi32, #tpu.memory_space<vmem>> -> memref<1696xi32, #tpu.memory_space<vmem>>
        %dma_start3A_670 = tpu.memref_slice %arg3[%add3A_32] : memref<3200000xi32, #tpu.memory_space<hbm>> -> memref<1696xi32, #tpu.memory_space<hbm>>
        %dma_start3A_671 = arith.constant 0 : i32
        %dma_start3A_672 = tpu.memref_slice %run_scoped3A_8[%dma_start3A_671] : memref<2048xi32, #tpu.memory_space<vmem>> -> memref<1696xi32, #tpu.memory_space<vmem>>
        %dma_start3A_673 = tpu.memref_slice %arg3[%add3A_32] : memref<3200000xi32, #tpu.memory_space<hbm>> -> memref<1696xi32, #tpu.memory_space<hbm>>
        tpu.enqueue_dma source(%dma_start3A_673 : memref<1696xi32, #tpu.memory_space<hbm>>) target(%dma_start3A_672 : memref<1696xi32, #tpu.memory_space<vmem>>) target_semaphore(%run_scoped3A_667 : memref<!tpu.dma_semaphore, #tpu.memory_space<semaphore_mem>>)
        %dma_wait3A_674 = arith.constant 0 : i32
        %dma_wait3A_675 = tpu.memref_slice %run_scoped3A_8[%dma_wait3A_674] : memref<2048xi32, #tpu.memory_space<vmem>> -> memref<1696xi32, #tpu.memory_space<vmem>>
        %dma_wait3A_676 = tpu.memref_slice %arg3[%add3A_32] : memref<3200000xi32, #tpu.memory_space<hbm>> -> memref<1696xi32, #tpu.memory_space<hbm>>
        %dma_wait3A_677 = arith.constant 0 : i32
        %dma_wait3A_678 = tpu.memref_slice %run_scoped3A_8[%dma_wait3A_677] : memref<2048xi32, #tpu.memory_space<vmem>> -> memref<1696xi32, #tpu.memory_space<vmem>>
        %dma_wait3A_679 = tpu.memref_slice %arg3[%add3A_32] : memref<3200000xi32, #tpu.memory_space<hbm>> -> memref<1696xi32, #tpu.memory_space<hbm>>
        tpu.wait_dma2 semaphore(%run_scoped3A_667 : memref<!tpu.dma_semaphore, #tpu.memory_space<semaphore_mem>>) src(%dma_wait3A_679 : memref<1696xi32, #tpu.memory_space<hbm>>) dst(%dma_wait3A_678 : memref<1696xi32, #tpu.memory_space<vmem>>)
        tpu.yield
      }) : () -> ()
      %scan3A_33 = arith.constant 50176 : i32
      %scan3A_34 = arith.constant 0 : i32
      %scan3A_35 = arith.constant 0 : i32
      %scan3A_36 = arith.constant 26 : i32
      %scan3A_37 = arith.addi %scan3A_35, %scan3A_36 : i32
      %scan3A_38 = arith.constant 1 : i32
      %scan3A_39 = scf.for %scan3A_667 = %scan3A_35 to %scan3A_37 step %scan3A_38 iter_args(%scan3A_668 = %scan3A_34) -> (i32)  : i32 {
        %mul3A_669 = arith.constant 4 : i32
        %mul3A_670 = arith.muli %scan3A_667, %mul3A_669 : i32
        %add3A_671 = arith.constant 0 : i32
        %add3A_672 = arith.addi %mul3A_670, %add3A_671 : i32
        %mul3A_673 = arith.constant 16 : i32
        %mul3A_674 = arith.muli %add3A_672, %mul3A_673 : i32
        %get3A_675 = arith.index_cast %mul3A_674 : i32 to index
        %get3A_676 = tpu.vector_load %run_scoped3A_8[%get3A_675] {strides = array<i32>} : memref<2048xi32, #tpu.memory_space<vmem>>, vector<16xi32>,
        %sub3A_677 = vector.broadcast %mul3A_0 : i32 to vector<16xi32>
        %sub3A_678 = arith.subi %get3A_676, %sub3A_677 : vector<16xi32>
        %bitcast3A_679 = vector.bitcast %get3A_676 : vector<16xi32> to vector<16xi32>
        %sub3A_680 = vector.broadcast %mul3A_0 : i32 to vector<16xi32>
        %sub3A_681 = arith.subi %bitcast3A_679, %sub3A_680 : vector<16xi32>
        %lt3A_682 = vector.broadcast %scan3A_33 : i32 to vector<16xi32>
        %lt3A_683 = arith.cmpi ult, %sub3A_681, %lt3A_682 : vector<16xi32>
        %broadcast_in_dim3A_684 = arith.constant true
        %broadcast_in_dim3A_685 = vector.broadcast %broadcast_in_dim3A_684 : i1 to vector<16xi1>
        %unique3A_686, %unique3A_687 = tpu.scan_count mask(%broadcast_in_dim3A_685 : vector<16xi1>) value(%get3A_676 : vector<16xi32>) : vector<16xi1>, vector<16xi32>
        %and3A_688 = arith.andi %unique3A_686, %lt3A_683 : vector<16xi1>
        tpu.vector_store_idx %run_scoped3A[%sub3A_678], %unique3A_687 masked %and3A_688 {add = true} : memref<50176xi32, #tpu.memory_space<vmem>>[vector<16xi32>], vector<16xi32>, vector<16xi1>
        %mul3A_689 = arith.constant 4 : i32
        %mul3A_690 = arith.muli %scan3A_667, %mul3A_689 : i32
        %add3A_691 = arith.constant 1 : i32
        %add3A_692 = arith.addi %mul3A_690, %add3A_691 : i32
        %mul3A_693 = arith.constant 16 : i32
        %mul3A_694 = arith.muli %add3A_692, %mul3A_693 : i32
        %get3A_695 = arith.index_cast %mul3A_694 : i32 to index
        %get3A_696 = tpu.vector_load %run_scoped3A_8[%get3A_695] {strides = array<i32>} : memref<2048xi32, #tpu.memory_space<vmem>>, vector<16xi32>,
        %sub3A_697 = vector.broadcast %mul3A_0 : i32 to vector<16xi32>
        %sub3A_698 = arith.subi %get3A_696, %sub3A_697 : vector<16xi32>
        %bitcast3A_699 = vector.bitcast %get3A_696 : vector<16xi32> to vector<16xi32>
        %sub3A_700 = vector.broadcast %mul3A_0 : i32 to vector<16xi32>
        %sub3A_701 = arith.subi %bitcast3A_699, %sub3A_700 : vector<16xi32>
        %lt3A_702 = vector.broadcast %scan3A_33 : i32 to vector<16xi32>
        %lt3A_703 = arith.cmpi ult, %sub3A_701, %lt3A_702 : vector<16xi32>
        %broadcast_in_dim3A_704 = arith.constant true
        %broadcast_in_dim3A_705 = vector.broadcast %broadcast_in_dim3A_704 : i1 to vector<16xi1>
        %unique3A_706, %unique3A_707 = tpu.scan_count mask(%broadcast_in_dim3A_705 : vector<16xi1>) value(%get3A_696 : vector<16xi32>) : vector<16xi1>, vector<16xi32>
        %and3A_708 = arith.andi %unique3A_706, %lt3A_703 : vector<16xi1>
        tpu.vector_store_idx %run_scoped3A[%sub3A_698], %unique3A_707 masked %and3A_708 {add = true} : memref<50176xi32, #tpu.memory_space<vmem>>[vector<16xi32>], vector<16xi32>, vector<16xi1>
        %mul3A_709 = arith.constant 4 : i32
        %mul3A_710 = arith.muli %scan3A_667, %mul3A_709 : i32
        %add3A_711 = arith.constant 2 : i32
        %add3A_712 = arith.addi %mul3A_710, %add3A_711 : i32
        %mul3A_713 = arith.constant 16 : i32
        %mul3A_714 = arith.muli %add3A_712, %mul3A_713 : i32
        %get3A_715 = arith.index_cast %mul3A_714 : i32 to index
        %get3A_716 = tpu.vector_load %run_scoped3A_8[%get3A_715] {strides = array<i32>} : memref<2048xi32, #tpu.memory_space<vmem>>, vector<16xi32>,
        %sub3A_717 = vector.broadcast %mul3A_0 : i32 to vector<16xi32>
        %sub3A_718 = arith.subi %get3A_716, %sub3A_717 : vector<16xi32>
        %bitcast3A_719 = vector.bitcast %get3A_716 : vector<16xi32> to vector<16xi32>
        %sub3A_720 = vector.broadcast %mul3A_0 : i32 to vector<16xi32>
        %sub3A_721 = arith.subi %bitcast3A_719, %sub3A_720 : vector<16xi32>
        %lt3A_722 = vector.broadcast %scan3A_33 : i32 to vector<16xi32>
        %lt3A_723 = arith.cmpi ult, %sub3A_721, %lt3A_722 : vector<16xi32>
        %broadcast_in_dim3A_724 = arith.constant true
        %broadcast_in_dim3A_725 = vector.broadcast %broadcast_in_dim3A_724 : i1 to vector<16xi1>
        %unique3A_726, %unique3A_727 = tpu.scan_count mask(%broadcast_in_dim3A_725 : vector<16xi1>) value(%get3A_716 : vector<16xi32>) : vector<16xi1>, vector<16xi32>
        %and3A_728 = arith.andi %unique3A_726, %lt3A_723 : vector<16xi1>
        tpu.vector_store_idx %run_scoped3A[%sub3A_718], %unique3A_727 masked %and3A_728 {add = true} : memref<50176xi32, #tpu.memory_space<vmem>>[vector<16xi32>], vector<16xi32>, vector<16xi1>
        %mul3A_729 = arith.constant 4 : i32
        %mul3A_730 = arith.muli %scan3A_667, %mul3A_729 : i32
        %add3A_731 = arith.constant 3 : i32
        %add3A_732 = arith.addi %mul3A_730, %add3A_731 : i32
        %mul3A_733 = arith.constant 16 : i32
        %mul3A_734 = arith.muli %add3A_732, %mul3A_733 : i32
        %get3A_735 = arith.index_cast %mul3A_734 : i32 to index
        %get3A_736 = tpu.vector_load %run_scoped3A_8[%get3A_735] {strides = array<i32>} : memref<2048xi32, #tpu.memory_space<vmem>>, vector<16xi32>,
        %sub3A_737 = vector.broadcast %mul3A_0 : i32 to vector<16xi32>
        %sub3A_738 = arith.subi %get3A_736, %sub3A_737 : vector<16xi32>
        %bitcast3A_739 = vector.bitcast %get3A_736 : vector<16xi32> to vector<16xi32>
        %sub3A_740 = vector.broadcast %mul3A_0 : i32 to vector<16xi32>
        %sub3A_741 = arith.subi %bitcast3A_739, %sub3A_740 : vector<16xi32>
        %lt3A_742 = vector.broadcast %scan3A_33 : i32 to vector<16xi32>
        %lt3A_743 = arith.cmpi ult, %sub3A_741, %lt3A_742 : vector<16xi32>
        %broadcast_in_dim3A_744 = arith.constant true
        %broadcast_in_dim3A_745 = vector.broadcast %broadcast_in_dim3A_744 : i1 to vector<16xi1>
        %unique3A_746, %unique3A_747 = tpu.scan_count mask(%broadcast_in_dim3A_745 : vector<16xi1>) value(%get3A_736 : vector<16xi32>) : vector<16xi1>, vector<16xi32>
        %and3A_748 = arith.andi %unique3A_746, %lt3A_743 : vector<16xi1>
        tpu.vector_store_idx %run_scoped3A[%sub3A_738], %unique3A_747 masked %and3A_748 {add = true} : memref<50176xi32, #tpu.memory_space<vmem>>[vector<16xi32>], vector<16xi32>, vector<16xi1>
        %scan3A_749 = arith.constant 0 : i32
        scf.yield %scan3A_749 : i32
      }
      %scan3A_40 = arith.constant 26 : i32
      %get3A = arith.constant 1664 : index
      %get3A_41 = tpu.vector_load %run_scoped3A_8[%get3A] {strides = array<i32>} : memref<2048xi32, #tpu.memory_space<vmem>>, vector<16xi32>,
      %sub3A_42 = vector.broadcast %mul3A_0 : i32 to vector<16xi32>
      %sub3A_43 = arith.subi %get3A_41, %sub3A_42 : vector<16xi32>
      %bitcast3A = vector.bitcast %get3A_41 : vector<16xi32> to vector<16xi32>
      %sub3A_44 = vector.broadcast %mul3A_0 : i32 to vector<16xi32>
      %sub3A_45 = arith.subi %bitcast3A, %sub3A_44 : vector<16xi32>
      %lt3A = arith.constant 50176 : i32
      %lt3A_46 = vector.broadcast %lt3A : i32 to vector<16xi32>
      %lt3A_47 = arith.cmpi ult, %sub3A_45, %lt3A_46 : vector<16xi32>
      %broadcast_in_dim3A = arith.constant true
      %broadcast_in_dim3A_48 = vector.broadcast %broadcast_in_dim3A : i1 to vector<16xi1>
      %unique3A, %unique3A_49 = tpu.scan_count mask(%broadcast_in_dim3A_48 : vector<16xi1>) value(%get3A_41 : vector<16xi32>) : vector<16xi1>, vector<16xi32>
      %and3A = arith.andi %unique3A, %lt3A_47 : vector<16xi1>
      tpu.vector_store_idx %run_scoped3A[%sub3A_43], %unique3A_49 masked %and3A {add = true} : memref<50176xi32, #tpu.memory_space<vmem>>[vector<16xi32>], vector<16xi32>, vector<16xi1>
      %get3A_50 = arith.constant 1680 : index
      %get3A_51 = tpu.vector_load %run_scoped3A_8[%get3A_50] {strides = array<i32>} : memref<2048xi32, #tpu.memory_space<vmem>>, vector<16xi32>,
      %sub3A_52 = vector.broadcast %mul3A_0 : i32 to vector<16xi32>
      %sub3A_53 = arith.subi %get3A_51, %sub3A_52 : vector<16xi32>
      %bitcast3A_54 = vector.bitcast %get3A_51 : vector<16xi32> to vector<16xi32>
      %sub3A_55 = vector.broadcast %mul3A_0 : i32 to vector<16xi32>
      %sub3A_56 = arith.subi %bitcast3A_54, %sub3A_55 : vector<16xi32>
      %lt3A_57 = arith.constant 50176 : i32
      %lt3A_58 = vector.broadcast %lt3A_57 : i32 to vector<16xi32>
      %lt3A_59 = arith.cmpi ult, %sub3A_56, %lt3A_58 : vector<16xi32>
      %broadcast_in_dim3A_60 = arith.constant true
      %broadcast_in_dim3A_61 = vector.broadcast %broadcast_in_dim3A_60 : i1 to vector<16xi1>
      %unique3A_62, %unique3A_63 = tpu.scan_count mask(%broadcast_in_dim3A_61 : vector<16xi1>) value(%get3A_51 : vector<16xi32>) : vector<16xi1>, vector<16xi32>
      %and3A_64 = arith.andi %unique3A_62, %lt3A_59 : vector<16xi1>
      tpu.vector_store_idx %run_scoped3A[%sub3A_53], %unique3A_63 masked %and3A_64 {add = true} : memref<50176xi32, #tpu.memory_space<vmem>>[vector<16xi32>], vector<16xi32>, vector<16xi1>
      %mul3A_65 = arith.constant 16 : i32
      %mul3A_66 = arith.muli %arg0, %mul3A_65 : i32
      %add3A_67 = arith.addi %mul3A_66, %arg1 : i32
      %mul3A_68 = arith.constant 50176 : i32
      %mul3A_69 = arith.muli %add3A_67, %mul3A_68 : i32
      "tpu.region"() ({
        %run_scoped3A_667 = tpu.sem_alloc : memref<!tpu.dma_semaphore, #tpu.memory_space<semaphore_mem>>
        %dma_start3A_668 = tpu.memref_slice %arg6[%mul3A_69] : memref<1605632xi32, #tpu.memory_space<hbm>> -> memref<50176xi32, #tpu.memory_space<hbm>>
        %dma_start3A_669 = tpu.memref_slice %arg6[%mul3A_69] : memref<1605632xi32, #tpu.memory_space<hbm>> -> memref<50176xi32, #tpu.memory_space<hbm>>
        tpu.enqueue_dma source(%run_scoped3A : memref<50176xi32, #tpu.memory_space<vmem>>) target(%dma_start3A_669 : memref<50176xi32, #tpu.memory_space<hbm>>) target_semaphore(%run_scoped3A_667 : memref<!tpu.dma_semaphore, #tpu.memory_space<semaphore_mem>>)
        %dma_wait3A_670 = tpu.memref_slice %arg6[%mul3A_69] : memref<1605632xi32, #tpu.memory_space<hbm>> -> memref<50176xi32, #tpu.memory_space<hbm>>
        %dma_wait3A_671 = tpu.memref_slice %arg6[%mul3A_69] : memref<1605632xi32, #tpu.memory_space<hbm>> -> memref<50176xi32, #tpu.memory_space<hbm>>
        tpu.wait_dma2 semaphore(%run_scoped3A_667 : memref<!tpu.dma_semaphore, #tpu.memory_space<semaphore_mem>>) src(%run_scoped3A : memref<50176xi32, #tpu.memory_space<vmem>>) dst(%dma_wait3A_671 : memref<50176xi32, #tpu.memory_space<hbm>>)
        tpu.yield
      }) : () -> ()
      "tpu.trace_stop"() : () -> ()
      %barrier3A_70 = arith.constant 0 : index
      tpu.barrier barrier_id(%barrier3A_70)
      %mul3A_71 = arith.constant 3136 : i32
      %mul3A_72 = arith.muli %arg1, %mul3A_71 : i32
      "tpu.trace_start"() <{level = 10 : i32, message = "ph_a_merge"}> : () -> ()
      %add3A_73 = arith.constant 0 : i32
      %add3A_74 = arith.addi %arg1, %add3A_73 : i32
      %rem3A = arith.constant 16 : i32
      %rem3A_75 = arith.remsi %add3A_74, %rem3A : i32
      %mul3A_76 = arith.constant 16 : i32
      %mul3A_77 = arith.muli %arg0, %mul3A_76 : i32
      %add3A_78 = arith.addi %mul3A_77, %rem3A_75 : i32
      %mul3A_79 = arith.constant 50176 : i32
      %mul3A_80 = arith.muli %add3A_78, %mul3A_79 : i32
      %add3A_81 = arith.addi %mul3A_80, %mul3A_72 : i32
      "tpu.region"() ({
        %run_scoped3A_667 = tpu.sem_alloc : memref<!tpu.dma_semaphore, #tpu.memory_space<semaphore_mem>>
        %dma_start3A_668 = arith.constant 0 : i32
        %dma_start3A_669 = tpu.memref_slice %run_scoped3A[%dma_start3A_668] : memref<50176xi32, #tpu.memory_space<vmem>> -> memref<3136xi32, #tpu.memory_space<vmem>>
        %dma_start3A_670 = tpu.memref_slice %arg6[%add3A_81] : memref<1605632xi32, #tpu.memory_space<hbm>> -> memref<3136xi32, #tpu.memory_space<hbm>>
        %dma_start3A_671 = arith.constant 0 : i32
        %dma_start3A_672 = tpu.memref_slice %run_scoped3A[%dma_start3A_671] : memref<50176xi32, #tpu.memory_space<vmem>> -> memref<3136xi32, #tpu.memory_space<vmem>>
        %dma_start3A_673 = tpu.memref_slice %arg6[%add3A_81] : memref<1605632xi32, #tpu.memory_space<hbm>> -> memref<3136xi32, #tpu.memory_space<hbm>>
        tpu.enqueue_dma source(%dma_start3A_673 : memref<3136xi32, #tpu.memory_space<hbm>>) target(%dma_start3A_672 : memref<3136xi32, #tpu.memory_space<vmem>>) target_semaphore(%run_scoped3A_667 : memref<!tpu.dma_semaphore, #tpu.memory_space<semaphore_mem>>)
        %dma_wait3A_674 = arith.constant 0 : i32
        %dma_wait3A_675 = tpu.memref_slice %run_scoped3A[%dma_wait3A_674] : memref<50176xi32, #tpu.memory_space<vmem>> -> memref<3136xi32, #tpu.memory_space<vmem>>
        %dma_wait3A_676 = tpu.memref_slice %arg6[%add3A_81] : memref<1605632xi32, #tpu.memory_space<hbm>> -> memref<3136xi32, #tpu.memory_space<hbm>>
        %dma_wait3A_677 = arith.constant 0 : i32
        %dma_wait3A_678 = tpu.memref_slice %run_scoped3A[%dma_wait3A_677] : memref<50176xi32, #tpu.memory_space<vmem>> -> memref<3136xi32, #tpu.memory_space<vmem>>
        %dma_wait3A_679 = tpu.memref_slice %arg6[%add3A_81] : memref<1605632xi32, #tpu.memory_space<hbm>> -> memref<3136xi32, #tpu.memory_space<hbm>>
        tpu.wait_dma2 semaphore(%run_scoped3A_667 : memref<!tpu.dma_semaphore, #tpu.memory_space<semaphore_mem>>) src(%dma_wait3A_679 : memref<3136xi32, #tpu.memory_space<hbm>>) dst(%dma_wait3A_678 : memref<3136xi32, #tpu.memory_space<vmem>>)
        tpu.yield
      }) : () -> ()
      %add3A_82 = arith.constant 1 : i32
      %add3A_83 = arith.addi %arg1, %add3A_82 : i32
      %rem3A_84 = arith.constant 16 : i32
      %rem3A_85 = arith.remsi %add3A_83, %rem3A_84 : i32
      %mul3A_86 = arith.constant 16 : i32
      %mul3A_87 = arith.muli %arg0, %mul3A_86 : i32
      %add3A_88 = arith.addi %mul3A_87, %rem3A_85 : i32
      %mul3A_89 = arith.constant 50176 : i32
      %mul3A_90 = arith.muli %add3A_88, %mul3A_89 : i32
      %add3A_91 = arith.addi %mul3A_90, %mul3A_72 : i32
      %dma_start3A_92 = arith.constant 6272 : i32
      %dma_start3A_93 = tpu.memref_slice %run_scoped3A[%dma_start3A_92] : memref<50176xi32, #tpu.memory_space<vmem>> -> memref<3136xi32, #tpu.memory_space<vmem>>
      %dma_start3A_94 = tpu.memref_slice %arg6[%add3A_91] : memref<1605632xi32, #tpu.memory_space<hbm>> -> memref<3136xi32, #tpu.memory_space<hbm>>
      %dma_start3A_95 = arith.constant 6272 : i32
      %dma_start3A_96 = tpu.memref_slice %run_scoped3A[%dma_start3A_95] : memref<50176xi32, #tpu.memory_space<vmem>> -> memref<3136xi32, #tpu.memory_space<vmem>>
      %dma_start3A_97 = tpu.memref_slice %arg6[%add3A_91] : memref<1605632xi32, #tpu.memory_space<hbm>> -> memref<3136xi32, #tpu.memory_space<hbm>>
      tpu.enqueue_dma source(%dma_start3A_97 : memref<3136xi32, #tpu.memory_space<hbm>>) target(%dma_start3A_96 : memref<3136xi32, #tpu.memory_space<vmem>>) target_semaphore(%arg10 : memref<!tpu.dma_semaphore, #tpu.memory_space<semaphore_mem>>)
      %add3A_98 = arith.constant 2 : i32
      %add3A_99 = arith.addi %arg1, %add3A_98 : i32
      %rem3A_100 = arith.constant 16 : i32
      %rem3A_101 = arith.remsi %add3A_99, %rem3A_100 : i32
      %mul3A_102 = arith.constant 16 : i32
      %mul3A_103 = arith.muli %arg0, %mul3A_102 : i32
      %add3A_104 = arith.addi %mul3A_103, %rem3A_101 : i32
      %mul3A_105 = arith.constant 50176 : i32
      %mul3A_106 = arith.muli %add3A_104, %mul3A_105 : i32
      %add3A_107 = arith.addi %mul3A_106, %mul3A_72 : i32
      %dma_start3A_108 = arith.constant 3136 : i32
      %dma_start3A_109 = tpu.memref_slice %run_scoped3A[%dma_start3A_108] : memref<50176xi32, #tpu.memory_space<vmem>> -> memref<3136xi32, #tpu.memory_space<vmem>>
      %dma_start3A_110 = tpu.memref_slice %arg6[%add3A_107] : memref<1605632xi32, #tpu.memory_space<hbm>> -> memref<3136xi32, #tpu.memory_space<hbm>>
      %dma_start3A_111 = arith.constant 3136 : i32
      %dma_start3A_112 = tpu.memref_slice %run_scoped3A[%dma_start3A_111] : memref<50176xi32, #tpu.memory_space<vmem>> -> memref<3136xi32, #tpu.memory_space<vmem>>
      %dma_start3A_113 = tpu.memref_slice %arg6[%add3A_107] : memref<1605632xi32, #tpu.memory_space<hbm>> -> memref<3136xi32, #tpu.memory_space<hbm>>
      tpu.enqueue_dma source(%dma_start3A_113 : memref<3136xi32, #tpu.memory_space<hbm>>) target(%dma_start3A_112 : memref<3136xi32, #tpu.memory_space<vmem>>) target_semaphore(%arg9 : memref<!tpu.dma_semaphore, #tpu.memory_space<semaphore_mem>>)
      %add3A_114 = arith.constant 1 : i32
      %add3A_115 = arith.addi %arg1, %add3A_114 : i32
      %rem3A_116 = arith.constant 16 : i32
      %rem3A_117 = arith.remsi %add3A_115, %rem3A_116 : i32
      %mul3A_118 = arith.constant 16 : i32
      %mul3A_119 = arith.muli %arg0, %mul3A_118 : i32
      %add3A_120 = arith.addi %mul3A_119, %rem3A_117 : i32
      %mul3A_121 = arith.constant 50176 : i32
      %mul3A_122 = arith.muli %add3A_120, %mul3A_121 : i32
      %add3A_123 = arith.addi %mul3A_122, %mul3A_72 : i32
      %dma_wait3A_124 = arith.constant 6272 : i32
      %dma_wait3A_125 = tpu.memref_slice %run_scoped3A[%dma_wait3A_124] : memref<50176xi32, #tpu.memory_space<vmem>> -> memref<3136xi32, #tpu.memory_space<vmem>>
      %dma_wait3A_126 = tpu.memref_slice %arg6[%add3A_123] : memref<1605632xi32, #tpu.memory_space<hbm>> -> memref<3136xi32, #tpu.memory_space<hbm>>
      %dma_wait3A_127 = arith.constant 6272 : i32
      %dma_wait3A_128 = tpu.memref_slice %run_scoped3A[%dma_wait3A_127] : memref<50176xi32, #tpu.memory_space<vmem>> -> memref<3136xi32, #tpu.memory_space<vmem>>
      %dma_wait3A_129 = tpu.memref_slice %arg6[%add3A_123] : memref<1605632xi32, #tpu.memory_space<hbm>> -> memref<3136xi32, #tpu.memory_space<hbm>>
      tpu.wait_dma2 semaphore(%arg10 : memref<!tpu.dma_semaphore, #tpu.memory_space<semaphore_mem>>) src(%dma_wait3A_129 : memref<3136xi32, #tpu.memory_space<hbm>>) dst(%dma_wait3A_128 : memref<3136xi32, #tpu.memory_space<vmem>>)
      %scan3A_130 = arith.constant 0 : i32
      %scan3A_131 = arith.constant 0 : i32
      %scan3A_132 = arith.constant 196 : i32
      %scan3A_133 = arith.addi %scan3A_131, %scan3A_132 : i32
      %scan3A_134 = arith.constant 1 : i32
      %scan3A_135 = scf.for %scan3A_667 = %scan3A_131 to %scan3A_133 step %scan3A_134 iter_args(%scan3A_668 = %scan3A_130) -> (i32)  : i32 {
        %mul3A_669 = arith.constant 16 : i32
        %mul3A_670 = arith.muli %scan3A_667, %mul3A_669 : i32
        %mul3A_671 = arith.constant 16 : i32
        %mul3A_672 = arith.muli %scan3A_667, %mul3A_671 : i32
        %get3A_673 = arith.constant 6272 : i32
        %get3A_674 = tpu.memref_slice %run_scoped3A[%get3A_673] : memref<50176xi32, #tpu.memory_space<vmem>> -> memref<3136xi32, #tpu.memory_space<vmem>>
        %get3A_675 = arith.index_cast %mul3A_672 : i32 to index
        %get3A_676 = tpu.vector_load %get3A_674[%get3A_675] {strides = array<i32>} : memref<3136xi32, #tpu.memory_space<vmem>>, vector<16xi32>,
        %swap3A = arith.constant 0 : i32
        %swap3A_677 = tpu.memref_slice %run_scoped3A[%swap3A] : memref<50176xi32, #tpu.memory_space<vmem>> -> memref<3136xi32, #tpu.memory_space<vmem>>
        %swap3A_678 = arith.index_cast %mul3A_670 : i32 to index
        %swap3A_679 = tpu.vector_load %swap3A_677[%swap3A_678] {strides = array<i32>} : memref<3136xi32, #tpu.memory_space<vmem>>, vector<16xi32>,
        tpu.vector_store %swap3A_677[%swap3A_678], %get3A_676 {add = true, strides = array<i32>} : memref<3136xi32, #tpu.memory_space<vmem>>, vector<16xi32>,
        %scan3A_680 = arith.constant 0 : i32
        scf.yield %scan3A_680 : i32
      }
      %scan3A_136 = arith.constant 196 : i32
      %add3A_137 = arith.constant 3 : i32
      %add3A_138 = arith.addi %arg1, %add3A_137 : i32
      %rem3A_139 = arith.constant 16 : i32
      %rem3A_140 = arith.remsi %add3A_138, %rem3A_139 : i32
      %mul3A_141 = arith.constant 16 : i32
      %mul3A_142 = arith.muli %arg0, %mul3A_141 : i32
      %add3A_143 = arith.addi %mul3A_142, %rem3A_140 : i32
      %mul3A_144 = arith.constant 50176 : i32
      %mul3A_145 = arith.muli %add3A_143, %mul3A_144 : i32
      %add3A_146 = arith.addi %mul3A_145, %mul3A_72 : i32
      %dma_start3A_147 = arith.constant 6272 : i32
      %dma_start3A_148 = tpu.memref_slice %run_scoped3A[%dma_start3A_147] : memref<50176xi32, #tpu.memory_space<vmem>> -> memref<3136xi32, #tpu.memory_space<vmem>>
      %dma_start3A_149 = tpu.memref_slice %arg6[%add3A_146] : memref<1605632xi32, #tpu.memory_space<hbm>> -> memref<3136xi32, #tpu.memory_space<hbm>>
      %dma_start3A_150 = arith.constant 6272 : i32
      %dma_start3A_151 = tpu.memref_slice %run_scoped3A[%dma_start3A_150] : memref<50176xi32, #tpu.memory_space<vmem>> -> memref<3136xi32, #tpu.memory_space<vmem>>
      %dma_start3A_152 = tpu.memref_slice %arg6[%add3A_146] : memref<1605632xi32, #tpu.memory_space<hbm>> -> memref<3136xi32, #tpu.memory_space<hbm>>
      tpu.enqueue_dma source(%dma_start3A_152 : memref<3136xi32, #tpu.memory_space<hbm>>) target(%dma_start3A_151 : memref<3136xi32, #tpu.memory_space<vmem>>) target_semaphore(%arg10 : memref<!tpu.dma_semaphore, #tpu.memory_space<semaphore_mem>>)
      %add3A_153 = arith.constant 2 : i32
      %add3A_154 = arith.addi %arg1, %add3A_153 : i32
      %rem3A_155 = arith.constant 16 : i32
      %rem3A_156 = arith.remsi %add3A_154, %rem3A_155 : i32
      %mul3A_157 = arith.constant 16 : i32
      %mul3A_158 = arith.muli %arg0, %mul3A_157 : i32
      %add3A_159 = arith.addi %mul3A_158, %rem3A_156 : i32
      %mul3A_160 = arith.constant 50176 : i32
      %mul3A_161 = arith.muli %add3A_159, %mul3A_160 : i32
      %add3A_162 = arith.addi %mul3A_161, %mul3A_72 : i32
      %dma_wait3A_163 = arith.constant 3136 : i32
      %dma_wait3A_164 = tpu.memref_slice %run_scoped3A[%dma_wait3A_163] : memref<50176xi32, #tpu.memory_space<vmem>> -> memref<3136xi32, #tpu.memory_space<vmem>>
      %dma_wait3A_165 = tpu.memref_slice %arg6[%add3A_162] : memref<1605632xi32, #tpu.memory_space<hbm>> -> memref<3136xi32, #tpu.memory_space<hbm>>
      %dma_wait3A_166 = arith.constant 3136 : i32
      %dma_wait3A_167 = tpu.memref_slice %run_scoped3A[%dma_wait3A_166] : memref<50176xi32, #tpu.memory_space<vmem>> -> memref<3136xi32, #tpu.memory_space<vmem>>
      %dma_wait3A_168 = tpu.memref_slice %arg6[%add3A_162] : memref<1605632xi32, #tpu.memory_space<hbm>> -> memref<3136xi32, #tpu.memory_space<hbm>>
      tpu.wait_dma2 semaphore(%arg9 : memref<!tpu.dma_semaphore, #tpu.memory_space<semaphore_mem>>) src(%dma_wait3A_168 : memref<3136xi32, #tpu.memory_space<hbm>>) dst(%dma_wait3A_167 : memref<3136xi32, #tpu.memory_space<vmem>>)
      %scan3A_169 = arith.constant 0 : i32
      %scan3A_170 = arith.constant 0 : i32
      %scan3A_171 = arith.constant 196 : i32
      %scan3A_172 = arith.addi %scan3A_170, %scan3A_171 : i32
      %scan3A_173 = arith.constant 1 : i32
      %scan3A_174 = scf.for %scan3A_667 = %scan3A_170 to %scan3A_172 step %scan3A_173 iter_args(%scan3A_668 = %scan3A_169) -> (i32)  : i32 {
        %mul3A_669 = arith.constant 16 : i32
        %mul3A_670 = arith.muli %scan3A_667, %mul3A_669 : i32
        %mul3A_671 = arith.constant 16 : i32
        %mul3A_672 = arith.muli %scan3A_667, %mul3A_671 : i32
        %get3A_673 = arith.constant 3136 : i32
        %get3A_674 = tpu.memref_slice %run_scoped3A[%get3A_673] : memref<50176xi32, #tpu.memory_space<vmem>> -> memref<3136xi32, #tpu.memory_space<vmem>>
        %get3A_675 = arith.index_cast %mul3A_672 : i32 to index
        %get3A_676 = tpu.vector_load %get3A_674[%get3A_675] {strides = array<i32>} : memref<3136xi32, #tpu.memory_space<vmem>>, vector<16xi32>,
        %swap3A = arith.constant 0 : i32
        %swap3A_677 = tpu.memref_slice %run_scoped3A[%swap3A] : memref<50176xi32, #tpu.memory_space<vmem>> -> memref<3136xi32, #tpu.memory_space<vmem>>
        %swap3A_678 = arith.index_cast %mul3A_670 : i32 to index
        %swap3A_679 = tpu.vector_load %swap3A_677[%swap3A_678] {strides = array<i32>} : memref<3136xi32, #tpu.memory_space<vmem>>, vector<16xi32>,
        tpu.vector_store %swap3A_677[%swap3A_678], %get3A_676 {add = true, strides = array<i32>} : memref<3136xi32, #tpu.memory_space<vmem>>, vector<16xi32>,
        %scan3A_680 = arith.constant 0 : i32
        scf.yield %scan3A_680 : i32
      }
      %scan3A_175 = arith.constant 196 : i32
      %add3A_176 = arith.constant 4 : i32
      %add3A_177 = arith.addi %arg1, %add3A_176 : i32
      %rem3A_178 = arith.constant 16 : i32
      %rem3A_179 = arith.remsi %add3A_177, %rem3A_178 : i32
      %mul3A_180 = arith.constant 16 : i32
      %mul3A_181 = arith.muli %arg0, %mul3A_180 : i32
      %add3A_182 = arith.addi %mul3A_181, %rem3A_179 : i32
      %mul3A_183 = arith.constant 50176 : i32
      %mul3A_184 = arith.muli %add3A_182, %mul3A_183 : i32
      %add3A_185 = arith.addi %mul3A_184, %mul3A_72 : i32
      %dma_start3A_186 = arith.constant 3136 : i32
      %dma_start3A_187 = tpu.memref_slice %run_scoped3A[%dma_start3A_186] : memref<50176xi32, #tpu.memory_space<vmem>> -> memref<3136xi32, #tpu.memory_space<vmem>>
      %dma_start3A_188 = tpu.memref_slice %arg6[%add3A_185] : memref<1605632xi32, #tpu.memory_space<hbm>> -> memref<3136xi32, #tpu.memory_space<hbm>>
      %dma_start3A_189 = arith.constant 3136 : i32
      %dma_start3A_190 = tpu.memref_slice %run_scoped3A[%dma_start3A_189] : memref<50176xi32, #tpu.memory_space<vmem>> -> memref<3136xi32, #tpu.memory_space<vmem>>
      %dma_start3A_191 = tpu.memref_slice %arg6[%add3A_185] : memref<1605632xi32, #tpu.memory_space<hbm>> -> memref<3136xi32, #tpu.memory_space<hbm>>
      tpu.enqueue_dma source(%dma_start3A_191 : memref<3136xi32, #tpu.memory_space<hbm>>) target(%dma_start3A_190 : memref<3136xi32, #tpu.memory_space<vmem>>) target_semaphore(%arg9 : memref<!tpu.dma_semaphore, #tpu.memory_space<semaphore_mem>>)
      %add3A_192 = arith.constant 3 : i32
      %add3A_193 = arith.addi %arg1, %add3A_192 : i32
      %rem3A_194 = arith.constant 16 : i32
      %rem3A_195 = arith.remsi %add3A_193, %rem3A_194 : i32
      %mul3A_196 = arith.constant 16 : i32
      %mul3A_197 = arith.muli %arg0, %mul3A_196 : i32
      %add3A_198 = arith.addi %mul3A_197, %rem3A_195 : i32
      %mul3A_199 = arith.constant 50176 : i32
      %mul3A_200 = arith.muli %add3A_198, %mul3A_199 : i32
      %add3A_201 = arith.addi %mul3A_200, %mul3A_72 : i32
      %dma_wait3A_202 = arith.constant 6272 : i32
      %dma_wait3A_203 = tpu.memref_slice %run_scoped3A[%dma_wait3A_202] : memref<50176xi32, #tpu.memory_space<vmem>> -> memref<3136xi32, #tpu.memory_space<vmem>>
      %dma_wait3A_204 = tpu.memref_slice %arg6[%add3A_201] : memref<1605632xi32, #tpu.memory_space<hbm>> -> memref<3136xi32, #tpu.memory_space<hbm>>
      %dma_wait3A_205 = arith.constant 6272 : i32
      %dma_wait3A_206 = tpu.memref_slice %run_scoped3A[%dma_wait3A_205] : memref<50176xi32, #tpu.memory_space<vmem>> -> memref<3136xi32, #tpu.memory_space<vmem>>
      %dma_wait3A_207 = tpu.memref_slice %arg6[%add3A_201] : memref<1605632xi32, #tpu.memory_space<hbm>> -> memref<3136xi32, #tpu.memory_space<hbm>>
      tpu.wait_dma2 semaphore(%arg10 : memref<!tpu.dma_semaphore, #tpu.memory_space<semaphore_mem>>) src(%dma_wait3A_207 : memref<3136xi32, #tpu.memory_space<hbm>>) dst(%dma_wait3A_206 : memref<3136xi32, #tpu.memory_space<vmem>>)
      %scan3A_208 = arith.constant 0 : i32
      %scan3A_209 = arith.constant 0 : i32
      %scan3A_210 = arith.constant 196 : i32
      %scan3A_211 = arith.addi %scan3A_209, %scan3A_210 : i32
      %scan3A_212 = arith.constant 1 : i32
      %scan3A_213 = scf.for %scan3A_667 = %scan3A_209 to %scan3A_211 step %scan3A_212 iter_args(%scan3A_668 = %scan3A_208) -> (i32)  : i32 {
        %mul3A_669 = arith.constant 16 : i32
        %mul3A_670 = arith.muli %scan3A_667, %mul3A_669 : i32
        %mul3A_671 = arith.constant 16 : i32
        %mul3A_672 = arith.muli %scan3A_667, %mul3A_671 : i32
        %get3A_673 = arith.constant 6272 : i32
        %get3A_674 = tpu.memref_slice %run_scoped3A[%get3A_673] : memref<50176xi32, #tpu.memory_space<vmem>> -> memref<3136xi32, #tpu.memory_space<vmem>>
        %get3A_675 = arith.index_cast %mul3A_672 : i32 to index
        %get3A_676 = tpu.vector_load %get3A_674[%get3A_675] {strides = array<i32>} : memref<3136xi32, #tpu.memory_space<vmem>>, vector<16xi32>,
        %swap3A = arith.constant 0 : i32
        %swap3A_677 = tpu.memref_slice %run_scoped3A[%swap3A] : memref<50176xi32, #tpu.memory_space<vmem>> -> memref<3136xi32, #tpu.memory_space<vmem>>
        %swap3A_678 = arith.index_cast %mul3A_670 : i32 to index
        %swap3A_679 = tpu.vector_load %swap3A_677[%swap3A_678] {strides = array<i32>} : memref<3136xi32, #tpu.memory_space<vmem>>, vector<16xi32>,
        tpu.vector_store %swap3A_677[%swap3A_678], %get3A_676 {add = true, strides = array<i32>} : memref<3136xi32, #tpu.memory_space<vmem>>, vector<16xi32>,
        %scan3A_680 = arith.constant 0 : i32
        scf.yield %scan3A_680 : i32
      }
      %scan3A_214 = arith.constant 196 : i32
      %add3A_215 = arith.constant 5 : i32
      %add3A_216 = arith.addi %arg1, %add3A_215 : i32
      %rem3A_217 = arith.constant 16 : i32
      %rem3A_218 = arith.remsi %add3A_216, %rem3A_217 : i32
      %mul3A_219 = arith.constant 16 : i32
      %mul3A_220 = arith.muli %arg0, %mul3A_219 : i32
      %add3A_221 = arith.addi %mul3A_220, %rem3A_218 : i32
      %mul3A_222 = arith.constant 50176 : i32
      %mul3A_223 = arith.muli %add3A_221, %mul3A_222 : i32
      %add3A_224 = arith.addi %mul3A_223, %mul3A_72 : i32
      %dma_start3A_225 = arith.constant 6272 : i32
      %dma_start3A_226 = tpu.memref_slice %run_scoped3A[%dma_start3A_225] : memref<50176xi32, #tpu.memory_space<vmem>> -> memref<3136xi32, #tpu.memory_space<vmem>>
      %dma_start3A_227 = tpu.memref_slice %arg6[%add3A_224] : memref<1605632xi32, #tpu.memory_space<hbm>> -> memref<3136xi32, #tpu.memory_space<hbm>>
      %dma_start3A_228 = arith.constant 6272 : i32
      %dma_start3A_229 = tpu.memref_slice %run_scoped3A[%dma_start3A_228] : memref<50176xi32, #tpu.memory_space<vmem>> -> memref<3136xi32, #tpu.memory_space<vmem>>
      %dma_start3A_230 = tpu.memref_slice %arg6[%add3A_224] : memref<1605632xi32, #tpu.memory_space<hbm>> -> memref<3136xi32, #tpu.memory_space<hbm>>
      tpu.enqueue_dma source(%dma_start3A_230 : memref<3136xi32, #tpu.memory_space<hbm>>) target(%dma_start3A_229 : memref<3136xi32, #tpu.memory_space<vmem>>) target_semaphore(%arg10 : memref<!tpu.dma_semaphore, #tpu.memory_space<semaphore_mem>>)
      %add3A_231 = arith.constant 4 : i32
      %add3A_232 = arith.addi %arg1, %add3A_231 : i32
      %rem3A_233 = arith.constant 16 : i32
      %rem3A_234 = arith.remsi %add3A_232, %rem3A_233 : i32
      %mul3A_235 = arith.constant 16 : i32
      %mul3A_236 = arith.muli %arg0, %mul3A_235 : i32
      %add3A_237 = arith.addi %mul3A_236, %rem3A_234 : i32
      %mul3A_238 = arith.constant 50176 : i32
      %mul3A_239 = arith.muli %add3A_237, %mul3A_238 : i32
      %add3A_240 = arith.addi %mul3A_239, %mul3A_72 : i32
      %dma_wait3A_241 = arith.constant 3136 : i32
      %dma_wait3A_242 = tpu.memref_slice %run_scoped3A[%dma_wait3A_241] : memref<50176xi32, #tpu.memory_space<vmem>> -> memref<3136xi32, #tpu.memory_space<vmem>>
      %dma_wait3A_243 = tpu.memref_slice %arg6[%add3A_240] : memref<1605632xi32, #tpu.memory_space<hbm>> -> memref<3136xi32, #tpu.memory_space<hbm>>
      %dma_wait3A_244 = arith.constant 3136 : i32
      %dma_wait3A_245 = tpu.memref_slice %run_scoped3A[%dma_wait3A_244] : memref<50176xi32, #tpu.memory_space<vmem>> -> memref<3136xi32, #tpu.memory_space<vmem>>
      %dma_wait3A_246 = tpu.memref_slice %arg6[%add3A_240] : memref<1605632xi32, #tpu.memory_space<hbm>> -> memref<3136xi32, #tpu.memory_space<hbm>>
      tpu.wait_dma2 semaphore(%arg9 : memref<!tpu.dma_semaphore, #tpu.memory_space<semaphore_mem>>) src(%dma_wait3A_246 : memref<3136xi32, #tpu.memory_space<hbm>>) dst(%dma_wait3A_245 : memref<3136xi32, #tpu.memory_space<vmem>>)
      %scan3A_247 = arith.constant 0 : i32
      %scan3A_248 = arith.constant 0 : i32
      %scan3A_249 = arith.constant 196 : i32
      %scan3A_250 = arith.addi %scan3A_248, %scan3A_249 : i32
      %scan3A_251 = arith.constant 1 : i32
      %scan3A_252 = scf.for %scan3A_667 = %scan3A_248 to %scan3A_250 step %scan3A_251 iter_args(%scan3A_668 = %scan3A_247) -> (i32)  : i32 {
        %mul3A_669 = arith.constant 16 : i32
        %mul3A_670 = arith.muli %scan3A_667, %mul3A_669 : i32
        %mul3A_671 = arith.constant 16 : i32
        %mul3A_672 = arith.muli %scan3A_667, %mul3A_671 : i32
        %get3A_673 = arith.constant 3136 : i32
        %get3A_674 = tpu.memref_slice %run_scoped3A[%get3A_673] : memref<50176xi32, #tpu.memory_space<vmem>> -> memref<3136xi32, #tpu.memory_space<vmem>>
        %get3A_675 = arith.index_cast %mul3A_672 : i32 to index
        %get3A_676 = tpu.vector_load %get3A_674[%get3A_675] {strides = array<i32>} : memref<3136xi32, #tpu.memory_space<vmem>>, vector<16xi32>,
        %swap3A = arith.constant 0 : i32
        %swap3A_677 = tpu.memref_slice %run_scoped3A[%swap3A] : memref<50176xi32, #tpu.memory_space<vmem>> -> memref<3136xi32, #tpu.memory_space<vmem>>
        %swap3A_678 = arith.index_cast %mul3A_670 : i32 to index
        %swap3A_679 = tpu.vector_load %swap3A_677[%swap3A_678] {strides = array<i32>} : memref<3136xi32, #tpu.memory_space<vmem>>, vector<16xi32>,
        tpu.vector_store %swap3A_677[%swap3A_678], %get3A_676 {add = true, strides = array<i32>} : memref<3136xi32, #tpu.memory_space<vmem>>, vector<16xi32>,
        %scan3A_680 = arith.constant 0 : i32
        scf.yield %scan3A_680 : i32
      }
      %scan3A_253 = arith.constant 196 : i32
      %add3A_254 = arith.constant 6 : i32
      %add3A_255 = arith.addi %arg1, %add3A_254 : i32
      %rem3A_256 = arith.constant 16 : i32
      %rem3A_257 = arith.remsi %add3A_255, %rem3A_256 : i32
      %mul3A_258 = arith.constant 16 : i32
      %mul3A_259 = arith.muli %arg0, %mul3A_258 : i32
      %add3A_260 = arith.addi %mul3A_259, %rem3A_257 : i32
      %mul3A_261 = arith.constant 50176 : i32
      %mul3A_262 = arith.muli %add3A_260, %mul3A_261 : i32
      %add3A_263 = arith.addi %mul3A_262, %mul3A_72 : i32
      %dma_start3A_264 = arith.constant 3136 : i32
      %dma_start3A_265 = tpu.memref_slice %run_scoped3A[%dma_start3A_264] : memref<50176xi32, #tpu.memory_space<vmem>> -> memref<3136xi32, #tpu.memory_space<vmem>>
      %dma_start3A_266 = tpu.memref_slice %arg6[%add3A_263] : memref<1605632xi32, #tpu.memory_space<hbm>> -> memref<3136xi32, #tpu.memory_space<hbm>>
      %dma_start3A_267 = arith.constant 3136 : i32
      %dma_start3A_268 = tpu.memref_slice %run_scoped3A[%dma_start3A_267] : memref<50176xi32, #tpu.memory_space<vmem>> -> memref<3136xi32, #tpu.memory_space<vmem>>
      %dma_start3A_269 = tpu.memref_slice %arg6[%add3A_263] : memref<1605632xi32, #tpu.memory_space<hbm>> -> memref<3136xi32, #tpu.memory_space<hbm>>
      tpu.enqueue_dma source(%dma_start3A_269 : memref<3136xi32, #tpu.memory_space<hbm>>) target(%dma_start3A_268 : memref<3136xi32, #tpu.memory_space<vmem>>) target_semaphore(%arg9 : memref<!tpu.dma_semaphore, #tpu.memory_space<semaphore_mem>>)
      %add3A_270 = arith.constant 5 : i32
      %add3A_271 = arith.addi %arg1, %add3A_270 : i32
      %rem3A_272 = arith.constant 16 : i32
      %rem3A_273 = arith.remsi %add3A_271, %rem3A_272 : i32
      %mul3A_274 = arith.constant 16 : i32
      %mul3A_275 = arith.muli %arg0, %mul3A_274 : i32
      %add3A_276 = arith.addi %mul3A_275, %rem3A_273 : i32
      %mul3A_277 = arith.constant 50176 : i32
      %mul3A_278 = arith.muli %add3A_276, %mul3A_277 : i32
      %add3A_279 = arith.addi %mul3A_278, %mul3A_72 : i32
      %dma_wait3A_280 = arith.constant 6272 : i32
      %dma_wait3A_281 = tpu.memref_slice %run_scoped3A[%dma_wait3A_280] : memref<50176xi32, #tpu.memory_space<vmem>> -> memref<3136xi32, #tpu.memory_space<vmem>>
      %dma_wait3A_282 = tpu.memref_slice %arg6[%add3A_279] : memref<1605632xi32, #tpu.memory_space<hbm>> -> memref<3136xi32, #tpu.memory_space<hbm>>
      %dma_wait3A_283 = arith.constant 6272 : i32
      %dma_wait3A_284 = tpu.memref_slice %run_scoped3A[%dma_wait3A_283] : memref<50176xi32, #tpu.memory_space<vmem>> -> memref<3136xi32, #tpu.memory_space<vmem>>
      %dma_wait3A_285 = tpu.memref_slice %arg6[%add3A_279] : memref<1605632xi32, #tpu.memory_space<hbm>> -> memref<3136xi32, #tpu.memory_space<hbm>>
      tpu.wait_dma2 semaphore(%arg10 : memref<!tpu.dma_semaphore, #tpu.memory_space<semaphore_mem>>) src(%dma_wait3A_285 : memref<3136xi32, #tpu.memory_space<hbm>>) dst(%dma_wait3A_284 : memref<3136xi32, #tpu.memory_space<vmem>>)
      %scan3A_286 = arith.constant 0 : i32
      %scan3A_287 = arith.constant 0 : i32
      %scan3A_288 = arith.constant 196 : i32
      %scan3A_289 = arith.addi %scan3A_287, %scan3A_288 : i32
      %scan3A_290 = arith.constant 1 : i32
      %scan3A_291 = scf.for %scan3A_667 = %scan3A_287 to %scan3A_289 step %scan3A_290 iter_args(%scan3A_668 = %scan3A_286) -> (i32)  : i32 {
        %mul3A_669 = arith.constant 16 : i32
        %mul3A_670 = arith.muli %scan3A_667, %mul3A_669 : i32
        %mul3A_671 = arith.constant 16 : i32
        %mul3A_672 = arith.muli %scan3A_667, %mul3A_671 : i32
        %get3A_673 = arith.constant 6272 : i32
        %get3A_674 = tpu.memref_slice %run_scoped3A[%get3A_673] : memref<50176xi32, #tpu.memory_space<vmem>> -> memref<3136xi32, #tpu.memory_space<vmem>>
        %get3A_675 = arith.index_cast %mul3A_672 : i32 to index
        %get3A_676 = tpu.vector_load %get3A_674[%get3A_675] {strides = array<i32>} : memref<3136xi32, #tpu.memory_space<vmem>>, vector<16xi32>,
        %swap3A = arith.constant 0 : i32
        %swap3A_677 = tpu.memref_slice %run_scoped3A[%swap3A] : memref<50176xi32, #tpu.memory_space<vmem>> -> memref<3136xi32, #tpu.memory_space<vmem>>
        %swap3A_678 = arith.index_cast %mul3A_670 : i32 to index
        %swap3A_679 = tpu.vector_load %swap3A_677[%swap3A_678] {strides = array<i32>} : memref<3136xi32, #tpu.memory_space<vmem>>, vector<16xi32>,
        tpu.vector_store %swap3A_677[%swap3A_678], %get3A_676 {add = true, strides = array<i32>} : memref<3136xi32, #tpu.memory_space<vmem>>, vector<16xi32>,
        %scan3A_680 = arith.constant 0 : i32
        scf.yield %scan3A_680 : i32
      }
      %scan3A_292 = arith.constant 196 : i32
      %add3A_293 = arith.constant 7 : i32
      %add3A_294 = arith.addi %arg1, %add3A_293 : i32
      %rem3A_295 = arith.constant 16 : i32
      %rem3A_296 = arith.remsi %add3A_294, %rem3A_295 : i32
      %mul3A_297 = arith.constant 16 : i32
      %mul3A_298 = arith.muli %arg0, %mul3A_297 : i32
      %add3A_299 = arith.addi %mul3A_298, %rem3A_296 : i32
      %mul3A_300 = arith.constant 50176 : i32
      %mul3A_301 = arith.muli %add3A_299, %mul3A_300 : i32
      %add3A_302 = arith.addi %mul3A_301, %mul3A_72 : i32
      %dma_start3A_303 = arith.constant 6272 : i32
      %dma_start3A_304 = tpu.memref_slice %run_scoped3A[%dma_start3A_303] : memref<50176xi32, #tpu.memory_space<vmem>> -> memref<3136xi32, #tpu.memory_space<vmem>>
      %dma_start3A_305 = tpu.memref_slice %arg6[%add3A_302] : memref<1605632xi32, #tpu.memory_space<hbm>> -> memref<3136xi32, #tpu.memory_space<hbm>>
      %dma_start3A_306 = arith.constant 6272 : i32
      %dma_start3A_307 = tpu.memref_slice %run_scoped3A[%dma_start3A_306] : memref<50176xi32, #tpu.memory_space<vmem>> -> memref<3136xi32, #tpu.memory_space<vmem>>
      %dma_start3A_308 = tpu.memref_slice %arg6[%add3A_302] : memref<1605632xi32, #tpu.memory_space<hbm>> -> memref<3136xi32, #tpu.memory_space<hbm>>
      tpu.enqueue_dma source(%dma_start3A_308 : memref<3136xi32, #tpu.memory_space<hbm>>) target(%dma_start3A_307 : memref<3136xi32, #tpu.memory_space<vmem>>) target_semaphore(%arg10 : memref<!tpu.dma_semaphore, #tpu.memory_space<semaphore_mem>>)
      %add3A_309 = arith.constant 6 : i32
      %add3A_310 = arith.addi %arg1, %add3A_309 : i32
      %rem3A_311 = arith.constant 16 : i32
      %rem3A_312 = arith.remsi %add3A_310, %rem3A_311 : i32
      %mul3A_313 = arith.constant 16 : i32
      %mul3A_314 = arith.muli %arg0, %mul3A_313 : i32
      %add3A_315 = arith.addi %mul3A_314, %rem3A_312 : i32
      %mul3A_316 = arith.constant 50176 : i32
      %mul3A_317 = arith.muli %add3A_315, %mul3A_316 : i32
      %add3A_318 = arith.addi %mul3A_317, %mul3A_72 : i32
      %dma_wait3A_319 = arith.constant 3136 : i32
      %dma_wait3A_320 = tpu.memref_slice %run_scoped3A[%dma_wait3A_319] : memref<50176xi32, #tpu.memory_space<vmem>> -> memref<3136xi32, #tpu.memory_space<vmem>>
      %dma_wait3A_321 = tpu.memref_slice %arg6[%add3A_318] : memref<1605632xi32, #tpu.memory_space<hbm>> -> memref<3136xi32, #tpu.memory_space<hbm>>
      %dma_wait3A_322 = arith.constant 3136 : i32
      %dma_wait3A_323 = tpu.memref_slice %run_scoped3A[%dma_wait3A_322] : memref<50176xi32, #tpu.memory_space<vmem>> -> memref<3136xi32, #tpu.memory_space<vmem>>
      %dma_wait3A_324 = tpu.memref_slice %arg6[%add3A_318] : memref<1605632xi32, #tpu.memory_space<hbm>> -> memref<3136xi32, #tpu.memory_space<hbm>>
      tpu.wait_dma2 semaphore(%arg9 : memref<!tpu.dma_semaphore, #tpu.memory_space<semaphore_mem>>) src(%dma_wait3A_324 : memref<3136xi32, #tpu.memory_space<hbm>>) dst(%dma_wait3A_323 : memref<3136xi32, #tpu.memory_space<vmem>>)
      %scan3A_325 = arith.constant 0 : i32
      %scan3A_326 = arith.constant 0 : i32
      %scan3A_327 = arith.constant 196 : i32
      %scan3A_328 = arith.addi %scan3A_326, %scan3A_327 : i32
      %scan3A_329 = arith.constant 1 : i32
      %scan3A_330 = scf.for %scan3A_667 = %scan3A_326 to %scan3A_328 step %scan3A_329 iter_args(%scan3A_668 = %scan3A_325) -> (i32)  : i32 {
        %mul3A_669 = arith.constant 16 : i32
        %mul3A_670 = arith.muli %scan3A_667, %mul3A_669 : i32
        %mul3A_671 = arith.constant 16 : i32
        %mul3A_672 = arith.muli %scan3A_667, %mul3A_671 : i32
        %get3A_673 = arith.constant 3136 : i32
        %get3A_674 = tpu.memref_slice %run_scoped3A[%get3A_673] : memref<50176xi32, #tpu.memory_space<vmem>> -> memref<3136xi32, #tpu.memory_space<vmem>>
        %get3A_675 = arith.index_cast %mul3A_672 : i32 to index
        %get3A_676 = tpu.vector_load %get3A_674[%get3A_675] {strides = array<i32>} : memref<3136xi32, #tpu.memory_space<vmem>>, vector<16xi32>,
        %swap3A = arith.constant 0 : i32
        %swap3A_677 = tpu.memref_slice %run_scoped3A[%swap3A] : memref<50176xi32, #tpu.memory_space<vmem>> -> memref<3136xi32, #tpu.memory_space<vmem>>
        %swap3A_678 = arith.index_cast %mul3A_670 : i32 to index
        %swap3A_679 = tpu.vector_load %swap3A_677[%swap3A_678] {strides = array<i32>} : memref<3136xi32, #tpu.memory_space<vmem>>, vector<16xi32>,
        tpu.vector_store %swap3A_677[%swap3A_678], %get3A_676 {add = true, strides = array<i32>} : memref<3136xi32, #tpu.memory_space<vmem>>, vector<16xi32>,
        %scan3A_680 = arith.constant 0 : i32
        scf.yield %scan3A_680 : i32
      }
      %scan3A_331 = arith.constant 196 : i32
      %add3A_332 = arith.constant 8 : i32
      %add3A_333 = arith.addi %arg1, %add3A_332 : i32
      %rem3A_334 = arith.constant 16 : i32
      %rem3A_335 = arith.remsi %add3A_333, %rem3A_334 : i32
      %mul3A_336 = arith.constant 16 : i32
      %mul3A_337 = arith.muli %arg0, %mul3A_336 : i32
      %add3A_338 = arith.addi %mul3A_337, %rem3A_335 : i32
      %mul3A_339 = arith.constant 50176 : i32
      %mul3A_340 = arith.muli %add3A_338, %mul3A_339 : i32
      %add3A_341 = arith.addi %mul3A_340, %mul3A_72 : i32
      %dma_start3A_342 = arith.constant 3136 : i32
      %dma_start3A_343 = tpu.memref_slice %run_scoped3A[%dma_start3A_342] : memref<50176xi32, #tpu.memory_space<vmem>> -> memref<3136xi32, #tpu.memory_space<vmem>>
      %dma_start3A_344 = tpu.memref_slice %arg6[%add3A_341] : memref<1605632xi32, #tpu.memory_space<hbm>> -> memref<3136xi32, #tpu.memory_space<hbm>>
      %dma_start3A_345 = arith.constant 3136 : i32
      %dma_start3A_346 = tpu.memref_slice %run_scoped3A[%dma_start3A_345] : memref<50176xi32, #tpu.memory_space<vmem>> -> memref<3136xi32, #tpu.memory_space<vmem>>
      %dma_start3A_347 = tpu.memref_slice %arg6[%add3A_341] : memref<1605632xi32, #tpu.memory_space<hbm>> -> memref<3136xi32, #tpu.memory_space<hbm>>
      tpu.enqueue_dma source(%dma_start3A_347 : memref<3136xi32, #tpu.memory_space<hbm>>) target(%dma_start3A_346 : memref<3136xi32, #tpu.memory_space<vmem>>) target_semaphore(%arg9 : memref<!tpu.dma_semaphore, #tpu.memory_space<semaphore_mem>>)
      %add3A_348 = arith.constant 7 : i32
      %add3A_349 = arith.addi %arg1, %add3A_348 : i32
      %rem3A_350 = arith.constant 16 : i32
      %rem3A_351 = arith.remsi %add3A_349, %rem3A_350 : i32
      %mul3A_352 = arith.constant 16 : i32
      %mul3A_353 = arith.muli %arg0, %mul3A_352 : i32
      %add3A_354 = arith.addi %mul3A_353, %rem3A_351 : i32
      %mul3A_355 = arith.constant 50176 : i32
      %mul3A_356 = arith.muli %add3A_354, %mul3A_355 : i32
      %add3A_357 = arith.addi %mul3A_356, %mul3A_72 : i32
      %dma_wait3A_358 = arith.constant 6272 : i32
      %dma_wait3A_359 = tpu.memref_slice %run_scoped3A[%dma_wait3A_358] : memref<50176xi32, #tpu.memory_space<vmem>> -> memref<3136xi32, #tpu.memory_space<vmem>>
      %dma_wait3A_360 = tpu.memref_slice %arg6[%add3A_357] : memref<1605632xi32, #tpu.memory_space<hbm>> -> memref<3136xi32, #tpu.memory_space<hbm>>
      %dma_wait3A_361 = arith.constant 6272 : i32
      %dma_wait3A_362 = tpu.memref_slice %run_scoped3A[%dma_wait3A_361] : memref<50176xi32, #tpu.memory_space<vmem>> -> memref<3136xi32, #tpu.memory_space<vmem>>
      %dma_wait3A_363 = tpu.memref_slice %arg6[%add3A_357] : memref<1605632xi32, #tpu.memory_space<hbm>> -> memref<3136xi32, #tpu.memory_space<hbm>>
      tpu.wait_dma2 semaphore(%arg10 : memref<!tpu.dma_semaphore, #tpu.memory_space<semaphore_mem>>) src(%dma_wait3A_363 : memref<3136xi32, #tpu.memory_space<hbm>>) dst(%dma_wait3A_362 : memref<3136xi32, #tpu.memory_space<vmem>>)
      %scan3A_364 = arith.constant 0 : i32
      %scan3A_365 = arith.constant 0 : i32
      %scan3A_366 = arith.constant 196 : i32
      %scan3A_367 = arith.addi %scan3A_365, %scan3A_366 : i32
      %scan3A_368 = arith.constant 1 : i32
      %scan3A_369 = scf.for %scan3A_667 = %scan3A_365 to %scan3A_367 step %scan3A_368 iter_args(%scan3A_668 = %scan3A_364) -> (i32)  : i32 {
        %mul3A_669 = arith.constant 16 : i32
        %mul3A_670 = arith.muli %scan3A_667, %mul3A_669 : i32
        %mul3A_671 = arith.constant 16 : i32
        %mul3A_672 = arith.muli %scan3A_667, %mul3A_671 : i32
        %get3A_673 = arith.constant 6272 : i32
        %get3A_674 = tpu.memref_slice %run_scoped3A[%get3A_673] : memref<50176xi32, #tpu.memory_space<vmem>> -> memref<3136xi32, #tpu.memory_space<vmem>>
        %get3A_675 = arith.index_cast %mul3A_672 : i32 to index
        %get3A_676 = tpu.vector_load %get3A_674[%get3A_675] {strides = array<i32>} : memref<3136xi32, #tpu.memory_space<vmem>>, vector<16xi32>,
        %swap3A = arith.constant 0 : i32
        %swap3A_677 = tpu.memref_slice %run_scoped3A[%swap3A] : memref<50176xi32, #tpu.memory_space<vmem>> -> memref<3136xi32, #tpu.memory_space<vmem>>
        %swap3A_678 = arith.index_cast %mul3A_670 : i32 to index
        %swap3A_679 = tpu.vector_load %swap3A_677[%swap3A_678] {strides = array<i32>} : memref<3136xi32, #tpu.memory_space<vmem>>, vector<16xi32>,
        tpu.vector_store %swap3A_677[%swap3A_678], %get3A_676 {add = true, strides = array<i32>} : memref<3136xi32, #tpu.memory_space<vmem>>, vector<16xi32>,
        %scan3A_680 = arith.constant 0 : i32
        scf.yield %scan3A_680 : i32
      }
      %scan3A_370 = arith.constant 196 : i32
      %add3A_371 = arith.constant 9 : i32
      %add3A_372 = arith.addi %arg1, %add3A_371 : i32
      %rem3A_373 = arith.constant 16 : i32
      %rem3A_374 = arith.remsi %add3A_372, %rem3A_373 : i32
      %mul3A_375 = arith.constant 16 : i32
      %mul3A_376 = arith.muli %arg0, %mul3A_375 : i32
      %add3A_377 = arith.addi %mul3A_376, %rem3A_374 : i32
      %mul3A_378 = arith.constant 50176 : i32
      %mul3A_379 = arith.muli %add3A_377, %mul3A_378 : i32
      %add3A_380 = arith.addi %mul3A_379, %mul3A_72 : i32
      %dma_start3A_381 = arith.constant 6272 : i32
      %dma_start3A_382 = tpu.memref_slice %run_scoped3A[%dma_start3A_381] : memref<50176xi32, #tpu.memory_space<vmem>> -> memref<3136xi32, #tpu.memory_space<vmem>>
      %dma_start3A_383 = tpu.memref_slice %arg6[%add3A_380] : memref<1605632xi32, #tpu.memory_space<hbm>> -> memref<3136xi32, #tpu.memory_space<hbm>>
      %dma_start3A_384 = arith.constant 6272 : i32
      %dma_start3A_385 = tpu.memref_slice %run_scoped3A[%dma_start3A_384] : memref<50176xi32, #tpu.memory_space<vmem>> -> memref<3136xi32, #tpu.memory_space<vmem>>
      %dma_start3A_386 = tpu.memref_slice %arg6[%add3A_380] : memref<1605632xi32, #tpu.memory_space<hbm>> -> memref<3136xi32, #tpu.memory_space<hbm>>
      tpu.enqueue_dma source(%dma_start3A_386 : memref<3136xi32, #tpu.memory_space<hbm>>) target(%dma_start3A_385 : memref<3136xi32, #tpu.memory_space<vmem>>) target_semaphore(%arg10 : memref<!tpu.dma_semaphore, #tpu.memory_space<semaphore_mem>>)
      %add3A_387 = arith.constant 8 : i32
      %add3A_388 = arith.addi %arg1, %add3A_387 : i32
      %rem3A_389 = arith.constant 16 : i32
      %rem3A_390 = arith.remsi %add3A_388, %rem3A_389 : i32
      %mul3A_391 = arith.constant 16 : i32
      %mul3A_392 = arith.muli %arg0, %mul3A_391 : i32
      %add3A_393 = arith.addi %mul3A_392, %rem3A_390 : i32
      %mul3A_394 = arith.constant 50176 : i32
      %mul3A_395 = arith.muli %add3A_393, %mul3A_394 : i32
      %add3A_396 = arith.addi %mul3A_395, %mul3A_72 : i32
      %dma_wait3A_397 = arith.constant 3136 : i32
      %dma_wait3A_398 = tpu.memref_slice %run_scoped3A[%dma_wait3A_397] : memref<50176xi32, #tpu.memory_space<vmem>> -> memref<3136xi32, #tpu.memory_space<vmem>>
      %dma_wait3A_399 = tpu.memref_slice %arg6[%add3A_396] : memref<1605632xi32, #tpu.memory_space<hbm>> -> memref<3136xi32, #tpu.memory_space<hbm>>
      %dma_wait3A_400 = arith.constant 3136 : i32
      %dma_wait3A_401 = tpu.memref_slice %run_scoped3A[%dma_wait3A_400] : memref<50176xi32, #tpu.memory_space<vmem>> -> memref<3136xi32, #tpu.memory_space<vmem>>
      %dma_wait3A_402 = tpu.memref_slice %arg6[%add3A_396] : memref<1605632xi32, #tpu.memory_space<hbm>> -> memref<3136xi32, #tpu.memory_space<hbm>>
      tpu.wait_dma2 semaphore(%arg9 : memref<!tpu.dma_semaphore, #tpu.memory_space<semaphore_mem>>) src(%dma_wait3A_402 : memref<3136xi32, #tpu.memory_space<hbm>>) dst(%dma_wait3A_401 : memref<3136xi32, #tpu.memory_space<vmem>>)
      %scan3A_403 = arith.constant 0 : i32
      %scan3A_404 = arith.constant 0 : i32
      %scan3A_405 = arith.constant 196 : i32
      %scan3A_406 = arith.addi %scan3A_404, %scan3A_405 : i32
      %scan3A_407 = arith.constant 1 : i32
      %scan3A_408 = scf.for %scan3A_667 = %scan3A_404 to %scan3A_406 step %scan3A_407 iter_args(%scan3A_668 = %scan3A_403) -> (i32)  : i32 {
        %mul3A_669 = arith.constant 16 : i32
        %mul3A_670 = arith.muli %scan3A_667, %mul3A_669 : i32
        %mul3A_671 = arith.constant 16 : i32
        %mul3A_672 = arith.muli %scan3A_667, %mul3A_671 : i32
        %get3A_673 = arith.constant 3136 : i32
        %get3A_674 = tpu.memref_slice %run_scoped3A[%get3A_673] : memref<50176xi32, #tpu.memory_space<vmem>> -> memref<3136xi32, #tpu.memory_space<vmem>>
        %get3A_675 = arith.index_cast %mul3A_672 : i32 to index
        %get3A_676 = tpu.vector_load %get3A_674[%get3A_675] {strides = array<i32>} : memref<3136xi32, #tpu.memory_space<vmem>>, vector<16xi32>,
        %swap3A = arith.constant 0 : i32
        %swap3A_677 = tpu.memref_slice %run_scoped3A[%swap3A] : memref<50176xi32, #tpu.memory_space<vmem>> -> memref<3136xi32, #tpu.memory_space<vmem>>
        %swap3A_678 = arith.index_cast %mul3A_670 : i32 to index
        %swap3A_679 = tpu.vector_load %swap3A_677[%swap3A_678] {strides = array<i32>} : memref<3136xi32, #tpu.memory_space<vmem>>, vector<16xi32>,
        tpu.vector_store %swap3A_677[%swap3A_678], %get3A_676 {add = true, strides = array<i32>} : memref<3136xi32, #tpu.memory_space<vmem>>, vector<16xi32>,
        %scan3A_680 = arith.constant 0 : i32
        scf.yield %scan3A_680 : i32
      }
      %scan3A_409 = arith.constant 196 : i32
      %add3A_410 = arith.constant 10 : i32
      %add3A_411 = arith.addi %arg1, %add3A_410 : i32
      %rem3A_412 = arith.constant 16 : i32
      %rem3A_413 = arith.remsi %add3A_411, %rem3A_412 : i32
      %mul3A_414 = arith.constant 16 : i32
      %mul3A_415 = arith.muli %arg0, %mul3A_414 : i32
      %add3A_416 = arith.addi %mul3A_415, %rem3A_413 : i32
      %mul3A_417 = arith.constant 50176 : i32
      %mul3A_418 = arith.muli %add3A_416, %mul3A_417 : i32
      %add3A_419 = arith.addi %mul3A_418, %mul3A_72 : i32
      %dma_start3A_420 = arith.constant 3136 : i32
      %dma_start3A_421 = tpu.memref_slice %run_scoped3A[%dma_start3A_420] : memref<50176xi32, #tpu.memory_space<vmem>> -> memref<3136xi32, #tpu.memory_space<vmem>>
      %dma_start3A_422 = tpu.memref_slice %arg6[%add3A_419] : memref<1605632xi32, #tpu.memory_space<hbm>> -> memref<3136xi32, #tpu.memory_space<hbm>>
      %dma_start3A_423 = arith.constant 3136 : i32
      %dma_start3A_424 = tpu.memref_slice %run_scoped3A[%dma_start3A_423] : memref<50176xi32, #tpu.memory_space<vmem>> -> memref<3136xi32, #tpu.memory_space<vmem>>
      %dma_start3A_425 = tpu.memref_slice %arg6[%add3A_419] : memref<1605632xi32, #tpu.memory_space<hbm>> -> memref<3136xi32, #tpu.memory_space<hbm>>
      tpu.enqueue_dma source(%dma_start3A_425 : memref<3136xi32, #tpu.memory_space<hbm>>) target(%dma_start3A_424 : memref<3136xi32, #tpu.memory_space<vmem>>) target_semaphore(%arg9 : memref<!tpu.dma_semaphore, #tpu.memory_space<semaphore_mem>>)
      %add3A_426 = arith.constant 9 : i32
      %add3A_427 = arith.addi %arg1, %add3A_426 : i32
      %rem3A_428 = arith.constant 16 : i32
      %rem3A_429 = arith.remsi %add3A_427, %rem3A_428 : i32
      %mul3A_430 = arith.constant 16 : i32
      %mul3A_431 = arith.muli %arg0, %mul3A_430 : i32
      %add3A_432 = arith.addi %mul3A_431, %rem3A_429 : i32
      %mul3A_433 = arith.constant 50176 : i32
      %mul3A_434 = arith.muli %add3A_432, %mul3A_433 : i32
      %add3A_435 = arith.addi %mul3A_434, %mul3A_72 : i32
      %dma_wait3A_436 = arith.constant 6272 : i32
      %dma_wait3A_437 = tpu.memref_slice %run_scoped3A[%dma_wait3A_436] : memref<50176xi32, #tpu.memory_space<vmem>> -> memref<3136xi32, #tpu.memory_space<vmem>>
      %dma_wait3A_438 = tpu.memref_slice %arg6[%add3A_435] : memref<1605632xi32, #tpu.memory_space<hbm>> -> memref<3136xi32, #tpu.memory_space<hbm>>
      %dma_wait3A_439 = arith.constant 6272 : i32
      %dma_wait3A_440 = tpu.memref_slice %run_scoped3A[%dma_wait3A_439] : memref<50176xi32, #tpu.memory_space<vmem>> -> memref<3136xi32, #tpu.memory_space<vmem>>
      %dma_wait3A_441 = tpu.memref_slice %arg6[%add3A_435] : memref<1605632xi32, #tpu.memory_space<hbm>> -> memref<3136xi32, #tpu.memory_space<hbm>>
      tpu.wait_dma2 semaphore(%arg10 : memref<!tpu.dma_semaphore, #tpu.memory_space<semaphore_mem>>) src(%dma_wait3A_441 : memref<3136xi32, #tpu.memory_space<hbm>>) dst(%dma_wait3A_440 : memref<3136xi32, #tpu.memory_space<vmem>>)
      %scan3A_442 = arith.constant 0 : i32
      %scan3A_443 = arith.constant 0 : i32
      %scan3A_444 = arith.constant 196 : i32
      %scan3A_445 = arith.addi %scan3A_443, %scan3A_444 : i32
      %scan3A_446 = arith.constant 1 : i32
      %scan3A_447 = scf.for %scan3A_667 = %scan3A_443 to %scan3A_445 step %scan3A_446 iter_args(%scan3A_668 = %scan3A_442) -> (i32)  : i32 {
        %mul3A_669 = arith.constant 16 : i32
        %mul3A_670 = arith.muli %scan3A_667, %mul3A_669 : i32
        %mul3A_671 = arith.constant 16 : i32
        %mul3A_672 = arith.muli %scan3A_667, %mul3A_671 : i32
        %get3A_673 = arith.constant 6272 : i32
        %get3A_674 = tpu.memref_slice %run_scoped3A[%get3A_673] : memref<50176xi32, #tpu.memory_space<vmem>> -> memref<3136xi32, #tpu.memory_space<vmem>>
        %get3A_675 = arith.index_cast %mul3A_672 : i32 to index
        %get3A_676 = tpu.vector_load %get3A_674[%get3A_675] {strides = array<i32>} : memref<3136xi32, #tpu.memory_space<vmem>>, vector<16xi32>,
        %swap3A = arith.constant 0 : i32
        %swap3A_677 = tpu.memref_slice %run_scoped3A[%swap3A] : memref<50176xi32, #tpu.memory_space<vmem>> -> memref<3136xi32, #tpu.memory_space<vmem>>
        %swap3A_678 = arith.index_cast %mul3A_670 : i32 to index
        %swap3A_679 = tpu.vector_load %swap3A_677[%swap3A_678] {strides = array<i32>} : memref<3136xi32, #tpu.memory_space<vmem>>, vector<16xi32>,
        tpu.vector_store %swap3A_677[%swap3A_678], %get3A_676 {add = true, strides = array<i32>} : memref<3136xi32, #tpu.memory_space<vmem>>, vector<16xi32>,
        %scan3A_680 = arith.constant 0 : i32
        scf.yield %scan3A_680 : i32
      }
      %scan3A_448 = arith.constant 196 : i32
      %add3A_449 = arith.constant 11 : i32
      %add3A_450 = arith.addi %arg1, %add3A_449 : i32
      %rem3A_451 = arith.constant 16 : i32
      %rem3A_452 = arith.remsi %add3A_450, %rem3A_451 : i32
      %mul3A_453 = arith.constant 16 : i32
      %mul3A_454 = arith.muli %arg0, %mul3A_453 : i32
      %add3A_455 = arith.addi %mul3A_454, %rem3A_452 : i32
      %mul3A_456 = arith.constant 50176 : i32
      %mul3A_457 = arith.muli %add3A_455, %mul3A_456 : i32
      %add3A_458 = arith.addi %mul3A_457, %mul3A_72 : i32
      %dma_start3A_459 = arith.constant 6272 : i32
      %dma_start3A_460 = tpu.memref_slice %run_scoped3A[%dma_start3A_459] : memref<50176xi32, #tpu.memory_space<vmem>> -> memref<3136xi32, #tpu.memory_space<vmem>>
      %dma_start3A_461 = tpu.memref_slice %arg6[%add3A_458] : memref<1605632xi32, #tpu.memory_space<hbm>> -> memref<3136xi32, #tpu.memory_space<hbm>>
      %dma_start3A_462 = arith.constant 6272 : i32
      %dma_start3A_463 = tpu.memref_slice %run_scoped3A[%dma_start3A_462] : memref<50176xi32, #tpu.memory_space<vmem>> -> memref<3136xi32, #tpu.memory_space<vmem>>
      %dma_start3A_464 = tpu.memref_slice %arg6[%add3A_458] : memref<1605632xi32, #tpu.memory_space<hbm>> -> memref<3136xi32, #tpu.memory_space<hbm>>
      tpu.enqueue_dma source(%dma_start3A_464 : memref<3136xi32, #tpu.memory_space<hbm>>) target(%dma_start3A_463 : memref<3136xi32, #tpu.memory_space<vmem>>) target_semaphore(%arg10 : memref<!tpu.dma_semaphore, #tpu.memory_space<semaphore_mem>>)
      %add3A_465 = arith.constant 10 : i32
      %add3A_466 = arith.addi %arg1, %add3A_465 : i32
      %rem3A_467 = arith.constant 16 : i32
      %rem3A_468 = arith.remsi %add3A_466, %rem3A_467 : i32
      %mul3A_469 = arith.constant 16 : i32
      %mul3A_470 = arith.muli %arg0, %mul3A_469 : i32
      %add3A_471 = arith.addi %mul3A_470, %rem3A_468 : i32
      %mul3A_472 = arith.constant 50176 : i32
      %mul3A_473 = arith.muli %add3A_471, %mul3A_472 : i32
      %add3A_474 = arith.addi %mul3A_473, %mul3A_72 : i32
      %dma_wait3A_475 = arith.constant 3136 : i32
      %dma_wait3A_476 = tpu.memref_slice %run_scoped3A[%dma_wait3A_475] : memref<50176xi32, #tpu.memory_space<vmem>> -> memref<3136xi32, #tpu.memory_space<vmem>>
      %dma_wait3A_477 = tpu.memref_slice %arg6[%add3A_474] : memref<1605632xi32, #tpu.memory_space<hbm>> -> memref<3136xi32, #tpu.memory_space<hbm>>
      %dma_wait3A_478 = arith.constant 3136 : i32
      %dma_wait3A_479 = tpu.memref_slice %run_scoped3A[%dma_wait3A_478] : memref<50176xi32, #tpu.memory_space<vmem>> -> memref<3136xi32, #tpu.memory_space<vmem>>
      %dma_wait3A_480 = tpu.memref_slice %arg6[%add3A_474] : memref<1605632xi32, #tpu.memory_space<hbm>> -> memref<3136xi32, #tpu.memory_space<hbm>>
      tpu.wait_dma2 semaphore(%arg9 : memref<!tpu.dma_semaphore, #tpu.memory_space<semaphore_mem>>) src(%dma_wait3A_480 : memref<3136xi32, #tpu.memory_space<hbm>>) dst(%dma_wait3A_479 : memref<3136xi32, #tpu.memory_space<vmem>>)
      %scan3A_481 = arith.constant 0 : i32
      %scan3A_482 = arith.constant 0 : i32
      %scan3A_483 = arith.constant 196 : i32
      %scan3A_484 = arith.addi %scan3A_482, %scan3A_483 : i32
      %scan3A_485 = arith.constant 1 : i32
      %scan3A_486 = scf.for %scan3A_667 = %scan3A_482 to %scan3A_484 step %scan3A_485 iter_args(%scan3A_668 = %scan3A_481) -> (i32)  : i32 {
        %mul3A_669 = arith.constant 16 : i32
        %mul3A_670 = arith.muli %scan3A_667, %mul3A_669 : i32
        %mul3A_671 = arith.constant 16 : i32
        %mul3A_672 = arith.muli %scan3A_667, %mul3A_671 : i32
        %get3A_673 = arith.constant 3136 : i32
        %get3A_674 = tpu.memref_slice %run_scoped3A[%get3A_673] : memref<50176xi32, #tpu.memory_space<vmem>> -> memref<3136xi32, #tpu.memory_space<vmem>>
        %get3A_675 = arith.index_cast %mul3A_672 : i32 to index
        %get3A_676 = tpu.vector_load %get3A_674[%get3A_675] {strides = array<i32>} : memref<3136xi32, #tpu.memory_space<vmem>>, vector<16xi32>,
        %swap3A = arith.constant 0 : i32
        %swap3A_677 = tpu.memref_slice %run_scoped3A[%swap3A] : memref<50176xi32, #tpu.memory_space<vmem>> -> memref<3136xi32, #tpu.memory_space<vmem>>
        %swap3A_678 = arith.index_cast %mul3A_670 : i32 to index
        %swap3A_679 = tpu.vector_load %swap3A_677[%swap3A_678] {strides = array<i32>} : memref<3136xi32, #tpu.memory_space<vmem>>, vector<16xi32>,
        tpu.vector_store %swap3A_677[%swap3A_678], %get3A_676 {add = true, strides = array<i32>} : memref<3136xi32, #tpu.memory_space<vmem>>, vector<16xi32>,
        %scan3A_680 = arith.constant 0 : i32
        scf.yield %scan3A_680 : i32
      }
      %scan3A_487 = arith.constant 196 : i32
      %add3A_488 = arith.constant 12 : i32
      %add3A_489 = arith.addi %arg1, %add3A_488 : i32
      %rem3A_490 = arith.constant 16 : i32
      %rem3A_491 = arith.remsi %add3A_489, %rem3A_490 : i32
      %mul3A_492 = arith.constant 16 : i32
      %mul3A_493 = arith.muli %arg0, %mul3A_492 : i32
      %add3A_494 = arith.addi %mul3A_493, %rem3A_491 : i32
      %mul3A_495 = arith.constant 50176 : i32
      %mul3A_496 = arith.muli %add3A_494, %mul3A_495 : i32
      %add3A_497 = arith.addi %mul3A_496, %mul3A_72 : i32
      %dma_start3A_498 = arith.constant 3136 : i32
      %dma_start3A_499 = tpu.memref_slice %run_scoped3A[%dma_start3A_498] : memref<50176xi32, #tpu.memory_space<vmem>> -> memref<3136xi32, #tpu.memory_space<vmem>>
      %dma_start3A_500 = tpu.memref_slice %arg6[%add3A_497] : memref<1605632xi32, #tpu.memory_space<hbm>> -> memref<3136xi32, #tpu.memory_space<hbm>>
      %dma_start3A_501 = arith.constant 3136 : i32
      %dma_start3A_502 = tpu.memref_slice %run_scoped3A[%dma_start3A_501] : memref<50176xi32, #tpu.memory_space<vmem>> -> memref<3136xi32, #tpu.memory_space<vmem>>
      %dma_start3A_503 = tpu.memref_slice %arg6[%add3A_497] : memref<1605632xi32, #tpu.memory_space<hbm>> -> memref<3136xi32, #tpu.memory_space<hbm>>
      tpu.enqueue_dma source(%dma_start3A_503 : memref<3136xi32, #tpu.memory_space<hbm>>) target(%dma_start3A_502 : memref<3136xi32, #tpu.memory_space<vmem>>) target_semaphore(%arg9 : memref<!tpu.dma_semaphore, #tpu.memory_space<semaphore_mem>>)
      %add3A_504 = arith.constant 11 : i32
      %add3A_505 = arith.addi %arg1, %add3A_504 : i32
      %rem3A_506 = arith.constant 16 : i32
      %rem3A_507 = arith.remsi %add3A_505, %rem3A_506 : i32
      %mul3A_508 = arith.constant 16 : i32
      %mul3A_509 = arith.muli %arg0, %mul3A_508 : i32
      %add3A_510 = arith.addi %mul3A_509, %rem3A_507 : i32
      %mul3A_511 = arith.constant 50176 : i32
      %mul3A_512 = arith.muli %add3A_510, %mul3A_511 : i32
      %add3A_513 = arith.addi %mul3A_512, %mul3A_72 : i32
      %dma_wait3A_514 = arith.constant 6272 : i32
      %dma_wait3A_515 = tpu.memref_slice %run_scoped3A[%dma_wait3A_514] : memref<50176xi32, #tpu.memory_space<vmem>> -> memref<3136xi32, #tpu.memory_space<vmem>>
      %dma_wait3A_516 = tpu.memref_slice %arg6[%add3A_513] : memref<1605632xi32, #tpu.memory_space<hbm>> -> memref<3136xi32, #tpu.memory_space<hbm>>
      %dma_wait3A_517 = arith.constant 6272 : i32
      %dma_wait3A_518 = tpu.memref_slice %run_scoped3A[%dma_wait3A_517] : memref<50176xi32, #tpu.memory_space<vmem>> -> memref<3136xi32, #tpu.memory_space<vmem>>
      %dma_wait3A_519 = tpu.memref_slice %arg6[%add3A_513] : memref<1605632xi32, #tpu.memory_space<hbm>> -> memref<3136xi32, #tpu.memory_space<hbm>>
      tpu.wait_dma2 semaphore(%arg10 : memref<!tpu.dma_semaphore, #tpu.memory_space<semaphore_mem>>) src(%dma_wait3A_519 : memref<3136xi32, #tpu.memory_space<hbm>>) dst(%dma_wait3A_518 : memref<3136xi32, #tpu.memory_space<vmem>>)
      %scan3A_520 = arith.constant 0 : i32
      %scan3A_521 = arith.constant 0 : i32
      %scan3A_522 = arith.constant 196 : i32
      %scan3A_523 = arith.addi %scan3A_521, %scan3A_522 : i32
      %scan3A_524 = arith.constant 1 : i32
      %scan3A_525 = scf.for %scan3A_667 = %scan3A_521 to %scan3A_523 step %scan3A_524 iter_args(%scan3A_668 = %scan3A_520) -> (i32)  : i32 {
        %mul3A_669 = arith.constant 16 : i32
        %mul3A_670 = arith.muli %scan3A_667, %mul3A_669 : i32
        %mul3A_671 = arith.constant 16 : i32
        %mul3A_672 = arith.muli %scan3A_667, %mul3A_671 : i32
        %get3A_673 = arith.constant 6272 : i32
        %get3A_674 = tpu.memref_slice %run_scoped3A[%get3A_673] : memref<50176xi32, #tpu.memory_space<vmem>> -> memref<3136xi32, #tpu.memory_space<vmem>>
        %get3A_675 = arith.index_cast %mul3A_672 : i32 to index
        %get3A_676 = tpu.vector_load %get3A_674[%get3A_675] {strides = array<i32>} : memref<3136xi32, #tpu.memory_space<vmem>>, vector<16xi32>,
        %swap3A = arith.constant 0 : i32
        %swap3A_677 = tpu.memref_slice %run_scoped3A[%swap3A] : memref<50176xi32, #tpu.memory_space<vmem>> -> memref<3136xi32, #tpu.memory_space<vmem>>
        %swap3A_678 = arith.index_cast %mul3A_670 : i32 to index
        %swap3A_679 = tpu.vector_load %swap3A_677[%swap3A_678] {strides = array<i32>} : memref<3136xi32, #tpu.memory_space<vmem>>, vector<16xi32>,
        tpu.vector_store %swap3A_677[%swap3A_678], %get3A_676 {add = true, strides = array<i32>} : memref<3136xi32, #tpu.memory_space<vmem>>, vector<16xi32>,
        %scan3A_680 = arith.constant 0 : i32
        scf.yield %scan3A_680 : i32
      }
      %scan3A_526 = arith.constant 196 : i32
      %add3A_527 = arith.constant 13 : i32
      %add3A_528 = arith.addi %arg1, %add3A_527 : i32
      %rem3A_529 = arith.constant 16 : i32
      %rem3A_530 = arith.remsi %add3A_528, %rem3A_529 : i32
      %mul3A_531 = arith.constant 16 : i32
      %mul3A_532 = arith.muli %arg0, %mul3A_531 : i32
      %add3A_533 = arith.addi %mul3A_532, %rem3A_530 : i32
      %mul3A_534 = arith.constant 50176 : i32
      %mul3A_535 = arith.muli %add3A_533, %mul3A_534 : i32
      %add3A_536 = arith.addi %mul3A_535, %mul3A_72 : i32
      %dma_start3A_537 = arith.constant 6272 : i32
      %dma_start3A_538 = tpu.memref_slice %run_scoped3A[%dma_start3A_537] : memref<50176xi32, #tpu.memory_space<vmem>> -> memref<3136xi32, #tpu.memory_space<vmem>>
      %dma_start3A_539 = tpu.memref_slice %arg6[%add3A_536] : memref<1605632xi32, #tpu.memory_space<hbm>> -> memref<3136xi32, #tpu.memory_space<hbm>>
      %dma_start3A_540 = arith.constant 6272 : i32
      %dma_start3A_541 = tpu.memref_slice %run_scoped3A[%dma_start3A_540] : memref<50176xi32, #tpu.memory_space<vmem>> -> memref<3136xi32, #tpu.memory_space<vmem>>
      %dma_start3A_542 = tpu.memref_slice %arg6[%add3A_536] : memref<1605632xi32, #tpu.memory_space<hbm>> -> memref<3136xi32, #tpu.memory_space<hbm>>
      tpu.enqueue_dma source(%dma_start3A_542 : memref<3136xi32, #tpu.memory_space<hbm>>) target(%dma_start3A_541 : memref<3136xi32, #tpu.memory_space<vmem>>) target_semaphore(%arg10 : memref<!tpu.dma_semaphore, #tpu.memory_space<semaphore_mem>>)
      %add3A_543 = arith.constant 12 : i32
      %add3A_544 = arith.addi %arg1, %add3A_543 : i32
      %rem3A_545 = arith.constant 16 : i32
      %rem3A_546 = arith.remsi %add3A_544, %rem3A_545 : i32
      %mul3A_547 = arith.constant 16 : i32
      %mul3A_548 = arith.muli %arg0, %mul3A_547 : i32
      %add3A_549 = arith.addi %mul3A_548, %rem3A_546 : i32
      %mul3A_550 = arith.constant 50176 : i32
      %mul3A_551 = arith.muli %add3A_549, %mul3A_550 : i32
      %add3A_552 = arith.addi %mul3A_551, %mul3A_72 : i32
      %dma_wait3A_553 = arith.constant 3136 : i32
      %dma_wait3A_554 = tpu.memref_slice %run_scoped3A[%dma_wait3A_553] : memref<50176xi32, #tpu.memory_space<vmem>> -> memref<3136xi32, #tpu.memory_space<vmem>>
      %dma_wait3A_555 = tpu.memref_slice %arg6[%add3A_552] : memref<1605632xi32, #tpu.memory_space<hbm>> -> memref<3136xi32, #tpu.memory_space<hbm>>
      %dma_wait3A_556 = arith.constant 3136 : i32
      %dma_wait3A_557 = tpu.memref_slice %run_scoped3A[%dma_wait3A_556] : memref<50176xi32, #tpu.memory_space<vmem>> -> memref<3136xi32, #tpu.memory_space<vmem>>
      %dma_wait3A_558 = tpu.memref_slice %arg6[%add3A_552] : memref<1605632xi32, #tpu.memory_space<hbm>> -> memref<3136xi32, #tpu.memory_space<hbm>>
      tpu.wait_dma2 semaphore(%arg9 : memref<!tpu.dma_semaphore, #tpu.memory_space<semaphore_mem>>) src(%dma_wait3A_558 : memref<3136xi32, #tpu.memory_space<hbm>>) dst(%dma_wait3A_557 : memref<3136xi32, #tpu.memory_space<vmem>>)
      %scan3A_559 = arith.constant 0 : i32
      %scan3A_560 = arith.constant 0 : i32
      %scan3A_561 = arith.constant 196 : i32
      %scan3A_562 = arith.addi %scan3A_560, %scan3A_561 : i32
      %scan3A_563 = arith.constant 1 : i32
      %scan3A_564 = scf.for %scan3A_667 = %scan3A_560 to %scan3A_562 step %scan3A_563 iter_args(%scan3A_668 = %scan3A_559) -> (i32)  : i32 {
        %mul3A_669 = arith.constant 16 : i32
        %mul3A_670 = arith.muli %scan3A_667, %mul3A_669 : i32
        %mul3A_671 = arith.constant 16 : i32
        %mul3A_672 = arith.muli %scan3A_667, %mul3A_671 : i32
        %get3A_673 = arith.constant 3136 : i32
        %get3A_674 = tpu.memref_slice %run_scoped3A[%get3A_673] : memref<50176xi32, #tpu.memory_space<vmem>> -> memref<3136xi32, #tpu.memory_space<vmem>>
        %get3A_675 = arith.index_cast %mul3A_672 : i32 to index
        %get3A_676 = tpu.vector_load %get3A_674[%get3A_675] {strides = array<i32>} : memref<3136xi32, #tpu.memory_space<vmem>>, vector<16xi32>,
        %swap3A = arith.constant 0 : i32
        %swap3A_677 = tpu.memref_slice %run_scoped3A[%swap3A] : memref<50176xi32, #tpu.memory_space<vmem>> -> memref<3136xi32, #tpu.memory_space<vmem>>
        %swap3A_678 = arith.index_cast %mul3A_670 : i32 to index
        %swap3A_679 = tpu.vector_load %swap3A_677[%swap3A_678] {strides = array<i32>} : memref<3136xi32, #tpu.memory_space<vmem>>, vector<16xi32>,
        tpu.vector_store %swap3A_677[%swap3A_678], %get3A_676 {add = true, strides = array<i32>} : memref<3136xi32, #tpu.memory_space<vmem>>, vector<16xi32>,
        %scan3A_680 = arith.constant 0 : i32
        scf.yield %scan3A_680 : i32
      }
      %scan3A_565 = arith.constant 196 : i32
      %add3A_566 = arith.constant 14 : i32
      %add3A_567 = arith.addi %arg1, %add3A_566 : i32
      %rem3A_568 = arith.constant 16 : i32
      %rem3A_569 = arith.remsi %add3A_567, %rem3A_568 : i32
      %mul3A_570 = arith.constant 16 : i32
      %mul3A_571 = arith.muli %arg0, %mul3A_570 : i32
      %add3A_572 = arith.addi %mul3A_571, %rem3A_569 : i32
      %mul3A_573 = arith.constant 50176 : i32
      %mul3A_574 = arith.muli %add3A_572, %mul3A_573 : i32
      %add3A_575 = arith.addi %mul3A_574, %mul3A_72 : i32
      %dma_start3A_576 = arith.constant 3136 : i32
      %dma_start3A_577 = tpu.memref_slice %run_scoped3A[%dma_start3A_576] : memref<50176xi32, #tpu.memory_space<vmem>> -> memref<3136xi32, #tpu.memory_space<vmem>>
      %dma_start3A_578 = tpu.memref_slice %arg6[%add3A_575] : memref<1605632xi32, #tpu.memory_space<hbm>> -> memref<3136xi32, #tpu.memory_space<hbm>>
      %dma_start3A_579 = arith.constant 3136 : i32
      %dma_start3A_580 = tpu.memref_slice %run_scoped3A[%dma_start3A_579] : memref<50176xi32, #tpu.memory_space<vmem>> -> memref<3136xi32, #tpu.memory_space<vmem>>
      %dma_start3A_581 = tpu.memref_slice %arg6[%add3A_575] : memref<1605632xi32, #tpu.memory_space<hbm>> -> memref<3136xi32, #tpu.memory_space<hbm>>
      tpu.enqueue_dma source(%dma_start3A_581 : memref<3136xi32, #tpu.memory_space<hbm>>) target(%dma_start3A_580 : memref<3136xi32, #tpu.memory_space<vmem>>) target_semaphore(%arg9 : memref<!tpu.dma_semaphore, #tpu.memory_space<semaphore_mem>>)
      %add3A_582 = arith.constant 13 : i32
      %add3A_583 = arith.addi %arg1, %add3A_582 : i32
      %rem3A_584 = arith.constant 16 : i32
      %rem3A_585 = arith.remsi %add3A_583, %rem3A_584 : i32
      %mul3A_586 = arith.constant 16 : i32
      %mul3A_587 = arith.muli %arg0, %mul3A_586 : i32
      %add3A_588 = arith.addi %mul3A_587, %rem3A_585 : i32
      %mul3A_589 = arith.constant 50176 : i32
      %mul3A_590 = arith.muli %add3A_588, %mul3A_589 : i32
      %add3A_591 = arith.addi %mul3A_590, %mul3A_72 : i32
      %dma_wait3A_592 = arith.constant 6272 : i32
      %dma_wait3A_593 = tpu.memref_slice %run_scoped3A[%dma_wait3A_592] : memref<50176xi32, #tpu.memory_space<vmem>> -> memref<3136xi32, #tpu.memory_space<vmem>>
      %dma_wait3A_594 = tpu.memref_slice %arg6[%add3A_591] : memref<1605632xi32, #tpu.memory_space<hbm>> -> memref<3136xi32, #tpu.memory_space<hbm>>
      %dma_wait3A_595 = arith.constant 6272 : i32
      %dma_wait3A_596 = tpu.memref_slice %run_scoped3A[%dma_wait3A_595] : memref<50176xi32, #tpu.memory_space<vmem>> -> memref<3136xi32, #tpu.memory_space<vmem>>
      %dma_wait3A_597 = tpu.memref_slice %arg6[%add3A_591] : memref<1605632xi32, #tpu.memory_space<hbm>> -> memref<3136xi32, #tpu.memory_space<hbm>>
      tpu.wait_dma2 semaphore(%arg10 : memref<!tpu.dma_semaphore, #tpu.memory_space<semaphore_mem>>) src(%dma_wait3A_597 : memref<3136xi32, #tpu.memory_space<hbm>>) dst(%dma_wait3A_596 : memref<3136xi32, #tpu.memory_space<vmem>>)
      %scan3A_598 = arith.constant 0 : i32
      %scan3A_599 = arith.constant 0 : i32
      %scan3A_600 = arith.constant 196 : i32
      %scan3A_601 = arith.addi %scan3A_599, %scan3A_600 : i32
      %scan3A_602 = arith.constant 1 : i32
      %scan3A_603 = scf.for %scan3A_667 = %scan3A_599 to %scan3A_601 step %scan3A_602 iter_args(%scan3A_668 = %scan3A_598) -> (i32)  : i32 {
        %mul3A_669 = arith.constant 16 : i32
        %mul3A_670 = arith.muli %scan3A_667, %mul3A_669 : i32
        %mul3A_671 = arith.constant 16 : i32
        %mul3A_672 = arith.muli %scan3A_667, %mul3A_671 : i32
        %get3A_673 = arith.constant 6272 : i32
        %get3A_674 = tpu.memref_slice %run_scoped3A[%get3A_673] : memref<50176xi32, #tpu.memory_space<vmem>> -> memref<3136xi32, #tpu.memory_space<vmem>>
        %get3A_675 = arith.index_cast %mul3A_672 : i32 to index
        %get3A_676 = tpu.vector_load %get3A_674[%get3A_675] {strides = array<i32>} : memref<3136xi32, #tpu.memory_space<vmem>>, vector<16xi32>,
        %swap3A = arith.constant 0 : i32
        %swap3A_677 = tpu.memref_slice %run_scoped3A[%swap3A] : memref<50176xi32, #tpu.memory_space<vmem>> -> memref<3136xi32, #tpu.memory_space<vmem>>
        %swap3A_678 = arith.index_cast %mul3A_670 : i32 to index
        %swap3A_679 = tpu.vector_load %swap3A_677[%swap3A_678] {strides = array<i32>} : memref<3136xi32, #tpu.memory_space<vmem>>, vector<16xi32>,
        tpu.vector_store %swap3A_677[%swap3A_678], %get3A_676 {add = true, strides = array<i32>} : memref<3136xi32, #tpu.memory_space<vmem>>, vector<16xi32>,
        %scan3A_680 = arith.constant 0 : i32
        scf.yield %scan3A_680 : i32
      }
      %scan3A_604 = arith.constant 196 : i32
      %add3A_605 = arith.constant 15 : i32
      %add3A_606 = arith.addi %arg1, %add3A_605 : i32
      %rem3A_607 = arith.constant 16 : i32
      %rem3A_608 = arith.remsi %add3A_606, %rem3A_607 : i32
      %mul3A_609 = arith.constant 16 : i32
      %mul3A_610 = arith.muli %arg0, %mul3A_609 : i32
      %add3A_611 = arith.addi %mul3A_610, %rem3A_608 : i32
      %mul3A_612 = arith.constant 50176 : i32
      %mul3A_613 = arith.muli %add3A_611, %mul3A_612 : i32
      %add3A_614 = arith.addi %mul3A_613, %mul3A_72 : i32
      %dma_start3A_615 = arith.constant 6272 : i32
      %dma_start3A_616 = tpu.memref_slice %run_scoped3A[%dma_start3A_615] : memref<50176xi32, #tpu.memory_space<vmem>> -> memref<3136xi32, #tpu.memory_space<vmem>>
      %dma_start3A_617 = tpu.memref_slice %arg6[%add3A_614] : memref<1605632xi32, #tpu.memory_space<hbm>> -> memref<3136xi32, #tpu.memory_space<hbm>>
      %dma_start3A_618 = arith.constant 6272 : i32
      %dma_start3A_619 = tpu.memref_slice %run_scoped3A[%dma_start3A_618] : memref<50176xi32, #tpu.memory_space<vmem>> -> memref<3136xi32, #tpu.memory_space<vmem>>
      %dma_start3A_620 = tpu.memref_slice %arg6[%add3A_614] : memref<1605632xi32, #tpu.memory_space<hbm>> -> memref<3136xi32, #tpu.memory_space<hbm>>
      tpu.enqueue_dma source(%dma_start3A_620 : memref<3136xi32, #tpu.memory_space<hbm>>) target(%dma_start3A_619 : memref<3136xi32, #tpu.memory_space<vmem>>) target_semaphore(%arg10 : memref<!tpu.dma_semaphore, #tpu.memory_space<semaphore_mem>>)
      %add3A_621 = arith.constant 14 : i32
      %add3A_622 = arith.addi %arg1, %add3A_621 : i32
      %rem3A_623 = arith.constant 16 : i32
      %rem3A_624 = arith.remsi %add3A_622, %rem3A_623 : i32
      %mul3A_625 = arith.constant 16 : i32
      %mul3A_626 = arith.muli %arg0, %mul3A_625 : i32
      %add3A_627 = arith.addi %mul3A_626, %rem3A_624 : i32
      %mul3A_628 = arith.constant 50176 : i32
      %mul3A_629 = arith.muli %add3A_627, %mul3A_628 : i32
      %add3A_630 = arith.addi %mul3A_629, %mul3A_72 : i32
      %dma_wait3A_631 = arith.constant 3136 : i32
      %dma_wait3A_632 = tpu.memref_slice %run_scoped3A[%dma_wait3A_631] : memref<50176xi32, #tpu.memory_space<vmem>> -> memref<3136xi32, #tpu.memory_space<vmem>>
      %dma_wait3A_633 = tpu.memref_slice %arg6[%add3A_630] : memref<1605632xi32, #tpu.memory_space<hbm>> -> memref<3136xi32, #tpu.memory_space<hbm>>
      %dma_wait3A_634 = arith.constant 3136 : i32
      %dma_wait3A_635 = tpu.memref_slice %run_scoped3A[%dma_wait3A_634] : memref<50176xi32, #tpu.memory_space<vmem>> -> memref<3136xi32, #tpu.memory_space<vmem>>
      %dma_wait3A_636 = tpu.memref_slice %arg6[%add3A_630] : memref<1605632xi32, #tpu.memory_space<hbm>> -> memref<3136xi32, #tpu.memory_space<hbm>>
      tpu.wait_dma2 semaphore(%arg9 : memref<!tpu.dma_semaphore, #tpu.memory_space<semaphore_mem>>) src(%dma_wait3A_636 : memref<3136xi32, #tpu.memory_space<hbm>>) dst(%dma_wait3A_635 : memref<3136xi32, #tpu.memory_space<vmem>>)
      %scan3A_637 = arith.constant 0 : i32
      %scan3A_638 = arith.constant 0 : i32
      %scan3A_639 = arith.constant 196 : i32
      %scan3A_640 = arith.addi %scan3A_638, %scan3A_639 : i32
      %scan3A_641 = arith.constant 1 : i32
      %scan3A_642 = scf.for %scan3A_667 = %scan3A_638 to %scan3A_640 step %scan3A_641 iter_args(%scan3A_668 = %scan3A_637) -> (i32)  : i32 {
        %mul3A_669 = arith.constant 16 : i32
        %mul3A_670 = arith.muli %scan3A_667, %mul3A_669 : i32
        %mul3A_671 = arith.constant 16 : i32
        %mul3A_672 = arith.muli %scan3A_667, %mul3A_671 : i32
        %get3A_673 = arith.constant 3136 : i32
        %get3A_674 = tpu.memref_slice %run_scoped3A[%get3A_673] : memref<50176xi32, #tpu.memory_space<vmem>> -> memref<3136xi32, #tpu.memory_space<vmem>>
        %get3A_675 = arith.index_cast %mul3A_672 : i32 to index
        %get3A_676 = tpu.vector_load %get3A_674[%get3A_675] {strides = array<i32>} : memref<3136xi32, #tpu.memory_space<vmem>>, vector<16xi32>,
        %swap3A = arith.constant 0 : i32
        %swap3A_677 = tpu.memref_slice %run_scoped3A[%swap3A] : memref<50176xi32, #tpu.memory_space<vmem>> -> memref<3136xi32, #tpu.memory_space<vmem>>
        %swap3A_678 = arith.index_cast %mul3A_670 : i32 to index
        %swap3A_679 = tpu.vector_load %swap3A_677[%swap3A_678] {strides = array<i32>} : memref<3136xi32, #tpu.memory_space<vmem>>, vector<16xi32>,
        tpu.vector_store %swap3A_677[%swap3A_678], %get3A_676 {add = true, strides = array<i32>} : memref<3136xi32, #tpu.memory_space<vmem>>, vector<16xi32>,
        %scan3A_680 = arith.constant 0 : i32
        scf.yield %scan3A_680 : i32
      }
      %scan3A_643 = arith.constant 196 : i32
      %add3A_644 = arith.constant 15 : i32
      %add3A_645 = arith.addi %arg1, %add3A_644 : i32
      %rem3A_646 = arith.constant 16 : i32
      %rem3A_647 = arith.remsi %add3A_645, %rem3A_646 : i32
      %mul3A_648 = arith.constant 16 : i32
      %mul3A_649 = arith.muli %arg0, %mul3A_648 : i32
      %add3A_650 = arith.addi %mul3A_649, %rem3A_647 : i32
      %mul3A_651 = arith.constant 50176 : i32
      %mul3A_652 = arith.muli %add3A_650, %mul3A_651 : i32
      %add3A_653 = arith.addi %mul3A_652, %mul3A_72 : i32
      %dma_wait3A_654 = arith.constant 6272 : i32
      %dma_wait3A_655 = tpu.memref_slice %run_scoped3A[%dma_wait3A_654] : memref<50176xi32, #tpu.memory_space<vmem>> -> memref<3136xi32, #tpu.memory_space<vmem>>
      %dma_wait3A_656 = tpu.memref_slice %arg6[%add3A_653] : memref<1605632xi32, #tpu.memory_space<hbm>> -> memref<3136xi32, #tpu.memory_space<hbm>>
      %dma_wait3A_657 = arith.constant 6272 : i32
      %dma_wait3A_658 = tpu.memref_slice %run_scoped3A[%dma_wait3A_657] : memref<50176xi32, #tpu.memory_space<vmem>> -> memref<3136xi32, #tpu.memory_space<vmem>>
      %dma_wait3A_659 = tpu.memref_slice %arg6[%add3A_653] : memref<1605632xi32, #tpu.memory_space<hbm>> -> memref<3136xi32, #tpu.memory_space<hbm>>
      tpu.wait_dma2 semaphore(%arg10 : memref<!tpu.dma_semaphore, #tpu.memory_space<semaphore_mem>>) src(%dma_wait3A_659 : memref<3136xi32, #tpu.memory_space<hbm>>) dst(%dma_wait3A_658 : memref<3136xi32, #tpu.memory_space<vmem>>)
      %scan3A_660 = arith.constant 0 : i32
      %scan3A_661 = arith.constant 0 : i32
      %scan3A_662 = arith.constant 196 : i32
      %scan3A_663 = arith.addi %scan3A_661, %scan3A_662 : i32
      %scan3A_664 = arith.constant 1 : i32
      %scan3A_665 = scf.for %scan3A_667 = %scan3A_661 to %scan3A_663 step %scan3A_664 iter_args(%scan3A_668 = %scan3A_660) -> (i32)  : i32 {
        %mul3A_669 = arith.constant 16 : i32
        %mul3A_670 = arith.muli %scan3A_667, %mul3A_669 : i32
        %mul3A_671 = arith.constant 16 : i32
        %mul3A_672 = arith.muli %scan3A_667, %mul3A_671 : i32
        %get3A_673 = arith.constant 6272 : i32
        %get3A_674 = tpu.memref_slice %run_scoped3A[%get3A_673] : memref<50176xi32, #tpu.memory_space<vmem>> -> memref<3136xi32, #tpu.memory_space<vmem>>
        %get3A_675 = arith.index_cast %mul3A_672 : i32 to index
        %get3A_676 = tpu.vector_load %get3A_674[%get3A_675] {strides = array<i32>} : memref<3136xi32, #tpu.memory_space<vmem>>, vector<16xi32>,
        %swap3A = arith.constant 0 : i32
        %swap3A_677 = tpu.memref_slice %run_scoped3A[%swap3A] : memref<50176xi32, #tpu.memory_space<vmem>> -> memref<3136xi32, #tpu.memory_space<vmem>>
        %swap3A_678 = arith.index_cast %mul3A_670 : i32 to index
        %swap3A_679 = tpu.vector_load %swap3A_677[%swap3A_678] {strides = array<i32>} : memref<3136xi32, #tpu.memory_space<vmem>>, vector<16xi32>,
        tpu.vector_store %swap3A_677[%swap3A_678], %get3A_676 {add = true, strides = array<i32>} : memref<3136xi32, #tpu.memory_space<vmem>>, vector<16xi32>,
        %scan3A_680 = arith.constant 0 : i32
        scf.yield %scan3A_680 : i32
      }
      %scan3A_666 = arith.constant 196 : i32
      "tpu.region"() ({
        %run_scoped3A_667 = tpu.sem_alloc : memref<!tpu.dma_semaphore, #tpu.memory_space<semaphore_mem>>
        %dma_start3A_668 = arith.constant 0 : i32
        %dma_start3A_669 = tpu.memref_slice %run_scoped3A[%dma_start3A_668] : memref<50176xi32, #tpu.memory_space<vmem>> -> memref<3136xi32, #tpu.memory_space<vmem>>
        %dma_start3A_670 = tpu.memref_slice %arg7[%mul3A_72] : memref<50176xi32, #tpu.memory_space<vmem_shared>> -> memref<3136xi32, #tpu.memory_space<vmem_shared>>
        %dma_start3A_671 = tpu.memref_slice %arg7[%mul3A_72] : memref<50176xi32, #tpu.memory_space<vmem_shared>> -> memref<3136xi32, #tpu.memory_space<vmem_shared>>
        %dma_start3A_672 = arith.constant 0 : i32
        %dma_start3A_673 = tpu.memref_slice %run_scoped3A[%dma_start3A_672] : memref<50176xi32, #tpu.memory_space<vmem>> -> memref<3136xi32, #tpu.memory_space<vmem>>
        tpu.enqueue_dma source(%dma_start3A_673 : memref<3136xi32, #tpu.memory_space<vmem>>) target(%dma_start3A_671 : memref<3136xi32, #tpu.memory_space<vmem_shared>>) target_semaphore(%run_scoped3A_667 : memref<!tpu.dma_semaphore, #tpu.memory_space<semaphore_mem>>)
        %dma_wait3A_674 = arith.constant 0 : i32
        %dma_wait3A_675 = tpu.memref_slice %run_scoped3A[%dma_wait3A_674] : memref<50176xi32, #tpu.memory_space<vmem>> -> memref<3136xi32, #tpu.memory_space<vmem>>
        %dma_wait3A_676 = tpu.memref_slice %arg7[%mul3A_72] : memref<50176xi32, #tpu.memory_space<vmem_shared>> -> memref<3136xi32, #tpu.memory_space<vmem_shared>>
        %dma_wait3A_677 = tpu.memref_slice %arg7[%mul3A_72] : memref<50176xi32, #tpu.memory_space<vmem_shared>> -> memref<3136xi32, #tpu.memory_space<vmem_shared>>
        %dma_wait3A_678 = arith.constant 0 : i32
        %dma_wait3A_679 = tpu.memref_slice %run_scoped3A[%dma_wait3A_678] : memref<50176xi32, #tpu.memory_space<vmem>> -> memref<3136xi32, #tpu.memory_space<vmem>>
        tpu.wait_dma2 semaphore(%run_scoped3A_667 : memref<!tpu.dma_semaphore, #tpu.memory_space<semaphore_mem>>) src(%dma_wait3A_679 : memref<3136xi32, #tpu.memory_space<vmem>>) dst(%dma_wait3A_677 : memref<3136xi32, #tpu.memory_space<vmem_shared>>)
        tpu.yield
      }) : () -> ()
      "tpu.trace_stop"() : () -> ()
      tpu.yield
    }) : () -> ()
    %barrier3A = arith.constant 0 : index
    tpu.barrier barrier_id(%barrier3A)
    "tpu.trace_start"() <{level = 10 : i32, message = "ph_b"}> : () -> ()
    "tpu.region"() ({
      %run_scoped3A = memref.alloca() : memref<96xi32, #tpu.memory_space<vmem>>
      %run_scoped3A_8 = memref.alloca() : memref<96xi32, #tpu.memory_space<vmem>>
      %run_scoped3A_9 = memref.alloca() : memref<96x128xf32, #tpu.memory_space<vmem>>
      %run_scoped3A_10 = memref.alloca() : memref<96x128xf32, #tpu.memory_space<vmem>>
      %run_scoped3A_11 = memref.alloca() : memref<96x128xf32, #tpu.memory_space<vmem>>
      %run_scoped3A_12 = memref.alloca() : memref<96x128xf32, #tpu.memory_space<vmem>>
      %add3A = arith.constant 0 : i32
      %add3A_13 = arith.addi %arg1, %add3A : i32
      %mul3A_14 = arith.constant 96 : i32
      %mul3A_15 = arith.muli %add3A_13, %mul3A_14 : i32
      %dma_start3A = tpu.memref_slice %arg7[%mul3A_15] : memref<50176xi32, #tpu.memory_space<vmem_shared>> -> memref<96xi32, #tpu.memory_space<vmem_shared>>
      %dma_start3A_16 = tpu.memref_slice %arg7[%mul3A_15] : memref<50176xi32, #tpu.memory_space<vmem_shared>> -> memref<96xi32, #tpu.memory_space<vmem_shared>>
      tpu.enqueue_dma source(%dma_start3A_16 : memref<96xi32, #tpu.memory_space<vmem_shared>>) target(%run_scoped3A : memref<96xi32, #tpu.memory_space<vmem>>) target_semaphore(%arg11 : memref<!tpu.dma_semaphore, #tpu.memory_space<semaphore_mem>>)
      %add3A_17 = arith.constant 16 : i32
      %add3A_18 = arith.addi %arg1, %add3A_17 : i32
      %lt3A = arith.cmpi slt, %add3A_18, %sub3A_3 : i32
      %convert_element_type3A = arith.extui %lt3A : i1 to i32
      %cond3A = arith.constant 0 : i32
      %cond3A_19 = arith.cmpi ne, %convert_element_type3A, %cond3A : i32
      scf.if %cond3A_19 {
        %add3A_117 = arith.constant 16 : i32
        %add3A_118 = arith.addi %arg1, %add3A_117 : i32
        %mul3A_119 = arith.constant 96 : i32
        %mul3A_120 = arith.muli %add3A_118, %mul3A_119 : i32
        %dma_start3A_121 = tpu.memref_slice %arg7[%mul3A_120] : memref<50176xi32, #tpu.memory_space<vmem_shared>> -> memref<96xi32, #tpu.memory_space<vmem_shared>>
        %dma_start3A_122 = tpu.memref_slice %arg7[%mul3A_120] : memref<50176xi32, #tpu.memory_space<vmem_shared>> -> memref<96xi32, #tpu.memory_space<vmem_shared>>
        tpu.enqueue_dma source(%dma_start3A_122 : memref<96xi32, #tpu.memory_space<vmem_shared>>) target(%run_scoped3A_8 : memref<96xi32, #tpu.memory_space<vmem>>) target_semaphore(%arg12 : memref<!tpu.dma_semaphore, #tpu.memory_space<semaphore_mem>>)
      } else {
      }
      %add3A_20 = arith.constant 0 : i32
      %add3A_21 = arith.addi %arg1, %add3A_20 : i32
      %mul3A_22 = arith.constant 96 : i32
      %mul3A_23 = arith.muli %add3A_21, %mul3A_22 : i32
      %dma_wait3A = tpu.memref_slice %arg7[%mul3A_23] : memref<50176xi32, #tpu.memory_space<vmem_shared>> -> memref<96xi32, #tpu.memory_space<vmem_shared>>
      %dma_wait3A_24 = tpu.memref_slice %arg7[%mul3A_23] : memref<50176xi32, #tpu.memory_space<vmem_shared>> -> memref<96xi32, #tpu.memory_space<vmem_shared>>
      tpu.wait_dma2 semaphore(%arg11 : memref<!tpu.dma_semaphore, #tpu.memory_space<semaphore_mem>>) src(%dma_wait3A_24 : memref<96xi32, #tpu.memory_space<vmem_shared>>) dst(%run_scoped3A : memref<96xi32, #tpu.memory_space<vmem>>)
      %broadcast_in_dim3A = arith.constant 0 : i32
      %broadcast_in_dim3A_25 = vector.broadcast %broadcast_in_dim3A : i32 to vector<16xi32>
      %get3A = arith.constant 0 : index
      %get3A_26 = tpu.vector_load %run_scoped3A[%get3A] {strides = array<i32>} : memref<96xi32, #tpu.memory_space<vmem>>, vector<16xi32>,
      %min3A = arith.constant 99999 : i32
      %min3A_27 = vector.broadcast %min3A : i32 to vector<16xi32>
      %min3A_28 = arith.minsi %get3A_26, %min3A_27 : vector<16xi32>
      %swap3A = arith.constant 0 : index
      %swap3A_29 = tpu.vector_load %run_scoped3A[%swap3A] {strides = array<i32>} : memref<96xi32, #tpu.memory_space<vmem>>, vector<16xi32>,
      tpu.vector_store %run_scoped3A[%swap3A], %min3A_28 {strides = array<i32>} : memref<96xi32, #tpu.memory_space<vmem>>, vector<16xi32>,
      %max3A = arith.maxsi %broadcast_in_dim3A_25, %min3A_28 : vector<16xi32>
      %get3A_30 = arith.constant 16 : index
      %get3A_31 = tpu.vector_load %run_scoped3A[%get3A_30] {strides = array<i32>} : memref<96xi32, #tpu.memory_space<vmem>>, vector<16xi32>,
      %min3A_32 = arith.constant 99999 : i32
      %min3A_33 = vector.broadcast %min3A_32 : i32 to vector<16xi32>
      %min3A_34 = arith.minsi %get3A_31, %min3A_33 : vector<16xi32>
      %swap3A_35 = arith.constant 16 : index
      %swap3A_36 = tpu.vector_load %run_scoped3A[%swap3A_35] {strides = array<i32>} : memref<96xi32, #tpu.memory_space<vmem>>, vector<16xi32>,
      tpu.vector_store %run_scoped3A[%swap3A_35], %min3A_34 {strides = array<i32>} : memref<96xi32, #tpu.memory_space<vmem>>, vector<16xi32>,
      %max3A_37 = arith.maxsi %max3A, %min3A_34 : vector<16xi32>
      %get3A_38 = arith.constant 32 : index
      %get3A_39 = tpu.vector_load %run_scoped3A[%get3A_38] {strides = array<i32>} : memref<96xi32, #tpu.memory_space<vmem>>, vector<16xi32>,
      %min3A_40 = arith.constant 99999 : i32
      %min3A_41 = vector.broadcast %min3A_40 : i32 to vector<16xi32>
      %min3A_42 = arith.minsi %get3A_39, %min3A_41 : vector<16xi32>
      %swap3A_43 = arith.constant 32 : index
      %swap3A_44 = tpu.vector_load %run_scoped3A[%swap3A_43] {strides = array<i32>} : memref<96xi32, #tpu.memory_space<vmem>>, vector<16xi32>,
      tpu.vector_store %run_scoped3A[%swap3A_43], %min3A_42 {strides = array<i32>} : memref<96xi32, #tpu.memory_space<vmem>>, vector<16xi32>,
      %max3A_45 = arith.maxsi %max3A_37, %min3A_42 : vector<16xi32>
      %get3A_46 = arith.constant 48 : index
      %get3A_47 = tpu.vector_load %run_scoped3A[%get3A_46] {strides = array<i32>} : memref<96xi32, #tpu.memory_space<vmem>>, vector<16xi32>,
      %min3A_48 = arith.constant 99999 : i32
      %min3A_49 = vector.broadcast %min3A_48 : i32 to vector<16xi32>
      %min3A_50 = arith.minsi %get3A_47, %min3A_49 : vector<16xi32>
      %swap3A_51 = arith.constant 48 : index
      %swap3A_52 = tpu.vector_load %run_scoped3A[%swap3A_51] {strides = array<i32>} : memref<96xi32, #tpu.memory_space<vmem>>, vector<16xi32>,
      tpu.vector_store %run_scoped3A[%swap3A_51], %min3A_50 {strides = array<i32>} : memref<96xi32, #tpu.memory_space<vmem>>, vector<16xi32>,
      %max3A_53 = arith.maxsi %max3A_45, %min3A_50 : vector<16xi32>
      %get3A_54 = arith.constant 64 : index
      %get3A_55 = tpu.vector_load %run_scoped3A[%get3A_54] {strides = array<i32>} : memref<96xi32, #tpu.memory_space<vmem>>, vector<16xi32>,
      %min3A_56 = arith.constant 99999 : i32
      %min3A_57 = vector.broadcast %min3A_56 : i32 to vector<16xi32>
      %min3A_58 = arith.minsi %get3A_55, %min3A_57 : vector<16xi32>
      %swap3A_59 = arith.constant 64 : index
      %swap3A_60 = tpu.vector_load %run_scoped3A[%swap3A_59] {strides = array<i32>} : memref<96xi32, #tpu.memory_space<vmem>>, vector<16xi32>,
      tpu.vector_store %run_scoped3A[%swap3A_59], %min3A_58 {strides = array<i32>} : memref<96xi32, #tpu.memory_space<vmem>>, vector<16xi32>,
      %max3A_61 = arith.maxsi %max3A_53, %min3A_58 : vector<16xi32>
      %get3A_62 = arith.constant 80 : index
      %get3A_63 = tpu.vector_load %run_scoped3A[%get3A_62] {strides = array<i32>} : memref<96xi32, #tpu.memory_space<vmem>>, vector<16xi32>,
      %min3A_64 = arith.constant 99999 : i32
      %min3A_65 = vector.broadcast %min3A_64 : i32 to vector<16xi32>
      %min3A_66 = arith.minsi %get3A_63, %min3A_65 : vector<16xi32>
      %swap3A_67 = arith.constant 80 : index
      %swap3A_68 = tpu.vector_load %run_scoped3A[%swap3A_67] {strides = array<i32>} : memref<96xi32, #tpu.memory_space<vmem>>, vector<16xi32>,
      tpu.vector_store %run_scoped3A[%swap3A_67], %min3A_66 {strides = array<i32>} : memref<96xi32, #tpu.memory_space<vmem>>, vector<16xi32>,
      %max3A_69 = arith.maxsi %max3A_61, %min3A_66 : vector<16xi32>
      %reduce_max3A = arith.constant true
      %reduce_max3A_70 = vector.broadcast %reduce_max3A : i1 to vector<16xi1>
      %reduce_max3A_71 = arith.constant -2147483648 : i32
      %reduce_max3A_72 = vector.broadcast %reduce_max3A_71 : i32 to vector<16xi32>
      %reduce_max3A_73 = arith.xori %max3A_69, %reduce_max3A_72 : vector<16xi32>
      %reduce_max3A_74 = tpu.scan <max>, %reduce_max3A_73 masked %reduce_max3A_70 : vector<16xi32>, vector<16xi1> -> vector<16xi32>
      %reduce_max3A_75 = arith.xori %reduce_max3A_74, %reduce_max3A_72 : vector<16xi32>
      %reduce_max3A_76 = vector.extract %reduce_max3A_75[15] : i32 from vector<16xi32>
      %add3A_77 = arith.constant 0 : i32
      %add3A_78 = arith.addi %arg1, %add3A_77 : i32
      %mul3A_79 = arith.constant 96 : i32
      %mul3A_80 = arith.muli %add3A_78, %mul3A_79 : i32
      %add3A_81 = arith.addi %mul3A_0, %mul3A_80 : i32
      %lt3A_82 = arith.constant 4096 : i32
      %lt3A_83 = arith.cmpi slt, %reduce_max3A_76, %lt3A_82 : i32
      %convert_element_type3A_84 = arith.extui %lt3A_83 : i1 to i32
      %cond3A_85 = arith.constant 0 : i32
      %cond3A_86 = arith.cmpi ne, %convert_element_type3A_84, %cond3A_85 : i32
      scf.if %cond3A_86 {
        %dma_start3A_117 = arith.constant 0 : i32
        %dma_start3A_118 = arith.constant 0 : i32
        %dma_start3A_119 = tpu.memref_slice %arg8[%dma_start3A_117, %dma_start3A_118] : memref<4096x128xf32, #tpu.memory_space<vmem_shared>> -> memref<4096x128xf32, #tpu.memory_space<vmem_shared>>
        tpu.enqueue_indirect_dma source(%dma_start3A_119 : memref<4096x128xf32, #tpu.memory_space<vmem_shared>>) target(%run_scoped3A_9 : memref<96x128xf32, #tpu.memory_space<vmem>>) offsets(%run_scoped3A : memref<96xi32, #tpu.memory_space<vmem>>) semaphore(%arg13 : memref<!tpu.dma_semaphore, #tpu.memory_space<semaphore_mem>>)
      } else {
      }
      %ge3A = arith.constant 4096 : i32
      %ge3A_87 = arith.cmpi sge, %reduce_max3A_76, %ge3A : i32
      %convert_element_type3A_88 = arith.extui %ge3A_87 : i1 to i32
      %cond3A_89 = arith.constant 0 : i32
      %cond3A_90 = arith.cmpi ne, %convert_element_type3A_88, %cond3A_89 : i32
      scf.if %cond3A_90 {
        %dma_start3A_117 = arith.constant 0 : i32
        %dma_start3A_118 = arith.constant 0 : i32
        %dma_start3A_119 = tpu.memref_slice %arg4[%dma_start3A_117, %dma_start3A_118] : memref<100000x128xf32, #tpu.memory_space<hbm>> -> memref<100000x128xf32, #tpu.memory_space<hbm>>
        tpu.enqueue_indirect_dma source(%dma_start3A_119 : memref<100000x128xf32, #tpu.memory_space<hbm>>) target(%run_scoped3A_9 : memref<96x128xf32, #tpu.memory_space<vmem>>) offsets(%run_scoped3A : memref<96xi32, #tpu.memory_space<vmem>>) semaphore(%arg13 : memref<!tpu.dma_semaphore, #tpu.memory_space<semaphore_mem>>)
      } else {
      }
      %dma_start3A_91 = arith.constant 0 : i32
      %dma_start3A_92 = tpu.memref_slice %arg2[%add3A_81, %dma_start3A_91] : memref<100000x128xf32, #tpu.memory_space<hbm>> -> memref<96x128xf32, #tpu.memory_space<hbm>>
      %dma_start3A_93 = arith.constant 0 : i32
      %dma_start3A_94 = tpu.memref_slice %arg2[%add3A_81, %dma_start3A_93] : memref<100000x128xf32, #tpu.memory_space<hbm>> -> memref<96x128xf32, #tpu.memory_space<hbm>>
      tpu.enqueue_dma source(%dma_start3A_94 : memref<96x128xf32, #tpu.memory_space<hbm>>) target(%run_scoped3A_11 : memref<96x128xf32, #tpu.memory_space<vmem>>) target_semaphore(%arg15 : memref<!tpu.dma_semaphore, #tpu.memory_space<semaphore_mem>>)
      %scan3A = arith.constant 0 : i32
      %scan3A_95 = arith.constant 0 : i32
      %scan3A_96 = arith.constant 17 : i32
      %scan3A_97 = arith.addi %scan3A_95, %scan3A_96 : i32
      %scan3A_98 = arith.constant 1 : i32
      %scan3A_99 = scf.for %scan3A_117 = %scan3A_95 to %scan3A_97 step %scan3A_98 iter_args(%scan3A_118 = %scan3A) -> (i32)  : i32 {
        %mul3A_119 = arith.constant 2 : i32
        %mul3A_120 = arith.muli %mul3A_119, %scan3A_117 : i32
        %mul3A_121 = arith.constant 16 : i32
        %mul3A_122 = arith.muli %mul3A_121, %mul3A_120 : i32
        %add3A_123 = arith.addi %arg1, %mul3A_122 : i32
        %lt3A_124 = arith.cmpi slt, %add3A_123, %sub3A_3 : i32
        %convert_element_type3A_125 = arith.extui %lt3A_124 : i1 to i32
        %cond3A_126 = arith.constant 0 : i32
        %cond3A_127 = arith.cmpi ne, %convert_element_type3A_125, %cond3A_126 : i32
        scf.if %cond3A_127 {
          %mul3A_138 = arith.constant 16 : i32
          %mul3A_139 = arith.muli %mul3A_138, %mul3A_120 : i32
          %add3A_140 = arith.addi %arg1, %mul3A_139 : i32
          %mul3A_141 = arith.constant 96 : i32
          %mul3A_142 = arith.muli %add3A_140, %mul3A_141 : i32
          %add3A_143 = arith.addi %mul3A_0, %mul3A_142 : i32
          %dma_wait3A_144 = arith.constant 0 : i32
          %dma_wait3A_145 = arith.constant 0 : i32
          %dma_wait3A_146 = tpu.memref_slice %arg4[%dma_wait3A_144, %dma_wait3A_145] : memref<100000x128xf32, #tpu.memory_space<hbm>> -> memref<100000x128xf32, #tpu.memory_space<hbm>>
          tpu.wait_indirect_dma semaphore(%arg13 : memref<!tpu.dma_semaphore, #tpu.memory_space<semaphore_mem>>) src(%dma_wait3A_146 : memref<100000x128xf32, #tpu.memory_space<hbm>>) dst(%run_scoped3A_9 : memref<96x128xf32, #tpu.memory_space<vmem>>)
          %dma_wait3A_147 = arith.constant 0 : i32
          %dma_wait3A_148 = tpu.memref_slice %arg2[%add3A_143, %dma_wait3A_147] : memref<100000x128xf32, #tpu.memory_space<hbm>> -> memref<96x128xf32, #tpu.memory_space<hbm>>
          %dma_wait3A_149 = arith.constant 0 : i32
          %dma_wait3A_150 = tpu.memref_slice %arg2[%add3A_143, %dma_wait3A_149] : memref<100000x128xf32, #tpu.memory_space<hbm>> -> memref<96x128xf32, #tpu.memory_space<hbm>>
          tpu.wait_dma2 semaphore(%arg15 : memref<!tpu.dma_semaphore, #tpu.memory_space<semaphore_mem>>) src(%dma_wait3A_150 : memref<96x128xf32, #tpu.memory_space<hbm>>) dst(%run_scoped3A_11 : memref<96x128xf32, #tpu.memory_space<vmem>>)
          %add3A_151 = arith.constant 2 : i32
          %add3A_152 = arith.addi %mul3A_120, %add3A_151 : i32
          %mul3A_153 = arith.constant 16 : i32
          %mul3A_154 = arith.muli %mul3A_153, %add3A_152 : i32
          %add3A_155 = arith.addi %arg1, %mul3A_154 : i32
          %lt3A_156 = arith.cmpi slt, %add3A_155, %sub3A_3 : i32
          %convert_element_type3A_157 = arith.extui %lt3A_156 : i1 to i32
          %cond3A_158 = arith.constant 0 : i32
          %cond3A_159 = arith.cmpi ne, %convert_element_type3A_157, %cond3A_158 : i32
          scf.if %cond3A_159 {
            %add3A_191 = arith.constant 2 : i32
            %add3A_192 = arith.addi %mul3A_120, %add3A_191 : i32
            %mul3A_193 = arith.constant 16 : i32
            %mul3A_194 = arith.muli %mul3A_193, %add3A_192 : i32
            %add3A_195 = arith.addi %arg1, %mul3A_194 : i32
            %mul3A_196 = arith.constant 96 : i32
            %mul3A_197 = arith.muli %add3A_195, %mul3A_196 : i32
            %dma_start3A_198 = tpu.memref_slice %arg7[%mul3A_197] : memref<50176xi32, #tpu.memory_space<vmem_shared>> -> memref<96xi32, #tpu.memory_space<vmem_shared>>
            %dma_start3A_199 = tpu.memref_slice %arg7[%mul3A_197] : memref<50176xi32, #tpu.memory_space<vmem_shared>> -> memref<96xi32, #tpu.memory_space<vmem_shared>>
            tpu.enqueue_dma source(%dma_start3A_199 : memref<96xi32, #tpu.memory_space<vmem_shared>>) target(%run_scoped3A : memref<96xi32, #tpu.memory_space<vmem>>) target_semaphore(%arg11 : memref<!tpu.dma_semaphore, #tpu.memory_space<semaphore_mem>>)
          } else {
          }
          %ge3A_160 = arith.constant 1 : i32
          %ge3A_161 = arith.cmpi sge, %mul3A_120, %ge3A_160 : i32
          %convert_element_type3A_162 = arith.extui %ge3A_161 : i1 to i32
          %cond3A_163 = arith.constant 0 : i32
          %cond3A_164 = arith.cmpi ne, %convert_element_type3A_162, %cond3A_163 : i32
          scf.if %cond3A_164 {
            %sub3A_191 = arith.constant 1 : i32
            %sub3A_192 = arith.subi %mul3A_120, %sub3A_191 : i32
            %mul3A_193 = arith.constant 16 : i32
            %mul3A_194 = arith.muli %mul3A_193, %sub3A_192 : i32
            %add3A_195 = arith.addi %arg1, %mul3A_194 : i32
            %mul3A_196 = arith.constant 96 : i32
            %mul3A_197 = arith.muli %add3A_195, %mul3A_196 : i32
            %add3A_198 = arith.addi %mul3A_0, %mul3A_197 : i32
            %dma_wait3A_199 = arith.constant 0 : i32
            %dma_wait3A_200 = tpu.memref_slice %arg5[%add3A_198, %dma_wait3A_199] : memref<100000x128xf32, #tpu.memory_space<hbm>> -> memref<96x128xf32, #tpu.memory_space<hbm>>
            %dma_wait3A_201 = arith.constant 0 : i32
            %dma_wait3A_202 = tpu.memref_slice %arg5[%add3A_198, %dma_wait3A_201] : memref<100000x128xf32, #tpu.memory_space<hbm>> -> memref<96x128xf32, #tpu.memory_space<hbm>>
            tpu.wait_dma2 semaphore(%arg18 : memref<!tpu.dma_semaphore, #tpu.memory_space<semaphore_mem>>) src(%run_scoped3A_10 : memref<96x128xf32, #tpu.memory_space<vmem>>) dst(%dma_wait3A_202 : memref<96x128xf32, #tpu.memory_space<hbm>>)
          } else {
          }
          %add3A_165 = arith.constant 1 : i32
          %add3A_166 = arith.addi %mul3A_120, %add3A_165 : i32
          %mul3A_167 = arith.constant 16 : i32
          %mul3A_168 = arith.muli %mul3A_167, %add3A_166 : i32
          %add3A_169 = arith.addi %arg1, %mul3A_168 : i32
          %lt3A_170 = arith.cmpi slt, %add3A_169, %sub3A_3 : i32
          %convert_element_type3A_171 = arith.extui %lt3A_170 : i1 to i32
          %cond3A_172 = arith.constant 0 : i32
          %cond3A_173 = arith.cmpi ne, %convert_element_type3A_171, %cond3A_172 : i32
          scf.if %cond3A_173 {
            %add3A_191 = arith.constant 1 : i32
            %add3A_192 = arith.addi %mul3A_120, %add3A_191 : i32
            %mul3A_193 = arith.constant 16 : i32
            %mul3A_194 = arith.muli %mul3A_193, %add3A_192 : i32
            %add3A_195 = arith.addi %arg1, %mul3A_194 : i32
            %mul3A_196 = arith.constant 96 : i32
            %mul3A_197 = arith.muli %add3A_195, %mul3A_196 : i32
            %dma_wait3A_198 = tpu.memref_slice %arg7[%mul3A_197] : memref<50176xi32, #tpu.memory_space<vmem_shared>> -> memref<96xi32, #tpu.memory_space<vmem_shared>>
            %dma_wait3A_199 = tpu.memref_slice %arg7[%mul3A_197] : memref<50176xi32, #tpu.memory_space<vmem_shared>> -> memref<96xi32, #tpu.memory_space<vmem_shared>>
            tpu.wait_dma2 semaphore(%arg12 : memref<!tpu.dma_semaphore, #tpu.memory_space<semaphore_mem>>) src(%dma_wait3A_199 : memref<96xi32, #tpu.memory_space<vmem_shared>>) dst(%run_scoped3A_8 : memref<96xi32, #tpu.memory_space<vmem>>)
            %add3A_200 = arith.constant 1 : i32
            %add3A_201 = arith.addi %mul3A_120, %add3A_200 : i32
            %broadcast_in_dim3A_202 = arith.constant 0 : i32
            %broadcast_in_dim3A_203 = vector.broadcast %broadcast_in_dim3A_202 : i32 to vector<16xi32>
            %get3A_204 = arith.constant 0 : index
            %get3A_205 = tpu.vector_load %run_scoped3A_8[%get3A_204] {strides = array<i32>} : memref<96xi32, #tpu.memory_space<vmem>>, vector<16xi32>,
            %min3A_206 = arith.constant 99999 : i32
            %min3A_207 = vector.broadcast %min3A_206 : i32 to vector<16xi32>
            %min3A_208 = arith.minsi %get3A_205, %min3A_207 : vector<16xi32>
            %swap3A_209 = arith.constant 0 : index
            %swap3A_210 = tpu.vector_load %run_scoped3A_8[%swap3A_209] {strides = array<i32>} : memref<96xi32, #tpu.memory_space<vmem>>, vector<16xi32>,
            tpu.vector_store %run_scoped3A_8[%swap3A_209], %min3A_208 {strides = array<i32>} : memref<96xi32, #tpu.memory_space<vmem>>, vector<16xi32>,
            %max3A_211 = arith.maxsi %broadcast_in_dim3A_203, %min3A_208 : vector<16xi32>
            %get3A_212 = arith.constant 16 : index
            %get3A_213 = tpu.vector_load %run_scoped3A_8[%get3A_212] {strides = array<i32>} : memref<96xi32, #tpu.memory_space<vmem>>, vector<16xi32>,
            %min3A_214 = arith.constant 99999 : i32
            %min3A_215 = vector.broadcast %min3A_214 : i32 to vector<16xi32>
            %min3A_216 = arith.minsi %get3A_213, %min3A_215 : vector<16xi32>
            %swap3A_217 = arith.constant 16 : index
            %swap3A_218 = tpu.vector_load %run_scoped3A_8[%swap3A_217] {strides = array<i32>} : memref<96xi32, #tpu.memory_space<vmem>>, vector<16xi32>,
            tpu.vector_store %run_scoped3A_8[%swap3A_217], %min3A_216 {strides = array<i32>} : memref<96xi32, #tpu.memory_space<vmem>>, vector<16xi32>,
            %max3A_219 = arith.maxsi %max3A_211, %min3A_216 : vector<16xi32>
            %get3A_220 = arith.constant 32 : index
            %get3A_221 = tpu.vector_load %run_scoped3A_8[%get3A_220] {strides = array<i32>} : memref<96xi32, #tpu.memory_space<vmem>>, vector<16xi32>,
            %min3A_222 = arith.constant 99999 : i32
            %min3A_223 = vector.broadcast %min3A_222 : i32 to vector<16xi32>
            %min3A_224 = arith.minsi %get3A_221, %min3A_223 : vector<16xi32>
            %swap3A_225 = arith.constant 32 : index
            %swap3A_226 = tpu.vector_load %run_scoped3A_8[%swap3A_225] {strides = array<i32>} : memref<96xi32, #tpu.memory_space<vmem>>, vector<16xi32>,
            tpu.vector_store %run_scoped3A_8[%swap3A_225], %min3A_224 {strides = array<i32>} : memref<96xi32, #tpu.memory_space<vmem>>, vector<16xi32>,
            %max3A_227 = arith.maxsi %max3A_219, %min3A_224 : vector<16xi32>
            %get3A_228 = arith.constant 48 : index
            %get3A_229 = tpu.vector_load %run_scoped3A_8[%get3A_228] {strides = array<i32>} : memref<96xi32, #tpu.memory_space<vmem>>, vector<16xi32>,
            %min3A_230 = arith.constant 99999 : i32
            %min3A_231 = vector.broadcast %min3A_230 : i32 to vector<16xi32>
            %min3A_232 = arith.minsi %get3A_229, %min3A_231 : vector<16xi32>
            %swap3A_233 = arith.constant 48 : index
            %swap3A_234 = tpu.vector_load %run_scoped3A_8[%swap3A_233] {strides = array<i32>} : memref<96xi32, #tpu.memory_space<vmem>>, vector<16xi32>,
            tpu.vector_store %run_scoped3A_8[%swap3A_233], %min3A_232 {strides = array<i32>} : memref<96xi32, #tpu.memory_space<vmem>>, vector<16xi32>,
            %max3A_235 = arith.maxsi %max3A_227, %min3A_232 : vector<16xi32>
            %get3A_236 = arith.constant 64 : index
            %get3A_237 = tpu.vector_load %run_scoped3A_8[%get3A_236] {strides = array<i32>} : memref<96xi32, #tpu.memory_space<vmem>>, vector<16xi32>,
            %min3A_238 = arith.constant 99999 : i32
            %min3A_239 = vector.broadcast %min3A_238 : i32 to vector<16xi32>
            %min3A_240 = arith.minsi %get3A_237, %min3A_239 : vector<16xi32>
            %swap3A_241 = arith.constant 64 : index
            %swap3A_242 = tpu.vector_load %run_scoped3A_8[%swap3A_241] {strides = array<i32>} : memref<96xi32, #tpu.memory_space<vmem>>, vector<16xi32>,
            tpu.vector_store %run_scoped3A_8[%swap3A_241], %min3A_240 {strides = array<i32>} : memref<96xi32, #tpu.memory_space<vmem>>, vector<16xi32>,
            %max3A_243 = arith.maxsi %max3A_235, %min3A_240 : vector<16xi32>
            %get3A_244 = arith.constant 80 : index
            %get3A_245 = tpu.vector_load %run_scoped3A_8[%get3A_244] {strides = array<i32>} : memref<96xi32, #tpu.memory_space<vmem>>, vector<16xi32>,
            %min3A_246 = arith.constant 99999 : i32
            %min3A_247 = vector.broadcast %min3A_246 : i32 to vector<16xi32>
            %min3A_248 = arith.minsi %get3A_245, %min3A_247 : vector<16xi32>
            %swap3A_249 = arith.constant 80 : index
            %swap3A_250 = tpu.vector_load %run_scoped3A_8[%swap3A_249] {strides = array<i32>} : memref<96xi32, #tpu.memory_space<vmem>>, vector<16xi32>,
            tpu.vector_store %run_scoped3A_8[%swap3A_249], %min3A_248 {strides = array<i32>} : memref<96xi32, #tpu.memory_space<vmem>>, vector<16xi32>,
            %max3A_251 = arith.maxsi %max3A_243, %min3A_248 : vector<16xi32>
            %reduce_max3A_252 = arith.constant true
            %reduce_max3A_253 = vector.broadcast %reduce_max3A_252 : i1 to vector<16xi1>
            %reduce_max3A_254 = arith.constant -2147483648 : i32
            %reduce_max3A_255 = vector.broadcast %reduce_max3A_254 : i32 to vector<16xi32>
            %reduce_max3A_256 = arith.xori %max3A_251, %reduce_max3A_255 : vector<16xi32>
            %reduce_max3A_257 = tpu.scan <max>, %reduce_max3A_256 masked %reduce_max3A_253 : vector<16xi32>, vector<16xi1> -> vector<16xi32>
            %reduce_max3A_258 = arith.xori %reduce_max3A_257, %reduce_max3A_255 : vector<16xi32>
            %reduce_max3A_259 = vector.extract %reduce_max3A_258[15] : i32 from vector<16xi32>
            %add3A_260 = arith.constant 1 : i32
            %add3A_261 = arith.addi %mul3A_120, %add3A_260 : i32
            %mul3A_262 = arith.constant 16 : i32
            %mul3A_263 = arith.muli %mul3A_262, %add3A_261 : i32
            %add3A_264 = arith.addi %arg1, %mul3A_263 : i32
            %mul3A_265 = arith.constant 96 : i32
            %mul3A_266 = arith.muli %add3A_264, %mul3A_265 : i32
            %add3A_267 = arith.addi %mul3A_0, %mul3A_266 : i32
            %lt3A_268 = arith.constant 4096 : i32
            %lt3A_269 = arith.cmpi slt, %reduce_max3A_259, %lt3A_268 : i32
            %convert_element_type3A_270 = arith.extui %lt3A_269 : i1 to i32
            %cond3A_271 = arith.constant 0 : i32
            %cond3A_272 = arith.cmpi ne, %convert_element_type3A_270, %cond3A_271 : i32
            scf.if %cond3A_272 {
              %dma_start3A_282 = arith.constant 0 : i32
              %dma_start3A_283 = arith.constant 0 : i32
              %dma_start3A_284 = tpu.memref_slice %arg8[%dma_start3A_282, %dma_start3A_283] : memref<4096x128xf32, #tpu.memory_space<vmem_shared>> -> memref<4096x128xf32, #tpu.memory_space<vmem_shared>>
              tpu.enqueue_indirect_dma source(%dma_start3A_284 : memref<4096x128xf32, #tpu.memory_space<vmem_shared>>) target(%run_scoped3A_10 : memref<96x128xf32, #tpu.memory_space<vmem>>) offsets(%run_scoped3A_8 : memref<96xi32, #tpu.memory_space<vmem>>) semaphore(%arg14 : memref<!tpu.dma_semaphore, #tpu.memory_space<semaphore_mem>>)
            } else {
            }
            %ge3A_273 = arith.constant 4096 : i32
            %ge3A_274 = arith.cmpi sge, %reduce_max3A_259, %ge3A_273 : i32
            %convert_element_type3A_275 = arith.extui %ge3A_274 : i1 to i32
            %cond3A_276 = arith.constant 0 : i32
            %cond3A_277 = arith.cmpi ne, %convert_element_type3A_275, %cond3A_276 : i32
            scf.if %cond3A_277 {
              %dma_start3A_282 = arith.constant 0 : i32
              %dma_start3A_283 = arith.constant 0 : i32
              %dma_start3A_284 = tpu.memref_slice %arg4[%dma_start3A_282, %dma_start3A_283] : memref<100000x128xf32, #tpu.memory_space<hbm>> -> memref<100000x128xf32, #tpu.memory_space<hbm>>
              tpu.enqueue_indirect_dma source(%dma_start3A_284 : memref<100000x128xf32, #tpu.memory_space<hbm>>) target(%run_scoped3A_10 : memref<96x128xf32, #tpu.memory_space<vmem>>) offsets(%run_scoped3A_8 : memref<96xi32, #tpu.memory_space<vmem>>) semaphore(%arg14 : memref<!tpu.dma_semaphore, #tpu.memory_space<semaphore_mem>>)
            } else {
            }
            %dma_start3A_278 = arith.constant 0 : i32
            %dma_start3A_279 = tpu.memref_slice %arg2[%add3A_267, %dma_start3A_278] : memref<100000x128xf32, #tpu.memory_space<hbm>> -> memref<96x128xf32, #tpu.memory_space<hbm>>
            %dma_start3A_280 = arith.constant 0 : i32
            %dma_start3A_281 = tpu.memref_slice %arg2[%add3A_267, %dma_start3A_280] : memref<100000x128xf32, #tpu.memory_space<hbm>> -> memref<96x128xf32, #tpu.memory_space<hbm>>
            tpu.enqueue_dma source(%dma_start3A_281 : memref<96x128xf32, #tpu.memory_space<hbm>>) target(%run_scoped3A_12 : memref<96x128xf32, #tpu.memory_space<vmem>>) target_semaphore(%arg16 : memref<!tpu.dma_semaphore, #tpu.memory_space<semaphore_mem>>)
          } else {
          }
          %scan3A_174 = arith.constant 0 : i32
          %scan3A_175 = arith.constant 0 : i32
          %scan3A_176 = arith.constant 48 : i32
          %scan3A_177 = arith.addi %scan3A_175, %scan3A_176 : i32
          %scan3A_178 = arith.constant 1 : i32
          %scan3A_179 = scf.for %scan3A_191 = %scan3A_175 to %scan3A_177 step %scan3A_178 iter_args(%scan3A_192 = %scan3A_174) -> (i32)  : i32 {
            %mul3A_193 = arith.constant 2 : i32
            %mul3A_194 = arith.muli %mul3A_193, %scan3A_191 : i32
            %add3A_195 = arith.constant 0 : i32
            %add3A_196 = arith.addi %mul3A_194, %add3A_195 : i32
            %mul3A_197 = arith.constant 2 : i32
            %mul3A_198 = arith.muli %mul3A_197, %scan3A_191 : i32
            %add3A_199 = arith.constant 0 : i32
            %add3A_200 = arith.addi %mul3A_198, %add3A_199 : i32
            %get3A_201 = arith.index_cast %add3A_200 : i32 to index
            %get3A_202 = arith.constant 0 : index
            %get3A_203 = tpu.vector_load %run_scoped3A_11[%get3A_201, %get3A_202] {strides = array<i32>} : memref<96x128xf32, #tpu.memory_space<vmem>>, vector<16xf32>,
            %swap3A_204 = arith.index_cast %add3A_196 : i32 to index
            %swap3A_205 = arith.constant 0 : index
            %swap3A_206 = tpu.vector_load %run_scoped3A_9[%swap3A_204, %swap3A_205] {strides = array<i32>} : memref<96x128xf32, #tpu.memory_space<vmem>>, vector<16xf32>,
            tpu.vector_store %run_scoped3A_9[%swap3A_204, %swap3A_205], %get3A_203 {add = true, strides = array<i32>} : memref<96x128xf32, #tpu.memory_space<vmem>>, vector<16xf32>,
            %mul3A_207 = arith.constant 2 : i32
            %mul3A_208 = arith.muli %mul3A_207, %scan3A_191 : i32
            %add3A_209 = arith.constant 0 : i32
            %add3A_210 = arith.addi %mul3A_208, %add3A_209 : i32
            %mul3A_211 = arith.constant 2 : i32
            %mul3A_212 = arith.muli %mul3A_211, %scan3A_191 : i32
            %add3A_213 = arith.constant 0 : i32
            %add3A_214 = arith.addi %mul3A_212, %add3A_213 : i32
            %get3A_215 = arith.index_cast %add3A_214 : i32 to index
            %get3A_216 = arith.constant 16 : index
            %get3A_217 = tpu.vector_load %run_scoped3A_11[%get3A_215, %get3A_216] {strides = array<i32>} : memref<96x128xf32, #tpu.memory_space<vmem>>, vector<16xf32>,
            %swap3A_218 = arith.index_cast %add3A_210 : i32 to index
            %swap3A_219 = arith.constant 16 : index
            %swap3A_220 = tpu.vector_load %run_scoped3A_9[%swap3A_218, %swap3A_219] {strides = array<i32>} : memref<96x128xf32, #tpu.memory_space<vmem>>, vector<16xf32>,
            tpu.vector_store %run_scoped3A_9[%swap3A_218, %swap3A_219], %get3A_217 {add = true, strides = array<i32>} : memref<96x128xf32, #tpu.memory_space<vmem>>, vector<16xf32>,
            %mul3A_221 = arith.constant 2 : i32
            %mul3A_222 = arith.muli %mul3A_221, %scan3A_191 : i32
            %add3A_223 = arith.constant 0 : i32
            %add3A_224 = arith.addi %mul3A_222, %add3A_223 : i32
            %mul3A_225 = arith.constant 2 : i32
            %mul3A_226 = arith.muli %mul3A_225, %scan3A_191 : i32
            %add3A_227 = arith.constant 0 : i32
            %add3A_228 = arith.addi %mul3A_226, %add3A_227 : i32
            %get3A_229 = arith.index_cast %add3A_228 : i32 to index
            %get3A_230 = arith.constant 32 : index
            %get3A_231 = tpu.vector_load %run_scoped3A_11[%get3A_229, %get3A_230] {strides = array<i32>} : memref<96x128xf32, #tpu.memory_space<vmem>>, vector<16xf32>,
            %swap3A_232 = arith.index_cast %add3A_224 : i32 to index
            %swap3A_233 = arith.constant 32 : index
            %swap3A_234 = tpu.vector_load %run_scoped3A_9[%swap3A_232, %swap3A_233] {strides = array<i32>} : memref<96x128xf32, #tpu.memory_space<vmem>>, vector<16xf32>,
            tpu.vector_store %run_scoped3A_9[%swap3A_232, %swap3A_233], %get3A_231 {add = true, strides = array<i32>} : memref<96x128xf32, #tpu.memory_space<vmem>>, vector<16xf32>,
            %mul3A_235 = arith.constant 2 : i32
            %mul3A_236 = arith.muli %mul3A_235, %scan3A_191 : i32
            %add3A_237 = arith.constant 0 : i32
            %add3A_238 = arith.addi %mul3A_236, %add3A_237 : i32
            %mul3A_239 = arith.constant 2 : i32
            %mul3A_240 = arith.muli %mul3A_239, %scan3A_191 : i32
            %add3A_241 = arith.constant 0 : i32
            %add3A_242 = arith.addi %mul3A_240, %add3A_241 : i32
            %get3A_243 = arith.index_cast %add3A_242 : i32 to index
            %get3A_244 = arith.constant 48 : index
            %get3A_245 = tpu.vector_load %run_scoped3A_11[%get3A_243, %get3A_244] {strides = array<i32>} : memref<96x128xf32, #tpu.memory_space<vmem>>, vector<16xf32>,
            %swap3A_246 = arith.index_cast %add3A_238 : i32 to index
            %swap3A_247 = arith.constant 48 : index
            %swap3A_248 = tpu.vector_load %run_scoped3A_9[%swap3A_246, %swap3A_247] {strides = array<i32>} : memref<96x128xf32, #tpu.memory_space<vmem>>, vector<16xf32>,
            tpu.vector_store %run_scoped3A_9[%swap3A_246, %swap3A_247], %get3A_245 {add = true, strides = array<i32>} : memref<96x128xf32, #tpu.memory_space<vmem>>, vector<16xf32>,
            %mul3A_249 = arith.constant 2 : i32
            %mul3A_250 = arith.muli %mul3A_249, %scan3A_191 : i32
            %add3A_251 = arith.constant 0 : i32
            %add3A_252 = arith.addi %mul3A_250, %add3A_251 : i32
            %mul3A_253 = arith.constant 2 : i32
            %mul3A_254 = arith.muli %mul3A_253, %scan3A_191 : i32
            %add3A_255 = arith.constant 0 : i32
            %add3A_256 = arith.addi %mul3A_254, %add3A_255 : i32
            %get3A_257 = arith.index_cast %add3A_256 : i32 to index
            %get3A_258 = arith.constant 64 : index
            %get3A_259 = tpu.vector_load %run_scoped3A_11[%get3A_257, %get3A_258] {strides = array<i32>} : memref<96x128xf32, #tpu.memory_space<vmem>>, vector<16xf32>,
            %swap3A_260 = arith.index_cast %add3A_252 : i32 to index
            %swap3A_261 = arith.constant 64 : index
            %swap3A_262 = tpu.vector_load %run_scoped3A_9[%swap3A_260, %swap3A_261] {strides = array<i32>} : memref<96x128xf32, #tpu.memory_space<vmem>>, vector<16xf32>,
            tpu.vector_store %run_scoped3A_9[%swap3A_260, %swap3A_261], %get3A_259 {add = true, strides = array<i32>} : memref<96x128xf32, #tpu.memory_space<vmem>>, vector<16xf32>,
            %mul3A_263 = arith.constant 2 : i32
            %mul3A_264 = arith.muli %mul3A_263, %scan3A_191 : i32
            %add3A_265 = arith.constant 0 : i32
            %add3A_266 = arith.addi %mul3A_264, %add3A_265 : i32
            %mul3A_267 = arith.constant 2 : i32
            %mul3A_268 = arith.muli %mul3A_267, %scan3A_191 : i32
            %add3A_269 = arith.constant 0 : i32
            %add3A_270 = arith.addi %mul3A_268, %add3A_269 : i32
            %get3A_271 = arith.index_cast %add3A_270 : i32 to index
            %get3A_272 = arith.constant 80 : index
            %get3A_273 = tpu.vector_load %run_scoped3A_11[%get3A_271, %get3A_272] {strides = array<i32>} : memref<96x128xf32, #tpu.memory_space<vmem>>, vector<16xf32>,
            %swap3A_274 = arith.index_cast %add3A_266 : i32 to index
            %swap3A_275 = arith.constant 80 : index
            %swap3A_276 = tpu.vector_load %run_scoped3A_9[%swap3A_274, %swap3A_275] {strides = array<i32>} : memref<96x128xf32, #tpu.memory_space<vmem>>, vector<16xf32>,
            tpu.vector_store %run_scoped3A_9[%swap3A_274, %swap3A_275], %get3A_273 {add = true, strides = array<i32>} : memref<96x128xf32, #tpu.memory_space<vmem>>, vector<16xf32>,
            %mul3A_277 = arith.constant 2 : i32
            %mul3A_278 = arith.muli %mul3A_277, %scan3A_191 : i32
            %add3A_279 = arith.constant 0 : i32
            %add3A_280 = arith.addi %mul3A_278, %add3A_279 : i32
            %mul3A_281 = arith.constant 2 : i32
            %mul3A_282 = arith.muli %mul3A_281, %scan3A_191 : i32
            %add3A_283 = arith.constant 0 : i32
            %add3A_284 = arith.addi %mul3A_282, %add3A_283 : i32
            %get3A_285 = arith.index_cast %add3A_284 : i32 to index
            %get3A_286 = arith.constant 96 : index
            %get3A_287 = tpu.vector_load %run_scoped3A_11[%get3A_285, %get3A_286] {strides = array<i32>} : memref<96x128xf32, #tpu.memory_space<vmem>>, vector<16xf32>,
            %swap3A_288 = arith.index_cast %add3A_280 : i32 to index
            %swap3A_289 = arith.constant 96 : index
            %swap3A_290 = tpu.vector_load %run_scoped3A_9[%swap3A_288, %swap3A_289] {strides = array<i32>} : memref<96x128xf32, #tpu.memory_space<vmem>>, vector<16xf32>,
            tpu.vector_store %run_scoped3A_9[%swap3A_288, %swap3A_289], %get3A_287 {add = true, strides = array<i32>} : memref<96x128xf32, #tpu.memory_space<vmem>>, vector<16xf32>,
            %mul3A_291 = arith.constant 2 : i32
            %mul3A_292 = arith.muli %mul3A_291, %scan3A_191 : i32
            %add3A_293 = arith.constant 0 : i32
            %add3A_294 = arith.addi %mul3A_292, %add3A_293 : i32
            %mul3A_295 = arith.constant 2 : i32
            %mul3A_296 = arith.muli %mul3A_295, %scan3A_191 : i32
            %add3A_297 = arith.constant 0 : i32
            %add3A_298 = arith.addi %mul3A_296, %add3A_297 : i32
            %get3A_299 = arith.index_cast %add3A_298 : i32 to index
            %get3A_300 = arith.constant 112 : index
            %get3A_301 = tpu.vector_load %run_scoped3A_11[%get3A_299, %get3A_300] {strides = array<i32>} : memref<96x128xf32, #tpu.memory_space<vmem>>, vector<16xf32>,
            %swap3A_302 = arith.index_cast %add3A_294 : i32 to index
            %swap3A_303 = arith.constant 112 : index
            %swap3A_304 = tpu.vector_load %run_scoped3A_9[%swap3A_302, %swap3A_303] {strides = array<i32>} : memref<96x128xf32, #tpu.memory_space<vmem>>, vector<16xf32>,
            tpu.vector_store %run_scoped3A_9[%swap3A_302, %swap3A_303], %get3A_301 {add = true, strides = array<i32>} : memref<96x128xf32, #tpu.memory_space<vmem>>, vector<16xf32>,
            %mul3A_305 = arith.constant 2 : i32
            %mul3A_306 = arith.muli %mul3A_305, %scan3A_191 : i32
            %add3A_307 = arith.constant 1 : i32
            %add3A_308 = arith.addi %mul3A_306, %add3A_307 : i32
            %mul3A_309 = arith.constant 2 : i32
            %mul3A_310 = arith.muli %mul3A_309, %scan3A_191 : i32
            %add3A_311 = arith.constant 1 : i32
            %add3A_312 = arith.addi %mul3A_310, %add3A_311 : i32
            %get3A_313 = arith.index_cast %add3A_312 : i32 to index
            %get3A_314 = arith.constant 0 : index
            %get3A_315 = tpu.vector_load %run_scoped3A_11[%get3A_313, %get3A_314] {strides = array<i32>} : memref<96x128xf32, #tpu.memory_space<vmem>>, vector<16xf32>,
            %swap3A_316 = arith.index_cast %add3A_308 : i32 to index
            %swap3A_317 = arith.constant 0 : index
            %swap3A_318 = tpu.vector_load %run_scoped3A_9[%swap3A_316, %swap3A_317] {strides = array<i32>} : memref<96x128xf32, #tpu.memory_space<vmem>>, vector<16xf32>,
            tpu.vector_store %run_scoped3A_9[%swap3A_316, %swap3A_317], %get3A_315 {add = true, strides = array<i32>} : memref<96x128xf32, #tpu.memory_space<vmem>>, vector<16xf32>,
            %mul3A_319 = arith.constant 2 : i32
            %mul3A_320 = arith.muli %mul3A_319, %scan3A_191 : i32
            %add3A_321 = arith.constant 1 : i32
            %add3A_322 = arith.addi %mul3A_320, %add3A_321 : i32
            %mul3A_323 = arith.constant 2 : i32
            %mul3A_324 = arith.muli %mul3A_323, %scan3A_191 : i32
            %add3A_325 = arith.constant 1 : i32
            %add3A_326 = arith.addi %mul3A_324, %add3A_325 : i32
            %get3A_327 = arith.index_cast %add3A_326 : i32 to index
            %get3A_328 = arith.constant 16 : index
            %get3A_329 = tpu.vector_load %run_scoped3A_11[%get3A_327, %get3A_328] {strides = array<i32>} : memref<96x128xf32, #tpu.memory_space<vmem>>, vector<16xf32>,
            %swap3A_330 = arith.index_cast %add3A_322 : i32 to index
            %swap3A_331 = arith.constant 16 : index
            %swap3A_332 = tpu.vector_load %run_scoped3A_9[%swap3A_330, %swap3A_331] {strides = array<i32>} : memref<96x128xf32, #tpu.memory_space<vmem>>, vector<16xf32>,
            tpu.vector_store %run_scoped3A_9[%swap3A_330, %swap3A_331], %get3A_329 {add = true, strides = array<i32>} : memref<96x128xf32, #tpu.memory_space<vmem>>, vector<16xf32>,
            %mul3A_333 = arith.constant 2 : i32
            %mul3A_334 = arith.muli %mul3A_333, %scan3A_191 : i32
            %add3A_335 = arith.constant 1 : i32
            %add3A_336 = arith.addi %mul3A_334, %add3A_335 : i32
            %mul3A_337 = arith.constant 2 : i32
            %mul3A_338 = arith.muli %mul3A_337, %scan3A_191 : i32
            %add3A_339 = arith.constant 1 : i32
            %add3A_340 = arith.addi %mul3A_338, %add3A_339 : i32
            %get3A_341 = arith.index_cast %add3A_340 : i32 to index
            %get3A_342 = arith.constant 32 : index
            %get3A_343 = tpu.vector_load %run_scoped3A_11[%get3A_341, %get3A_342] {strides = array<i32>} : memref<96x128xf32, #tpu.memory_space<vmem>>, vector<16xf32>,
            %swap3A_344 = arith.index_cast %add3A_336 : i32 to index
            %swap3A_345 = arith.constant 32 : index
            %swap3A_346 = tpu.vector_load %run_scoped3A_9[%swap3A_344, %swap3A_345] {strides = array<i32>} : memref<96x128xf32, #tpu.memory_space<vmem>>, vector<16xf32>,
            tpu.vector_store %run_scoped3A_9[%swap3A_344, %swap3A_345], %get3A_343 {add = true, strides = array<i32>} : memref<96x128xf32, #tpu.memory_space<vmem>>, vector<16xf32>,
            %mul3A_347 = arith.constant 2 : i32
            %mul3A_348 = arith.muli %mul3A_347, %scan3A_191 : i32
            %add3A_349 = arith.constant 1 : i32
            %add3A_350 = arith.addi %mul3A_348, %add3A_349 : i32
            %mul3A_351 = arith.constant 2 : i32
            %mul3A_352 = arith.muli %mul3A_351, %scan3A_191 : i32
            %add3A_353 = arith.constant 1 : i32
            %add3A_354 = arith.addi %mul3A_352, %add3A_353 : i32
            %get3A_355 = arith.index_cast %add3A_354 : i32 to index
            %get3A_356 = arith.constant 48 : index
            %get3A_357 = tpu.vector_load %run_scoped3A_11[%get3A_355, %get3A_356] {strides = array<i32>} : memref<96x128xf32, #tpu.memory_space<vmem>>, vector<16xf32>,
            %swap3A_358 = arith.index_cast %add3A_350 : i32 to index
            %swap3A_359 = arith.constant 48 : index
            %swap3A_360 = tpu.vector_load %run_scoped3A_9[%swap3A_358, %swap3A_359] {strides = array<i32>} : memref<96x128xf32, #tpu.memory_space<vmem>>, vector<16xf32>,
            tpu.vector_store %run_scoped3A_9[%swap3A_358, %swap3A_359], %get3A_357 {add = true, strides = array<i32>} : memref<96x128xf32, #tpu.memory_space<vmem>>, vector<16xf32>,
            %mul3A_361 = arith.constant 2 : i32
            %mul3A_362 = arith.muli %mul3A_361, %scan3A_191 : i32
            %add3A_363 = arith.constant 1 : i32
            %add3A_364 = arith.addi %mul3A_362, %add3A_363 : i32
            %mul3A_365 = arith.constant 2 : i32
            %mul3A_366 = arith.muli %mul3A_365, %scan3A_191 : i32
            %add3A_367 = arith.constant 1 : i32
            %add3A_368 = arith.addi %mul3A_366, %add3A_367 : i32
            %get3A_369 = arith.index_cast %add3A_368 : i32 to index
            %get3A_370 = arith.constant 64 : index
            %get3A_371 = tpu.vector_load %run_scoped3A_11[%get3A_369, %get3A_370] {strides = array<i32>} : memref<96x128xf32, #tpu.memory_space<vmem>>, vector<16xf32>,
            %swap3A_372 = arith.index_cast %add3A_364 : i32 to index
            %swap3A_373 = arith.constant 64 : index
            %swap3A_374 = tpu.vector_load %run_scoped3A_9[%swap3A_372, %swap3A_373] {strides = array<i32>} : memref<96x128xf32, #tpu.memory_space<vmem>>, vector<16xf32>,
            tpu.vector_store %run_scoped3A_9[%swap3A_372, %swap3A_373], %get3A_371 {add = true, strides = array<i32>} : memref<96x128xf32, #tpu.memory_space<vmem>>, vector<16xf32>,
            %mul3A_375 = arith.constant 2 : i32
            %mul3A_376 = arith.muli %mul3A_375, %scan3A_191 : i32
            %add3A_377 = arith.constant 1 : i32
            %add3A_378 = arith.addi %mul3A_376, %add3A_377 : i32
            %mul3A_379 = arith.constant 2 : i32
            %mul3A_380 = arith.muli %mul3A_379, %scan3A_191 : i32
            %add3A_381 = arith.constant 1 : i32
            %add3A_382 = arith.addi %mul3A_380, %add3A_381 : i32
            %get3A_383 = arith.index_cast %add3A_382 : i32 to index
            %get3A_384 = arith.constant 80 : index
            %get3A_385 = tpu.vector_load %run_scoped3A_11[%get3A_383, %get3A_384] {strides = array<i32>} : memref<96x128xf32, #tpu.memory_space<vmem>>, vector<16xf32>,
            %swap3A_386 = arith.index_cast %add3A_378 : i32 to index
            %swap3A_387 = arith.constant 80 : index
            %swap3A_388 = tpu.vector_load %run_scoped3A_9[%swap3A_386, %swap3A_387] {strides = array<i32>} : memref<96x128xf32, #tpu.memory_space<vmem>>, vector<16xf32>,
            tpu.vector_store %run_scoped3A_9[%swap3A_386, %swap3A_387], %get3A_385 {add = true, strides = array<i32>} : memref<96x128xf32, #tpu.memory_space<vmem>>, vector<16xf32>,
            %mul3A_389 = arith.constant 2 : i32
            %mul3A_390 = arith.muli %mul3A_389, %scan3A_191 : i32
            %add3A_391 = arith.constant 1 : i32
            %add3A_392 = arith.addi %mul3A_390, %add3A_391 : i32
            %mul3A_393 = arith.constant 2 : i32
            %mul3A_394 = arith.muli %mul3A_393, %scan3A_191 : i32
            %add3A_395 = arith.constant 1 : i32
            %add3A_396 = arith.addi %mul3A_394, %add3A_395 : i32
            %get3A_397 = arith.index_cast %add3A_396 : i32 to index
            %get3A_398 = arith.constant 96 : index
            %get3A_399 = tpu.vector_load %run_scoped3A_11[%get3A_397, %get3A_398] {strides = array<i32>} : memref<96x128xf32, #tpu.memory_space<vmem>>, vector<16xf32>,
            %swap3A_400 = arith.index_cast %add3A_392 : i32 to index
            %swap3A_401 = arith.constant 96 : index
            %swap3A_402 = tpu.vector_load %run_scoped3A_9[%swap3A_400, %swap3A_401] {strides = array<i32>} : memref<96x128xf32, #tpu.memory_space<vmem>>, vector<16xf32>,
            tpu.vector_store %run_scoped3A_9[%swap3A_400, %swap3A_401], %get3A_399 {add = true, strides = array<i32>} : memref<96x128xf32, #tpu.memory_space<vmem>>, vector<16xf32>,
            %mul3A_403 = arith.constant 2 : i32
            %mul3A_404 = arith.muli %mul3A_403, %scan3A_191 : i32
            %add3A_405 = arith.constant 1 : i32
            %add3A_406 = arith.addi %mul3A_404, %add3A_405 : i32
            %mul3A_407 = arith.constant 2 : i32
            %mul3A_408 = arith.muli %mul3A_407, %scan3A_191 : i32
            %add3A_409 = arith.constant 1 : i32
            %add3A_410 = arith.addi %mul3A_408, %add3A_409 : i32
            %get3A_411 = arith.index_cast %add3A_410 : i32 to index
            %get3A_412 = arith.constant 112 : index
            %get3A_413 = tpu.vector_load %run_scoped3A_11[%get3A_411, %get3A_412] {strides = array<i32>} : memref<96x128xf32, #tpu.memory_space<vmem>>, vector<16xf32>,
            %swap3A_414 = arith.index_cast %add3A_406 : i32 to index
            %swap3A_415 = arith.constant 112 : index
            %swap3A_416 = tpu.vector_load %run_scoped3A_9[%swap3A_414, %swap3A_415] {strides = array<i32>} : memref<96x128xf32, #tpu.memory_space<vmem>>, vector<16xf32>,
            tpu.vector_store %run_scoped3A_9[%swap3A_414, %swap3A_415], %get3A_413 {add = true, strides = array<i32>} : memref<96x128xf32, #tpu.memory_space<vmem>>, vector<16xf32>,
            %scan3A_417 = arith.constant 0 : i32
            scf.yield %scan3A_417 : i32
          }
          %scan3A_180 = arith.constant 48 : i32
          %mul3A_181 = arith.constant 16 : i32
          %mul3A_182 = arith.muli %mul3A_181, %mul3A_120 : i32
          %add3A_183 = arith.addi %arg1, %mul3A_182 : i32
          %mul3A_184 = arith.constant 96 : i32
          %mul3A_185 = arith.muli %add3A_183, %mul3A_184 : i32
          %add3A_186 = arith.addi %mul3A_0, %mul3A_185 : i32
          %dma_start3A_187 = arith.constant 0 : i32
          %dma_start3A_188 = tpu.memref_slice %arg5[%add3A_186, %dma_start3A_187] : memref<100000x128xf32, #tpu.memory_space<hbm>> -> memref<96x128xf32, #tpu.memory_space<hbm>>
          %dma_start3A_189 = arith.constant 0 : i32
          %dma_start3A_190 = tpu.memref_slice %arg5[%add3A_186, %dma_start3A_189] : memref<100000x128xf32, #tpu.memory_space<hbm>> -> memref<96x128xf32, #tpu.memory_space<hbm>>
          tpu.enqueue_dma source(%run_scoped3A_9 : memref<96x128xf32, #tpu.memory_space<vmem>>) target(%dma_start3A_190 : memref<96x128xf32, #tpu.memory_space<hbm>>) target_semaphore(%arg17 : memref<!tpu.dma_semaphore, #tpu.memory_space<semaphore_mem>>)
        } else {
        }
        %add3A_128 = arith.constant 1 : i32
        %add3A_129 = arith.addi %mul3A_120, %add3A_128 : i32
        %mul3A_130 = arith.constant 16 : i32
        %mul3A_131 = arith.muli %mul3A_130, %add3A_129 : i32
        %add3A_132 = arith.addi %arg1, %mul3A_131 : i32
        %lt3A_133 = arith.cmpi slt, %add3A_132, %sub3A_3 : i32
        %convert_element_type3A_134 = arith.extui %lt3A_133 : i1 to i32
        %cond3A_135 = arith.constant 0 : i32
        %cond3A_136 = arith.cmpi ne, %convert_element_type3A_134, %cond3A_135 : i32
        scf.if %cond3A_136 {
          %add3A_138 = arith.constant 1 : i32
          %add3A_139 = arith.addi %mul3A_120, %add3A_138 : i32
          %mul3A_140 = arith.constant 16 : i32
          %mul3A_141 = arith.muli %mul3A_140, %add3A_139 : i32
          %add3A_142 = arith.addi %arg1, %mul3A_141 : i32
          %mul3A_143 = arith.constant 96 : i32
          %mul3A_144 = arith.muli %add3A_142, %mul3A_143 : i32
          %add3A_145 = arith.addi %mul3A_0, %mul3A_144 : i32
          %dma_wait3A_146 = arith.constant 0 : i32
          %dma_wait3A_147 = arith.constant 0 : i32
          %dma_wait3A_148 = tpu.memref_slice %arg4[%dma_wait3A_146, %dma_wait3A_147] : memref<100000x128xf32, #tpu.memory_space<hbm>> -> memref<100000x128xf32, #tpu.memory_space<hbm>>
          tpu.wait_indirect_dma semaphore(%arg14 : memref<!tpu.dma_semaphore, #tpu.memory_space<semaphore_mem>>) src(%dma_wait3A_148 : memref<100000x128xf32, #tpu.memory_space<hbm>>) dst(%run_scoped3A_10 : memref<96x128xf32, #tpu.memory_space<vmem>>)
          %dma_wait3A_149 = arith.constant 0 : i32
          %dma_wait3A_150 = tpu.memref_slice %arg2[%add3A_145, %dma_wait3A_149] : memref<100000x128xf32, #tpu.memory_space<hbm>> -> memref<96x128xf32, #tpu.memory_space<hbm>>
          %dma_wait3A_151 = arith.constant 0 : i32
          %dma_wait3A_152 = tpu.memref_slice %arg2[%add3A_145, %dma_wait3A_151] : memref<100000x128xf32, #tpu.memory_space<hbm>> -> memref<96x128xf32, #tpu.memory_space<hbm>>
          tpu.wait_dma2 semaphore(%arg16 : memref<!tpu.dma_semaphore, #tpu.memory_space<semaphore_mem>>) src(%dma_wait3A_152 : memref<96x128xf32, #tpu.memory_space<hbm>>) dst(%run_scoped3A_12 : memref<96x128xf32, #tpu.memory_space<vmem>>)
          %add3A_153 = arith.constant 2 : i32
          %add3A_154 = arith.addi %add3A_139, %add3A_153 : i32
          %mul3A_155 = arith.constant 16 : i32
          %mul3A_156 = arith.muli %mul3A_155, %add3A_154 : i32
          %add3A_157 = arith.addi %arg1, %mul3A_156 : i32
          %lt3A_158 = arith.cmpi slt, %add3A_157, %sub3A_3 : i32
          %convert_element_type3A_159 = arith.extui %lt3A_158 : i1 to i32
          %cond3A_160 = arith.constant 0 : i32
          %cond3A_161 = arith.cmpi ne, %convert_element_type3A_159, %cond3A_160 : i32
          scf.if %cond3A_161 {
            %add3A_193 = arith.constant 2 : i32
            %add3A_194 = arith.addi %add3A_139, %add3A_193 : i32
            %mul3A_195 = arith.constant 16 : i32
            %mul3A_196 = arith.muli %mul3A_195, %add3A_194 : i32
            %add3A_197 = arith.addi %arg1, %mul3A_196 : i32
            %mul3A_198 = arith.constant 96 : i32
            %mul3A_199 = arith.muli %add3A_197, %mul3A_198 : i32
            %dma_start3A_200 = tpu.memref_slice %arg7[%mul3A_199] : memref<50176xi32, #tpu.memory_space<vmem_shared>> -> memref<96xi32, #tpu.memory_space<vmem_shared>>
            %dma_start3A_201 = tpu.memref_slice %arg7[%mul3A_199] : memref<50176xi32, #tpu.memory_space<vmem_shared>> -> memref<96xi32, #tpu.memory_space<vmem_shared>>
            tpu.enqueue_dma source(%dma_start3A_201 : memref<96xi32, #tpu.memory_space<vmem_shared>>) target(%run_scoped3A_8 : memref<96xi32, #tpu.memory_space<vmem>>) target_semaphore(%arg12 : memref<!tpu.dma_semaphore, #tpu.memory_space<semaphore_mem>>)
          } else {
          }
          %ge3A_162 = arith.constant 1 : i32
          %ge3A_163 = arith.cmpi sge, %add3A_139, %ge3A_162 : i32
          %convert_element_type3A_164 = arith.extui %ge3A_163 : i1 to i32
          %cond3A_165 = arith.constant 0 : i32
          %cond3A_166 = arith.cmpi ne, %convert_element_type3A_164, %cond3A_165 : i32
          scf.if %cond3A_166 {
            %sub3A_193 = arith.constant 1 : i32
            %sub3A_194 = arith.subi %add3A_139, %sub3A_193 : i32
            %mul3A_195 = arith.constant 16 : i32
            %mul3A_196 = arith.muli %mul3A_195, %sub3A_194 : i32
            %add3A_197 = arith.addi %arg1, %mul3A_196 : i32
            %mul3A_198 = arith.constant 96 : i32
            %mul3A_199 = arith.muli %add3A_197, %mul3A_198 : i32
            %add3A_200 = arith.addi %mul3A_0, %mul3A_199 : i32
            %dma_wait3A_201 = arith.constant 0 : i32
            %dma_wait3A_202 = tpu.memref_slice %arg5[%add3A_200, %dma_wait3A_201] : memref<100000x128xf32, #tpu.memory_space<hbm>> -> memref<96x128xf32, #tpu.memory_space<hbm>>
            %dma_wait3A_203 = arith.constant 0 : i32
            %dma_wait3A_204 = tpu.memref_slice %arg5[%add3A_200, %dma_wait3A_203] : memref<100000x128xf32, #tpu.memory_space<hbm>> -> memref<96x128xf32, #tpu.memory_space<hbm>>
            tpu.wait_dma2 semaphore(%arg17 : memref<!tpu.dma_semaphore, #tpu.memory_space<semaphore_mem>>) src(%run_scoped3A_9 : memref<96x128xf32, #tpu.memory_space<vmem>>) dst(%dma_wait3A_204 : memref<96x128xf32, #tpu.memory_space<hbm>>)
          } else {
          }
          %add3A_167 = arith.constant 1 : i32
          %add3A_168 = arith.addi %add3A_139, %add3A_167 : i32
          %mul3A_169 = arith.constant 16 : i32
          %mul3A_170 = arith.muli %mul3A_169, %add3A_168 : i32
          %add3A_171 = arith.addi %arg1, %mul3A_170 : i32
          %lt3A_172 = arith.cmpi slt, %add3A_171, %sub3A_3 : i32
          %convert_element_type3A_173 = arith.extui %lt3A_172 : i1 to i32
          %cond3A_174 = arith.constant 0 : i32
          %cond3A_175 = arith.cmpi ne, %convert_element_type3A_173, %cond3A_174 : i32
          scf.if %cond3A_175 {
            %add3A_193 = arith.constant 1 : i32
            %add3A_194 = arith.addi %add3A_139, %add3A_193 : i32
            %mul3A_195 = arith.constant 16 : i32
            %mul3A_196 = arith.muli %mul3A_195, %add3A_194 : i32
            %add3A_197 = arith.addi %arg1, %mul3A_196 : i32
            %mul3A_198 = arith.constant 96 : i32
            %mul3A_199 = arith.muli %add3A_197, %mul3A_198 : i32
            %dma_wait3A_200 = tpu.memref_slice %arg7[%mul3A_199] : memref<50176xi32, #tpu.memory_space<vmem_shared>> -> memref<96xi32, #tpu.memory_space<vmem_shared>>
            %dma_wait3A_201 = tpu.memref_slice %arg7[%mul3A_199] : memref<50176xi32, #tpu.memory_space<vmem_shared>> -> memref<96xi32, #tpu.memory_space<vmem_shared>>
            tpu.wait_dma2 semaphore(%arg11 : memref<!tpu.dma_semaphore, #tpu.memory_space<semaphore_mem>>) src(%dma_wait3A_201 : memref<96xi32, #tpu.memory_space<vmem_shared>>) dst(%run_scoped3A : memref<96xi32, #tpu.memory_space<vmem>>)
            %add3A_202 = arith.constant 1 : i32
            %add3A_203 = arith.addi %add3A_139, %add3A_202 : i32
            %broadcast_in_dim3A_204 = arith.constant 0 : i32
            %broadcast_in_dim3A_205 = vector.broadcast %broadcast_in_dim3A_204 : i32 to vector<16xi32>
            %get3A_206 = arith.constant 0 : index
            %get3A_207 = tpu.vector_load %run_scoped3A[%get3A_206] {strides = array<i32>} : memref<96xi32, #tpu.memory_space<vmem>>, vector<16xi32>,
            %min3A_208 = arith.constant 99999 : i32
            %min3A_209 = vector.broadcast %min3A_208 : i32 to vector<16xi32>
            %min3A_210 = arith.minsi %get3A_207, %min3A_209 : vector<16xi32>
            %swap3A_211 = arith.constant 0 : index
            %swap3A_212 = tpu.vector_load %run_scoped3A[%swap3A_211] {strides = array<i32>} : memref<96xi32, #tpu.memory_space<vmem>>, vector<16xi32>,
            tpu.vector_store %run_scoped3A[%swap3A_211], %min3A_210 {strides = array<i32>} : memref<96xi32, #tpu.memory_space<vmem>>, vector<16xi32>,
            %max3A_213 = arith.maxsi %broadcast_in_dim3A_205, %min3A_210 : vector<16xi32>
            %get3A_214 = arith.constant 16 : index
            %get3A_215 = tpu.vector_load %run_scoped3A[%get3A_214] {strides = array<i32>} : memref<96xi32, #tpu.memory_space<vmem>>, vector<16xi32>,
            %min3A_216 = arith.constant 99999 : i32
            %min3A_217 = vector.broadcast %min3A_216 : i32 to vector<16xi32>
            %min3A_218 = arith.minsi %get3A_215, %min3A_217 : vector<16xi32>
            %swap3A_219 = arith.constant 16 : index
            %swap3A_220 = tpu.vector_load %run_scoped3A[%swap3A_219] {strides = array<i32>} : memref<96xi32, #tpu.memory_space<vmem>>, vector<16xi32>,
            tpu.vector_store %run_scoped3A[%swap3A_219], %min3A_218 {strides = array<i32>} : memref<96xi32, #tpu.memory_space<vmem>>, vector<16xi32>,
            %max3A_221 = arith.maxsi %max3A_213, %min3A_218 : vector<16xi32>
            %get3A_222 = arith.constant 32 : index
            %get3A_223 = tpu.vector_load %run_scoped3A[%get3A_222] {strides = array<i32>} : memref<96xi32, #tpu.memory_space<vmem>>, vector<16xi32>,
            %min3A_224 = arith.constant 99999 : i32
            %min3A_225 = vector.broadcast %min3A_224 : i32 to vector<16xi32>
            %min3A_226 = arith.minsi %get3A_223, %min3A_225 : vector<16xi32>
            %swap3A_227 = arith.constant 32 : index
            %swap3A_228 = tpu.vector_load %run_scoped3A[%swap3A_227] {strides = array<i32>} : memref<96xi32, #tpu.memory_space<vmem>>, vector<16xi32>,
            tpu.vector_store %run_scoped3A[%swap3A_227], %min3A_226 {strides = array<i32>} : memref<96xi32, #tpu.memory_space<vmem>>, vector<16xi32>,
            %max3A_229 = arith.maxsi %max3A_221, %min3A_226 : vector<16xi32>
            %get3A_230 = arith.constant 48 : index
            %get3A_231 = tpu.vector_load %run_scoped3A[%get3A_230] {strides = array<i32>} : memref<96xi32, #tpu.memory_space<vmem>>, vector<16xi32>,
            %min3A_232 = arith.constant 99999 : i32
            %min3A_233 = vector.broadcast %min3A_232 : i32 to vector<16xi32>
            %min3A_234 = arith.minsi %get3A_231, %min3A_233 : vector<16xi32>
            %swap3A_235 = arith.constant 48 : index
            %swap3A_236 = tpu.vector_load %run_scoped3A[%swap3A_235] {strides = array<i32>} : memref<96xi32, #tpu.memory_space<vmem>>, vector<16xi32>,
            tpu.vector_store %run_scoped3A[%swap3A_235], %min3A_234 {strides = array<i32>} : memref<96xi32, #tpu.memory_space<vmem>>, vector<16xi32>,
            %max3A_237 = arith.maxsi %max3A_229, %min3A_234 : vector<16xi32>
            %get3A_238 = arith.constant 64 : index
            %get3A_239 = tpu.vector_load %run_scoped3A[%get3A_238] {strides = array<i32>} : memref<96xi32, #tpu.memory_space<vmem>>, vector<16xi32>,
            %min3A_240 = arith.constant 99999 : i32
            %min3A_241 = vector.broadcast %min3A_240 : i32 to vector<16xi32>
            %min3A_242 = arith.minsi %get3A_239, %min3A_241 : vector<16xi32>
            %swap3A_243 = arith.constant 64 : index
            %swap3A_244 = tpu.vector_load %run_scoped3A[%swap3A_243] {strides = array<i32>} : memref<96xi32, #tpu.memory_space<vmem>>, vector<16xi32>,
            tpu.vector_store %run_scoped3A[%swap3A_243], %min3A_242 {strides = array<i32>} : memref<96xi32, #tpu.memory_space<vmem>>, vector<16xi32>,
            %max3A_245 = arith.maxsi %max3A_237, %min3A_242 : vector<16xi32>
            %get3A_246 = arith.constant 80 : index
            %get3A_247 = tpu.vector_load %run_scoped3A[%get3A_246] {strides = array<i32>} : memref<96xi32, #tpu.memory_space<vmem>>, vector<16xi32>,
            %min3A_248 = arith.constant 99999 : i32
            %min3A_249 = vector.broadcast %min3A_248 : i32 to vector<16xi32>
            %min3A_250 = arith.minsi %get3A_247, %min3A_249 : vector<16xi32>
            %swap3A_251 = arith.constant 80 : index
            %swap3A_252 = tpu.vector_load %run_scoped3A[%swap3A_251] {strides = array<i32>} : memref<96xi32, #tpu.memory_space<vmem>>, vector<16xi32>,
            tpu.vector_store %run_scoped3A[%swap3A_251], %min3A_250 {strides = array<i32>} : memref<96xi32, #tpu.memory_space<vmem>>, vector<16xi32>,
            %max3A_253 = arith.maxsi %max3A_245, %min3A_250 : vector<16xi32>
            %reduce_max3A_254 = arith.constant true
            %reduce_max3A_255 = vector.broadcast %reduce_max3A_254 : i1 to vector<16xi1>
            %reduce_max3A_256 = arith.constant -2147483648 : i32
            %reduce_max3A_257 = vector.broadcast %reduce_max3A_256 : i32 to vector<16xi32>
            %reduce_max3A_258 = arith.xori %max3A_253, %reduce_max3A_257 : vector<16xi32>
            %reduce_max3A_259 = tpu.scan <max>, %reduce_max3A_258 masked %reduce_max3A_255 : vector<16xi32>, vector<16xi1> -> vector<16xi32>
            %reduce_max3A_260 = arith.xori %reduce_max3A_259, %reduce_max3A_257 : vector<16xi32>
            %reduce_max3A_261 = vector.extract %reduce_max3A_260[15] : i32 from vector<16xi32>
            %add3A_262 = arith.constant 1 : i32
            %add3A_263 = arith.addi %add3A_139, %add3A_262 : i32
            %mul3A_264 = arith.constant 16 : i32
            %mul3A_265 = arith.muli %mul3A_264, %add3A_263 : i32
            %add3A_266 = arith.addi %arg1, %mul3A_265 : i32
            %mul3A_267 = arith.constant 96 : i32
            %mul3A_268 = arith.muli %add3A_266, %mul3A_267 : i32
            %add3A_269 = arith.addi %mul3A_0, %mul3A_268 : i32
            %lt3A_270 = arith.constant 4096 : i32
            %lt3A_271 = arith.cmpi slt, %reduce_max3A_261, %lt3A_270 : i32
            %convert_element_type3A_272 = arith.extui %lt3A_271 : i1 to i32
            %cond3A_273 = arith.constant 0 : i32
            %cond3A_274 = arith.cmpi ne, %convert_element_type3A_272, %cond3A_273 : i32
            scf.if %cond3A_274 {
              %dma_start3A_284 = arith.constant 0 : i32
              %dma_start3A_285 = arith.constant 0 : i32
              %dma_start3A_286 = tpu.memref_slice %arg8[%dma_start3A_284, %dma_start3A_285] : memref<4096x128xf32, #tpu.memory_space<vmem_shared>> -> memref<4096x128xf32, #tpu.memory_space<vmem_shared>>
              tpu.enqueue_indirect_dma source(%dma_start3A_286 : memref<4096x128xf32, #tpu.memory_space<vmem_shared>>) target(%run_scoped3A_9 : memref<96x128xf32, #tpu.memory_space<vmem>>) offsets(%run_scoped3A : memref<96xi32, #tpu.memory_space<vmem>>) semaphore(%arg13 : memref<!tpu.dma_semaphore, #tpu.memory_space<semaphore_mem>>)
            } else {
            }
            %ge3A_275 = arith.constant 4096 : i32
            %ge3A_276 = arith.cmpi sge, %reduce_max3A_261, %ge3A_275 : i32
            %convert_element_type3A_277 = arith.extui %ge3A_276 : i1 to i32
            %cond3A_278 = arith.constant 0 : i32
            %cond3A_279 = arith.cmpi ne, %convert_element_type3A_277, %cond3A_278 : i32
            scf.if %cond3A_279 {
              %dma_start3A_284 = arith.constant 0 : i32
              %dma_start3A_285 = arith.constant 0 : i32
              %dma_start3A_286 = tpu.memref_slice %arg4[%dma_start3A_284, %dma_start3A_285] : memref<100000x128xf32, #tpu.memory_space<hbm>> -> memref<100000x128xf32, #tpu.memory_space<hbm>>
              tpu.enqueue_indirect_dma source(%dma_start3A_286 : memref<100000x128xf32, #tpu.memory_space<hbm>>) target(%run_scoped3A_9 : memref<96x128xf32, #tpu.memory_space<vmem>>) offsets(%run_scoped3A : memref<96xi32, #tpu.memory_space<vmem>>) semaphore(%arg13 : memref<!tpu.dma_semaphore, #tpu.memory_space<semaphore_mem>>)
            } else {
            }
            %dma_start3A_280 = arith.constant 0 : i32
            %dma_start3A_281 = tpu.memref_slice %arg2[%add3A_269, %dma_start3A_280] : memref<100000x128xf32, #tpu.memory_space<hbm>> -> memref<96x128xf32, #tpu.memory_space<hbm>>
            %dma_start3A_282 = arith.constant 0 : i32
            %dma_start3A_283 = tpu.memref_slice %arg2[%add3A_269, %dma_start3A_282] : memref<100000x128xf32, #tpu.memory_space<hbm>> -> memref<96x128xf32, #tpu.memory_space<hbm>>
            tpu.enqueue_dma source(%dma_start3A_283 : memref<96x128xf32, #tpu.memory_space<hbm>>) target(%run_scoped3A_11 : memref<96x128xf32, #tpu.memory_space<vmem>>) target_semaphore(%arg15 : memref<!tpu.dma_semaphore, #tpu.memory_space<semaphore_mem>>)
          } else {
          }
          %scan3A_176 = arith.constant 0 : i32
          %scan3A_177 = arith.constant 0 : i32
          %scan3A_178 = arith.constant 48 : i32
          %scan3A_179 = arith.addi %scan3A_177, %scan3A_178 : i32
          %scan3A_180 = arith.constant 1 : i32
          %scan3A_181 = scf.for %scan3A_193 = %scan3A_177 to %scan3A_179 step %scan3A_180 iter_args(%scan3A_194 = %scan3A_176) -> (i32)  : i32 {
            %mul3A_195 = arith.constant 2 : i32
            %mul3A_196 = arith.muli %mul3A_195, %scan3A_193 : i32
            %add3A_197 = arith.constant 0 : i32
            %add3A_198 = arith.addi %mul3A_196, %add3A_197 : i32
            %mul3A_199 = arith.constant 2 : i32
            %mul3A_200 = arith.muli %mul3A_199, %scan3A_193 : i32
            %add3A_201 = arith.constant 0 : i32
            %add3A_202 = arith.addi %mul3A_200, %add3A_201 : i32
            %get3A_203 = arith.index_cast %add3A_202 : i32 to index
            %get3A_204 = arith.constant 0 : index
            %get3A_205 = tpu.vector_load %run_scoped3A_12[%get3A_203, %get3A_204] {strides = array<i32>} : memref<96x128xf32, #tpu.memory_space<vmem>>, vector<16xf32>,
            %swap3A_206 = arith.index_cast %add3A_198 : i32 to index
            %swap3A_207 = arith.constant 0 : index
            %swap3A_208 = tpu.vector_load %run_scoped3A_10[%swap3A_206, %swap3A_207] {strides = array<i32>} : memref<96x128xf32, #tpu.memory_space<vmem>>, vector<16xf32>,
            tpu.vector_store %run_scoped3A_10[%swap3A_206, %swap3A_207], %get3A_205 {add = true, strides = array<i32>} : memref<96x128xf32, #tpu.memory_space<vmem>>, vector<16xf32>,
            %mul3A_209 = arith.constant 2 : i32
            %mul3A_210 = arith.muli %mul3A_209, %scan3A_193 : i32
            %add3A_211 = arith.constant 0 : i32
            %add3A_212 = arith.addi %mul3A_210, %add3A_211 : i32
            %mul3A_213 = arith.constant 2 : i32
            %mul3A_214 = arith.muli %mul3A_213, %scan3A_193 : i32
            %add3A_215 = arith.constant 0 : i32
            %add3A_216 = arith.addi %mul3A_214, %add3A_215 : i32
            %get3A_217 = arith.index_cast %add3A_216 : i32 to index
            %get3A_218 = arith.constant 16 : index
            %get3A_219 = tpu.vector_load %run_scoped3A_12[%get3A_217, %get3A_218] {strides = array<i32>} : memref<96x128xf32, #tpu.memory_space<vmem>>, vector<16xf32>,
            %swap3A_220 = arith.index_cast %add3A_212 : i32 to index
            %swap3A_221 = arith.constant 16 : index
            %swap3A_222 = tpu.vector_load %run_scoped3A_10[%swap3A_220, %swap3A_221] {strides = array<i32>} : memref<96x128xf32, #tpu.memory_space<vmem>>, vector<16xf32>,
            tpu.vector_store %run_scoped3A_10[%swap3A_220, %swap3A_221], %get3A_219 {add = true, strides = array<i32>} : memref<96x128xf32, #tpu.memory_space<vmem>>, vector<16xf32>,
            %mul3A_223 = arith.constant 2 : i32
            %mul3A_224 = arith.muli %mul3A_223, %scan3A_193 : i32
            %add3A_225 = arith.constant 0 : i32
            %add3A_226 = arith.addi %mul3A_224, %add3A_225 : i32
            %mul3A_227 = arith.constant 2 : i32
            %mul3A_228 = arith.muli %mul3A_227, %scan3A_193 : i32
            %add3A_229 = arith.constant 0 : i32
            %add3A_230 = arith.addi %mul3A_228, %add3A_229 : i32
            %get3A_231 = arith.index_cast %add3A_230 : i32 to index
            %get3A_232 = arith.constant 32 : index
            %get3A_233 = tpu.vector_load %run_scoped3A_12[%get3A_231, %get3A_232] {strides = array<i32>} : memref<96x128xf32, #tpu.memory_space<vmem>>, vector<16xf32>,
            %swap3A_234 = arith.index_cast %add3A_226 : i32 to index
            %swap3A_235 = arith.constant 32 : index
            %swap3A_236 = tpu.vector_load %run_scoped3A_10[%swap3A_234, %swap3A_235] {strides = array<i32>} : memref<96x128xf32, #tpu.memory_space<vmem>>, vector<16xf32>,
            tpu.vector_store %run_scoped3A_10[%swap3A_234, %swap3A_235], %get3A_233 {add = true, strides = array<i32>} : memref<96x128xf32, #tpu.memory_space<vmem>>, vector<16xf32>,
            %mul3A_237 = arith.constant 2 : i32
            %mul3A_238 = arith.muli %mul3A_237, %scan3A_193 : i32
            %add3A_239 = arith.constant 0 : i32
            %add3A_240 = arith.addi %mul3A_238, %add3A_239 : i32
            %mul3A_241 = arith.constant 2 : i32
            %mul3A_242 = arith.muli %mul3A_241, %scan3A_193 : i32
            %add3A_243 = arith.constant 0 : i32
            %add3A_244 = arith.addi %mul3A_242, %add3A_243 : i32
            %get3A_245 = arith.index_cast %add3A_244 : i32 to index
            %get3A_246 = arith.constant 48 : index
            %get3A_247 = tpu.vector_load %run_scoped3A_12[%get3A_245, %get3A_246] {strides = array<i32>} : memref<96x128xf32, #tpu.memory_space<vmem>>, vector<16xf32>,
            %swap3A_248 = arith.index_cast %add3A_240 : i32 to index
            %swap3A_249 = arith.constant 48 : index
            %swap3A_250 = tpu.vector_load %run_scoped3A_10[%swap3A_248, %swap3A_249] {strides = array<i32>} : memref<96x128xf32, #tpu.memory_space<vmem>>, vector<16xf32>,
            tpu.vector_store %run_scoped3A_10[%swap3A_248, %swap3A_249], %get3A_247 {add = true, strides = array<i32>} : memref<96x128xf32, #tpu.memory_space<vmem>>, vector<16xf32>,
            %mul3A_251 = arith.constant 2 : i32
            %mul3A_252 = arith.muli %mul3A_251, %scan3A_193 : i32
            %add3A_253 = arith.constant 0 : i32
            %add3A_254 = arith.addi %mul3A_252, %add3A_253 : i32
            %mul3A_255 = arith.constant 2 : i32
            %mul3A_256 = arith.muli %mul3A_255, %scan3A_193 : i32
            %add3A_257 = arith.constant 0 : i32
            %add3A_258 = arith.addi %mul3A_256, %add3A_257 : i32
            %get3A_259 = arith.index_cast %add3A_258 : i32 to index
            %get3A_260 = arith.constant 64 : index
            %get3A_261 = tpu.vector_load %run_scoped3A_12[%get3A_259, %get3A_260] {strides = array<i32>} : memref<96x128xf32, #tpu.memory_space<vmem>>, vector<16xf32>,
            %swap3A_262 = arith.index_cast %add3A_254 : i32 to index
            %swap3A_263 = arith.constant 64 : index
            %swap3A_264 = tpu.vector_load %run_scoped3A_10[%swap3A_262, %swap3A_263] {strides = array<i32>} : memref<96x128xf32, #tpu.memory_space<vmem>>, vector<16xf32>,
            tpu.vector_store %run_scoped3A_10[%swap3A_262, %swap3A_263], %get3A_261 {add = true, strides = array<i32>} : memref<96x128xf32, #tpu.memory_space<vmem>>, vector<16xf32>,
            %mul3A_265 = arith.constant 2 : i32
            %mul3A_266 = arith.muli %mul3A_265, %scan3A_193 : i32
            %add3A_267 = arith.constant 0 : i32
            %add3A_268 = arith.addi %mul3A_266, %add3A_267 : i32
            %mul3A_269 = arith.constant 2 : i32
            %mul3A_270 = arith.muli %mul3A_269, %scan3A_193 : i32
            %add3A_271 = arith.constant 0 : i32
            %add3A_272 = arith.addi %mul3A_270, %add3A_271 : i32
            %get3A_273 = arith.index_cast %add3A_272 : i32 to index
            %get3A_274 = arith.constant 80 : index
            %get3A_275 = tpu.vector_load %run_scoped3A_12[%get3A_273, %get3A_274] {strides = array<i32>} : memref<96x128xf32, #tpu.memory_space<vmem>>, vector<16xf32>,
            %swap3A_276 = arith.index_cast %add3A_268 : i32 to index
            %swap3A_277 = arith.constant 80 : index
            %swap3A_278 = tpu.vector_load %run_scoped3A_10[%swap3A_276, %swap3A_277] {strides = array<i32>} : memref<96x128xf32, #tpu.memory_space<vmem>>, vector<16xf32>,
            tpu.vector_store %run_scoped3A_10[%swap3A_276, %swap3A_277], %get3A_275 {add = true, strides = array<i32>} : memref<96x128xf32, #tpu.memory_space<vmem>>, vector<16xf32>,
            %mul3A_279 = arith.constant 2 : i32
            %mul3A_280 = arith.muli %mul3A_279, %scan3A_193 : i32
            %add3A_281 = arith.constant 0 : i32
            %add3A_282 = arith.addi %mul3A_280, %add3A_281 : i32
            %mul3A_283 = arith.constant 2 : i32
            %mul3A_284 = arith.muli %mul3A_283, %scan3A_193 : i32
            %add3A_285 = arith.constant 0 : i32
            %add3A_286 = arith.addi %mul3A_284, %add3A_285 : i32
            %get3A_287 = arith.index_cast %add3A_286 : i32 to index
            %get3A_288 = arith.constant 96 : index
            %get3A_289 = tpu.vector_load %run_scoped3A_12[%get3A_287, %get3A_288] {strides = array<i32>} : memref<96x128xf32, #tpu.memory_space<vmem>>, vector<16xf32>,
            %swap3A_290 = arith.index_cast %add3A_282 : i32 to index
            %swap3A_291 = arith.constant 96 : index
            %swap3A_292 = tpu.vector_load %run_scoped3A_10[%swap3A_290, %swap3A_291] {strides = array<i32>} : memref<96x128xf32, #tpu.memory_space<vmem>>, vector<16xf32>,
            tpu.vector_store %run_scoped3A_10[%swap3A_290, %swap3A_291], %get3A_289 {add = true, strides = array<i32>} : memref<96x128xf32, #tpu.memory_space<vmem>>, vector<16xf32>,
            %mul3A_293 = arith.constant 2 : i32
            %mul3A_294 = arith.muli %mul3A_293, %scan3A_193 : i32
            %add3A_295 = arith.constant 0 : i32
            %add3A_296 = arith.addi %mul3A_294, %add3A_295 : i32
            %mul3A_297 = arith.constant 2 : i32
            %mul3A_298 = arith.muli %mul3A_297, %scan3A_193 : i32
            %add3A_299 = arith.constant 0 : i32
            %add3A_300 = arith.addi %mul3A_298, %add3A_299 : i32
            %get3A_301 = arith.index_cast %add3A_300 : i32 to index
            %get3A_302 = arith.constant 112 : index
            %get3A_303 = tpu.vector_load %run_scoped3A_12[%get3A_301, %get3A_302] {strides = array<i32>} : memref<96x128xf32, #tpu.memory_space<vmem>>, vector<16xf32>,
            %swap3A_304 = arith.index_cast %add3A_296 : i32 to index
            %swap3A_305 = arith.constant 112 : index
            %swap3A_306 = tpu.vector_load %run_scoped3A_10[%swap3A_304, %swap3A_305] {strides = array<i32>} : memref<96x128xf32, #tpu.memory_space<vmem>>, vector<16xf32>,
            tpu.vector_store %run_scoped3A_10[%swap3A_304, %swap3A_305], %get3A_303 {add = true, strides = array<i32>} : memref<96x128xf32, #tpu.memory_space<vmem>>, vector<16xf32>,
            %mul3A_307 = arith.constant 2 : i32
            %mul3A_308 = arith.muli %mul3A_307, %scan3A_193 : i32
            %add3A_309 = arith.constant 1 : i32
            %add3A_310 = arith.addi %mul3A_308, %add3A_309 : i32
            %mul3A_311 = arith.constant 2 : i32
            %mul3A_312 = arith.muli %mul3A_311, %scan3A_193 : i32
            %add3A_313 = arith.constant 1 : i32
            %add3A_314 = arith.addi %mul3A_312, %add3A_313 : i32
            %get3A_315 = arith.index_cast %add3A_314 : i32 to index
            %get3A_316 = arith.constant 0 : index
            %get3A_317 = tpu.vector_load %run_scoped3A_12[%get3A_315, %get3A_316] {strides = array<i32>} : memref<96x128xf32, #tpu.memory_space<vmem>>, vector<16xf32>,
            %swap3A_318 = arith.index_cast %add3A_310 : i32 to index
            %swap3A_319 = arith.constant 0 : index
            %swap3A_320 = tpu.vector_load %run_scoped3A_10[%swap3A_318, %swap3A_319] {strides = array<i32>} : memref<96x128xf32, #tpu.memory_space<vmem>>, vector<16xf32>,
            tpu.vector_store %run_scoped3A_10[%swap3A_318, %swap3A_319], %get3A_317 {add = true, strides = array<i32>} : memref<96x128xf32, #tpu.memory_space<vmem>>, vector<16xf32>,
            %mul3A_321 = arith.constant 2 : i32
            %mul3A_322 = arith.muli %mul3A_321, %scan3A_193 : i32
            %add3A_323 = arith.constant 1 : i32
            %add3A_324 = arith.addi %mul3A_322, %add3A_323 : i32
            %mul3A_325 = arith.constant 2 : i32
            %mul3A_326 = arith.muli %mul3A_325, %scan3A_193 : i32
            %add3A_327 = arith.constant 1 : i32
            %add3A_328 = arith.addi %mul3A_326, %add3A_327 : i32
            %get3A_329 = arith.index_cast %add3A_328 : i32 to index
            %get3A_330 = arith.constant 16 : index
            %get3A_331 = tpu.vector_load %run_scoped3A_12[%get3A_329, %get3A_330] {strides = array<i32>} : memref<96x128xf32, #tpu.memory_space<vmem>>, vector<16xf32>,
            %swap3A_332 = arith.index_cast %add3A_324 : i32 to index
            %swap3A_333 = arith.constant 16 : index
            %swap3A_334 = tpu.vector_load %run_scoped3A_10[%swap3A_332, %swap3A_333] {strides = array<i32>} : memref<96x128xf32, #tpu.memory_space<vmem>>, vector<16xf32>,
            tpu.vector_store %run_scoped3A_10[%swap3A_332, %swap3A_333], %get3A_331 {add = true, strides = array<i32>} : memref<96x128xf32, #tpu.memory_space<vmem>>, vector<16xf32>,
            %mul3A_335 = arith.constant 2 : i32
            %mul3A_336 = arith.muli %mul3A_335, %scan3A_193 : i32
            %add3A_337 = arith.constant 1 : i32
            %add3A_338 = arith.addi %mul3A_336, %add3A_337 : i32
            %mul3A_339 = arith.constant 2 : i32
            %mul3A_340 = arith.muli %mul3A_339, %scan3A_193 : i32
            %add3A_341 = arith.constant 1 : i32
            %add3A_342 = arith.addi %mul3A_340, %add3A_341 : i32
            %get3A_343 = arith.index_cast %add3A_342 : i32 to index
            %get3A_344 = arith.constant 32 : index
            %get3A_345 = tpu.vector_load %run_scoped3A_12[%get3A_343, %get3A_344] {strides = array<i32>} : memref<96x128xf32, #tpu.memory_space<vmem>>, vector<16xf32>,
            %swap3A_346 = arith.index_cast %add3A_338 : i32 to index
            %swap3A_347 = arith.constant 32 : index
            %swap3A_348 = tpu.vector_load %run_scoped3A_10[%swap3A_346, %swap3A_347] {strides = array<i32>} : memref<96x128xf32, #tpu.memory_space<vmem>>, vector<16xf32>,
            tpu.vector_store %run_scoped3A_10[%swap3A_346, %swap3A_347], %get3A_345 {add = true, strides = array<i32>} : memref<96x128xf32, #tpu.memory_space<vmem>>, vector<16xf32>,
            %mul3A_349 = arith.constant 2 : i32
            %mul3A_350 = arith.muli %mul3A_349, %scan3A_193 : i32
            %add3A_351 = arith.constant 1 : i32
            %add3A_352 = arith.addi %mul3A_350, %add3A_351 : i32
            %mul3A_353 = arith.constant 2 : i32
            %mul3A_354 = arith.muli %mul3A_353, %scan3A_193 : i32
            %add3A_355 = arith.constant 1 : i32
            %add3A_356 = arith.addi %mul3A_354, %add3A_355 : i32
            %get3A_357 = arith.index_cast %add3A_356 : i32 to index
            %get3A_358 = arith.constant 48 : index
            %get3A_359 = tpu.vector_load %run_scoped3A_12[%get3A_357, %get3A_358] {strides = array<i32>} : memref<96x128xf32, #tpu.memory_space<vmem>>, vector<16xf32>,
            %swap3A_360 = arith.index_cast %add3A_352 : i32 to index
            %swap3A_361 = arith.constant 48 : index
            %swap3A_362 = tpu.vector_load %run_scoped3A_10[%swap3A_360, %swap3A_361] {strides = array<i32>} : memref<96x128xf32, #tpu.memory_space<vmem>>, vector<16xf32>,
            tpu.vector_store %run_scoped3A_10[%swap3A_360, %swap3A_361], %get3A_359 {add = true, strides = array<i32>} : memref<96x128xf32, #tpu.memory_space<vmem>>, vector<16xf32>,
            %mul3A_363 = arith.constant 2 : i32
            %mul3A_364 = arith.muli %mul3A_363, %scan3A_193 : i32
            %add3A_365 = arith.constant 1 : i32
            %add3A_366 = arith.addi %mul3A_364, %add3A_365 : i32
            %mul3A_367 = arith.constant 2 : i32
            %mul3A_368 = arith.muli %mul3A_367, %scan3A_193 : i32
            %add3A_369 = arith.constant 1 : i32
            %add3A_370 = arith.addi %mul3A_368, %add3A_369 : i32
            %get3A_371 = arith.index_cast %add3A_370 : i32 to index
            %get3A_372 = arith.constant 64 : index
            %get3A_373 = tpu.vector_load %run_scoped3A_12[%get3A_371, %get3A_372] {strides = array<i32>} : memref<96x128xf32, #tpu.memory_space<vmem>>, vector<16xf32>,
            %swap3A_374 = arith.index_cast %add3A_366 : i32 to index
            %swap3A_375 = arith.constant 64 : index
            %swap3A_376 = tpu.vector_load %run_scoped3A_10[%swap3A_374, %swap3A_375] {strides = array<i32>} : memref<96x128xf32, #tpu.memory_space<vmem>>, vector<16xf32>,
            tpu.vector_store %run_scoped3A_10[%swap3A_374, %swap3A_375], %get3A_373 {add = true, strides = array<i32>} : memref<96x128xf32, #tpu.memory_space<vmem>>, vector<16xf32>,
            %mul3A_377 = arith.constant 2 : i32
            %mul3A_378 = arith.muli %mul3A_377, %scan3A_193 : i32
            %add3A_379 = arith.constant 1 : i32
            %add3A_380 = arith.addi %mul3A_378, %add3A_379 : i32
            %mul3A_381 = arith.constant 2 : i32
            %mul3A_382 = arith.muli %mul3A_381, %scan3A_193 : i32
            %add3A_383 = arith.constant 1 : i32
            %add3A_384 = arith.addi %mul3A_382, %add3A_383 : i32
            %get3A_385 = arith.index_cast %add3A_384 : i32 to index
            %get3A_386 = arith.constant 80 : index
            %get3A_387 = tpu.vector_load %run_scoped3A_12[%get3A_385, %get3A_386] {strides = array<i32>} : memref<96x128xf32, #tpu.memory_space<vmem>>, vector<16xf32>,
            %swap3A_388 = arith.index_cast %add3A_380 : i32 to index
            %swap3A_389 = arith.constant 80 : index
            %swap3A_390 = tpu.vector_load %run_scoped3A_10[%swap3A_388, %swap3A_389] {strides = array<i32>} : memref<96x128xf32, #tpu.memory_space<vmem>>, vector<16xf32>,
            tpu.vector_store %run_scoped3A_10[%swap3A_388, %swap3A_389], %get3A_387 {add = true, strides = array<i32>} : memref<96x128xf32, #tpu.memory_space<vmem>>, vector<16xf32>,
            %mul3A_391 = arith.constant 2 : i32
            %mul3A_392 = arith.muli %mul3A_391, %scan3A_193 : i32
            %add3A_393 = arith.constant 1 : i32
            %add3A_394 = arith.addi %mul3A_392, %add3A_393 : i32
            %mul3A_395 = arith.constant 2 : i32
            %mul3A_396 = arith.muli %mul3A_395, %scan3A_193 : i32
            %add3A_397 = arith.constant 1 : i32
            %add3A_398 = arith.addi %mul3A_396, %add3A_397 : i32
            %get3A_399 = arith.index_cast %add3A_398 : i32 to index
            %get3A_400 = arith.constant 96 : index
            %get3A_401 = tpu.vector_load %run_scoped3A_12[%get3A_399, %get3A_400] {strides = array<i32>} : memref<96x128xf32, #tpu.memory_space<vmem>>, vector<16xf32>,
            %swap3A_402 = arith.index_cast %add3A_394 : i32 to index
            %swap3A_403 = arith.constant 96 : index
            %swap3A_404 = tpu.vector_load %run_scoped3A_10[%swap3A_402, %swap3A_403] {strides = array<i32>} : memref<96x128xf32, #tpu.memory_space<vmem>>, vector<16xf32>,
            tpu.vector_store %run_scoped3A_10[%swap3A_402, %swap3A_403], %get3A_401 {add = true, strides = array<i32>} : memref<96x128xf32, #tpu.memory_space<vmem>>, vector<16xf32>,
            %mul3A_405 = arith.constant 2 : i32
            %mul3A_406 = arith.muli %mul3A_405, %scan3A_193 : i32
            %add3A_407 = arith.constant 1 : i32
            %add3A_408 = arith.addi %mul3A_406, %add3A_407 : i32
            %mul3A_409 = arith.constant 2 : i32
            %mul3A_410 = arith.muli %mul3A_409, %scan3A_193 : i32
            %add3A_411 = arith.constant 1 : i32
            %add3A_412 = arith.addi %mul3A_410, %add3A_411 : i32
            %get3A_413 = arith.index_cast %add3A_412 : i32 to index
            %get3A_414 = arith.constant 112 : index
            %get3A_415 = tpu.vector_load %run_scoped3A_12[%get3A_413, %get3A_414] {strides = array<i32>} : memref<96x128xf32, #tpu.memory_space<vmem>>, vector<16xf32>,
            %swap3A_416 = arith.index_cast %add3A_408 : i32 to index
            %swap3A_417 = arith.constant 112 : index
            %swap3A_418 = tpu.vector_load %run_scoped3A_10[%swap3A_416, %swap3A_417] {strides = array<i32>} : memref<96x128xf32, #tpu.memory_space<vmem>>, vector<16xf32>,
            tpu.vector_store %run_scoped3A_10[%swap3A_416, %swap3A_417], %get3A_415 {add = true, strides = array<i32>} : memref<96x128xf32, #tpu.memory_space<vmem>>, vector<16xf32>,
            %scan3A_419 = arith.constant 0 : i32
            scf.yield %scan3A_419 : i32
          }
          %scan3A_182 = arith.constant 48 : i32
          %mul3A_183 = arith.constant 16 : i32
          %mul3A_184 = arith.muli %mul3A_183, %add3A_139 : i32
          %add3A_185 = arith.addi %arg1, %mul3A_184 : i32
          %mul3A_186 = arith.constant 96 : i32
          %mul3A_187 = arith.muli %add3A_185, %mul3A_186 : i32
          %add3A_188 = arith.addi %mul3A_0, %mul3A_187 : i32
          %dma_start3A_189 = arith.constant 0 : i32
          %dma_start3A_190 = tpu.memref_slice %arg5[%add3A_188, %dma_start3A_189] : memref<100000x128xf32, #tpu.memory_space<hbm>> -> memref<96x128xf32, #tpu.memory_space<hbm>>
          %dma_start3A_191 = arith.constant 0 : i32
          %dma_start3A_192 = tpu.memref_slice %arg5[%add3A_188, %dma_start3A_191] : memref<100000x128xf32, #tpu.memory_space<hbm>> -> memref<96x128xf32, #tpu.memory_space<hbm>>
          tpu.enqueue_dma source(%run_scoped3A_10 : memref<96x128xf32, #tpu.memory_space<vmem>>) target(%dma_start3A_192 : memref<96x128xf32, #tpu.memory_space<hbm>>) target_semaphore(%arg18 : memref<!tpu.dma_semaphore, #tpu.memory_space<semaphore_mem>>)
        } else {
        }
        %scan3A_137 = arith.constant 0 : i32
        scf.yield %scan3A_137 : i32
      }
      %scan3A_100 = arith.constant 17 : i32
      %sub3A_101 = arith.constant 512 : i32
      %sub3A_102 = arith.subi %sub3A_3, %sub3A_101 : i32
      %lt3A_103 = arith.cmpi slt, %arg1, %sub3A_102 : i32
      %convert_element_type3A_104 = arith.extui %lt3A_103 : i1 to i32
      %cond3A_105 = arith.constant 0 : i32
      %cond3A_106 = arith.cmpi ne, %convert_element_type3A_104, %cond3A_105 : i32
      scf.if %cond3A_106 {
        %add3A_117 = arith.constant 512 : i32
        %add3A_118 = arith.addi %arg1, %add3A_117 : i32
        %mul3A_119 = arith.constant 96 : i32
        %mul3A_120 = arith.muli %add3A_118, %mul3A_119 : i32
        %add3A_121 = arith.addi %mul3A_0, %mul3A_120 : i32
        %dma_wait3A_122 = arith.constant 0 : i32
        %dma_wait3A_123 = tpu.memref_slice %arg5[%add3A_121, %dma_wait3A_122] : memref<100000x128xf32, #tpu.memory_space<hbm>> -> memref<96x128xf32, #tpu.memory_space<hbm>>
        %dma_wait3A_124 = arith.constant 0 : i32
        %dma_wait3A_125 = tpu.memref_slice %arg5[%add3A_121, %dma_wait3A_124] : memref<100000x128xf32, #tpu.memory_space<hbm>> -> memref<96x128xf32, #tpu.memory_space<hbm>>
        tpu.wait_dma2 semaphore(%arg17 : memref<!tpu.dma_semaphore, #tpu.memory_space<semaphore_mem>>) src(%run_scoped3A_9 : memref<96x128xf32, #tpu.memory_space<vmem>>) dst(%dma_wait3A_125 : memref<96x128xf32, #tpu.memory_space<hbm>>)
      } else {
      }
      %not3A = arith.constant true
      %not3A_107 = arith.xori %lt3A_103, %not3A : i1
      %convert_element_type3A_108 = arith.extui %not3A_107 : i1 to i32
      %cond3A_109 = arith.constant 0 : i32
      %cond3A_110 = arith.cmpi ne, %convert_element_type3A_108, %cond3A_109 : i32
      scf.if %cond3A_110 {
        %add3A_117 = arith.constant 496 : i32
        %add3A_118 = arith.addi %arg1, %add3A_117 : i32
        %mul3A_119 = arith.constant 96 : i32
        %mul3A_120 = arith.muli %add3A_118, %mul3A_119 : i32
        %add3A_121 = arith.addi %mul3A_0, %mul3A_120 : i32
        %dma_wait3A_122 = arith.constant 0 : i32
        %dma_wait3A_123 = tpu.memref_slice %arg5[%add3A_121, %dma_wait3A_122] : memref<100000x128xf32, #tpu.memory_space<hbm>> -> memref<96x128xf32, #tpu.memory_space<hbm>>
        %dma_wait3A_124 = arith.constant 0 : i32
        %dma_wait3A_125 = tpu.memref_slice %arg5[%add3A_121, %dma_wait3A_124] : memref<100000x128xf32, #tpu.memory_space<hbm>> -> memref<96x128xf32, #tpu.memory_space<hbm>>
        tpu.wait_dma2 semaphore(%arg18 : memref<!tpu.dma_semaphore, #tpu.memory_space<semaphore_mem>>) src(%run_scoped3A_10 : memref<96x128xf32, #tpu.memory_space<vmem>>) dst(%dma_wait3A_125 : memref<96x128xf32, #tpu.memory_space<hbm>>)
      } else {
      }
      %eq3A = arith.constant 13 : i32
      %eq3A_111 = arith.cmpi eq, %arg1, %eq3A : i32
      %eq3A_112 = arith.constant 0 : i32
      %eq3A_113 = arith.cmpi eq, %arg0, %eq3A_112 : i32
      %and3A = arith.andi %eq3A_111, %eq3A_113 : i1
      %convert_element_type3A_114 = arith.extui %and3A : i1 to i32
      %cond3A_115 = arith.constant 0 : i32
      %cond3A_116 = arith.cmpi ne, %convert_element_type3A_114, %cond3A_115 : i32
      scf.if %cond3A_116 {
        "tpu.region"() ({
          %run_scoped3A_208 = tpu.sem_alloc : memref<!tpu.dma_semaphore, #tpu.memory_space<semaphore_mem>>
          %dma_start3A_209 = arith.constant 0 : i32
          %dma_start3A_210 = tpu.memref_slice %run_scoped3A[%dma_start3A_209] : memref<96xi32, #tpu.memory_space<vmem>> -> memref<64xi32, #tpu.memory_space<vmem>>
          %dma_start3A_211 = arith.constant 50112 : i32
          %dma_start3A_212 = tpu.memref_slice %arg7[%dma_start3A_211] : memref<50176xi32, #tpu.memory_space<vmem_shared>> -> memref<64xi32, #tpu.memory_space<vmem_shared>>
          %dma_start3A_213 = arith.constant 0 : i32
          %dma_start3A_214 = tpu.memref_slice %run_scoped3A[%dma_start3A_213] : memref<96xi32, #tpu.memory_space<vmem>> -> memref<64xi32, #tpu.memory_space<vmem>>
          %dma_start3A_215 = arith.constant 50112 : i32
          %dma_start3A_216 = tpu.memref_slice %arg7[%dma_start3A_215] : memref<50176xi32, #tpu.memory_space<vmem_shared>> -> memref<64xi32, #tpu.memory_space<vmem_shared>>
          tpu.enqueue_dma source(%dma_start3A_216 : memref<64xi32, #tpu.memory_space<vmem_shared>>) target(%dma_start3A_214 : memref<64xi32, #tpu.memory_space<vmem>>) target_semaphore(%run_scoped3A_208 : memref<!tpu.dma_semaphore, #tpu.memory_space<semaphore_mem>>)
          %dma_wait3A_217 = arith.constant 0 : i32
          %dma_wait3A_218 = tpu.memref_slice %run_scoped3A[%dma_wait3A_217] : memref<96xi32, #tpu.memory_space<vmem>> -> memref<64xi32, #tpu.memory_space<vmem>>
          %dma_wait3A_219 = arith.constant 50112 : i32
          %dma_wait3A_220 = tpu.memref_slice %arg7[%dma_wait3A_219] : memref<50176xi32, #tpu.memory_space<vmem_shared>> -> memref<64xi32, #tpu.memory_space<vmem_shared>>
          %dma_wait3A_221 = arith.constant 0 : i32
          %dma_wait3A_222 = tpu.memref_slice %run_scoped3A[%dma_wait3A_221] : memref<96xi32, #tpu.memory_space<vmem>> -> memref<64xi32, #tpu.memory_space<vmem>>
          %dma_wait3A_223 = arith.constant 50112 : i32
          %dma_wait3A_224 = tpu.memref_slice %arg7[%dma_wait3A_223] : memref<50176xi32, #tpu.memory_space<vmem_shared>> -> memref<64xi32, #tpu.memory_space<vmem_shared>>
          tpu.wait_dma2 semaphore(%run_scoped3A_208 : memref<!tpu.dma_semaphore, #tpu.memory_space<semaphore_mem>>) src(%dma_wait3A_224 : memref<64xi32, #tpu.memory_space<vmem_shared>>) dst(%dma_wait3A_222 : memref<64xi32, #tpu.memory_space<vmem>>)
          tpu.yield
        }) : () -> ()
        %broadcast_in_dim3A_117 = arith.constant 0 : i32
        %broadcast_in_dim3A_118 = vector.broadcast %broadcast_in_dim3A_117 : i32 to vector<16xi32>
        %get3A_119 = arith.constant 0 : index
        %get3A_120 = tpu.vector_load %run_scoped3A[%get3A_119] {strides = array<i32>} : memref<96xi32, #tpu.memory_space<vmem>>, vector<16xi32>,
        %min3A_121 = arith.constant 99999 : i32
        %min3A_122 = vector.broadcast %min3A_121 : i32 to vector<16xi32>
        %min3A_123 = arith.minsi %get3A_120, %min3A_122 : vector<16xi32>
        %swap3A_124 = arith.constant 0 : index
        %swap3A_125 = tpu.vector_load %run_scoped3A[%swap3A_124] {strides = array<i32>} : memref<96xi32, #tpu.memory_space<vmem>>, vector<16xi32>,
        tpu.vector_store %run_scoped3A[%swap3A_124], %min3A_123 {strides = array<i32>} : memref<96xi32, #tpu.memory_space<vmem>>, vector<16xi32>,
        %max3A_126 = arith.maxsi %broadcast_in_dim3A_118, %min3A_123 : vector<16xi32>
        %get3A_127 = arith.constant 16 : index
        %get3A_128 = tpu.vector_load %run_scoped3A[%get3A_127] {strides = array<i32>} : memref<96xi32, #tpu.memory_space<vmem>>, vector<16xi32>,
        %min3A_129 = arith.constant 99999 : i32
        %min3A_130 = vector.broadcast %min3A_129 : i32 to vector<16xi32>
        %min3A_131 = arith.minsi %get3A_128, %min3A_130 : vector<16xi32>
        %swap3A_132 = arith.constant 16 : index
        %swap3A_133 = tpu.vector_load %run_scoped3A[%swap3A_132] {strides = array<i32>} : memref<96xi32, #tpu.memory_space<vmem>>, vector<16xi32>,
        tpu.vector_store %run_scoped3A[%swap3A_132], %min3A_131 {strides = array<i32>} : memref<96xi32, #tpu.memory_space<vmem>>, vector<16xi32>,
        %max3A_134 = arith.maxsi %max3A_126, %min3A_131 : vector<16xi32>
        %get3A_135 = arith.constant 32 : index
        %get3A_136 = tpu.vector_load %run_scoped3A[%get3A_135] {strides = array<i32>} : memref<96xi32, #tpu.memory_space<vmem>>, vector<16xi32>,
        %min3A_137 = arith.constant 99999 : i32
        %min3A_138 = vector.broadcast %min3A_137 : i32 to vector<16xi32>
        %min3A_139 = arith.minsi %get3A_136, %min3A_138 : vector<16xi32>
        %swap3A_140 = arith.constant 32 : index
        %swap3A_141 = tpu.vector_load %run_scoped3A[%swap3A_140] {strides = array<i32>} : memref<96xi32, #tpu.memory_space<vmem>>, vector<16xi32>,
        tpu.vector_store %run_scoped3A[%swap3A_140], %min3A_139 {strides = array<i32>} : memref<96xi32, #tpu.memory_space<vmem>>, vector<16xi32>,
        %max3A_142 = arith.maxsi %max3A_134, %min3A_139 : vector<16xi32>
        %get3A_143 = arith.constant 48 : index
        %get3A_144 = tpu.vector_load %run_scoped3A[%get3A_143] {strides = array<i32>} : memref<96xi32, #tpu.memory_space<vmem>>, vector<16xi32>,
        %min3A_145 = arith.constant 99999 : i32
        %min3A_146 = vector.broadcast %min3A_145 : i32 to vector<16xi32>
        %min3A_147 = arith.minsi %get3A_144, %min3A_146 : vector<16xi32>
        %swap3A_148 = arith.constant 48 : index
        %swap3A_149 = tpu.vector_load %run_scoped3A[%swap3A_148] {strides = array<i32>} : memref<96xi32, #tpu.memory_space<vmem>>, vector<16xi32>,
        tpu.vector_store %run_scoped3A[%swap3A_148], %min3A_147 {strides = array<i32>} : memref<96xi32, #tpu.memory_space<vmem>>, vector<16xi32>,
        %max3A_150 = arith.maxsi %max3A_142, %min3A_147 : vector<16xi32>
        %reduce_max3A_151 = arith.constant true
        %reduce_max3A_152 = vector.broadcast %reduce_max3A_151 : i1 to vector<16xi1>
        %reduce_max3A_153 = arith.constant -2147483648 : i32
        %reduce_max3A_154 = vector.broadcast %reduce_max3A_153 : i32 to vector<16xi32>
        %reduce_max3A_155 = arith.xori %max3A_150, %reduce_max3A_154 : vector<16xi32>
        %reduce_max3A_156 = tpu.scan <max>, %reduce_max3A_155 masked %reduce_max3A_152 : vector<16xi32>, vector<16xi1> -> vector<16xi32>
        %reduce_max3A_157 = arith.xori %reduce_max3A_156, %reduce_max3A_154 : vector<16xi32>
        %reduce_max3A_158 = vector.extract %reduce_max3A_157[15] : i32 from vector<16xi32>
        %lt3A_159 = arith.constant 4096 : i32
        %lt3A_160 = arith.cmpi slt, %reduce_max3A_158, %lt3A_159 : i32
        %convert_element_type3A_161 = arith.extui %lt3A_160 : i1 to i32
        %cond3A_162 = arith.constant 0 : i32
        %cond3A_163 = arith.cmpi ne, %convert_element_type3A_161, %cond3A_162 : i32
        scf.if %cond3A_163 {
          %dma_start3A_208 = arith.constant 0 : i32
          %dma_start3A_209 = arith.constant 0 : i32
          %dma_start3A_210 = tpu.memref_slice %run_scoped3A_9[%dma_start3A_208, %dma_start3A_209] : memref<96x128xf32, #tpu.memory_space<vmem>> -> memref<64x128xf32, #tpu.memory_space<vmem>>
          %dma_start3A_211 = arith.constant 0 : i32
          %dma_start3A_212 = tpu.memref_slice %run_scoped3A[%dma_start3A_211] : memref<96xi32, #tpu.memory_space<vmem>> -> memref<64xi32, #tpu.memory_space<vmem>>
          %dma_start3A_213 = arith.constant 0 : i32
          %dma_start3A_214 = arith.constant 0 : i32
          %dma_start3A_215 = tpu.memref_slice %arg8[%dma_start3A_213, %dma_start3A_214] : memref<4096x128xf32, #tpu.memory_space<vmem_shared>> -> memref<4096x128xf32, #tpu.memory_space<vmem_shared>>
          tpu.enqueue_indirect_dma source(%dma_start3A_215 : memref<4096x128xf32, #tpu.memory_space<vmem_shared>>) target(%dma_start3A_210 : memref<64x128xf32, #tpu.memory_space<vmem>>) offsets(%dma_start3A_212 : memref<64xi32, #tpu.memory_space<vmem>>) semaphore(%arg13 : memref<!tpu.dma_semaphore, #tpu.memory_space<semaphore_mem>>)
        } else {
        }
        %ge3A_164 = arith.constant 4096 : i32
        %ge3A_165 = arith.cmpi sge, %reduce_max3A_158, %ge3A_164 : i32
        %convert_element_type3A_166 = arith.extui %ge3A_165 : i1 to i32
        %cond3A_167 = arith.constant 0 : i32
        %cond3A_168 = arith.cmpi ne, %convert_element_type3A_166, %cond3A_167 : i32
        scf.if %cond3A_168 {
          %dma_start3A_208 = arith.constant 0 : i32
          %dma_start3A_209 = arith.constant 0 : i32
          %dma_start3A_210 = tpu.memref_slice %run_scoped3A_9[%dma_start3A_208, %dma_start3A_209] : memref<96x128xf32, #tpu.memory_space<vmem>> -> memref<64x128xf32, #tpu.memory_space<vmem>>
          %dma_start3A_211 = arith.constant 0 : i32
          %dma_start3A_212 = tpu.memref_slice %run_scoped3A[%dma_start3A_211] : memref<96xi32, #tpu.memory_space<vmem>> -> memref<64xi32, #tpu.memory_space<vmem>>
          %dma_start3A_213 = arith.constant 0 : i32
          %dma_start3A_214 = arith.constant 0 : i32
          %dma_start3A_215 = tpu.memref_slice %arg4[%dma_start3A_213, %dma_start3A_214] : memref<100000x128xf32, #tpu.memory_space<hbm>> -> memref<100000x128xf32, #tpu.memory_space<hbm>>
          tpu.enqueue_indirect_dma source(%dma_start3A_215 : memref<100000x128xf32, #tpu.memory_space<hbm>>) target(%dma_start3A_210 : memref<64x128xf32, #tpu.memory_space<vmem>>) offsets(%dma_start3A_212 : memref<64xi32, #tpu.memory_space<vmem>>) semaphore(%arg13 : memref<!tpu.dma_semaphore, #tpu.memory_space<semaphore_mem>>)
        } else {
        }
        %dma_start3A_169 = arith.constant 0 : i32
        %dma_start3A_170 = arith.constant 0 : i32
        %dma_start3A_171 = tpu.memref_slice %run_scoped3A_11[%dma_start3A_169, %dma_start3A_170] : memref<96x128xf32, #tpu.memory_space<vmem>> -> memref<64x128xf32, #tpu.memory_space<vmem>>
        %dma_start3A_172 = arith.constant 50112 : i32
        %dma_start3A_173 = arith.constant 0 : i32
        %dma_start3A_174 = tpu.memref_slice %arg2[%dma_start3A_172, %dma_start3A_173] : memref<100000x128xf32, #tpu.memory_space<hbm>> -> memref<64x128xf32, #tpu.memory_space<hbm>>
        %dma_start3A_175 = arith.constant 0 : i32
        %dma_start3A_176 = arith.constant 0 : i32
        %dma_start3A_177 = tpu.memref_slice %run_scoped3A_11[%dma_start3A_175, %dma_start3A_176] : memref<96x128xf32, #tpu.memory_space<vmem>> -> memref<64x128xf32, #tpu.memory_space<vmem>>
        %dma_start3A_178 = arith.constant 50112 : i32
        %dma_start3A_179 = arith.constant 0 : i32
        %dma_start3A_180 = tpu.memref_slice %arg2[%dma_start3A_178, %dma_start3A_179] : memref<100000x128xf32, #tpu.memory_space<hbm>> -> memref<64x128xf32, #tpu.memory_space<hbm>>
        tpu.enqueue_dma source(%dma_start3A_180 : memref<64x128xf32, #tpu.memory_space<hbm>>) target(%dma_start3A_177 : memref<64x128xf32, #tpu.memory_space<vmem>>) target_semaphore(%arg15 : memref<!tpu.dma_semaphore, #tpu.memory_space<semaphore_mem>>)
        %dma_wait3A_181 = arith.constant 0 : i32
        %dma_wait3A_182 = arith.constant 0 : i32
        %dma_wait3A_183 = tpu.memref_slice %run_scoped3A_9[%dma_wait3A_181, %dma_wait3A_182] : memref<96x128xf32, #tpu.memory_space<vmem>> -> memref<64x128xf32, #tpu.memory_space<vmem>>
        %dma_wait3A_184 = arith.constant 0 : i32
        %dma_wait3A_185 = tpu.memref_slice %run_scoped3A[%dma_wait3A_184] : memref<96xi32, #tpu.memory_space<vmem>> -> memref<64xi32, #tpu.memory_space<vmem>>
        %dma_wait3A_186 = arith.constant 0 : i32
        %dma_wait3A_187 = arith.constant 0 : i32
        %dma_wait3A_188 = tpu.memref_slice %arg4[%dma_wait3A_186, %dma_wait3A_187] : memref<100000x128xf32, #tpu.memory_space<hbm>> -> memref<100000x128xf32, #tpu.memory_space<hbm>>
        tpu.wait_indirect_dma semaphore(%arg13 : memref<!tpu.dma_semaphore, #tpu.memory_space<semaphore_mem>>) src(%dma_wait3A_188 : memref<100000x128xf32, #tpu.memory_space<hbm>>) dst(%dma_wait3A_183 : memref<64x128xf32, #tpu.memory_space<vmem>>)
        %dma_wait3A_189 = arith.constant 0 : i32
        %dma_wait3A_190 = arith.constant 0 : i32
        %dma_wait3A_191 = tpu.memref_slice %run_scoped3A_11[%dma_wait3A_189, %dma_wait3A_190] : memref<96x128xf32, #tpu.memory_space<vmem>> -> memref<64x128xf32, #tpu.memory_space<vmem>>
        %dma_wait3A_192 = arith.constant 50112 : i32
        %dma_wait3A_193 = arith.constant 0 : i32
        %dma_wait3A_194 = tpu.memref_slice %arg2[%dma_wait3A_192, %dma_wait3A_193] : memref<100000x128xf32, #tpu.memory_space<hbm>> -> memref<64x128xf32, #tpu.memory_space<hbm>>
        %dma_wait3A_195 = arith.constant 0 : i32
        %dma_wait3A_196 = arith.constant 0 : i32
        %dma_wait3A_197 = tpu.memref_slice %run_scoped3A_11[%dma_wait3A_195, %dma_wait3A_196] : memref<96x128xf32, #tpu.memory_space<vmem>> -> memref<64x128xf32, #tpu.memory_space<vmem>>
        %dma_wait3A_198 = arith.constant 50112 : i32
        %dma_wait3A_199 = arith.constant 0 : i32
        %dma_wait3A_200 = tpu.memref_slice %arg2[%dma_wait3A_198, %dma_wait3A_199] : memref<100000x128xf32, #tpu.memory_space<hbm>> -> memref<64x128xf32, #tpu.memory_space<hbm>>
        tpu.wait_dma2 semaphore(%arg15 : memref<!tpu.dma_semaphore, #tpu.memory_space<semaphore_mem>>) src(%dma_wait3A_200 : memref<64x128xf32, #tpu.memory_space<hbm>>) dst(%dma_wait3A_197 : memref<64x128xf32, #tpu.memory_space<vmem>>)
        %scan3A_201 = arith.constant 0 : i32
        %scan3A_202 = arith.constant 0 : i32
        %scan3A_203 = arith.constant 64 : i32
        %scan3A_204 = arith.addi %scan3A_202, %scan3A_203 : i32
        %scan3A_205 = arith.constant 1 : i32
        %scan3A_206 = scf.for %scan3A_208 = %scan3A_202 to %scan3A_204 step %scan3A_205 iter_args(%scan3A_209 = %scan3A_201) -> (i32)  : i32 {
          %get3A_210 = arith.index_cast %scan3A_208 : i32 to index
          %get3A_211 = arith.constant 0 : index
          %get3A_212 = tpu.vector_load %run_scoped3A_11[%get3A_210, %get3A_211] {strides = array<i32>} : memref<96x128xf32, #tpu.memory_space<vmem>>, vector<16xf32>,
          %swap3A_213 = arith.index_cast %scan3A_208 : i32 to index
          %swap3A_214 = arith.constant 0 : index
          %swap3A_215 = tpu.vector_load %run_scoped3A_9[%swap3A_213, %swap3A_214] {strides = array<i32>} : memref<96x128xf32, #tpu.memory_space<vmem>>, vector<16xf32>,
          tpu.vector_store %run_scoped3A_9[%swap3A_213, %swap3A_214], %get3A_212 {add = true, strides = array<i32>} : memref<96x128xf32, #tpu.memory_space<vmem>>, vector<16xf32>,
          %get3A_216 = arith.index_cast %scan3A_208 : i32 to index
          %get3A_217 = arith.constant 16 : index
          %get3A_218 = tpu.vector_load %run_scoped3A_11[%get3A_216, %get3A_217] {strides = array<i32>} : memref<96x128xf32, #tpu.memory_space<vmem>>, vector<16xf32>,
          %swap3A_219 = arith.index_cast %scan3A_208 : i32 to index
          %swap3A_220 = arith.constant 16 : index
          %swap3A_221 = tpu.vector_load %run_scoped3A_9[%swap3A_219, %swap3A_220] {strides = array<i32>} : memref<96x128xf32, #tpu.memory_space<vmem>>, vector<16xf32>,
          tpu.vector_store %run_scoped3A_9[%swap3A_219, %swap3A_220], %get3A_218 {add = true, strides = array<i32>} : memref<96x128xf32, #tpu.memory_space<vmem>>, vector<16xf32>,
          %get3A_222 = arith.index_cast %scan3A_208 : i32 to index
          %get3A_223 = arith.constant 32 : index
          %get3A_224 = tpu.vector_load %run_scoped3A_11[%get3A_222, %get3A_223] {strides = array<i32>} : memref<96x128xf32, #tpu.memory_space<vmem>>, vector<16xf32>,
          %swap3A_225 = arith.index_cast %scan3A_208 : i32 to index
          %swap3A_226 = arith.constant 32 : index
          %swap3A_227 = tpu.vector_load %run_scoped3A_9[%swap3A_225, %swap3A_226] {strides = array<i32>} : memref<96x128xf32, #tpu.memory_space<vmem>>, vector<16xf32>,
          tpu.vector_store %run_scoped3A_9[%swap3A_225, %swap3A_226], %get3A_224 {add = true, strides = array<i32>} : memref<96x128xf32, #tpu.memory_space<vmem>>, vector<16xf32>,
          %get3A_228 = arith.index_cast %scan3A_208 : i32 to index
          %get3A_229 = arith.constant 48 : index
          %get3A_230 = tpu.vector_load %run_scoped3A_11[%get3A_228, %get3A_229] {strides = array<i32>} : memref<96x128xf32, #tpu.memory_space<vmem>>, vector<16xf32>,
          %swap3A_231 = arith.index_cast %scan3A_208 : i32 to index
          %swap3A_232 = arith.constant 48 : index
          %swap3A_233 = tpu.vector_load %run_scoped3A_9[%swap3A_231, %swap3A_232] {strides = array<i32>} : memref<96x128xf32, #tpu.memory_space<vmem>>, vector<16xf32>,
          tpu.vector_store %run_scoped3A_9[%swap3A_231, %swap3A_232], %get3A_230 {add = true, strides = array<i32>} : memref<96x128xf32, #tpu.memory_space<vmem>>, vector<16xf32>,
          %get3A_234 = arith.index_cast %scan3A_208 : i32 to index
          %get3A_235 = arith.constant 64 : index
          %get3A_236 = tpu.vector_load %run_scoped3A_11[%get3A_234, %get3A_235] {strides = array<i32>} : memref<96x128xf32, #tpu.memory_space<vmem>>, vector<16xf32>,
          %swap3A_237 = arith.index_cast %scan3A_208 : i32 to index
          %swap3A_238 = arith.constant 64 : index
          %swap3A_239 = tpu.vector_load %run_scoped3A_9[%swap3A_237, %swap3A_238] {strides = array<i32>} : memref<96x128xf32, #tpu.memory_space<vmem>>, vector<16xf32>,
          tpu.vector_store %run_scoped3A_9[%swap3A_237, %swap3A_238], %get3A_236 {add = true, strides = array<i32>} : memref<96x128xf32, #tpu.memory_space<vmem>>, vector<16xf32>,
          %get3A_240 = arith.index_cast %scan3A_208 : i32 to index
          %get3A_241 = arith.constant 80 : index
          %get3A_242 = tpu.vector_load %run_scoped3A_11[%get3A_240, %get3A_241] {strides = array<i32>} : memref<96x128xf32, #tpu.memory_space<vmem>>, vector<16xf32>,
          %swap3A_243 = arith.index_cast %scan3A_208 : i32 to index
          %swap3A_244 = arith.constant 80 : index
          %swap3A_245 = tpu.vector_load %run_scoped3A_9[%swap3A_243, %swap3A_244] {strides = array<i32>} : memref<96x128xf32, #tpu.memory_space<vmem>>, vector<16xf32>,
          tpu.vector_store %run_scoped3A_9[%swap3A_243, %swap3A_244], %get3A_242 {add = true, strides = array<i32>} : memref<96x128xf32, #tpu.memory_space<vmem>>, vector<16xf32>,
          %get3A_246 = arith.index_cast %scan3A_208 : i32 to index
          %get3A_247 = arith.constant 96 : index
          %get3A_248 = tpu.vector_load %run_scoped3A_11[%get3A_246, %get3A_247] {strides = array<i32>} : memref<96x128xf32, #tpu.memory_space<vmem>>, vector<16xf32>,
          %swap3A_249 = arith.index_cast %scan3A_208 : i32 to index
          %swap3A_250 = arith.constant 96 : index
          %swap3A_251 = tpu.vector_load %run_scoped3A_9[%swap3A_249, %swap3A_250] {strides = array<i32>} : memref<96x128xf32, #tpu.memory_space<vmem>>, vector<16xf32>,
          tpu.vector_store %run_scoped3A_9[%swap3A_249, %swap3A_250], %get3A_248 {add = true, strides = array<i32>} : memref<96x128xf32, #tpu.memory_space<vmem>>, vector<16xf32>,
          %get3A_252 = arith.index_cast %scan3A_208 : i32 to index
          %get3A_253 = arith.constant 112 : index
          %get3A_254 = tpu.vector_load %run_scoped3A_11[%get3A_252, %get3A_253] {strides = array<i32>} : memref<96x128xf32, #tpu.memory_space<vmem>>, vector<16xf32>,
          %swap3A_255 = arith.index_cast %scan3A_208 : i32 to index
          %swap3A_256 = arith.constant 112 : index
          %swap3A_257 = tpu.vector_load %run_scoped3A_9[%swap3A_255, %swap3A_256] {strides = array<i32>} : memref<96x128xf32, #tpu.memory_space<vmem>>, vector<16xf32>,
          tpu.vector_store %run_scoped3A_9[%swap3A_255, %swap3A_256], %get3A_254 {add = true, strides = array<i32>} : memref<96x128xf32, #tpu.memory_space<vmem>>, vector<16xf32>,
          %scan3A_258 = arith.constant 0 : i32
          scf.yield %scan3A_258 : i32
        }
        %scan3A_207 = arith.constant 64 : i32
        "tpu.region"() ({
          %run_scoped3A_208 = tpu.sem_alloc : memref<!tpu.dma_semaphore, #tpu.memory_space<semaphore_mem>>
          %dma_start3A_209 = arith.constant 0 : i32
          %dma_start3A_210 = arith.constant 0 : i32
          %dma_start3A_211 = tpu.memref_slice %run_scoped3A_9[%dma_start3A_209, %dma_start3A_210] : memref<96x128xf32, #tpu.memory_space<vmem>> -> memref<64x128xf32, #tpu.memory_space<vmem>>
          %dma_start3A_212 = arith.constant 50112 : i32
          %dma_start3A_213 = arith.constant 0 : i32
          %dma_start3A_214 = tpu.memref_slice %arg5[%dma_start3A_212, %dma_start3A_213] : memref<100000x128xf32, #tpu.memory_space<hbm>> -> memref<64x128xf32, #tpu.memory_space<hbm>>
          %dma_start3A_215 = arith.constant 50112 : i32
          %dma_start3A_216 = arith.constant 0 : i32
          %dma_start3A_217 = tpu.memref_slice %arg5[%dma_start3A_215, %dma_start3A_216] : memref<100000x128xf32, #tpu.memory_space<hbm>> -> memref<64x128xf32, #tpu.memory_space<hbm>>
          %dma_start3A_218 = arith.constant 0 : i32
          %dma_start3A_219 = arith.constant 0 : i32
          %dma_start3A_220 = tpu.memref_slice %run_scoped3A_9[%dma_start3A_218, %dma_start3A_219] : memref<96x128xf32, #tpu.memory_space<vmem>> -> memref<64x128xf32, #tpu.memory_space<vmem>>
          tpu.enqueue_dma source(%dma_start3A_220 : memref<64x128xf32, #tpu.memory_space<vmem>>) target(%dma_start3A_217 : memref<64x128xf32, #tpu.memory_space<hbm>>) target_semaphore(%run_scoped3A_208 : memref<!tpu.dma_semaphore, #tpu.memory_space<semaphore_mem>>)
          %dma_wait3A_221 = arith.constant 0 : i32
          %dma_wait3A_222 = arith.constant 0 : i32
          %dma_wait3A_223 = tpu.memref_slice %run_scoped3A_9[%dma_wait3A_221, %dma_wait3A_222] : memref<96x128xf32, #tpu.memory_space<vmem>> -> memref<64x128xf32, #tpu.memory_space<vmem>>
          %dma_wait3A_224 = arith.constant 50112 : i32
          %dma_wait3A_225 = arith.constant 0 : i32
          %dma_wait3A_226 = tpu.memref_slice %arg5[%dma_wait3A_224, %dma_wait3A_225] : memref<100000x128xf32, #tpu.memory_space<hbm>> -> memref<64x128xf32, #tpu.memory_space<hbm>>
          %dma_wait3A_227 = arith.constant 50112 : i32
          %dma_wait3A_228 = arith.constant 0 : i32
          %dma_wait3A_229 = tpu.memref_slice %arg5[%dma_wait3A_227, %dma_wait3A_228] : memref<100000x128xf32, #tpu.memory_space<hbm>> -> memref<64x128xf32, #tpu.memory_space<hbm>>
          %dma_wait3A_230 = arith.constant 0 : i32
          %dma_wait3A_231 = arith.constant 0 : i32
          %dma_wait3A_232 = tpu.memref_slice %run_scoped3A_9[%dma_wait3A_230, %dma_wait3A_231] : memref<96x128xf32, #tpu.memory_space<vmem>> -> memref<64x128xf32, #tpu.memory_space<vmem>>
          tpu.wait_dma2 semaphore(%run_scoped3A_208 : memref<!tpu.dma_semaphore, #tpu.memory_space<semaphore_mem>>) src(%dma_wait3A_232 : memref<64x128xf32, #tpu.memory_space<vmem>>) dst(%dma_wait3A_229 : memref<64x128xf32, #tpu.memory_space<hbm>>)
          tpu.yield
        }) : () -> ()
      } else {
      }
      tpu.yield
    }) : () -> ()
    "tpu.trace_stop"() : () -> ()
    return
  }
}

</mosaic_0001>

<sc_bundles>
// kernel: kernel.3.cloned.1.call-start
scs
__scs_entry_jumppad:
0x0: {  	(pc) =	sbr.rel $0x88, $3  }
0x1: {  	(tag) =	ssettag $0x0;
	lr =	simm.s32 $0x1  }
0x2: {  	[smem:$0x3F9E] =	sst lr;
	_ =	strace $0xD0000000  }
0x3: {  	_ = 	snop  }
0x4: {  	_ = 	snop  }
0x5: {  	_ = 	snop  }
0x6: {  	_ = 	snop  }
0x7: {  	_ = 	snop  }
__scs_overlays_trampoline_lowered:
0x8: {  	[smem:$0x3FAD] =	sst s0  }
0x9: {  	[smem:$0x3FAE] =	sst s1  }
0xa: {  	[smem:$0x3FAF] =	sst s2  }
0xb: {  	[smem:$0x3FB0] =	sst s3  }
0xc: {  	[smem:$0x3FB1] =	sst s4  }
0xd: {  	[smem:$0x3FB2] =	sst s5  }
0xe: {  	[smem:$0x3FB3] =	sst s6  }
0xf: {  	[smem:$0x3FB4] =	sst s7  }
0x10: {  	[smem:$0x3FB5] =	sst s8  }
0x11: {  	[smem:$0x3FB6] =	sst s9;
	s0 =	simm.s32 @!p0 $0x0  }
0x12: {  	s1 =	sld [smem:$0x3F9C];
	s0 =	simm.s32 @p0 $0x1  }
0x13: {  	[smem:$0x3FB7] =	sst s0;
	s0 =	simm.s32 @!p1 $0x0  }
0x14: {  	s2 =	sld [smem:$0x3F9B];
	s0 =	simm.s32 @p1 $0x1  }
0x15: {  	[smem:$0x3FB8] =	sst s0;
	s0 =	simm.s32 @!p2 $0x0  }
0x16: {  	s3 =	sld [smem:$0x3FDB];
	s0 =	simm.s32 @p2 $0x1  }
0x17: {  	s4 =	simm.s32 $0x1BF5;
	[smem:$0x3FBA] =	sst s0  }
0x18: {  	s0 =	sld [smem:$0x3F9D];
	_ =	swait.ge [sflag:s4], $0x0  }
0x19: {  	s7 =	sld [smem:$0x3F9E]  }
0x1a: {  	s8 =	sadd.s32 $0xFFFFE003, lr  }
0x1b: {  	s9 =	sadd.s32 $0xFFFFFEF7, lr;
	s5 =	simm.s32 $0xFFFFFFFF;
	p2 =	slt.u32 s8, $0xFFFFF086  }
0x1c: {  	p1 =	slt.u32 s9, $0xF7A;
	s5 =	simm.s32 @!p2 $0x0  }
0x1d: {  	s5 =	simm.s32 @p1 $0x1;
	p0 =	seq.s32 s7, s2  }
0x1e: {  	s7 =	smul.u32 @!p0 $0xF7A, s2;
	p2 =	seq.s32 @!p0 s5, $0x0  }
0x1f: {  	s9 =	smul.u32 $0xF7A, s1;
	s8 =	simm.s32 @!p0 $0x1BF5;
	p2 =	por !p2, p0  }
0x20: {  	[sflag:s8] =	ssyncset.s32 @!p0 $0xFFFFF086;
	s6 =	sadd.s32 @!p0 s3, s7;
	s7 =	simm.s32 @!p0 $0x108  }
0x21: {  	s3 =	sadd.s32 s3, s9;
	s6 =	sadd.s32 @!p0 $0x88, s6;
	s7 =	simm.s32 @p2 $0x1082  }
0x22: {  	[simem:s7], [sflag:s8] =	dma.local @!p0 [hbm:s6], $0xF7A  }
0x23: {  	s9 =	sor.u32 $0xD0000000, s2;
	s6 =	simm.s32 $0x108;
	_ =	swait.ge @!p0 [sflag:s8], $0x0  }
0x24: {  	s3 =	sadd.s32 $0x88, s3;
	s6 =	simm.s32 @!p1 $0x1082;
	[sflag:s4] =	ssyncset.s32 $0xFFFFF086  }
0x25: {  	[simem:s6], [sflag:s4] =	dma.local [hbm:s3], $0xF7A  }
0x26: {  	[smem:$0x3F9E] =	sst s1;
	(tag) =	ssettag s2;
	_ =	strace s9  }
0x27: {  	s1 =	sld [smem:$0x3FAE]  }
0x28: {  	s2 =	sld [smem:$0x3FAF]  }
0x29: {  	s4 =	sld [smem:$0x3FB1]  }
0x2a: {  	p0 =	seq.s32 s5, $0x0;
	s5 =	sld [smem:$0x3FB2]  }
0x2b: {  	s6 =	sld [smem:$0x3FB3]  }
0x2c: {  	s7 =	sld [smem:$0x3FB4]  }
0x2d: {  	s3 =	simm.s32 $0x108;
	s8 =	sld [smem:$0x3FB5]  }
0x2e: {  	s3 =	simm.s32 @!p0 $0x1082;
	s9 =	sld [smem:$0x3FB6]  }
0x2f: {  	lr =	sadd.s32 s0, s3;
	s0 =	sld [smem:$0x3FAD]  }
0x30: {  	s3 =	sld [smem:$0x3FB0]  }
0x31: {  	[smem:$0x3FB9] =	sst s10  }
0x32: {  	s10 =	sld [smem:$0x3FB7];
	_ =	sdelay $0x3  }
0x33: {  	p0 =	seq.s32 s10, $0x1;
	s10 =	sld [smem:$0x3FB9];
	_ =	sdelay $0x3  }
0x34: {  	[smem:$0x3FB9] =	sst s10  }
0x35: {  	s10 =	sld [smem:$0x3FB8];
	_ =	sdelay $0x3  }
0x36: {  	p1 =	seq.s32 s10, $0x1;
	s10 =	sld [smem:$0x3FB9];
	_ =	sdelay $0x3  }
0x37: {  	[smem:$0x3FB9] =	sst s10  }
0x38: {  	s10 =	sld [smem:$0x3FBA]  }
0x39: {  	_ = 	snop;
	(pc) =	sbr.ind lr, $3  }
0x3a: {  	_ = 	snop  }
0x3b: {  	_ = 	snop  }
0x3c: {  	p2 =	seq.s32 s10, $0x1;
	s10 =	sld [smem:$0x3FB9]  }
0x3d: {  	_ =	shalt  }
0x3e: {  	_ =	shalt  }
0x3f: {  	_ =	shalt  }
0x40: {  	_ =	shalt  }
0x41: {  	_ =	shalt  }
0x42: {  	_ =	shalt  }
0x43: {  	_ =	shalt  }
0x44: {  	_ =	shalt  }
0x45: {  	_ =	shalt  }
0x46: {  	_ =	shalt  }
0x47: {  	_ =	shalt  }
0x48: {  	_ =	shalt  }
0x49: {  	_ =	shalt  }
0x4a: {  	_ =	shalt  }
0x4b: {  	_ =	shalt  }
0x4c: {  	_ =	shalt  }
0x4d: {  	_ =	shalt  }
0x4e: {  	_ =	shalt  }
0x4f: {  	_ =	shalt  }
0x50: {  	_ =	shalt  }
0x51: {  	_ =	shalt  }
0x52: {  	_ =	shalt  }
0x53: {  	_ =	shalt  }
0x54: {  	_ =	shalt  }
0x55: {  	_ =	shalt  }
0x56: {  	_ =	shalt  }
0x57: {  	_ =	shalt  }
0x58: {  	_ =	shalt  }
0x59: {  	_ =	shalt  }
0x5a: {  	_ =	shalt  }
0x5b: {  	_ =	shalt  }
0x5c: {  	_ =	shalt  }
0x5d: {  	_ =	shalt  }
0x5e: {  	_ =	shalt  }
0x5f: {  	_ =	shalt  }
0x60: {  	_ =	shalt  }
0x61: {  	_ =	shalt  }
0x62: {  	_ =	shalt  }
0x63: {  	_ =	shalt  }
0x64: {  	_ =	shalt  }
0x65: {  	_ =	shalt  }
0x66: {  	_ =	shalt  }
0x67: {  	_ =	shalt  }
0x68: {  	_ =	shalt  }
0x69: {  	_ =	shalt  }
0x6a: {  	_ =	shalt  }
0x6b: {  	_ =	shalt  }
0x6c: {  	_ =	shalt  }
0x6d: {  	_ =	shalt  }
0x6e: {  	_ =	shalt  }
0x6f: {  	_ =	shalt  }
0x70: {  	_ =	shalt  }
0x71: {  	_ =	shalt  }
0x72: {  	_ =	shalt  }
0x73: {  	_ =	shalt  }
0x74: {  	_ =	shalt  }
0x75: {  	_ =	shalt  }
0x76: {  	_ =	shalt  }
0x77: {  	_ =	shalt  }
0x78: {  	_ =	shalt  }
0x79: {  	_ =	shalt  }
0x7a: {  	_ =	shalt  }
0x7b: {  	_ =	shalt  }
0x7c: {  	_ =	shalt  }
0x7d: {  	_ =	shalt  }
0x7e: {  	_ =	shalt  }
0x7f: {  	_ =	shalt  }
0x80: {  	_ =	shalt  }
0x81: {  	_ =	shalt  }
0x82: {  	_ =	shalt  }
0x83: {  	_ =	shalt  }
0x84: {  	_ =	shalt  }
0x85: {  	_ =	shalt  }
0x86: {  	_ =	shalt  }
0x87: {  	_ =	shalt  }
.Lfunc_end0:
.L_simem_size_0:
called_computation_lowered:
.L_overlay_start_0:
0x88: {  	s2 =	sld [smem:$0x3FD9]  }
0x89: {  	s3 =	sld [smem:$0x3FFE];
	_ =	sdelay $0x1  }
0x8a: {  	s1 =	srdreg.scid  }
0x8b: {  	s0 =	sand.u32 $0x1, s1  }
0x8c: {  	s17 =	sshll.u32 s0, $0xA;
	s2 =	sadd.s32 s3, s2  }
0x8d: {  	s2 =	sadd.s32 s2, s17  }
0x8e: {  	[smem:$0x3FC5] =	sst s2  }
0x8f: {  	_ = 	snop  }
0x90: {  	s2 =	sld [smem:$0x3FC9]  }
0x91: {  	s18 =	sld [smem:$0x3FC7]  }
0x92: {  	s4 =	sld [smem:$0x3FD0];
	(tm) =	ssettm $0x1  }
0x93: {  	s5 =	sld [smem:$0x3FFB];
	_ =	sdelay $0x3  }
0x94: {  	_ =	strace s5  }
0x95: {  	s5 =	sld [smem:$0x3FFC];
	_ =	sdelay $0x3  }
0x96: {  	_ =	strace s5  }
0x97: {  	s5 =	sld [smem:$0x3FFD];
	_ =	sdelay $0x3  }
0x98: {  	_ =	strace s5  }
0x99: {  	_ =	strace $0x8FFFFFFF  }
0x9a: {  	s19 =	sld [smem:$0x3FDB];
	_ =	sdelay $0x1  }
0x9b: {  	s6 =	simm.s32 $_scs_section_size  }
0x9c: {  	s7 =	simm.s32 $_size__tile_overlayer_lowered;
	s8 =	simm.s32 $_tile_overlayer_lowered  }
0x9d: {  	s22 =	simm.s32 $0x1BFF;
	s21 =	sshll.u32 s8, $0x1;
	s5 =	sadd.s32 s6, s19  }
0x9e: {  	s9 =	simm.s32 $0x0;
	s20 =	sshll.u32 s7, $0x1;
	s7 =	sadd.s32 s21, s5  }
0x9f: {  	[timem:s9], [sflag:s22] =	dma.local [hbm:s7], s20  }
0xa0: {  	_ =	swait.ge [sflag:s22], s20  }
0xa1: {  	s6 =	ssub.s32 $0x0, s20;
	[sflag:s22] =	ssyncset.done $0x0  }
0xa2: {  	[sflag:s22] =	ssyncadd.s32 s6;
	_ =	sdelay $0x1  }
0xa3: {  	s23 =	simm.s32 $0x1B8B  }
0xa4: {  	_ =	swait.ge [sflag:s23], $0x1  }
0xa5: {  	[sflag:s23] =	ssyncset.done $0x0  }
0xa6: {  	s25 =	simm.s32 $0x1B8E;
	s24 =	sld [smem:$0x3FFE];
	[sflag:s23] =	ssyncadd.s32 $0xFFFFFFFF  }
0xa7: {  	s26 =	simm.s32 $execute0_lowered;
	[smem:$0x3FD2] =	sst s25  }
0xa8: {  	s7 =	sshll.u32 s26, $0x1;
	_ =	strace $0x80000046;
	[dreg:$0x1] =	wrdreg $0xFFFFFFFF  }
0xa9: {  	s28 =	simm.s32 $_size_execute0_lowered;
	s5 =	sadd.s32 s5, s7;
	[dreg:$0x0] =	wrdreg $0x0  }
0xaa: {  	s7 =	sshll.u32 s28, $0x1;
	[dreg:$0x2] =	wrdreg s5  }
0xab: {  	[dreg:$0x3] =	wrdreg s7  }
0xac: {  	[dreg:$0x4] =	wrdreg $0xC0  }
0xad: {  	_ =	task [dreg:s9], $0x5FFFF  }
0xae: {  	[dreg:$0x1] =	wrdreg $0xFFFFFFFF  }
0xaf: {  	[dreg:$0x0] =	wrdreg $0x60  }
0xb0: {  	[dreg:$0x2] =	wrdreg s2  }
0xb1: {  	[dreg:$0x3] =	wrdreg s24  }
0xb2: {  	[dreg:$0x4] =	wrdreg s18  }
0xb3: {  	[dreg:$0x5] =	wrdreg s4  }
0xb4: {  	[dreg:$0x6] =	wrdreg $0xC400  }
0xb5: {  	[dreg:$0x7] =	wrdreg $0x0  }
0xb6: {  	[dreg:$0x8] =	wrdreg $0x9  }
0xb7: {  	_ =	task.clear_ibuf [dreg:s9], $0x9FFFF;
	_ =	strace $0x90000046  }
0xb8: {  	s29 =	simm.s32 $0x9;
	_ =	strace $0x8000004C  }
0xb9: {  	_ =	swait.ge [sflag:s29], $0x1  }
0xba: {  	[sflag:s29] =	ssyncadd.s32 $0xFFFFFFFF  }
0xbb: {  	_ =	strace $0x9000004C  }
0xbc: {  	_ =	sfence  }
0xbd: {  	s30 =	sld [smem:$0x0];
	_ =	sdelay $0x2  }
0xbe: {  	s31 =	sshll.u32 s1, $0xD;
	s1 =	sshrl.u32 s1, $0x2  }
0xbf: {  	s3 =	sand.u32 $0x4000, s31;
	s1 =	sadd.s32 s1, s30  }
0xc0: {  	s0 =	sor.u32 s3, s0;
	s1 =	sshll.u32 s1, $0x11  }
0xc1: {  	s0 =	sor.u32 s1, s0  }
0xc2: {  	s0 =	sadd.s32 $0x8F2B, s0  }
0xc3: {  	[sflag:s0] =	ssyncadd.remote.s32 $0x1  }
0xc4: {  	_ =	sfence.sel $0xFFFF  }
0xc5: {  	[dreg:$0x0] =	wrdreg $0xFFFFFFFF;
	(pc) =	sbr.abs _section_cstart, $3  }
0xc6: {  	[dreg:$0x1] =	wrdreg $0xFFFFFFFF  }
0xc7: {  	_ =	task.clear_ibuf [dreg:s9], $0x2FFFF;
	_ =	strace $0x9FFFFFFF  }
0xc8: {  	(tm) =	ssettm $0x7FFFFFFF  }
0xc9: {  	_ =	shalt  }
tec
execute0_lowered:
.L_overlay_start_1:
0x0: {  	(tag) =	ssettag $0x1  }
0x1: {  	s0 =	rddreg [dreg:$0x0]  }
0x2: {  	s1 =	srdreg.scid;
	s6 =	rddreg [dreg:$0x1]  }
0x3: {  	s2 =	rddreg [dreg:$0x2];
	s3 =	simm.s32 $0x0;
	s30 =	simm.s32 $0x5  }
0x4: {  	s7 =	sand.u32 $0x1, s1;
	s1 =	stileid.u32;
	[smem:$0x7FF] =	sst s3  }
0x5: {  	s4 =	ssub.s32 $0x2, s7;
	s9 =	sshll.u32 s7, $0x4;
	s11 =	sadd.s32 $0x1, s1  }
0x6: {  	s12 =	sadd.s32 $0x2, s1;
	s14 =	sadd.s32 $0x3, s1;
	s15 =	sadd.s32 $0x4, s1  }
0x7: {  	s16 =	sadd.s32 $0x5, s1;
	s17 =	sadd.s32 $0x6, s1;
	s18 =	sadd.s32 $0x7, s1  }
0x8: {  	s19 =	sadd.s32 $0x9, s1;
	s20 =	sadd.s32 $0xA, s1;
	s21 =	sadd.s32 $0xB, s1  }
0x9: {  	s22 =	sadd.s32 $0xC, s1;
	s23 =	sadd.s32 $0xD, s1;
	s24 =	sadd.s32 $0xE, s1  }
0xa: {  	s25 =	sadd.s32 $0xFFFFFFFF, s1;
	p1 =	seq.s32 s1, $0xD;
	p2 =	seq.s32 s7, $0x0  }
0xb: {  	s5 =	sshrl.u32 s4, $0x1;
	s8 =	sor.u32 s1, s9;
	s11 =	sand.u32 $0xF, s11  }
0xc: {  	s12 =	sand.u32 $0xF, s12;
	s14 =	sand.u32 $0xF, s14;
	s15 =	sand.u32 $0xF, s15  }
0xd: {  	s16 =	sand.u32 $0xF, s16;
	s17 =	sand.u32 $0xF, s17;
	s18 =	sand.u32 $0xF, s18  }
0xe: {  	s19 =	sand.u32 $0xF, s19;
	s20 =	sand.u32 $0xF, s20;
	s21 =	sand.u32 $0xF, s21  }
0xf: {  	s22 =	sand.u32 $0xF, s22;
	s23 =	sand.u32 $0xF, s23;
	s10 =	smul.u32 $0x1880, s8  }
0x10: {  	s24 =	sand.u32 $0xF, s24;
	s4 =	ssub.s32 s4, s5;
	s5 =	smul.u32 $0xC40, s1  }
0x11: {  	s25 =	sand.u32 $0xF, s25;
	p1 =	por !p1, !p2;
	s13 =	smul.u32 $0xC400, s8  }
0x12: {  	s11 =	sor.u32 s9, s11;
	s12 =	sor.u32 s9, s12;
	s14 =	sor.u32 s9, s14  }
0x13: {  	s15 =	sor.u32 s9, s15;
	s16 =	sor.u32 s9, s16;
	s17 =	sor.u32 s9, s17  }
0x14: {  	s18 =	sor.u32 s9, s18;
	s19 =	sor.u32 s9, s19;
	s20 =	sor.u32 s9, s20  }
0x15: {  	s21 =	sor.u32 s9, s21;
	s22 =	sor.u32 s9, s22;
	s23 =	sor.u32 s9, s23  }
0x16: {  	s24 =	sor.u32 s9, s24;
	s25 =	sor.u32 s9, s25;
	s11 =	smul.u32 $0xC400, s11  }
0x17: {  	s9 =	sadd.s32 $0x62400, s6;
	s8 =	sxor.u32 $0x8, s8;
	s12 =	smul.u32 $0xC400, s12  }
0x18: {  	p1 =	por !p1, !p1;
	s8 =	smul.u32 $0xC400, s8;
	s10 =	sadd.s32 s9, s10  }
0x19: {  	s4 =	smax.u32 s4, $0x1;
	s13 =	sadd.s32 s5, s13;
	[dreg:$0x7] =	wrdreg s10  }
0x1a: {  	s29 =	sshrl.u32 s13, $0x3;
	s11 =	sadd.s32 s5, s11;
	s13 =	smul.u32 $0xC400, s14  }
0x1b: {  	s12 =	sadd.s32 s5, s12;
	s14 =	smul.u32 $0xC400, s15;
	s8 =	sadd.s32 s5, s8  }
0x1c: {  	s10 =	sadd.s32 s9, s29;
	s15 =	sshrl.u32 s12, $0x3;
	s29 =	smul.u32 $0xC400, s16  }
0x1d: {  	s16 =	smul.u32 $0xC400, s18;
	s8 =	sshrl.u32 s8, $0x3;
	[dreg:$0x8] =	wrdreg s10  }
0x1e: {  	s10 =	sshrl.u32 s11, $0x3;
	s11 =	sadd.s32 s5, s13;
	s13 =	smul.u32 $0xC400, s25  }
0x1f: {  	s26 =	sadd.s32 s5, s14;
	s8 =	sadd.s32 s9, s8;
	s25 =	smul.u32 $0xC400, s7  }
0x20: {  	s10 =	sadd.s32 s9, s10;
	s11 =	sshrl.u32 s11, $0x3;
	s12 =	sshrl.u32 s26, $0x3  }
0x21: {  	s14 =	sadd.s32 s5, s29;
	s18 =	sadd.s32 s5, s16;
	[dreg:$0x10] =	wrdreg s8  }
0x22: {  	s26 =	smul.u32 $0xC400, s19;
	[dreg:$0x9] =	wrdreg s10;
	s10 =	sadd.s32 s9, s15  }
0x23: {  	s29 =	smul.u32 $0xC400, s20;
	s11 =	sadd.s32 s9, s11;
	[dreg:$0xa] =	wrdreg s10  }
0x24: {  	s15 =	smul.u32 $0xC400, s17;
	[dreg:$0xb] =	wrdreg s11;
	s10 =	sadd.s32 s9, s12  }
0x25: {  	s16 =	sadd.s32 s5, s29;
	s29 =	smul.u32 $0xC400, s24;
	s24 =	rddreg [dreg:$0x5]  }
0x26: {  	s11 =	sshrl.u32 s18, $0x3;
	s18 =	smul.u32 $0xC400, s22;
	[dreg:$0xc] =	wrdreg s10  }
0x27: {  	s10 =	sshrl.u32 s14, $0x3;
	s17 =	sadd.s32 s5, s15;
	s14 =	sadd.s32 s9, s11  }
0x28: {  	s15 =	sadd.s32 s5, s26;
	s11 =	sshrl.u32 s16, $0x3;
	s26 =	smul.u32 $0xC400, s23  }
0x29: {  	s16 =	sadd.s32 s5, s13;
	s23 =	sshll.u32 s1, $0x6;
	s10 =	sadd.s32 s9, s10  }
0x2a: {  	[dreg:$0xf] =	wrdreg s14;
	s20 =	sadd.s32 s9, s11;
	s22 =	sadd.s32 s5, s18  }
0x2b: {  	s12 =	sadd.s32 s5, s29;
	s18 =	sshll.u32 s1, $0xF;
	[dreg:$0xd] =	wrdreg s10  }
0x2c: {  	s10 =	sshrl.u32 s17, $0x3;
	s17 =	smul.u32 $0xC400, s21;
	[dreg:$0x12] =	wrdreg s20  }
0x2d: {  	s11 =	sadd.s32 s5, s26;
	s14 =	sshrl.u32 s12, $0x3;
	s20 =	rddreg [dreg:$0x3]  }
0x2e: {  	s26 =	sadd.s32 $0x800, s6;
	s12 =	smul.u32 $0x60, s1;
	s10 =	sadd.s32 s9, s10  }
0x2f: {  	[dreg:$0xe] =	wrdreg s10;
	s10 =	sshrl.u32 s15, $0x3;
	s21 =	sadd.s32 s5, s17  }
0x30: {  	s15 =	smul.u32 $0x3, s7;
	s5 =	sadd.s32 s5, s24;
	s7 =	sadd.s32 s12, s24  }
0x31: {  	s19 =	sadd.s32 s9, s10;
	s8 =	sshrl.u32 s21, $0x3;
	s21 =	rddreg [dreg:$0x4]  }
0x32: {  	s10 =	sshrl.u32 s22, $0x3;
	s22 =	sshll.u32 s1, $0xC;
	[dreg:$0x11] =	wrdreg s19  }
0x33: {  	s8 =	sadd.s32 s9, s8;
	s10 =	sadd.s32 s9, s10;
	s17 =	ssub.s32 $0xA, s15  }
0x34: {  	s19 =	smul.u32 $0x186A0, s1;
	s28 =	ssub.s32 $0x20A, s15;
	[dreg:$0x13] =	wrdreg s8  }
0x35: {  	s6 =	sadd.s32 s18, s21;
	[dreg:$0x14] =	wrdreg s10;
	s8 =	sshrl.u32 s11, $0x3  }
0x36: {  	p0 =	sge.u32 s1, s17;
	s11 =	smul.u32 $0x180, s1;
	s8 =	sadd.s32 s9, s8  }
0x37: {  	s18 =	sshrl.u32 s6, $0x3;
	[dreg:$0x15] =	wrdreg s8;
	s8 =	sadd.s32 s9, s14  }
0x38: {  	s6 =	simm.s32 $0x6;
	[dreg:$0x16] =	wrdreg s8;
	s8 =	sshrl.u32 s16, $0x3  }
0x39: {  	s29 =	sshrl.u32 s19, $0x3;
	s14 =	sshrl.u32 s11, $0x2;
	s8 =	sadd.s32 s9, s8  }
0x3a: {  	s9 =	sadd.s32 s26, s29;
	[dreg:$0x17] =	wrdreg s8;
	s8 =	sadd.s32 s2, s22  }
0x3b: {  	s13 =	sadd.s32 $0x30D40, s9;
	_ =	strace $0x80000047;
	[dreg:$0x18] =	wrdreg s8  }
0x3c: {  	s31 =	sadd.s32 $0x187200, s19;
	s15 =	sadd.s32 s14, s24;
	[dreg:$0x1a] =	wrdreg s13  }
0x3d: {  	s16 =	sadd.s32 s12, s25;
	s12 =	sor.u32 $0x20, s1;
	[dreg:$0x1c] =	wrdreg s5  }
0x3e: {  	s14 =	simm.s32 $0xB;
	s17 =	sshll.u32 s16, $0x4;
	[dreg:$0x1d] =	wrdreg s7  }
0x3f: {  	s29 =	sadd.s32 $0xC3C00, s20;
	s16 =	simm.s32 $0x1;
	[smem:$0x7F9] =	sst s4  }
0x40: {  	s22 =	sadd.s32 $0x187A00, s19;
	s19 =	sadd.s32 $0xC3C0, s24;
	[smem:$0x7FA] =	sst s18  }
0x41: {  	s8 =	sor.u32 $0x1C0B, s23;
	s5 =	sadd.s32 $0x600, s15;
	[smem:$0x7FB] =	sst s19  }
0x42: {  	s13 =	sor.u32 $0x30, s1;
	s23 =	sadd.s32 $0xC3C00, s0;
	[smem:$0x7FD] =	sst s29  }
.Ltmp0:
0x43: {  	s18 =	simm.s32 $0x8C40;
	[dreg:$0x19] =	wrdreg s8;
	(pc) =	sbr.rel .LBB2_1-.Ltmp0, $4  }
0x44: {  	s19 =	simm.s32 $0x2;
	s4 =	simm.s32 $0x7;
	[dreg:$0x1e] =	wrdreg s5  }
0x45: {  	s7 =	simm.s32 $0x8;
	s8 =	sadd.s32 $0x33D40, s9;
	[smem:$0x7FC] =	sst s23  }
0x46: {  	s15 =	simm.s32 $0x0;
	s5 =	sadd.s32 s0, s17;
	[dreg:$0x1b] =	wrdreg s8  }
0x47: {  	v1 =	vimm.s32 $0x0;
	v0 =	vmov s25;
	s17 =	simm.s32 $0x15840;
	[dreg:$0x1f] =	wrdreg s5;
	s8 =	simm.s32 $0x9  }
.LBB2_54:
0x48: {  	_ =	swait.ge [sflag:s8], $0x3000  }
0x49: {  	[sflag:s8] =	ssyncset.done $0x0  }
0x4a: {  	s14 =	simm.s32 $0xB;
	s15 =	sld [smem:$0x7F8];
	[sflag:s8] =	ssyncadd.s32 $0xFFFFD000  }
.LBB2_59:
0x4b: {  	s5 =	sld [smem:$0x7F9];
	_ =	sdelay $0x1  }
0x4c: {  	s15 =	sadd.s32 $0x1, s15  }
0x4d: {  	p2 =	sne.s32 s15, s5  }
.Ltmp1:
0x4e: {  	_ = 	snop;
	(pc) =	sbr.rel @!p2 .LBB2_60-.Ltmp1, $2  }
0x4f: {  	_ =	sdelay $0x2  }
0x50: {  	_ =	strace $0x9000004B  }
.LBB2_1:
0x51: {  	[smem:$0x7F8] =	sst s15  }
0x52: {  	s10 =	sld [smem:$0x7FA]  }
0x53: {  	s5 =	rddreg [dreg:$0x18]  }
0x54: {  	s9 =	rddreg [dreg:$0x19]  }
0x55: {  	[spmem:s10], [sflag:s9] =	dma.local [hbm:s5], $0x1000  }
0x56: {  	_ =	swait.ge [sflag:s14], $0x1000  }
0x57: {  	[sflag:s14] =	ssyncset.done $0x0  }
0x58: {  	[sflag:s14] =	ssyncadd.s32 $0xFFFFF000  }
0x59: {  	s11 =	simm.s32 $0x200;
	s10 =	simm.s32 $0x0;
	_ =	strace $0x80000048  }
.LBB2_2:
0x5a: {  	p2 =	sne.s32 s11, $0x30E00;
	[tilespmem:s10+$0x8CB0] =	vst v1  }
0x5b: {  	[tilespmem:s10+$0x8C40] =	vst v1  }
0x5c: {  	[tilespmem:s10+$0x8C50] =	vst v1  }
.Ltmp2:
0x5d: {  	[tilespmem:s10+$0x8C60] =	vst v1;
	(pc) =	sbr.rel @p2 .LBB2_2-.Ltmp2, $4  }
0x5e: {  	[tilespmem:s10+$0x8C70] =	vst v1  }
0x5f: {  	[tilespmem:s10+$0x8C80] =	vst v1  }
0x60: {  	[tilespmem:s10+$0x8C90] =	vst v1  }
0x61: {  	[tilespmem:s10+$0x8CA0] =	vst v1;
	s10 =	sshra.s32 s11, $0x2;
	s11 =	sadd.s32 $0x200, s11  }
0x62: {  	[tilespmem:s10+$0x8CB0] =	vst v1  }
0x63: {  	[tilespmem:s10+$0x8C40] =	vst v1  }
0x64: {  	[tilespmem:s10+$0x8C50] =	vst v1  }
0x65: {  	[tilespmem:s10+$0x8C60] =	vst v1  }
0x66: {  	[tilespmem:s10+$0x8C70] =	vst v1  }
0x67: {  	[tilespmem:s10+$0x8C80] =	vst v1  }
0x68: {  	[tilespmem:s10+$0x8C90] =	vst v1  }
0x69: {  	[tilespmem:s10+$0x8CA0] =	vst v1  }
0x6a: {  	_ =	strace $0x90000048  }
0x6b: {  	_ =	strace $0x80000049  }
0x6c: {  	s11 =	simm.s32 $0x0;
	s9 =	simm.s32 $0x15040;
	s5 =	rddreg [dreg:$0x1a]  }
0x6d: {  	[tilespmem:s9], [sflag:$0x1] =	stream.linear.gather [hbm4b:s5+s11], $0x800, $0x200038;
	[tilespmem:$0x16040] =	vst v63  }
0x6e: {  	_ =	swait.ge [sflag:s16], $0x800  }
0x6f: {  	[sflag:s16] =	ssyncset.done $0x0  }
0x70: {  	s15 =	simm.s32 $0x0;
	[sflag:s16] =	ssyncadd.s32 $0xFFFFF800  }
.LBB2_4:
0x71: {  	s29 =	sshll.u32 s15, $0xC  }
0x72: {  	s10 =	sadd.s32 s29, s31  }
0x73: {  	s10 =	sshrl.u32 s10, $0x3  }
0x74: {  	s9 =	simm.s32 $0x0;
	s10 =	sadd.s32 s26, s10  }
0x75: {  	[tilespmem:s17], [sflag:$0x2] =	stream.linear.gather [hbm4b:s10+s11], $0x800, $0x200038;
	[tilespmem:$0x16040] =	vst v63  }
0x76: {  	v6 =	vld [tilespmem:s9+$0x15040];
	_ =	sdelay $0x4  }
0x77: {  	(xrf1) =	vunique.msk.u32 $0xffff, v6;
	_ =	sdelay $0x4  }
0x78: {  	v9 =	vld [tilespmem:s9+$0x15050]  }
0x79: {  	v12 =	vld [tilespmem:s9+$0x15060];
	_ =	sdelay $0x1  }
0x7a: {  	s14 =	simm.s32 $0x40;
	v14 =	vld [tilespmem:s9+$0x15070]  }
0x7b: {  	v11 =	vld [tilespmem:s14+$0x15040]  }
0x7c: {  	(xrf1) =	vunique.msk.u32 $0xffff, v9  }
0x7d: {  	(xrf1) =	vunique.msk.u32 $0xffff, v12  }
0x7e: {  	v4 =	vld [tilespmem:s14+$0x15050]  }
0x7f: {  	v2 =	vld [tilespmem:s14+$0x15060];
	(xrf1) =	vunique.msk.u32 $0xffff, v14  }
0x80: {  	s23 =	simm.s32 $0x80;
	v3 =	vld [tilespmem:s14+$0x15070];
	_, v10, vm1 =	vpop (xrf1);
	(xrf1) =	vunique.msk.u32 $0xffff, v11  }
0x81: {  	v5 =	vld [tilespmem:s23+$0x15040];
	_ =	sdelay $0x1  }
0x82: {  	v7 =	vsub.s32 v6, v0;
	(xrf1) =	vunique.msk.u32 $0xffff, v4  }
0x83: {  	vm0 =	vlt.u32 v7, $0xC400;
	(xrf1) =	vunique.msk.u32 $0xffff, v2  }
0x84: {  	v6 =	vand.u32 $0x7F, v6;
	v7 =	vand.u32 $0xFFFFFF80, v7;
	vm0 =	vmand vm1, vm0;
	(xrf1) =	vunique.msk.u32 $0xffff, v3  }
0x85: {  	v16 =	vand.u32 $0x7F, v9;
	v18 =	vsub.s32 v9, v0;
	v9 =	vld [tilespmem:s23+$0x15060];
	v13 =	vor.u32 v6, v7;
	(xrf1) =	vunique.msk.u32 $0xffff, v5  }
0x86: {  	v7 =	vld [tilespmem:s23+$0x15050]  }
0x87: {  	v8 =	vand.u32 $0x7F, v11;
	v15 =	vand.u32 $0x7F, v12;
	v19 =	vsub.s32 v12, v0  }
0x88: {  	v17 =	vsub.s32 v14, v0;
	v20 =	vand.u32 $0xFFFFFF80, v18;
	v14 =	vand.u32 $0x7F, v14  }
0x89: {  	s10 =	simm.s32 $0x300;
	v6 =	vld [tilespmem:s23+$0x15070];
	v11 =	vsub.s32 v11, v0;
	vm1 =	vlt.u32 v18, $0xC400;
	v18 =	vand.u32 $0xFFFFFF80, v19;
	_, v12, vm2 =	vpop (xrf1)  }
.LBB2_5:
0x8a: {  	[tilespmem:v13+s18+$0x0] =	vst.idx.add.s32.msk vm0, v10;
	vm1 =	vmand vm2, vm1;
	vm0 =	vlt.u32 v19, $0xC400;
	v13 =	vand.u32 $0xFFFFFF80, v17;
	_, v21, vm2 =	vpop (xrf1)  }
0x8b: {  	s14 =	sshra.s32 s10, $0x2;
	p2 =	sne.s32 s10, $0x1F00;
	v19 =	vmovc v5;
	v22 =	vmovc v4;
	v4 =	vmov v7;
	v23 =	vmov v2;
	v2 =	vmov v9  }
0x8c: {  	v20 =	vor.u32 v16, v20;
	v5 =	vld [tilespmem:s14+$0x15040];
	vm2 =	vmand vm2, vm0;
	vm0 =	vlt.u32 v17, $0xC400;
	_, v24, vm3 =	vpop (xrf1)  }
0x8d: {  	vm4 =	vlt.u32 v11, $0xC400;
	v18 =	vor.u32 v15, v18;
	_, v10, vm5 =	vpop (xrf1);
	vm3 =	vmand vm3, vm0  }
0x8e: {  	v11 =	vand.u32 $0xFFFFFF80, v11;
	v25 =	vor.u32 v14, v13;
	v14 =	vmovc v3;
	v7 =	vld [tilespmem:s14+$0x15050];
	(xrf1) =	vunique.msk.u32 $0xffff, v4;
	vm0 =	vmand vm5, vm4  }
.Ltmp3:
0x8f: {  	v13 =	vor.u32 v8, v11;
	v3 =	vmov v6;
	v9 =	vld [tilespmem:s14+$0x15060];
	(xrf1) =	vunique.msk.u32 $0xffff, v2;
	(pc) =	sbr.rel @p2 .LBB2_5-.Ltmp3, $4  }
0x90: {  	v8 =	vand.u32 $0x7F, v19;
	v16 =	vand.u32 $0x7F, v22;
	v15 =	vand.u32 $0x7F, v23;
	v6 =	vld [tilespmem:s14+$0x15070];
	(xrf1) =	vunique.msk.u32 $0xffff, v3  }
0x91: {  	v11 =	vsub.s32 v19, v0;
	v22 =	vsub.s32 v22, v0;
	(xrf1) =	vunique.msk.u32 $0xffff, v5;
	[tilespmem:v20+s18+$0x0] =	vst.idx.add.s32.msk vm1, v12  }
0x92: {  	v19 =	vsub.s32 v23, v0;
	v17 =	vsub.s32 v14, v0;
	v14 =	vand.u32 $0x7F, v14;
	[tilespmem:v18+s18+$0x0] =	vst.idx.add.s32.msk vm2, v21  }
0x93: {  	s10 =	sadd.s32 $0x100, s10;
	vm1 =	vlt.u32 v22, $0xC400;
	v20 =	vand.u32 $0xFFFFFF80, v22;
	v18 =	vand.u32 $0xFFFFFF80, v19;
	_, v12, vm2 =	vpop (xrf1);
	[tilespmem:v25+s18+$0x0] =	vst.idx.add.s32.msk vm3, v24  }
0x94: {  	(xrf1) =	vunique.msk.u32 $0xffff, v7;
	vm2 =	vmand vm2, vm1;
	vm1 =	vlt.u32 v19, $0xC400;
	v19 =	vand.u32 $0xFFFFFF80, v17  }
0x95: {  	v16 =	vor.u32 v16, v20;
	vm5 =	vlt.u32 v11, $0xC400;
	v15 =	vor.u32 v15, v18;
	(xrf1) =	vunique.msk.u32 $0xffff, v9  }
0x96: {  	v18 =	vsub.s32 v5, v0;
	v20 =	vsub.s32 v4, v0;
	v24 =	vsub.s32 v2, v0;
	(xrf1) =	vunique.msk.u32 $0xffff, v6  }
0x97: {  	v25 =	vsub.s32 v3, v0;
	v29 =	vsub.s32 v7, v0;
	v30 =	vsub.s32 v9, v0  }
0x98: {  	v11 =	vand.u32 $0xFFFFFF80, v11;
	v4 =	vand.u32 $0x7F, v4;
	v2 =	vand.u32 $0x7F, v2  }
0x99: {  	_, v21, vm3 =	vpop (xrf1);
	v3 =	vand.u32 $0x7F, v3;
	v5 =	vand.u32 $0x7F, v5;
	v7 =	vand.u32 $0x7F, v7  }
0x9a: {  	_, v22, vm4 =	vpop (xrf1);
	vm3 =	vmand vm3, vm1;
	vm1 =	vlt.u32 v17, $0xC400;
	vm14 =	vlt.u32 v20, $0xC400  }
0x9b: {  	vm15 =	vlt.u32 v24, $0xC400;
	vm8 =	vlt.u32 v25, $0xC400;
	_, v17, vm6 =	vpop (xrf1);
	vm4 =	vmand vm4, vm1  }
0x9c: {  	vm10 =	vlt.u32 v18, $0xC400;
	v14 =	vor.u32 v14, v19;
	vm1 =	vmand vm6, vm5  }
0x9d: {  	[tilespmem:v13+s18+$0x0] =	vst.idx.add.s32.msk vm0, v10;
	v8 =	vor.u32 v8, v11;
	v11 =	vand.u32 $0xFFFFFF80, v20;
	v10 =	vand.u32 $0xFFFFFF80, v24  }
0x9e: {  	v4 =	vor.u32 v4, v11;
	v2 =	vor.u32 v2, v10;
	v10 =	vand.u32 $0xFFFFFF80, v25;
	_, v23, vm13 =	vpop (xrf1)  }
0x9f: {  	v3 =	vor.u32 v3, v10;
	v10 =	vand.u32 $0xFFFFFF80, v18;
	[tilespmem:v16+s18+$0x0] =	vst.idx.add.s32.msk vm2, v12;
	_, v26, vm7 =	vpop (xrf1);
	vm5 =	vmand vm13, vm14  }
0xa0: {  	v5 =	vor.u32 v5, v10;
	v10 =	vand.u32 $0xFFFFFF80, v29;
	[tilespmem:v15+s18+$0x0] =	vst.idx.add.s32.msk vm3, v21;
	_, v27, vm9 =	vpop (xrf1);
	vm6 =	vmand vm7, vm15  }
0xa1: {  	v32 =	vsub.s32 v6, v0;
	v7 =	vor.u32 v7, v10;
	[tilespmem:v14+s18+$0x0] =	vst.idx.add.s32.msk vm4, v22;
	_, v28, vm11 =	vpop (xrf1);
	vm7 =	vmand vm9, vm8  }
0xa2: {  	[tilespmem:v8+s18+$0x0] =	vst.idx.add.s32.msk vm1, v17;
	v8 =	vand.u32 $0x7F, v9;
	vm8 =	vmand vm11, vm10;
	vm10 =	vlt.u32 v29, $0xC400;
	_, v31, vm9 =	vpop (xrf1)  }
0xa3: {  	v9 =	vand.u32 $0xFFFFFF80, v30;
	vm11 =	vlt.u32 v30, $0xC400;
	_, v33, vm12 =	vpop (xrf1);
	vm9 =	vmand vm9, vm10  }
0xa4: {  	v8 =	vor.u32 v8, v9;
	vm10 =	vmand vm12, vm11;
	vm11 =	vlt.u32 v32, $0xC400;
	_, v34, vm12 =	vpop (xrf1)  }
0xa5: {  	[tilespmem:v4+s18+$0x0] =	vst.idx.add.s32.msk vm5, v23;
	v4 =	vand.u32 $0x7F, v6;
	v6 =	vand.u32 $0xFFFFFF80, v32;
	vm11 =	vmand vm12, vm11  }
0xa6: {  	[tilespmem:v2+s18+$0x0] =	vst.idx.add.s32.msk vm6, v26;
	v2 =	vor.u32 v4, v6  }
0xa7: {  	[tilespmem:v3+s18+$0x0] =	vst.idx.add.s32.msk vm7, v27  }
0xa8: {  	[tilespmem:v5+s18+$0x0] =	vst.idx.add.s32.msk vm8, v28  }
0xa9: {  	[tilespmem:v7+s18+$0x0] =	vst.idx.add.s32.msk vm9, v31  }
0xaa: {  	[tilespmem:v8+s18+$0x0] =	vst.idx.add.s32.msk vm10, v33  }
0xab: {  	p2 =	seq.s32 s15, $0x17;
	[tilespmem:v2+s18+$0x0] =	vst.idx.add.s32.msk vm11, v34  }
0xac: {  	s10 =	sadd.s32 @!p2 s29, s22;
	_ =	swait.ge [sflag:s19], $0x800  }
0xad: {  	s14 =	simm.s32 @!p2 $0x0;
	s10 =	sshrl.u32 @!p2 s10, $0x3;
	[sflag:s19] =	ssyncset.done $0x0  }
0xae: {  	s23 =	simm.s32 @!p2 $0x15040;
	s10 =	sadd.s32 @!p2 s26, s10;
	[sflag:s19] =	ssyncadd.s32 $0xFFFFF800  }
0xaf: {  	[tilespmem:s23], [sflag:$0x1] =	stream.linear.gather @!p2 [hbm4b:s10+s14], $0x800, $0x200038;
	[tilespmem:$0x16040] =	vst v63  }
0xb0: {  	s14 =	simm.s32 $0x0  }
0xb1: {  	v6 =	vld [tilespmem:s14+$0x15840];
	_ =	sdelay $0x4  }
0xb2: {  	(xrf1) =	vunique.msk.u32 $0xffff, v6  }
0xb3: {  	v9 =	vld [tilespmem:s14+$0x15850]  }
0xb4: {  	v12 =	vld [tilespmem:s14+$0x15860];
	_ =	sdelay $0x1  }
0xb5: {  	s23 =	simm.s32 $0x40;
	v14 =	vld [tilespmem:s14+$0x15870]  }
0xb6: {  	v11 =	vld [tilespmem:s23+$0x15840]  }
0xb7: {  	(xrf1) =	vunique.msk.u32 $0xffff, v9  }
0xb8: {  	(xrf1) =	vunique.msk.u32 $0xffff, v12  }
0xb9: {  	v4 =	vld [tilespmem:s23+$0x15850]  }
0xba: {  	v2 =	vld [tilespmem:s23+$0x15860];
	(xrf1) =	vunique.msk.u32 $0xffff, v14  }
0xbb: {  	s29 =	simm.s32 $0x80;
	v3 =	vld [tilespmem:s23+$0x15870];
	(xrf1) =	vunique.msk.u32 $0xffff, v11  }
0xbc: {  	v5 =	vld [tilespmem:s29+$0x15840];
	_ =	sdelay $0x1  }
0xbd: {  	v7 =	vsub.s32 v6, v0;
	(xrf1) =	vunique.msk.u32 $0xffff, v4  }
0xbe: {  	vm0 =	vlt.u32 v7, $0xC400;
	(xrf1) =	vunique.msk.u32 $0xffff, v2;
	_, v10, vm1 =	vpop (xrf1)  }
0xbf: {  	v6 =	vand.u32 $0x7F, v6;
	v7 =	vand.u32 $0xFFFFFF80, v7;
	(xrf1) =	vunique.msk.u32 $0xffff, v3;
	vm0 =	vmand vm1, vm0  }
0xc0: {  	v16 =	vand.u32 $0x7F, v9;
	v18 =	vsub.s32 v9, v0;
	v9 =	vld [tilespmem:s29+$0x15860];
	v13 =	vor.u32 v6, v7;
	(xrf1) =	vunique.msk.u32 $0xffff, v5  }
0xc1: {  	v7 =	vld [tilespmem:s29+$0x15850]  }
0xc2: {  	v8 =	vand.u32 $0x7F, v11;
	v15 =	vand.u32 $0x7F, v12;
	v19 =	vsub.s32 v12, v0  }
0xc3: {  	v17 =	vsub.s32 v14, v0;
	v20 =	vand.u32 $0xFFFFFF80, v18;
	v14 =	vand.u32 $0x7F, v14  }
0xc4: {  	s10 =	simm.s32 $0x300;
	v6 =	vld [tilespmem:s29+$0x15870];
	v11 =	vsub.s32 v11, v0;
	vm1 =	vlt.u32 v18, $0xC400;
	v18 =	vand.u32 $0xFFFFFF80, v19;
	_, v12, vm2 =	vpop (xrf1)  }
.LBB2_7:
0xc5: {  	[tilespmem:v13+s18+$0x0] =	vst.idx.add.s32.msk vm0, v10;
	vm1 =	vmand vm2, vm1;
	vm0 =	vlt.u32 v19, $0xC400;
	v13 =	vand.u32 $0xFFFFFF80, v17;
	_, v21, vm2 =	vpop (xrf1)  }
0xc6: {  	s14 =	sshra.s32 s10, $0x2;
	p3 =	sne.s32 s10, $0x1F00;
	v19 =	vmovc v5;
	v22 =	vmovc v4;
	v4 =	vmov v7;
	v23 =	vmov v2;
	v2 =	vmov v9  }
0xc7: {  	v20 =	vor.u32 v16, v20;
	v5 =	vld [tilespmem:s14+$0x15840];
	vm2 =	vmand vm2, vm0;
	vm0 =	vlt.u32 v17, $0xC400;
	_, v24, vm3 =	vpop (xrf1)  }
0xc8: {  	vm4 =	vlt.u32 v11, $0xC400;
	v18 =	vor.u32 v15, v18;
	_, v10, vm5 =	vpop (xrf1);
	vm3 =	vmand vm3, vm0  }
0xc9: {  	v11 =	vand.u32 $0xFFFFFF80, v11;
	v25 =	vor.u32 v14, v13;
	v14 =	vmovc v3;
	v7 =	vld [tilespmem:s14+$0x15850];
	(xrf1) =	vunique.msk.u32 $0xffff, v4;
	vm0 =	vmand vm5, vm4  }
.Ltmp4:
0xca: {  	v13 =	vor.u32 v8, v11;
	v3 =	vmov v6;
	v9 =	vld [tilespmem:s14+$0x15860];
	(xrf1) =	vunique.msk.u32 $0xffff, v2;
	(pc) =	sbr.rel @p3 .LBB2_7-.Ltmp4, $4  }
0xcb: {  	v8 =	vand.u32 $0x7F, v19;
	v16 =	vand.u32 $0x7F, v22;
	v15 =	vand.u32 $0x7F, v23;
	v6 =	vld [tilespmem:s14+$0x15870];
	(xrf1) =	vunique.msk.u32 $0xffff, v3  }
0xcc: {  	v11 =	vsub.s32 v19, v0;
	v22 =	vsub.s32 v22, v0;
	(xrf1) =	vunique.msk.u32 $0xffff, v5;
	[tilespmem:v20+s18+$0x0] =	vst.idx.add.s32.msk vm1, v12  }
0xcd: {  	v19 =	vsub.s32 v23, v0;
	v17 =	vsub.s32 v14, v0;
	v14 =	vand.u32 $0x7F, v14;
	[tilespmem:v18+s18+$0x0] =	vst.idx.add.s32.msk vm2, v21  }
0xce: {  	s10 =	sadd.s32 $0x100, s10;
	vm1 =	vlt.u32 v22, $0xC400;
	v20 =	vand.u32 $0xFFFFFF80, v22;
	v18 =	vand.u32 $0xFFFFFF80, v19;
	_, v12, vm2 =	vpop (xrf1);
	[tilespmem:v25+s18+$0x0] =	vst.idx.add.s32.msk vm3, v24  }
0xcf: {  	(xrf1) =	vunique.msk.u32 $0xffff, v7;
	vm2 =	vmand vm2, vm1;
	vm11 =	vlt.u32 v19, $0xC400;
	v47 =	vand.u32 $0xFFFFFF80, v17  }
0xd0: {  	v16 =	vor.u32 v16, v20;
	vm12 =	vlt.u32 v17, $0xC400;
	vm6 =	vlt.u32 v11, $0xC400;
	(xrf1) =	vunique.msk.u32 $0xffff, v9  }
0xd1: {  	v15 =	vor.u32 v15, v18;
	v49 =	vsub.s32 v5, v0;
	v50 =	vsub.s32 v4, v0;
	(xrf1) =	vunique.msk.u32 $0xffff, v6  }
0xd2: {  	v24 =	vsub.s32 v2, v0;
	v25 =	vsub.s32 v3, v0;
	v29 =	vsub.s32 v7, v0  }
0xd3: {  	v30 =	vsub.s32 v9, v0;
	v51 =	vand.u32 $0xFFFFFF80, v11;
	v52 =	vand.u32 $0x7F, v4  }
0xd4: {  	_, v21, vm3 =	vpop (xrf1);
	v2 =	vand.u32 $0x7F, v2;
	v3 =	vand.u32 $0x7F, v3;
	v56 =	vand.u32 $0x7F, v5  }
0xd5: {  	v58 =	vand.u32 $0x7F, v7;
	v60 =	vand.u32 $0x7F, v9;
	vm3 =	vmand vm3, vm11  }
0xd6: {  	vm14 =	vlt.u32 v50, $0xC400;
	vm15 =	vlt.u32 v24, $0xC400;
	vm8 =	vlt.u32 v25, $0xC400  }
0xd7: {  	_, v22, vm4 =	vpop (xrf1);
	vm10 =	vlt.u32 v49, $0xC400;
	v32 =	vsub.s32 v6, v0;
	v14 =	vor.u32 v14, v47  }
0xd8: {  	v8 =	vor.u32 v8, v51;
	v53 =	vand.u32 $0xFFFFFF80, v50;
	_, v48, vm5 =	vpop (xrf1);
	vm4 =	vmand vm4, vm12  }
0xd9: {  	v54 =	vand.u32 $0xFFFFFF80, v24;
	v55 =	vand.u32 $0xFFFFFF80, v25;
	vm1 =	vmand vm5, vm6;
	_, v23, vm13 =	vpop (xrf1)  }
0xda: {  	v57 =	vand.u32 $0xFFFFFF80, v49;
	v59 =	vand.u32 $0xFFFFFF80, v29;
	_, v26, vm7 =	vpop (xrf1);
	vm5 =	vmand vm13, vm14  }
0xdb: {  	[tilespmem:v13+s18+$0x0] =	vst.idx.add.s32.msk vm0, v10;
	v61 =	vand.u32 $0xFFFFFF80, v30;
	v4 =	vor.u32 v52, v53;
	_, v27, vm9 =	vpop (xrf1);
	vm6 =	vmand vm7, vm15  }
0xdc: {  	v62 =	vand.u32 $0x7F, v6;
	v2 =	vor.u32 v2, v54;
	[tilespmem:v16+s18+$0x0] =	vst.idx.add.s32.msk vm2, v12;
	_, v28, vm11 =	vpop (xrf1);
	vm7 =	vmand vm9, vm8  }
0xdd: {  	v3 =	vor.u32 v3, v55;
	[tilespmem:v15+s18+$0x0] =	vst.idx.add.s32.msk vm3, v21;
	vm8 =	vmand vm11, vm10;
	vm10 =	vlt.u32 v29, $0xC400;
	_, v31, vm9 =	vpop (xrf1)  }
0xde: {  	v5 =	vor.u32 v56, v57;
	[tilespmem:v14+s18+$0x0] =	vst.idx.add.s32.msk vm4, v22;
	vm11 =	vlt.u32 v30, $0xC400;
	_, v33, vm12 =	vpop (xrf1);
	vm9 =	vmand vm9, vm10  }
0xdf: {  	v7 =	vor.u32 v58, v59;
	[tilespmem:v8+s18+$0x0] =	vst.idx.add.s32.msk vm1, v48;
	vm10 =	vmand vm12, vm11;
	vm11 =	vlt.u32 v32, $0xC400;
	_, v34, vm12 =	vpop (xrf1)  }
0xe0: {  	v63 =	vand.u32 $0xFFFFFF80, v32;
	v8 =	vor.u32 v60, v61;
	[tilespmem:v4+s18+$0x0] =	vst.idx.add.s32.msk vm5, v23;
	vm11 =	vmand vm12, vm11  }
0xe1: {  	[tilespmem:v2+s18+$0x0] =	vst.idx.add.s32.msk vm6, v26;
	v2 =	vor.u32 v62, v63  }
.Ltmp5:
0xe2: {  	[tilespmem:v3+s18+$0x0] =	vst.idx.add.s32.msk vm7, v27;
	(pc) =	sbr.rel @p2 .LBB2_10-.Ltmp5, $4  }
0xe3: {  	[tilespmem:v5+s18+$0x0] =	vst.idx.add.s32.msk vm8, v28  }
0xe4: {  	[tilespmem:v7+s18+$0x0] =	vst.idx.add.s32.msk vm9, v31  }
0xe5: {  	[tilespmem:v8+s18+$0x0] =	vst.idx.add.s32.msk vm10, v33  }
0xe6: {  	[tilespmem:v2+s18+$0x0] =	vst.idx.add.s32.msk vm11, v34  }
.Ltmp6:
0xe7: {  	(pc) =	sbr.rel .LBB2_4-.Ltmp6, $4  }
0xe8: {  	_ = 	snop  }
0xe9: {  	_ =	swait.ge [sflag:s16], $0x800  }
0xea: {  	[sflag:s16] =	ssyncset.done $0x0  }
0xeb: {  	s15 =	sadd.s32 $0x1, s15;
	[sflag:s16] =	ssyncadd.s32 $0xFFFFF800  }
.LBB2_10:
0xec: {  	s10 =	simm.s32 $0x0;
	s5 =	rddreg [dreg:$0x1b];
	s9 =	simm.s32 $0x15040  }
0xed: {  	[tilespmem:s9], [sflag:$0xB] =	stream.linear.gather [hbm4b:s5+s10], $0x6A0, $0x200038;
	[tilespmem:$0x16040] =	vst v63  }
0xee: {  	s9 =	simm.s32 $0xB  }
0xef: {  	_ =	swait.ge [sflag:s9], $0x6A0  }
0xf0: {  	[sflag:s9] =	ssyncset.done $0x0  }
0xf1: {  	s15 =	simm.s32 $0x0;
	[sflag:s9] =	ssyncadd.s32 $0xFFFFF960  }
0xf2: {  	v6 =	vld [tilespmem:s15+$0x15040];
	_ =	sdelay $0x4  }
0xf3: {  	(xrf1) =	vunique.msk.u32 $0xffff, v6;
	_ =	sdelay $0x4  }
0xf4: {  	v9 =	vld [tilespmem:s15+$0x15050]  }
0xf5: {  	v12 =	vld [tilespmem:s15+$0x15060];
	_ =	sdelay $0x1  }
0xf6: {  	s23 =	simm.s32 $0x40;
	v14 =	vld [tilespmem:s15+$0x15070]  }
0xf7: {  	v11 =	vld [tilespmem:s23+$0x15040]  }
0xf8: {  	(xrf1) =	vunique.msk.u32 $0xffff, v9  }
0xf9: {  	(xrf1) =	vunique.msk.u32 $0xffff, v12  }
0xfa: {  	v4 =	vld [tilespmem:s23+$0x15050]  }
0xfb: {  	v2 =	vld [tilespmem:s23+$0x15060];
	(xrf1) =	vunique.msk.u32 $0xffff, v14  }
0xfc: {  	s29 =	simm.s32 $0x80;
	v3 =	vld [tilespmem:s23+$0x15070];
	_, v10, vm1 =	vpop (xrf1);
	(xrf1) =	vunique.msk.u32 $0xffff, v11  }
0xfd: {  	v5 =	vld [tilespmem:s29+$0x15040];
	_ =	sdelay $0x1  }
0xfe: {  	v7 =	vsub.s32 v6, v0;
	(xrf1) =	vunique.msk.u32 $0xffff, v4  }
0xff: {  	vm0 =	vlt.u32 v7, $0xC400;
	(xrf1) =	vunique.msk.u32 $0xffff, v2  }
0x100: {  	v6 =	vand.u32 $0x7F, v6;
	v7 =	vand.u32 $0xFFFFFF80, v7;
	vm0 =	vmand vm1, vm0;
	(xrf1) =	vunique.msk.u32 $0xffff, v3  }
0x101: {  	v16 =	vand.u32 $0x7F, v9;
	v18 =	vsub.s32 v9, v0;
	v9 =	vld [tilespmem:s29+$0x15060];
	v13 =	vor.u32 v6, v7;
	(xrf1) =	vunique.msk.u32 $0xffff, v5  }
0x102: {  	v7 =	vld [tilespmem:s29+$0x15050]  }
0x103: {  	v8 =	vand.u32 $0x7F, v11;
	v15 =	vand.u32 $0x7F, v12;
	v19 =	vsub.s32 v12, v0  }
0x104: {  	v17 =	vsub.s32 v14, v0;
	v20 =	vand.u32 $0xFFFFFF80, v18;
	v14 =	vand.u32 $0x7F, v14  }
0x105: {  	s14 =	simm.s32 $0xA4C0;
	s10 =	simm.s32 $0x300;
	v6 =	vld [tilespmem:s29+$0x15070];
	v11 =	vsub.s32 v11, v0;
	vm1 =	vlt.u32 v18, $0xC400;
	v18 =	vand.u32 $0xFFFFFF80, v19;
	_, v12, vm2 =	vpop (xrf1)  }
.LBB2_11:
0x106: {  	[tilespmem:v13+s18+$0x0] =	vst.idx.add.s32.msk vm0, v10;
	vm1 =	vmand vm2, vm1;
	vm0 =	vlt.u32 v19, $0xC400;
	v13 =	vand.u32 $0xFFFFFF80, v17;
	_, v21, vm2 =	vpop (xrf1)  }
0x107: {  	s11 =	sshra.s32 s10, $0x2;
	p2 =	sne.s32 s10, $0x1900;
	v19 =	vmovc v5;
	v22 =	vmovc v4;
	v4 =	vmov v7;
	v23 =	vmov v2;
	v2 =	vmov v9  }
0x108: {  	v20 =	vor.u32 v16, v20;
	v5 =	vld [tilespmem:s11+$0x15040];
	vm2 =	vmand vm2, vm0;
	vm0 =	vlt.u32 v17, $0xC400;
	_, v24, vm3 =	vpop (xrf1)  }
0x109: {  	vm4 =	vlt.u32 v11, $0xC400;
	v18 =	vor.u32 v15, v18;
	_, v10, vm5 =	vpop (xrf1);
	vm3 =	vmand vm3, vm0  }
0x10a: {  	v11 =	vand.u32 $0xFFFFFF80, v11;
	v25 =	vor.u32 v14, v13;
	v14 =	vmovc v3;
	v7 =	vld [tilespmem:s11+$0x15050];
	(xrf1) =	vunique.msk.u32 $0xffff, v4;
	vm0 =	vmand vm5, vm4  }
.Ltmp7:
0x10b: {  	v13 =	vor.u32 v8, v11;
	v3 =	vmov v6;
	v9 =	vld [tilespmem:s11+$0x15060];
	(xrf1) =	vunique.msk.u32 $0xffff, v2;
	(pc) =	sbr.rel @p2 .LBB2_11-.Ltmp7, $4  }
0x10c: {  	v8 =	vand.u32 $0x7F, v19;
	v16 =	vand.u32 $0x7F, v22;
	v15 =	vand.u32 $0x7F, v23;
	v6 =	vld [tilespmem:s11+$0x15070];
	(xrf1) =	vunique.msk.u32 $0xffff, v3  }
0x10d: {  	v11 =	vsub.s32 v19, v0;
	v22 =	vsub.s32 v22, v0;
	(xrf1) =	vunique.msk.u32 $0xffff, v5;
	[tilespmem:v20+s18+$0x0] =	vst.idx.add.s32.msk vm1, v12  }
0x10e: {  	v19 =	vsub.s32 v23, v0;
	v17 =	vsub.s32 v14, v0;
	v14 =	vand.u32 $0x7F, v14;
	[tilespmem:v18+s18+$0x0] =	vst.idx.add.s32.msk vm2, v21  }
0x10f: {  	s10 =	sadd.s32 $0x100, s10;
	vm1 =	vlt.u32 v22, $0xC400;
	v20 =	vand.u32 $0xFFFFFF80, v22;
	v18 =	vand.u32 $0xFFFFFF80, v19;
	_, v12, vm2 =	vpop (xrf1);
	[tilespmem:v25+s18+$0x0] =	vst.idx.add.s32.msk vm3, v24  }
0x110: {  	v21 =	vld [tilespmem:$0x156C0];
	vm2 =	vmand vm2, vm1;
	vm8 =	vlt.u32 v19, $0xC400;
	v61 =	vand.u32 $0xFFFFFF80, v17  }
0x111: {  	v22 =	vld [tilespmem:$0x156D0];
	v16 =	vor.u32 v16, v20;
	vm9 =	vlt.u32 v17, $0xC400;
	vm7 =	vlt.u32 v11, $0xC400  }
0x112: {  	(xrf1) =	vunique.msk.u32 $0xffff, v7;
	v15 =	vor.u32 v15, v18;
	v44 =	vsub.s32 v5, v0;
	v25 =	vsub.s32 v4, v0  }
0x113: {  	v27 =	vsub.s32 v2, v0;
	v28 =	vsub.s32 v3, v0;
	v31 =	vsub.s32 v7, v0;
	(xrf1) =	vunique.msk.u32 $0xffff, v9  }
0x114: {  	v32 =	vsub.s32 v9, v0;
	v45 =	vand.u32 $0xFFFFFF80, v11;
	v46 =	vand.u32 $0x7F, v4;
	(xrf1) =	vunique.msk.u32 $0xffff, v6  }
0x115: {  	_, v23, vm3 =	vpop (xrf1);
	v2 =	vand.u32 $0x7F, v2;
	v3 =	vand.u32 $0x7F, v3;
	v50 =	vand.u32 $0x7F, v5;
	(xrf1) =	vunique.msk.u32 $0xffff, v21  }
0x116: {  	v52 =	vand.u32 $0x7F, v7;
	v54 =	vand.u32 $0x7F, v9;
	vm4 =	vmand vm3, vm8;
	(xrf1) =	vunique.msk.u32 $0xffff, v22  }
0x117: {  	vm13 =	vlt.u32 v25, $0xC400;
	vm14 =	vlt.u32 v27, $0xC400;
	vm15 =	vlt.u32 v44, $0xC400  }
0x118: {  	v34 =	vsub.s32 v6, v0;
	v14 =	vor.u32 v14, v61;
	v8 =	vor.u32 v8, v45  }
0x119: {  	v47 =	vand.u32 $0xFFFFFF80, v25;
	v48 =	vand.u32 $0xFFFFFF80, v27;
	v49 =	vand.u32 $0xFFFFFF80, v28  }
0x11a: {  	_, v24, vm5 =	vpop (xrf1);
	v51 =	vand.u32 $0xFFFFFF80, v44;
	v53 =	vand.u32 $0xFFFFFF80, v31;
	v55 =	vand.u32 $0xFFFFFF80, v32  }
0x11b: {  	v57 =	vand.u32 $0x7F, v6;
	_, v62, vm10 =	vpop (xrf1);
	vm6 =	vmand vm5, vm9;
	vm9 =	vlt.u32 v28, $0xC400  }
0x11c: {  	v4 =	vor.u32 v46, v47;
	v2 =	vor.u32 v2, v48;
	vm3 =	vmand vm10, vm7;
	_, v63, vm11 =	vpop (xrf1)  }
0x11d: {  	v3 =	vor.u32 v3, v49;
	v5 =	vor.u32 v50, v51;
	_, v26, vm12 =	vpop (xrf1);
	vm7 =	vmand vm11, vm13  }
0x11e: {  	[tilespmem:v13+s18+$0x0] =	vst.idx.add.s32.msk vm0, v10;
	v7 =	vor.u32 v52, v53;
	v56 =	vor.u32 v54, v55;
	_, v29, vm10 =	vpop (xrf1);
	vm8 =	vmand vm12, vm14  }
0x11f: {  	v58 =	vand.u32 $0xFFFFFF80, v34;
	v37 =	vsub.s32 v21, v0;
	[tilespmem:v16+s18+$0x0] =	vst.idx.add.s32.msk vm2, v12;
	_, v30, vm11 =	vpop (xrf1);
	vm5 =	vmand vm10, vm9  }
0x120: {  	v39 =	vsub.s32 v22, v0;
	[tilespmem:v15+s18+$0x0] =	vst.idx.add.s32.msk vm4, v23;
	vm10 =	vlt.u32 v31, $0xC400;
	vm1 =	vmand vm11, vm15;
	_, v33, vm9 =	vpop (xrf1)  }
0x121: {  	v60 =	vand.u32 $0x7F, v21;
	[tilespmem:v14+s18+$0x0] =	vst.idx.add.s32.msk vm6, v24;
	vm11 =	vlt.u32 v32, $0xC400;
	_, v35, vm12 =	vpop (xrf1);
	vm9 =	vmand vm9, vm10  }
0x122: {  	v59 =	vand.u32 $0xFFFFFF80, v37;
	[tilespmem:v8+s18+$0x0] =	vst.idx.add.s32.msk vm3, v62;
	vm10 =	vmand vm12, vm11;
	_, v36, vm11 =	vpop (xrf1);
	vm12 =	vlt.u32 v34, $0xC400  }
0x123: {  	v61 =	vand.u32 $0xFFFFFF80, v39;
	vm13 =	vlt.u32 v37, $0xC400;
	[tilespmem:v4+s18+$0x0] =	vst.idx.add.s32.msk vm7, v63;
	vm12 =	vmand vm11, vm12;
	_, v38, vm14 =	vpop (xrf1)  }
0x124: {  	[tilespmem:v2+s18+$0x0] =	vst.idx.add.s32.msk vm8, v26;
	v2 =	vor.u32 v57, v58;
	vm11 =	vmand vm14, vm13;
	vm13 =	vlt.u32 v39, $0xC400;
	_, v40, vm14 =	vpop (xrf1)  }
0x125: {  	v62 =	vand.u32 $0x7F, v22;
	[tilespmem:v3+s18+$0x0] =	vst.idx.add.s32.msk vm5, v29;
	v3 =	vor.u32 v60, v59;
	vm13 =	vmand vm14, vm13  }
0x126: {  	v63 =	vor.u32 v62, v61;
	[tilespmem:v5+s18+$0x0] =	vst.idx.add.s32.msk vm1, v30  }
0x127: {  	[tilespmem:v7+s18+$0x0] =	vst.idx.add.s32.msk vm9, v33  }
0x128: {  	[tilespmem:v56+s18+$0x0] =	vst.idx.add.s32.msk vm10, v35  }
0x129: {  	[tilespmem:v2+s18+$0x0] =	vst.idx.add.s32.msk vm12, v36  }
0x12a: {  	[tilespmem:v3+s18+$0x0] =	vst.idx.add.s32.msk vm11, v38  }
0x12b: {  	s10 =	simm.s32 $0x0;
	s5 =	rddreg [dreg:$0x7];
	[tilespmem:v63+s18+$0x0] =	vst.idx.add.s32.msk vm13, v40  }
0x12c: {  	[hbm4b:s5+s10] =	stream.linear.scatter [tilespmem:s18], [sflag:$0xB], $0xC400, $0x200038;
	[tilespmem:$0x16040] =	vst v63  }
0x12d: {  	_ =	swait.ge [sflag:s9], $0xC400  }
0x12e: {  	[sflag:s9] =	ssyncset.done $0x0  }
0x12f: {  	[sflag:s9] =	ssyncadd.s32 $0xFFFF3C00  }
0x130: {  	_ =	strace $0x90000049  }
0x131: {  	[bflag:$0x0] =	sbarrier.arrive $0xFFFF  }
0x132: {  	_ =	strace $0x8000004A  }
0x133: {  	s15 =	rddreg [dreg:$0x8]  }
0x134: {  	[tilespmem:s18], [sflag:$0xB] =	stream.linear.gather [hbm4b:s15+s10], $0xC40, $0x200038;
	[tilespmem:$0x16040] =	vst v63  }
0x135: {  	_ =	swait.ge [sflag:s9], $0xC40  }
0x136: {  	[sflag:s9] =	ssyncset.done $0x0  }
0x137: {  	s23 =	rddreg [dreg:$0x9];
	[sflag:s9] =	ssyncadd.s32 $0xFFFFF3C0  }
0x138: {  	[tilespmem:s14], [sflag:$0x2] =	stream.linear.gather [hbm4b:s23+s10], $0xC40, $0x200038;
	[tilespmem:$0x16040] =	vst v63  }
0x139: {  	s15 =	simm.s32 $0x9880;
	s29 =	rddreg [dreg:$0xa]  }
0x13a: {  	[tilespmem:s15], [sflag:$0x1] =	stream.linear.gather [hbm4b:s29+s10], $0xC40, $0x200038;
	[tilespmem:$0x16040] =	vst v63  }
0x13b: {  	_ =	swait.ge [sflag:s19], $0xC40  }
0x13c: {  	[sflag:s19] =	ssyncset.done $0x0  }
0x13d: {  	s10 =	simm.s32 $0x0;
	[sflag:s19] =	ssyncadd.s32 $0xFFFFF3C0  }
0x13e: {  	s11 =	simm.s32 $0x40;
	v2 =	vld [tilespmem:s10+$0xA4C0]  }
.LBB2_13:
0x13f: {  	p2 =	sne.s32 s11, $0x30C0  }
.Ltmp8:
0x140: {  	_ = 	snop;
	(pc) =	sbr.rel @p2 .LBB2_13-.Ltmp8, $3  }
0x141: {  	_ =	sdelay $0x1  }
0x142: {  	[tilespmem:s10+$0x8C40] =	vst.add.s32.msk $0xffff, v2;
	s10 =	sshra.s32 s11, $0x2;
	s11 =	sadd.s32 $0x40, s11  }
0x143: {  	v2 =	vld [tilespmem:s10+$0xA4C0]  }
0x144: {  	_ =	sdelay $0x3  }
0x145: {  	s29 =	simm.s32 $0x0;
	s5 =	rddreg [dreg:$0xb];
	[tilespmem:s10+$0x8C40] =	vst.add.s32.msk $0xffff, v2  }
0x146: {  	[tilespmem:s14], [sflag:$0x2] =	stream.linear.gather [hbm4b:s5+s29], $0xC40, $0x200038;
	[tilespmem:$0x16040] =	vst v63  }
0x147: {  	_ =	swait.ge [sflag:s16], $0xC40  }
0x148: {  	[sflag:s16] =	ssyncset.done $0x0  }
0x149: {  	s10 =	simm.s32 $0x0;
	[sflag:s16] =	ssyncadd.s32 $0xFFFFF3C0  }
0x14a: {  	s11 =	simm.s32 $0x40;
	v2 =	vld [tilespmem:s10+$0x9880]  }
.LBB2_15:
0x14b: {  	p2 =	sne.s32 s11, $0x30C0  }
.Ltmp9:
0x14c: {  	_ = 	snop;
	(pc) =	sbr.rel @p2 .LBB2_15-.Ltmp9, $3  }
0x14d: {  	_ =	sdelay $0x1  }
0x14e: {  	[tilespmem:s10+$0x8C40] =	vst.add.s32.msk $0xffff, v2;
	s10 =	sshra.s32 s11, $0x2;
	s11 =	sadd.s32 $0x40, s11  }
0x14f: {  	v2 =	vld [tilespmem:s10+$0x9880]  }
0x150: {  	_ =	sdelay $0x3  }
0x151: {  	s29 =	simm.s32 $0x0;
	s5 =	rddreg [dreg:$0xc];
	[tilespmem:s10+$0x8C40] =	vst.add.s32.msk $0xffff, v2  }
0x152: {  	[tilespmem:s15], [sflag:$0x1] =	stream.linear.gather [hbm4b:s5+s29], $0xC40, $0x200038;
	[tilespmem:$0x16040] =	vst v63  }
0x153: {  	_ =	swait.ge [sflag:s19], $0xC40  }
0x154: {  	[sflag:s19] =	ssyncset.done $0x0  }
0x155: {  	s10 =	simm.s32 $0x0;
	[sflag:s19] =	ssyncadd.s32 $0xFFFFF3C0  }
0x156: {  	s11 =	simm.s32 $0x40;
	v2 =	vld [tilespmem:s10+$0xA4C0]  }
.LBB2_17:
0x157: {  	p2 =	sne.s32 s11, $0x30C0  }
.Ltmp10:
0x158: {  	_ = 	snop;
	(pc) =	sbr.rel @p2 .LBB2_17-.Ltmp10, $3  }
0x159: {  	_ =	sdelay $0x1  }
0x15a: {  	[tilespmem:s10+$0x8C40] =	vst.add.s32.msk $0xffff, v2;
	s10 =	sshra.s32 s11, $0x2;
	s11 =	sadd.s32 $0x40, s11  }
0x15b: {  	v2 =	vld [tilespmem:s10+$0xA4C0]  }
0x15c: {  	_ =	sdelay $0x3  }
0x15d: {  	s29 =	simm.s32 $0x0;
	s5 =	rddreg [dreg:$0xd];
	[tilespmem:s10+$0x8C40] =	vst.add.s32.msk $0xffff, v2  }
0x15e: {  	[tilespmem:s14], [sflag:$0x2] =	stream.linear.gather [hbm4b:s5+s29], $0xC40, $0x200038;
	[tilespmem:$0x16040] =	vst v63  }
0x15f: {  	_ =	swait.ge [sflag:s16], $0xC40  }
0x160: {  	[sflag:s16] =	ssyncset.done $0x0  }
0x161: {  	s10 =	simm.s32 $0x0;
	[sflag:s16] =	ssyncadd.s32 $0xFFFFF3C0  }
0x162: {  	s11 =	simm.s32 $0x40;
	v2 =	vld [tilespmem:s10+$0x9880]  }
.LBB2_19:
0x163: {  	p2 =	sne.s32 s11, $0x30C0  }
.Ltmp11:
0x164: {  	_ = 	snop;
	(pc) =	sbr.rel @p2 .LBB2_19-.Ltmp11, $3  }
0x165: {  	_ =	sdelay $0x1  }
0x166: {  	[tilespmem:s10+$0x8C40] =	vst.add.s32.msk $0xffff, v2;
	s10 =	sshra.s32 s11, $0x2;
	s11 =	sadd.s32 $0x40, s11  }
0x167: {  	v2 =	vld [tilespmem:s10+$0x9880]  }
0x168: {  	_ =	sdelay $0x3  }
0x169: {  	s29 =	simm.s32 $0x0;
	s5 =	rddreg [dreg:$0xe];
	[tilespmem:s10+$0x8C40] =	vst.add.s32.msk $0xffff, v2  }
0x16a: {  	[tilespmem:s15], [sflag:$0x1] =	stream.linear.gather [hbm4b:s5+s29], $0xC40, $0x200038;
	[tilespmem:$0x16040] =	vst v63  }
0x16b: {  	_ =	swait.ge [sflag:s19], $0xC40  }
0x16c: {  	[sflag:s19] =	ssyncset.done $0x0  }
0x16d: {  	s10 =	simm.s32 $0x0;
	[sflag:s19] =	ssyncadd.s32 $0xFFFFF3C0  }
0x16e: {  	s11 =	simm.s32 $0x40;
	v2 =	vld [tilespmem:s10+$0xA4C0]  }
.LBB2_21:
0x16f: {  	p2 =	sne.s32 s11, $0x30C0  }
.Ltmp12:
0x170: {  	_ = 	snop;
	(pc) =	sbr.rel @p2 .LBB2_21-.Ltmp12, $3  }
0x171: {  	_ =	sdelay $0x1  }
0x172: {  	[tilespmem:s10+$0x8C40] =	vst.add.s32.msk $0xffff, v2;
	s10 =	sshra.s32 s11, $0x2;
	s11 =	sadd.s32 $0x40, s11  }
0x173: {  	v2 =	vld [tilespmem:s10+$0xA4C0]  }
0x174: {  	_ =	sdelay $0x3  }
0x175: {  	s29 =	simm.s32 $0x0;
	s5 =	rddreg [dreg:$0xf];
	[tilespmem:s10+$0x8C40] =	vst.add.s32.msk $0xffff, v2  }
0x176: {  	[tilespmem:s14], [sflag:$0x2] =	stream.linear.gather [hbm4b:s5+s29], $0xC40, $0x200038;
	[tilespmem:$0x16040] =	vst v63  }
0x177: {  	_ =	swait.ge [sflag:s16], $0xC40  }
0x178: {  	[sflag:s16] =	ssyncset.done $0x0  }
0x179: {  	s10 =	simm.s32 $0x0;
	[sflag:s16] =	ssyncadd.s32 $0xFFFFF3C0  }
0x17a: {  	s11 =	simm.s32 $0x40;
	v2 =	vld [tilespmem:s10+$0x9880]  }
.LBB2_23:
0x17b: {  	p2 =	sne.s32 s11, $0x30C0  }
.Ltmp13:
0x17c: {  	_ = 	snop;
	(pc) =	sbr.rel @p2 .LBB2_23-.Ltmp13, $3  }
0x17d: {  	_ =	sdelay $0x1  }
0x17e: {  	[tilespmem:s10+$0x8C40] =	vst.add.s32.msk $0xffff, v2;
	s10 =	sshra.s32 s11, $0x2;
	s11 =	sadd.s32 $0x40, s11  }
0x17f: {  	v2 =	vld [tilespmem:s10+$0x9880]  }
0x180: {  	_ =	sdelay $0x3  }
0x181: {  	s29 =	simm.s32 $0x0;
	s5 =	rddreg [dreg:$0x10];
	[tilespmem:s10+$0x8C40] =	vst.add.s32.msk $0xffff, v2  }
0x182: {  	[tilespmem:s15], [sflag:$0x1] =	stream.linear.gather [hbm4b:s5+s29], $0xC40, $0x200038;
	[tilespmem:$0x16040] =	vst v63  }
0x183: {  	_ =	swait.ge [sflag:s19], $0xC40  }
0x184: {  	[sflag:s19] =	ssyncset.done $0x0  }
0x185: {  	s10 =	simm.s32 $0x0;
	[sflag:s19] =	ssyncadd.s32 $0xFFFFF3C0  }
0x186: {  	s11 =	simm.s32 $0x40;
	v2 =	vld [tilespmem:s10+$0xA4C0]  }
.LBB2_25:
0x187: {  	p2 =	sne.s32 s11, $0x30C0  }
.Ltmp14:
0x188: {  	_ = 	snop;
	(pc) =	sbr.rel @p2 .LBB2_25-.Ltmp14, $3  }
0x189: {  	_ =	sdelay $0x1  }
0x18a: {  	[tilespmem:s10+$0x8C40] =	vst.add.s32.msk $0xffff, v2;
	s10 =	sshra.s32 s11, $0x2;
	s11 =	sadd.s32 $0x40, s11  }
0x18b: {  	v2 =	vld [tilespmem:s10+$0xA4C0]  }
0x18c: {  	_ =	sdelay $0x3  }
0x18d: {  	s29 =	simm.s32 $0x0;
	s5 =	rddreg [dreg:$0x11];
	[tilespmem:s10+$0x8C40] =	vst.add.s32.msk $0xffff, v2  }
0x18e: {  	[tilespmem:s14], [sflag:$0x2] =	stream.linear.gather [hbm4b:s5+s29], $0xC40, $0x200038;
	[tilespmem:$0x16040] =	vst v63  }
0x18f: {  	_ =	swait.ge [sflag:s16], $0xC40  }
0x190: {  	[sflag:s16] =	ssyncset.done $0x0  }
0x191: {  	s10 =	simm.s32 $0x0;
	[sflag:s16] =	ssyncadd.s32 $0xFFFFF3C0  }
0x192: {  	s11 =	simm.s32 $0x40;
	v2 =	vld [tilespmem:s10+$0x9880]  }
.LBB2_27:
0x193: {  	p2 =	sne.s32 s11, $0x30C0  }
.Ltmp15:
0x194: {  	_ = 	snop;
	(pc) =	sbr.rel @p2 .LBB2_27-.Ltmp15, $3  }
0x195: {  	_ =	sdelay $0x1  }
0x196: {  	[tilespmem:s10+$0x8C40] =	vst.add.s32.msk $0xffff, v2;
	s10 =	sshra.s32 s11, $0x2;
	s11 =	sadd.s32 $0x40, s11  }
0x197: {  	v2 =	vld [tilespmem:s10+$0x9880]  }
0x198: {  	_ =	sdelay $0x3  }
0x199: {  	s29 =	simm.s32 $0x0;
	s5 =	rddreg [dreg:$0x12];
	[tilespmem:s10+$0x8C40] =	vst.add.s32.msk $0xffff, v2  }
0x19a: {  	[tilespmem:s15], [sflag:$0x1] =	stream.linear.gather [hbm4b:s5+s29], $0xC40, $0x200038;
	[tilespmem:$0x16040] =	vst v63  }
0x19b: {  	_ =	swait.ge [sflag:s19], $0xC40  }
0x19c: {  	[sflag:s19] =	ssyncset.done $0x0  }
0x19d: {  	s10 =	simm.s32 $0x0;
	[sflag:s19] =	ssyncadd.s32 $0xFFFFF3C0  }
0x19e: {  	s11 =	simm.s32 $0x40;
	v2 =	vld [tilespmem:s10+$0xA4C0]  }
.LBB2_29:
0x19f: {  	p2 =	sne.s32 s11, $0x30C0  }
.Ltmp16:
0x1a0: {  	_ = 	snop;
	(pc) =	sbr.rel @p2 .LBB2_29-.Ltmp16, $3  }
0x1a1: {  	_ =	sdelay $0x1  }
0x1a2: {  	[tilespmem:s10+$0x8C40] =	vst.add.s32.msk $0xffff, v2;
	s10 =	sshra.s32 s11, $0x2;
	s11 =	sadd.s32 $0x40, s11  }
0x1a3: {  	v2 =	vld [tilespmem:s10+$0xA4C0]  }
0x1a4: {  	_ =	sdelay $0x3  }
0x1a5: {  	s29 =	simm.s32 $0x0;
	s5 =	rddreg [dreg:$0x13];
	[tilespmem:s10+$0x8C40] =	vst.add.s32.msk $0xffff, v2  }
0x1a6: {  	[tilespmem:s14], [sflag:$0x2] =	stream.linear.gather [hbm4b:s5+s29], $0xC40, $0x200038;
	[tilespmem:$0x16040] =	vst v63  }
0x1a7: {  	_ =	swait.ge [sflag:s16], $0xC40  }
0x1a8: {  	[sflag:s16] =	ssyncset.done $0x0  }
0x1a9: {  	s10 =	simm.s32 $0x0;
	[sflag:s16] =	ssyncadd.s32 $0xFFFFF3C0  }
0x1aa: {  	s11 =	simm.s32 $0x40;
	v2 =	vld [tilespmem:s10+$0x9880]  }
.LBB2_31:
0x1ab: {  	p2 =	sne.s32 s11, $0x30C0  }
.Ltmp17:
0x1ac: {  	_ = 	snop;
	(pc) =	sbr.rel @p2 .LBB2_31-.Ltmp17, $3  }
0x1ad: {  	_ =	sdelay $0x1  }
0x1ae: {  	[tilespmem:s10+$0x8C40] =	vst.add.s32.msk $0xffff, v2;
	s10 =	sshra.s32 s11, $0x2;
	s11 =	sadd.s32 $0x40, s11  }
0x1af: {  	v2 =	vld [tilespmem:s10+$0x9880]  }
0x1b0: {  	_ =	sdelay $0x3  }
0x1b1: {  	s29 =	simm.s32 $0x0;
	s5 =	rddreg [dreg:$0x14];
	[tilespmem:s10+$0x8C40] =	vst.add.s32.msk $0xffff, v2  }
0x1b2: {  	[tilespmem:s15], [sflag:$0x1] =	stream.linear.gather [hbm4b:s5+s29], $0xC40, $0x200038;
	[tilespmem:$0x16040] =	vst v63  }
0x1b3: {  	_ =	swait.ge [sflag:s19], $0xC40  }
0x1b4: {  	[sflag:s19] =	ssyncset.done $0x0  }
0x1b5: {  	s10 =	simm.s32 $0x0;
	[sflag:s19] =	ssyncadd.s32 $0xFFFFF3C0  }
0x1b6: {  	s11 =	simm.s32 $0x40;
	v2 =	vld [tilespmem:s10+$0xA4C0]  }
.LBB2_33:
0x1b7: {  	p2 =	sne.s32 s11, $0x30C0  }
.Ltmp18:
0x1b8: {  	_ = 	snop;
	(pc) =	sbr.rel @p2 .LBB2_33-.Ltmp18, $3  }
0x1b9: {  	_ =	sdelay $0x1  }
0x1ba: {  	[tilespmem:s10+$0x8C40] =	vst.add.s32.msk $0xffff, v2;
	s10 =	sshra.s32 s11, $0x2;
	s11 =	sadd.s32 $0x40, s11  }
0x1bb: {  	v2 =	vld [tilespmem:s10+$0xA4C0]  }
0x1bc: {  	_ =	sdelay $0x3  }
0x1bd: {  	s29 =	simm.s32 $0x0;
	s5 =	rddreg [dreg:$0x15];
	[tilespmem:s10+$0x8C40] =	vst.add.s32.msk $0xffff, v2  }
0x1be: {  	[tilespmem:s14], [sflag:$0x2] =	stream.linear.gather [hbm4b:s5+s29], $0xC40, $0x200038;
	[tilespmem:$0x16040] =	vst v63  }
0x1bf: {  	_ =	swait.ge [sflag:s16], $0xC40  }
0x1c0: {  	[sflag:s16] =	ssyncset.done $0x0  }
0x1c1: {  	s10 =	simm.s32 $0x0;
	[sflag:s16] =	ssyncadd.s32 $0xFFFFF3C0  }
0x1c2: {  	s11 =	simm.s32 $0x40;
	v2 =	vld [tilespmem:s10+$0x9880]  }
.LBB2_35:
0x1c3: {  	p2 =	sne.s32 s11, $0x30C0  }
.Ltmp19:
0x1c4: {  	_ = 	snop;
	(pc) =	sbr.rel @p2 .LBB2_35-.Ltmp19, $3  }
0x1c5: {  	_ =	sdelay $0x1  }
0x1c6: {  	[tilespmem:s10+$0x8C40] =	vst.add.s32.msk $0xffff, v2;
	s10 =	sshra.s32 s11, $0x2;
	s11 =	sadd.s32 $0x40, s11  }
0x1c7: {  	v2 =	vld [tilespmem:s10+$0x9880]  }
0x1c8: {  	_ =	sdelay $0x3  }
0x1c9: {  	s29 =	simm.s32 $0x0;
	s5 =	rddreg [dreg:$0x16];
	[tilespmem:s10+$0x8C40] =	vst.add.s32.msk $0xffff, v2  }
0x1ca: {  	[tilespmem:s15], [sflag:$0x1] =	stream.linear.gather [hbm4b:s5+s29], $0xC40, $0x200038;
	[tilespmem:$0x16040] =	vst v63  }
0x1cb: {  	_ =	swait.ge [sflag:s19], $0xC40  }
0x1cc: {  	[sflag:s19] =	ssyncset.done $0x0  }
0x1cd: {  	s10 =	simm.s32 $0x0;
	[sflag:s19] =	ssyncadd.s32 $0xFFFFF3C0  }
0x1ce: {  	s11 =	simm.s32 $0x40;
	v2 =	vld [tilespmem:s10+$0xA4C0]  }
.LBB2_37:
0x1cf: {  	p2 =	sne.s32 s11, $0x30C0  }
.Ltmp20:
0x1d0: {  	_ = 	snop;
	(pc) =	sbr.rel @p2 .LBB2_37-.Ltmp20, $3  }
0x1d1: {  	_ =	sdelay $0x1  }
0x1d2: {  	[tilespmem:s10+$0x8C40] =	vst.add.s32.msk $0xffff, v2;
	s10 =	sshra.s32 s11, $0x2;
	s11 =	sadd.s32 $0x40, s11  }
0x1d3: {  	v2 =	vld [tilespmem:s10+$0xA4C0]  }
0x1d4: {  	_ =	sdelay $0x3  }
0x1d5: {  	s29 =	simm.s32 $0x0;
	s5 =	rddreg [dreg:$0x17];
	[tilespmem:s10+$0x8C40] =	vst.add.s32.msk $0xffff, v2  }
0x1d6: {  	[tilespmem:s14], [sflag:$0x2] =	stream.linear.gather [hbm4b:s5+s29], $0xC40, $0x200038;
	[tilespmem:$0x16040] =	vst v63  }
0x1d7: {  	_ =	swait.ge [sflag:s16], $0xC40  }
0x1d8: {  	[sflag:s16] =	ssyncset.done $0x0  }
0x1d9: {  	s10 =	simm.s32 $0x0;
	[sflag:s16] =	ssyncadd.s32 $0xFFFFF3C0  }
0x1da: {  	s11 =	simm.s32 $0x40;
	v2 =	vld [tilespmem:s10+$0x9880]  }
.LBB2_39:
0x1db: {  	p2 =	sne.s32 s11, $0x30C0  }
.Ltmp21:
0x1dc: {  	_ = 	snop;
	(pc) =	sbr.rel @p2 .LBB2_39-.Ltmp21, $3  }
0x1dd: {  	_ =	sdelay $0x1  }
0x1de: {  	[tilespmem:s10+$0x8C40] =	vst.add.s32.msk $0xffff, v2;
	s10 =	sshra.s32 s11, $0x2;
	s11 =	sadd.s32 $0x40, s11  }
0x1df: {  	v2 =	vld [tilespmem:s10+$0x9880]  }
0x1e0: {  	_ =	sdelay $0x3  }
0x1e1: {  	[tilespmem:s10+$0x8C40] =	vst.add.s32.msk $0xffff, v2  }
0x1e2: {  	_ =	swait.ge [sflag:s19], $0xC40  }
0x1e3: {  	[sflag:s19] =	ssyncset.done $0x0  }
0x1e4: {  	s10 =	simm.s32 $0x0;
	[sflag:s19] =	ssyncadd.s32 $0xFFFFF3C0  }
0x1e5: {  	s11 =	simm.s32 $0x40;
	v2 =	vld [tilespmem:s10+$0xA4C0]  }
.LBB2_41:
0x1e6: {  	p2 =	sne.s32 s11, $0x30C0  }
.Ltmp22:
0x1e7: {  	_ = 	snop;
	(pc) =	sbr.rel @p2 .LBB2_41-.Ltmp22, $3  }
0x1e8: {  	_ =	sdelay $0x1  }
0x1e9: {  	[tilespmem:s10+$0x8C40] =	vst.add.s32.msk $0xffff, v2;
	s10 =	sshra.s32 s11, $0x2;
	s11 =	sadd.s32 $0x40, s11  }
0x1ea: {  	v2 =	vld [tilespmem:s10+$0xA4C0]  }
0x1eb: {  	_ =	sdelay $0x3  }
0x1ec: {  	s5 =	rddreg [dreg:$0x1c];
	[tilespmem:s10+$0x8C40] =	vst.add.s32.msk $0xffff, v2  }
0x1ed: {  	[spmem:s5] =	stream.linear.scatter [tilespmem:s18], [sflag:$0xB], $0xC40, $0x200038;
	[tilespmem:$0x16040] =	vst v63  }
0x1ee: {  	_ =	swait.ge [sflag:s9], $0xC40  }
0x1ef: {  	[sflag:s9] =	ssyncset.done $0x0  }
0x1f0: {  	[sflag:s9] =	ssyncadd.s32 $0xFFFFF3C0  }
0x1f1: {  	_ =	strace $0x9000004A  }
0x1f2: {  	[bflag:$0x0] =	sbarrier.arrive $0xFFFF  }
0x1f3: {  	_ =	strace $0x8000004B  }
0x1f4: {  	s9 =	rddreg [dreg:$0x1d]  }
0x1f5: {  	[tilespmem:s18], [sflag:$0x3] =	stream.linear.gather [spmem:s9], $0x60, $0x200038;
	[tilespmem:$0x16040] =	vst v63  }
0x1f6: {  	s11 =	simm.s32 $0x8CC0;
	s14 =	simm.s32 $0x3;
	s10 =	rddreg [dreg:$0x1e]  }
0x1f7: {  	[tilespmem:s11], [sflag:$0x4] =	stream.linear.gather [spmem:s10], $0x60, $0x200038;
	[tilespmem:$0x16040] =	vst v63  }
0x1f8: {  	_ =	swait.ge [sflag:s14], $0x60  }
0x1f9: {  	[sflag:s14] =	ssyncset.done $0x0  }
0x1fa: {  	[sflag:s14] =	ssyncadd.s32 $0xFFFFFFA0  }
0x1fb: {  	v2 =	vld [tilespmem:$0x8C40]  }
0x1fc: {  	v3 =	vld [tilespmem:$0x8C50];
	_ =	sdelay $0x1  }
0x1fd: {  	v4 =	vld [tilespmem:$0x8C60];
	_ =	sdelay $0x1  }
0x1fe: {  	v5 =	vld [tilespmem:$0x8C70]  }
0x1ff: {  	vm0 =	vlt.s32 v2, $0x1869F;
	vm1 =	vlt.s32 v3, $0x1869F  }
0x200: {  	v6 =	vld [tilespmem:$0x8C80];
	v2 =	vnsel vm0, $0x1869F, v2;
	v3 =	vnsel vm1, $0x1869F, v3  }
0x201: {  	vm12 =	vlt.s32 v4, $0x1869F;
	vm0 =	vgt.s32 v2, v3  }
0x202: {  	v8 =	vld [tilespmem:$0x8C90];
	v4 =	vnsel vm12, $0x1869F, v4;
	v7 =	vsel vm0, v2, v3  }
0x203: {  	vm13 =	vlt.s32 v5, $0x1869F;
	vm0 =	vgt.s32 v7, v4  }
0x204: {  	v5 =	vnsel vm13, $0x1869F, v5;
	v7 =	vsel vm0, v7, v4  }
0x205: {  	vm14 =	vlt.s32 v6, $0x1869F;
	vm0 =	vgt.s32 v7, v5  }
0x206: {  	v6 =	vnsel vm14, $0x1869F, v6;
	v7 =	vsel vm0, v7, v5  }
0x207: {  	vm15 =	vlt.s32 v8, $0x1869F;
	vm0 =	vgt.s32 v7, v6  }
0x208: {  	v8 =	vnsel vm15, $0x1869F, v8;
	v7 =	vsel vm0, v7, v6  }
0x209: {  	vm0 =	vgt.s32 v7, v8  }
0x20a: {  	v7 =	vsel vm0, v7, v8  }
0x20b: {  	vm0 =	vgt.s32 v7, $0x0  }
0x20c: {  	v7 =	vnsel vm0, $0x0, v7  }
0x20d: {  	v7 =	vor.u32 $0x80000000, v7  }
0x20e: {  	(xrf0) =	vmax.scan.msk.u32 $0xffff, v7;
	_ =	sdelay $0x5  }
0x20f: {  	v7, _, _ =	vpop (xrf0)  }
0x210: {  	(v2sf) =	vpush v7, $0xF;
	_ =	sdelay $0xb  }
0x211: {  	[tilespmem:$0x8C40] =	vst v2  }
0x212: {  	[tilespmem:$0x8C50] =	vst v3  }
0x213: {  	[tilespmem:$0x8C60] =	vst v4  }
0x214: {  	[tilespmem:$0x8C70] =	vst v5;
	s15 =	spop (v2sf)  }
0x215: {  	[tilespmem:$0x8C80] =	vst v6;
	p2 =	sgt.u32 s15, $0x80000FFF  }
0x216: {  	[tilespmem:$0x8C90] =	vst v8;
	s10 =	simm.s32 @p2 $0x60;
	s11 =	simm.s32 @p2 $0x8C40;
	s14 =	simm.s32 @p2 $0x8D40  }
0x217: {  	[tilespmem:s14], [sflag:$0x5] =	stream.indirect.gather @p2 [hbm4b:s2+s10], $0x80, s11, s10, $0x2000b8;
	[tilespmem:$0x16040] =	vst v63  }
.Ltmp23:
0x218: {  	_ = 	snop;
	(pc) =	sbr.rel .LBB2_43-.Ltmp23, $4  }
0x219: {  	s10 =	simm.s32 @!p2 $0x60;
	s11 =	simm.s32 @!p2 $0x8C40;
	s14 =	simm.s32 @!p2 $0x8D40  }
0x21a: {  	[tilespmem:s14], [sflag:$0x5] =	stream.indirect.gather @!p2 [spmem:s21], $0x80, s11, s10, $0x2000b8;
	[tilespmem:$0x16040] =	vst v63  }
0x21b: {  	s29 =	simm.s32 $0xED40;
	s23 =	rddreg [dreg:$0x1f];
	s11 =	simm.s32 $0x0  }
0x21c: {  	[tilespmem:s29], [sflag:$0x7] =	stream.linear.gather [hbm4b:s23+s11], $0x3000, $0x200038;
	[tilespmem:$0x16040] =	vst v63  }
.LBB2_52:
0x21d: {  	s11 =	sadd.s32 $0x1, s11  }
0x21e: {  	p2 =	sne.s32 s11, $0x11  }
.Ltmp24:
0x21f: {  	_ = 	snop;
	(pc) =	sbr.rel @!p2 .LBB2_53-.Ltmp24, $1  }
0x220: {  	_ =	sdelay $0x3  }
.LBB2_43:
0x221: {  	s29 =	sshll.u32 s11, $0x5  }
0x222: {  	s10 =	sor.u32 s1, s29  }
0x223: {  	p2 =	slt.u32 s10, s28  }
.Ltmp25:
0x224: {  	_ = 	snop;
	(pc) =	sbr.rel @!p2 .LBB2_44-.Ltmp25, $1  }
0x225: {  	_ =	sdelay $0x3  }
0x226: {  	_ =	swait.ge [sflag:s30], $0x3000;
	s14 =	sadd.s32 s12, s29  }
0x227: {  	[sflag:s30] =	ssyncset.done $0x0;
	p2 =	sge.u32 s14, s28  }
0x228: {  	[sflag:s30] =	ssyncadd.s32 $0xFFFFD000;
	s14 =	smul.u32 @!p2 $0x180, s14  }
0x229: {  	_ =	swait.ge [sflag:s4], $0x3000  }
0x22a: {  	p3 =	seq.s32 s11, $0x0;
	[sflag:s4] =	ssyncset.done $0x0;
	s14 =	sshra.s32 @!p2 s14, $0x2  }
0x22b: {  	s15 =	simm.s32 @!p2 $0x8C40;
	[sflag:s4] =	ssyncadd.s32 $0xFFFFD000;
	s14 =	sadd.s32 @!p2 s14, s24  }
0x22c: {  	[tilespmem:s15], [sflag:$0x3] =	stream.linear.gather @!p2 [spmem:s14], $0x60, $0x200038;
	[tilespmem:$0x16040] =	vst v63  }
0x22d: {  	s14 =	simm.s32 @!p3 $0xA  }
0x22e: {  	s15 =	sor.u32 $0x10, s10;
	_ =	swait.ge @!p3 [sflag:s14], $0x3000  }
0x22f: {  	p2 =	sge.u32 s15, s28;
	[sflag:s14] =	ssyncset.done @!p3 $0x0  }
0x230: {  	[sflag:s14] =	ssyncadd.s32 @!p3 $0xFFFFD000;
	s14 =	simm.s32 @!p2 $0x4  }
0x231: {  	_ =	swait.ge @!p2 [sflag:s14], $0x60  }
0x232: {  	[sflag:s14] =	ssyncset.done @!p2 $0x0  }
0x233: {  	[sflag:s14] =	ssyncadd.s32 @!p2 $0xFFFFFFA0  }
0x234: {  	v2 =	vld @!p2 [tilespmem:$0x8CC0]  }
0x235: {  	v3 =	vld @!p2 [tilespmem:$0x8CD0];
	_ =	sdelay $0x1  }
0x236: {  	v4 =	vld @!p2 [tilespmem:$0x8CE0];
	_ =	sdelay $0x1  }
0x237: {  	v5 =	vld @!p2 [tilespmem:$0x8CF0]  }
0x238: {  	vm0 =	vlt.s32 @!p2 v2, $0x1869F;
	vm1 =	vlt.s32 @!p2 v3, $0x1869F  }
0x239: {  	v6 =	vld @!p2 [tilespmem:$0x8D00];
	v2 =	vnsel @!p2 vm0, $0x1869F, v2;
	v3 =	vnsel @!p2 vm1, $0x1869F, v3  }
0x23a: {  	vm1 =	vlt.s32 @!p2 v4, $0x1869F;
	vm0 =	vgt.s32 @!p2 v2, v3  }
0x23b: {  	v8 =	vld @!p2 [tilespmem:$0x8D10];
	v4 =	vnsel @!p2 vm1, $0x1869F, v4;
	v7 =	vsel @!p2 vm0, v2, v3  }
0x23c: {  	vm1 =	vlt.s32 @!p2 v5, $0x1869F;
	vm0 =	vgt.s32 @!p2 v7, v4  }
0x23d: {  	v5 =	vnsel @!p2 vm1, $0x1869F, v5;
	v7 =	vsel @!p2 vm0, v7, v4  }
0x23e: {  	vm1 =	vlt.s32 @!p2 v6, $0x1869F;
	vm0 =	vgt.s32 @!p2 v7, v5  }
0x23f: {  	v6 =	vnsel @!p2 vm1, $0x1869F, v6;
	v7 =	vsel @!p2 vm0, v7, v5  }
0x240: {  	vm1 =	vlt.s32 @!p2 v8, $0x1869F;
	vm0 =	vgt.s32 @!p2 v7, v6  }
0x241: {  	v8 =	vnsel @!p2 vm1, $0x1869F, v8;
	v7 =	vsel @!p2 vm0, v7, v6  }
0x242: {  	vm0 =	vgt.s32 @!p2 v7, v8  }
0x243: {  	v7 =	vsel @!p2 vm0, v7, v8  }
0x244: {  	vm0 =	vgt.s32 @!p2 v7, $0x0  }
0x245: {  	v7 =	vnsel @!p2 vm0, $0x0, v7  }
0x246: {  	v7 =	vor.u32 @!p2 $0x80000000, v7  }
0x247: {  	(xrf0) =	vmax.scan.msk.u32 @!p2 $0xffff, v7;
	_ =	sdelay $0x5  }
0x248: {  	v7, _, _ =	vpop @!p2 (xrf0)  }
0x249: {  	(v2sf) =	vpush @!p2 v7, $0xF;
	_ =	sdelay $0xc  }
0x24a: {  	[tilespmem:$0x8CC0] =	vst @!p2 v2  }
0x24b: {  	[tilespmem:$0x8CD0] =	vst @!p2 v3  }
0x24c: {  	[tilespmem:$0x8CE0] =	vst @!p2 v4;
	s14 =	spop @!p2 (v2sf)  }
0x24d: {  	[tilespmem:$0x8CF0] =	vst @!p2 v5;
	p3 =	sgt.u32 @!p2 s14, $0x80000FFF  }
0x24e: {  	[tilespmem:$0x8D00] =	vst @!p2 v6;
	s14 =	smul.u32 @!p2 $0x60, s15;
	p4 =	por !p3, p2  }
0x24f: {  	[tilespmem:$0x8D10] =	vst @!p2 v8;
	s23 =	simm.s32 @!p4 $0x60;
	s9 =	simm.s32 @!p4 $0x8CC0;
	s5 =	simm.s32 @!p4 $0xBD40  }
0x250: {  	[tilespmem:s5], [sflag:$0x6] =	stream.indirect.gather @!p4 [hbm4b:s2+s23], $0x80, s9, s23, $0x2000b8;
	[tilespmem:$0x16040] =	vst v63  }
0x251: {  	p3 =	por p3, p2;
	s5 =	sadd.s32 @!p2 s25, s14  }
0x252: {  	s9 =	simm.s32 @!p3 $0x60;
	s14 =	simm.s32 @!p3 $0x8CC0;
	s23 =	simm.s32 @!p3 $0xBD40  }
0x253: {  	[tilespmem:s23], [sflag:$0x6] =	stream.indirect.gather @!p3 [spmem:s21], $0x80, s14, s9, $0x2000b8;
	[tilespmem:$0x16040] =	vst v63  }
0x254: {  	s5 =	sshll.u32 @!p2 s5, $0x4;
	s23 =	smul.u32 $0x60, s10  }
0x255: {  	s5 =	sadd.s32 @!p2 s0, s5;
	s10 =	simm.s32 @!p2 $0x0;
	s14 =	simm.s32 @!p2 $0x11D40  }
0x256: {  	[tilespmem:s14], [sflag:$0x8] =	stream.linear.gather @!p2 [hbm4b:s5+s10], $0x3000, $0x200038;
	[tilespmem:$0x16040] =	vst v63  }
0x257: {  	s23 =	sadd.s32 s25, s23;
	s10 =	simm.s32 $0x0;
	s14 =	simm.s32 $0x400  }
.LBB2_46:
0x258: {  	p2 =	sne.s32 s14, $0xBC00;
	v2 =	vld [tilespmem:s10+$0xEE30]  }
0x259: {  	v3 =	vld [tilespmem:s10+$0xED40]  }
0x25a: {  	v4 =	vld [tilespmem:s10+$0xED50]  }
0x25b: {  	v5 =	vld [tilespmem:s10+$0xED60]  }
0x25c: {  	v6 =	vld [tilespmem:s10+$0xED70]  }
0x25d: {  	[tilespmem:s10+$0x8E30] =	vst.add.f32.msk $0xffff, v2  }
0x25e: {  	v2 =	vld [tilespmem:s10+$0xED80]  }
0x25f: {  	v7 =	vld [tilespmem:s10+$0xED90]  }
0x260: {  	v8 =	vld [tilespmem:s10+$0xEDA0]  }
0x261: {  	v9 =	vld [tilespmem:s10+$0xEDB0]  }
0x262: {  	v10 =	vld [tilespmem:s10+$0xEDC0]  }
0x263: {  	v11 =	vld [tilespmem:s10+$0xEDD0]  }
0x264: {  	v12 =	vld [tilespmem:s10+$0xEDE0]  }
0x265: {  	v13 =	vld [tilespmem:s10+$0xEDF0]  }
0x266: {  	v14 =	vld [tilespmem:s10+$0xEE00]  }
0x267: {  	v15 =	vld [tilespmem:s10+$0xEE10]  }
0x268: {  	v16 =	vld [tilespmem:s10+$0xEE20]  }
0x269: {  	[tilespmem:s10+$0x8D40] =	vst.add.f32.msk $0xffff, v3  }
0x26a: {  	[tilespmem:s10+$0x8D50] =	vst.add.f32.msk $0xffff, v4  }
0x26b: {  	[tilespmem:s10+$0x8D60] =	vst.add.f32.msk $0xffff, v5  }
0x26c: {  	[tilespmem:s10+$0x8D70] =	vst.add.f32.msk $0xffff, v6  }
0x26d: {  	[tilespmem:s10+$0x8D80] =	vst.add.f32.msk $0xffff, v2  }
0x26e: {  	[tilespmem:s10+$0x8D90] =	vst.add.f32.msk $0xffff, v7  }
0x26f: {  	[tilespmem:s10+$0x8DA0] =	vst.add.f32.msk $0xffff, v8  }
0x270: {  	[tilespmem:s10+$0x8DB0] =	vst.add.f32.msk $0xffff, v9  }
0x271: {  	[tilespmem:s10+$0x8DC0] =	vst.add.f32.msk $0xffff, v10  }
0x272: {  	[tilespmem:s10+$0x8DD0] =	vst.add.f32.msk $0xffff, v11  }
.Ltmp26:
0x273: {  	[tilespmem:s10+$0x8DE0] =	vst.add.f32.msk $0xffff, v12;
	(pc) =	sbr.rel @p2 .LBB2_46-.Ltmp26, $4  }
0x274: {  	[tilespmem:s10+$0x8DF0] =	vst.add.f32.msk $0xffff, v13  }
0x275: {  	[tilespmem:s10+$0x8E00] =	vst.add.f32.msk $0xffff, v14  }
0x276: {  	[tilespmem:s10+$0x8E10] =	vst.add.f32.msk $0xffff, v15  }
0x277: {  	[tilespmem:s10+$0x8E20] =	vst.add.f32.msk $0xffff, v16;
	s10 =	sshra.s32 s14, $0x2;
	s14 =	sadd.s32 $0x400, s14  }
0x278: {  	v2 =	vld [tilespmem:s10+$0xEE30]  }
0x279: {  	v3 =	vld [tilespmem:s10+$0xED40]  }
0x27a: {  	v4 =	vld [tilespmem:s10+$0xED50]  }
0x27b: {  	v5 =	vld [tilespmem:s10+$0xED60]  }
0x27c: {  	v6 =	vld [tilespmem:s10+$0xED70]  }
0x27d: {  	v7 =	vld [tilespmem:s10+$0xED90]  }
0x27e: {  	v8 =	vld [tilespmem:s10+$0xEDA0]  }
0x27f: {  	v9 =	vld [tilespmem:s10+$0xEDB0]  }
0x280: {  	v10 =	vld [tilespmem:s10+$0xEDC0]  }
0x281: {  	v11 =	vld [tilespmem:s10+$0xEDD0]  }
0x282: {  	v12 =	vld [tilespmem:s10+$0xEDE0]  }
0x283: {  	v13 =	vld [tilespmem:s10+$0xEDF0]  }
0x284: {  	v14 =	vld [tilespmem:s10+$0xEE00]  }
0x285: {  	v15 =	vld [tilespmem:s10+$0xEE10]  }
0x286: {  	v16 =	vld [tilespmem:s10+$0xEE20]  }
0x287: {  	[tilespmem:s10+$0x8E30] =	vst.add.f32.msk $0xffff, v2  }
0x288: {  	v2 =	vld [tilespmem:s10+$0xED80]  }
0x289: {  	[tilespmem:s10+$0x8D40] =	vst.add.f32.msk $0xffff, v3  }
0x28a: {  	[tilespmem:s10+$0x8D50] =	vst.add.f32.msk $0xffff, v4  }
0x28b: {  	[tilespmem:s10+$0x8D60] =	vst.add.f32.msk $0xffff, v5  }
0x28c: {  	[tilespmem:s10+$0x8D70] =	vst.add.f32.msk $0xffff, v6  }
0x28d: {  	[tilespmem:s10+$0x8D90] =	vst.add.f32.msk $0xffff, v7  }
0x28e: {  	[tilespmem:s10+$0x8DA0] =	vst.add.f32.msk $0xffff, v8  }
0x28f: {  	[tilespmem:s10+$0x8DB0] =	vst.add.f32.msk $0xffff, v9  }
0x290: {  	[tilespmem:s10+$0x8DC0] =	vst.add.f32.msk $0xffff, v10  }
0x291: {  	[tilespmem:s10+$0x8DD0] =	vst.add.f32.msk $0xffff, v11  }
0x292: {  	[tilespmem:s10+$0x8DE0] =	vst.add.f32.msk $0xffff, v12  }
0x293: {  	[tilespmem:s10+$0x8DF0] =	vst.add.f32.msk $0xffff, v13  }
.Ltmp27:
0x294: {  	[tilespmem:s10+$0x8E00] =	vst.add.f32.msk $0xffff, v14;
	(pc) =	sbr.rel .LBB2_48-.Ltmp27, $4  }
0x295: {  	[tilespmem:s10+$0x8E10] =	vst.add.f32.msk $0xffff, v15  }
0x296: {  	s5 =	sshll.u32 s23, $0x4;
	[tilespmem:s10+$0x8E20] =	vst.add.f32.msk $0xffff, v16  }
0x297: {  	s9 =	simm.s32 $0x8D40;
	s5 =	sadd.s32 s20, s5;
	[tilespmem:s10+$0x8D80] =	vst.add.f32.msk $0xffff, v2  }
0x298: {  	[hbm4b:s5+s3] =	stream.linear.scatter [tilespmem:s9], [sflag:$0x9], $0x3000, $0x200038;
	[tilespmem:$0x16040] =	vst v63  }
.LBB2_44:
0x299: {  	s15 =	sor.u32 $0x10, s10  }
.LBB2_48:
0x29a: {  	p2 =	sge.u32 s15, s28  }
.Ltmp28:
0x29b: {  	_ = 	snop;
	(pc) =	sbr.rel @p2 .LBB2_52-.Ltmp28, $1  }
0x29c: {  	_ =	sdelay $0x3  }
0x29d: {  	_ =	swait.ge [sflag:s6], $0x3000;
	s5 =	sadd.s32 s13, s29  }
0x29e: {  	[sflag:s6] =	ssyncset.done $0x0;
	p2 =	sge.u32 s5, s28  }
0x29f: {  	[sflag:s6] =	ssyncadd.s32 $0xFFFFD000;
	s5 =	smul.u32 @!p2 $0x180, s5  }
0x2a0: {  	_ =	swait.ge [sflag:s7], $0x3000  }
0x2a1: {  	[sflag:s7] =	ssyncset.done $0x0;
	s5 =	sshra.s32 @!p2 s5, $0x2  }
0x2a2: {  	s9 =	simm.s32 @!p2 $0x8CC0;
	[sflag:s7] =	ssyncadd.s32 $0xFFFFD000;
	s5 =	sadd.s32 @!p2 s5, s24  }
0x2a3: {  	[tilespmem:s9], [sflag:$0x4] =	stream.linear.gather @!p2 [spmem:s5], $0x60, $0x200038;
	[tilespmem:$0x16040] =	vst v63  }
0x2a4: {  	s5 =	sadd.s32 s12, s29;
	_ =	swait.ge [sflag:s8], $0x3000  }
0x2a5: {  	p2 =	sge.u32 s5, s28;
	[sflag:s8] =	ssyncset.done $0x0  }
0x2a6: {  	s9 =	simm.s32 @!p2 $0x3;
	[sflag:s8] =	ssyncadd.s32 $0xFFFFD000  }
0x2a7: {  	_ =	swait.ge @!p2 [sflag:s9], $0x60  }
0x2a8: {  	[sflag:s9] =	ssyncset.done @!p2 $0x0  }
0x2a9: {  	[sflag:s9] =	ssyncadd.s32 @!p2 $0xFFFFFFA0  }
0x2aa: {  	v2 =	vld @!p2 [tilespmem:$0x8C40]  }
0x2ab: {  	v3 =	vld @!p2 [tilespmem:$0x8C50];
	_ =	sdelay $0x1  }
0x2ac: {  	v4 =	vld @!p2 [tilespmem:$0x8C60];
	_ =	sdelay $0x1  }
0x2ad: {  	v5 =	vld @!p2 [tilespmem:$0x8C70]  }
0x2ae: {  	vm0 =	vlt.s32 @!p2 v2, $0x1869F;
	vm1 =	vlt.s32 @!p2 v3, $0x1869F  }
0x2af: {  	v6 =	vld @!p2 [tilespmem:$0x8C80];
	v2 =	vnsel @!p2 vm0, $0x1869F, v2;
	v3 =	vnsel @!p2 vm1, $0x1869F, v3  }
0x2b0: {  	vm1 =	vlt.s32 @!p2 v4, $0x1869F;
	vm0 =	vgt.s32 @!p2 v2, v3  }
0x2b1: {  	v8 =	vld @!p2 [tilespmem:$0x8C90];
	v4 =	vnsel @!p2 vm1, $0x1869F, v4;
	v7 =	vsel @!p2 vm0, v2, v3  }
0x2b2: {  	vm1 =	vlt.s32 @!p2 v5, $0x1869F;
	vm0 =	vgt.s32 @!p2 v7, v4  }
0x2b3: {  	v5 =	vnsel @!p2 vm1, $0x1869F, v5;
	v7 =	vsel @!p2 vm0, v7, v4  }
0x2b4: {  	vm1 =	vlt.s32 @!p2 v6, $0x1869F;
	vm0 =	vgt.s32 @!p2 v7, v5  }
0x2b5: {  	v6 =	vnsel @!p2 vm1, $0x1869F, v6;
	v7 =	vsel @!p2 vm0, v7, v5  }
0x2b6: {  	vm1 =	vlt.s32 @!p2 v8, $0x1869F;
	vm0 =	vgt.s32 @!p2 v7, v6  }
0x2b7: {  	v8 =	vnsel @!p2 vm1, $0x1869F, v8;
	v7 =	vsel @!p2 vm0, v7, v6  }
0x2b8: {  	vm0 =	vgt.s32 @!p2 v7, v8  }
0x2b9: {  	v7 =	vsel @!p2 vm0, v7, v8  }
0x2ba: {  	vm0 =	vgt.s32 @!p2 v7, $0x0  }
0x2bb: {  	v7 =	vnsel @!p2 vm0, $0x0, v7  }
0x2bc: {  	v7 =	vor.u32 @!p2 $0x80000000, v7  }
0x2bd: {  	(xrf0) =	vmax.scan.msk.u32 @!p2 $0xffff, v7;
	_ =	sdelay $0x5  }
0x2be: {  	v7, _, _ =	vpop @!p2 (xrf0)  }
0x2bf: {  	(v2sf) =	vpush @!p2 v7, $0xF;
	_ =	sdelay $0xc  }
0x2c0: {  	[tilespmem:$0x8C40] =	vst @!p2 v2  }
0x2c1: {  	s5 =	smul.u32 @!p2 $0x60, s5;
	[tilespmem:$0x8C50] =	vst @!p2 v3  }
0x2c2: {  	[tilespmem:$0x8C60] =	vst @!p2 v4;
	s9 =	spop @!p2 (v2sf)  }
0x2c3: {  	s29 =	smul.u32 $0x60, s15;
	s5 =	sadd.s32 @!p2 s25, s5;
	[tilespmem:$0x8C70] =	vst @!p2 v5;
	p3 =	sgt.u32 @!p2 s9, $0x80000FFF  }
0x2c4: {  	s5 =	sshll.u32 @!p2 s5, $0x4;
	[tilespmem:$0x8C80] =	vst @!p2 v6;
	p4 =	por !p3, p2;
	p3 =	por p3, p2  }
0x2c5: {  	[tilespmem:$0x8C90] =	vst @!p2 v8;
	s9 =	simm.s32 @!p4 $0x60;
	s10 =	simm.s32 @!p4 $0x8C40;
	s14 =	simm.s32 @!p4 $0x8D40  }
0x2c6: {  	[tilespmem:s14], [sflag:$0x5] =	stream.indirect.gather @!p4 [hbm4b:s2+s9], $0x80, s10, s9, $0x2000b8;
	[tilespmem:$0x16040] =	vst v63  }
0x2c7: {  	s9 =	simm.s32 @!p3 $0x60;
	s10 =	simm.s32 @!p3 $0x8C40;
	s14 =	simm.s32 @!p3 $0x8D40  }
0x2c8: {  	[tilespmem:s14], [sflag:$0x5] =	stream.indirect.gather @!p3 [spmem:s21], $0x80, s10, s9, $0x2000b8;
	[tilespmem:$0x16040] =	vst v63  }
0x2c9: {  	s5 =	sadd.s32 @!p2 s0, s5;
	s10 =	simm.s32 @!p2 $0x0;
	s14 =	simm.s32 @!p2 $0xED40  }
0x2ca: {  	[tilespmem:s14], [sflag:$0x7] =	stream.linear.gather @!p2 [hbm4b:s5+s10], $0x3000, $0x200038;
	[tilespmem:$0x16040] =	vst v63  }
0x2cb: {  	s15 =	sadd.s32 s25, s29;
	s10 =	simm.s32 $0x0;
	s14 =	simm.s32 $0x400  }
.LBB2_50:
0x2cc: {  	p2 =	sne.s32 s14, $0xBC00;
	v2 =	vld [tilespmem:s10+$0x11E30]  }
0x2cd: {  	v3 =	vld [tilespmem:s10+$0x11D40]  }
0x2ce: {  	v4 =	vld [tilespmem:s10+$0x11D50]  }
0x2cf: {  	v5 =	vld [tilespmem:s10+$0x11D60]  }
0x2d0: {  	v6 =	vld [tilespmem:s10+$0x11D70]  }
0x2d1: {  	[tilespmem:s10+$0xBE30] =	vst.add.f32.msk $0xffff, v2  }
0x2d2: {  	v2 =	vld [tilespmem:s10+$0x11D80]  }
0x2d3: {  	v7 =	vld [tilespmem:s10+$0x11D90]  }
0x2d4: {  	v8 =	vld [tilespmem:s10+$0x11DA0]  }
0x2d5: {  	v9 =	vld [tilespmem:s10+$0x11DB0]  }
0x2d6: {  	v10 =	vld [tilespmem:s10+$0x11DC0]  }
0x2d7: {  	v11 =	vld [tilespmem:s10+$0x11DD0]  }
0x2d8: {  	v12 =	vld [tilespmem:s10+$0x11DE0]  }
0x2d9: {  	v13 =	vld [tilespmem:s10+$0x11DF0]  }
0x2da: {  	v14 =	vld [tilespmem:s10+$0x11E00]  }
0x2db: {  	v15 =	vld [tilespmem:s10+$0x11E10]  }
0x2dc: {  	v16 =	vld [tilespmem:s10+$0x11E20]  }
0x2dd: {  	[tilespmem:s10+$0xBD40] =	vst.add.f32.msk $0xffff, v3  }
0x2de: {  	[tilespmem:s10+$0xBD50] =	vst.add.f32.msk $0xffff, v4  }
0x2df: {  	[tilespmem:s10+$0xBD60] =	vst.add.f32.msk $0xffff, v5  }
0x2e0: {  	[tilespmem:s10+$0xBD70] =	vst.add.f32.msk $0xffff, v6  }
0x2e1: {  	[tilespmem:s10+$0xBD80] =	vst.add.f32.msk $0xffff, v2  }
0x2e2: {  	[tilespmem:s10+$0xBD90] =	vst.add.f32.msk $0xffff, v7  }
0x2e3: {  	[tilespmem:s10+$0xBDA0] =	vst.add.f32.msk $0xffff, v8  }
0x2e4: {  	[tilespmem:s10+$0xBDB0] =	vst.add.f32.msk $0xffff, v9  }
0x2e5: {  	[tilespmem:s10+$0xBDC0] =	vst.add.f32.msk $0xffff, v10  }
0x2e6: {  	[tilespmem:s10+$0xBDD0] =	vst.add.f32.msk $0xffff, v11  }
.Ltmp29:
0x2e7: {  	[tilespmem:s10+$0xBDE0] =	vst.add.f32.msk $0xffff, v12;
	(pc) =	sbr.rel @p2 .LBB2_50-.Ltmp29, $4  }
0x2e8: {  	[tilespmem:s10+$0xBDF0] =	vst.add.f32.msk $0xffff, v13  }
0x2e9: {  	[tilespmem:s10+$0xBE00] =	vst.add.f32.msk $0xffff, v14  }
0x2ea: {  	[tilespmem:s10+$0xBE10] =	vst.add.f32.msk $0xffff, v15  }
0x2eb: {  	[tilespmem:s10+$0xBE20] =	vst.add.f32.msk $0xffff, v16;
	s10 =	sshra.s32 s14, $0x2;
	s14 =	sadd.s32 $0x400, s14  }
0x2ec: {  	v2 =	vld [tilespmem:s10+$0x11E30]  }
0x2ed: {  	v3 =	vld [tilespmem:s10+$0x11D40]  }
0x2ee: {  	v4 =	vld [tilespmem:s10+$0x11D50]  }
0x2ef: {  	v5 =	vld [tilespmem:s10+$0x11D60]  }
0x2f0: {  	v6 =	vld [tilespmem:s10+$0x11D70]  }
0x2f1: {  	v7 =	vld [tilespmem:s10+$0x11D90]  }
0x2f2: {  	v8 =	vld [tilespmem:s10+$0x11DA0]  }
0x2f3: {  	v9 =	vld [tilespmem:s10+$0x11DB0]  }
0x2f4: {  	v10 =	vld [tilespmem:s10+$0x11DC0]  }
0x2f5: {  	v11 =	vld [tilespmem:s10+$0x11DD0]  }
0x2f6: {  	v12 =	vld [tilespmem:s10+$0x11DE0]  }
0x2f7: {  	v13 =	vld [tilespmem:s10+$0x11DF0]  }
0x2f8: {  	v14 =	vld [tilespmem:s10+$0x11E00]  }
0x2f9: {  	v15 =	vld [tilespmem:s10+$0x11E10]  }
0x2fa: {  	v16 =	vld [tilespmem:s10+$0x11E20]  }
0x2fb: {  	[tilespmem:s10+$0xBE30] =	vst.add.f32.msk $0xffff, v2  }
0x2fc: {  	v2 =	vld [tilespmem:s10+$0x11D80]  }
0x2fd: {  	[tilespmem:s10+$0xBD40] =	vst.add.f32.msk $0xffff, v3  }
0x2fe: {  	[tilespmem:s10+$0xBD50] =	vst.add.f32.msk $0xffff, v4  }
0x2ff: {  	[tilespmem:s10+$0xBD60] =	vst.add.f32.msk $0xffff, v5  }
0x300: {  	[tilespmem:s10+$0xBD70] =	vst.add.f32.msk $0xffff, v6  }
0x301: {  	[tilespmem:s10+$0xBD90] =	vst.add.f32.msk $0xffff, v7  }
0x302: {  	[tilespmem:s10+$0xBDA0] =	vst.add.f32.msk $0xffff, v8  }
0x303: {  	[tilespmem:s10+$0xBDB0] =	vst.add.f32.msk $0xffff, v9  }
0x304: {  	[tilespmem:s10+$0xBDC0] =	vst.add.f32.msk $0xffff, v10  }
0x305: {  	[tilespmem:s10+$0xBDD0] =	vst.add.f32.msk $0xffff, v11  }
0x306: {  	[tilespmem:s10+$0xBDE0] =	vst.add.f32.msk $0xffff, v12  }
0x307: {  	[tilespmem:s10+$0xBDF0] =	vst.add.f32.msk $0xffff, v13  }
.Ltmp30:
0x308: {  	[tilespmem:s10+$0xBE00] =	vst.add.f32.msk $0xffff, v14;
	(pc) =	sbr.rel .LBB2_52-.Ltmp30, $4  }
0x309: {  	[tilespmem:s10+$0xBE10] =	vst.add.f32.msk $0xffff, v15  }
0x30a: {  	s5 =	sshll.u32 s15, $0x4;
	[tilespmem:s10+$0xBE20] =	vst.add.f32.msk $0xffff, v16  }
0x30b: {  	s9 =	simm.s32 $0xBD40;
	s5 =	sadd.s32 s20, s5;
	[tilespmem:s10+$0xBD80] =	vst.add.f32.msk $0xffff, v2  }
0x30c: {  	[hbm4b:s5+s3] =	stream.linear.scatter [tilespmem:s9], [sflag:$0xA], $0x3000, $0x200038;
	[tilespmem:$0x16040] =	vst v63  }
.LBB2_53:
.Ltmp31:
0x30d: {  	(pc) =	sbr.rel @!p0 .LBB2_54-.Ltmp31, $1  }
0x30e: {  	_ =	sdelay $0x3  }
.Ltmp32:
0x30f: {  	(pc) =	sbr.rel @!p1 .LBB2_59-.Ltmp32, $4  }
0x310: {  	s5 =	simm.s32 $0xA  }
0x311: {  	_ =	swait.ge [sflag:s5], $0x3000  }
0x312: {  	[sflag:s5] =	ssyncset.done $0x0  }
0x313: {  	s14 =	simm.s32 $0xB;
	s15 =	sld [smem:$0x7F8];
	[sflag:s5] =	ssyncadd.s32 $0xFFFFD000  }
0x314: {  	s5 =	sld [smem:$0x7FB];
	_ =	sdelay $0x1  }
0x315: {  	s9 =	simm.s32 $0xC  }
0x316: {  	[tilespmem:s18], [sflag:$0xC] =	stream.linear.gather [spmem:s5], $0x40, $0x200038;
	[tilespmem:$0x16040] =	vst v63  }
0x317: {  	_ =	swait.ge [sflag:s9], $0x40  }
0x318: {  	[sflag:s9] =	ssyncset.done $0x0  }
0x319: {  	[sflag:s9] =	ssyncadd.s32 $0xFFFFFFC0  }
0x31a: {  	v2 =	vld [tilespmem:$0x8C40]  }
0x31b: {  	v3 =	vld [tilespmem:$0x8C50];
	_ =	sdelay $0x1  }
0x31c: {  	v4 =	vld [tilespmem:$0x8C60];
	_ =	sdelay $0x1  }
0x31d: {  	v5 =	vld [tilespmem:$0x8C70]  }
0x31e: {  	vm0 =	vlt.s32 v2, $0x1869F;
	vm1 =	vlt.s32 v3, $0x1869F  }
0x31f: {  	v2 =	vnsel vm0, $0x1869F, v2;
	v3 =	vnsel vm1, $0x1869F, v3  }
0x320: {  	vm14 =	vlt.s32 v4, $0x1869F;
	vm0 =	vgt.s32 v2, v3  }
0x321: {  	v4 =	vnsel vm14, $0x1869F, v4;
	v6 =	vsel vm0, v2, v3  }
0x322: {  	vm15 =	vlt.s32 v5, $0x1869F;
	vm0 =	vgt.s32 v6, v4  }
0x323: {  	v5 =	vnsel vm15, $0x1869F, v5;
	v6 =	vsel vm0, v6, v4  }
0x324: {  	vm0 =	vgt.s32 v6, v5  }
0x325: {  	v6 =	vsel vm0, v6, v5  }
0x326: {  	vm0 =	vgt.s32 v6, $0x0  }
0x327: {  	v6 =	vnsel vm0, $0x0, v6  }
0x328: {  	v6 =	vor.u32 $0x80000000, v6  }
0x329: {  	(xrf0) =	vmax.scan.msk.u32 $0xffff, v6;
	_ =	sdelay $0x5  }
0x32a: {  	v6, _, _ =	vpop (xrf0)  }
0x32b: {  	(v2sf) =	vpush v6, $0xF;
	_ =	sdelay $0xd  }
0x32c: {  	[tilespmem:$0x8C40] =	vst v2  }
0x32d: {  	[tilespmem:$0x8C50] =	vst v3;
	s10 =	spop (v2sf)  }
0x32e: {  	s23 =	sld [smem:$0x7FC];
	[tilespmem:$0x8C60] =	vst v4;
	p2 =	sgt.u32 s10, $0x80000FFF  }
0x32f: {  	[tilespmem:$0x8C70] =	vst v5;
	s5 =	simm.s32 @p2 $0x40;
	s9 =	simm.s32 @p2 $0x8C40;
	s10 =	simm.s32 @p2 $0x8D40  }
0x330: {  	[tilespmem:s10], [sflag:$0x5] =	stream.indirect.gather @p2 [hbm4b:s2+s5], $0x80, s9, s5, $0x2000b8;
	[tilespmem:$0x16040] =	vst v63  }
0x331: {  	s5 =	simm.s32 @!p2 $0x40;
	s9 =	simm.s32 @!p2 $0x8C40;
	s10 =	simm.s32 @!p2 $0x8D40  }
0x332: {  	[tilespmem:s10], [sflag:$0x5] =	stream.indirect.gather @!p2 [spmem:s21], $0x80, s9, s5, $0x2000b8;
	[tilespmem:$0x16040] =	vst v63  }
0x333: {  	s11 =	simm.s32 $0x0;
	s29 =	simm.s32 $0xED40  }
0x334: {  	[tilespmem:s29], [sflag:$0x7] =	stream.linear.gather [hbm4b:s23+s11], $0x2000, $0x200038;
	[tilespmem:$0x16040] =	vst v63  }
0x335: {  	_ =	swait.ge [sflag:s30], $0x2000  }
0x336: {  	[sflag:s30] =	ssyncset.done $0x0  }
0x337: {  	[sflag:s30] =	ssyncadd.s32 $0xFFFFE000  }
0x338: {  	_ =	swait.ge [sflag:s4], $0x2000  }
0x339: {  	[sflag:s4] =	ssyncset.done $0x0  }
0x33a: {  	s10 =	simm.s32 $0x0;
	s11 =	simm.s32 $0x200;
	[sflag:s4] =	ssyncadd.s32 $0xFFFFE000  }
.LBB2_57:
0x33b: {  	p2 =	sne.s32 s11, $0x7E00;
	v2 =	vld [tilespmem:s10+$0xEDB0]  }
0x33c: {  	v3 =	vld [tilespmem:s10+$0xED40]  }
0x33d: {  	v4 =	vld [tilespmem:s10+$0xED50]  }
0x33e: {  	v5 =	vld [tilespmem:s10+$0xED60]  }
0x33f: {  	v6 =	vld [tilespmem:s10+$0xED70]  }
0x340: {  	[tilespmem:s10+$0x8DB0] =	vst.add.f32.msk $0xffff, v2  }
0x341: {  	v2 =	vld [tilespmem:s10+$0xED80]  }
0x342: {  	v7 =	vld [tilespmem:s10+$0xED90]  }
0x343: {  	v8 =	vld [tilespmem:s10+$0xEDA0]  }
0x344: {  	[tilespmem:s10+$0x8D40] =	vst.add.f32.msk $0xffff, v3  }
0x345: {  	[tilespmem:s10+$0x8D50] =	vst.add.f32.msk $0xffff, v4  }
.Ltmp33:
0x346: {  	[tilespmem:s10+$0x8D60] =	vst.add.f32.msk $0xffff, v5;
	(pc) =	sbr.rel @p2 .LBB2_57-.Ltmp33, $4  }
0x347: {  	[tilespmem:s10+$0x8D70] =	vst.add.f32.msk $0xffff, v6  }
0x348: {  	[tilespmem:s10+$0x8D80] =	vst.add.f32.msk $0xffff, v2  }
0x349: {  	[tilespmem:s10+$0x8D90] =	vst.add.f32.msk $0xffff, v7  }
0x34a: {  	[tilespmem:s10+$0x8DA0] =	vst.add.f32.msk $0xffff, v8;
	s10 =	sshra.s32 s11, $0x2;
	s11 =	sadd.s32 $0x200, s11  }
0x34b: {  	v2 =	vld [tilespmem:s10+$0xEDB0]  }
0x34c: {  	v3 =	vld [tilespmem:s10+$0xED40]  }
0x34d: {  	v4 =	vld [tilespmem:s10+$0xED50]  }
0x34e: {  	v5 =	vld [tilespmem:s10+$0xED60]  }
0x34f: {  	v6 =	vld [tilespmem:s10+$0xED70]  }
0x350: {  	v7 =	vld [tilespmem:s10+$0xED90]  }
0x351: {  	v8 =	vld [tilespmem:s10+$0xEDA0]  }
0x352: {  	[tilespmem:s10+$0x8DB0] =	vst.add.f32.msk $0xffff, v2  }
0x353: {  	v2 =	vld [tilespmem:s10+$0xED80]  }
0x354: {  	[tilespmem:s10+$0x8D40] =	vst.add.f32.msk $0xffff, v3  }
0x355: {  	[tilespmem:s10+$0x8D50] =	vst.add.f32.msk $0xffff, v4  }
0x356: {  	[tilespmem:s10+$0x8D60] =	vst.add.f32.msk $0xffff, v5  }
0x357: {  	[tilespmem:s10+$0x8D70] =	vst.add.f32.msk $0xffff, v6  }
0x358: {  	s5 =	sld [smem:$0x7FD];
	[tilespmem:s10+$0x8D90] =	vst.add.f32.msk $0xffff, v7  }
0x359: {  	[tilespmem:s10+$0x8DA0] =	vst.add.f32.msk $0xffff, v8  }
.Ltmp34:
0x35a: {  	s9 =	simm.s32 $0x8D40;
	[tilespmem:s10+$0x8D80] =	vst.add.f32.msk $0xffff, v2;
	(pc) =	sbr.rel .LBB2_59-.Ltmp34, $4  }
0x35b: {  	[hbm4b:s5+s3] =	stream.linear.scatter [tilespmem:s9], [sflag:$0xB], $0x2000, $0x200038;
	[tilespmem:$0x16040] =	vst v63  }
0x35c: {  	_ =	swait.ge [sflag:s14], $0x2000  }
0x35d: {  	[sflag:s14] =	ssyncset.done $0x0  }
0x35e: {  	[sflag:s14] =	ssyncadd.s32 $0xFFFFE000  }
.LBB2_60:
0x35f: {  	_ =	sfence.sel $0x180000  }
0x360: {  	[bflag:$0x0] =	sbarrier.arrive $0xFFFF  }
0x361: {  	_ =	strace $0x90000047  }
0x362: {  	[bflag:$0x2] =	sbarrier.arrive $0xFFFF  }
0x363: {  	p0 =	sne.s32 s1, $0x0;
	s0 =	rddreg [dreg:$0x6]  }
0x364: {  	s0 =	sadd.s32 @!p0 $0x100000, s0  }
0x365: {  	[sflag:s0] =	ssyncadd.tile.s32 @!p0 $0x1;
	_ =	shalt  }
.Lfunc_end2:
_tile_overlayer_lowered:
.L_overlay_start_2:
0x366: {  	(tag) =	ssettag $0x2  }
0x367: {  	s0 =	rddreg [dreg:$0x0];
	s2 =	stileid.u32  }
0x368: {  	s1 =	rddreg [dreg:$0x1];
	p0 =	sne.s32 s2, $0x0  }
0x369: {  	s3 =	rddreg [dreg:$0x2];
	[bflag:$0x3] =	sbarrier.arrive $0xFFFF;
	s2 =	simm.s32 @!p0 $0x1C0B  }
0x36a: {  	[timem:s3], [sflag:s2] =	dma.local @!p0 [hbm:s0], s1  }
0x36b: {  	s0 =	simm.s32 @!p0 $0xB  }
0x36c: {  	_ =	swait.ge @!p0 [sflag:s0], s1  }
0x36d: {  	s1 =	ssub.s32 @!p0 $0x0, s1;
	[sflag:s0] =	ssyncset.done @!p0 $0x0  }
0x36e: {  	[sflag:s0] =	ssyncadd.s32 @!p0 s1  }
0x36f: {  	[bflag:$0x3] =	sbarrier.arrive $0xFFFF  }
0x370: {  	_ =	shalt  }

</sc_bundles>
